<compile_context>
chip_gen: v7x
topology: tpu7x:2x2x1
jax: 0.10.2.dev20260603
libtpu: 0.0.44.dev20260713+nightly
codegen_flags: <defaults>
</compile_context>

<pallas_src>
import functools

import jax
import jax.numpy as jnp
from jax import lax
from jax.experimental import pallas as pl
from jax.experimental.pallas import tpu as pltpu
from jax.experimental.pallas import tpu_sc as plsc

N_NODES = 10000
D = 128
E = 320000
N_RELS = 2

K = 128
NTILES = 16
NK = 159
E_PAD = NK * NTILES * K
NP = 79
GR = 8
ACC_ROWS = N_NODES + GR
NG_ZERO = ACC_ROWS // GR
NG_OUT = N_NODES // GR
LANES = 16


def _sc_segment_sums(x, src, dst, w):
    mesh = plsc.VectorSubcoreMesh(core_axis_name="c", subcore_axis_name="s")

    @functools.partial(
        pl.kernel,
        mesh=mesh,
        out_type=[
            jax.ShapeDtypeStruct((N_RELS, N_NODES, D), jnp.float32),
            jax.ShapeDtypeStruct((N_RELS, N_NODES, D), jnp.float32),
        ],
        scratch_types=[
            pltpu.VMEM_SHARED((ACC_ROWS, D), jnp.float32),
            pltpu.VMEM((K, D), jnp.float32),
            pltpu.VMEM((K, D), jnp.float32),
            pltpu.VMEM((K,), jnp.int32),
            pltpu.VMEM((K,), jnp.int32),
            pltpu.VMEM((K,), jnp.int32),
            pltpu.VMEM((K,), jnp.int32),
            pltpu.VMEM((K,), jnp.float32),
            pltpu.VMEM((K,), jnp.float32),
            pltpu.VMEM((K, D), jnp.float32),
            pltpu.VMEM((GR, D), jnp.float32),
            pltpu.SemaphoreType.DMA,
            pltpu.SemaphoreType.DMA,
            pltpu.SemaphoreType.DMA,
            pltpu.SemaphoreType.DMA,
            pltpu.SemaphoreType.DMA,
            pltpu.SemaphoreType.DMA,
            pltpu.SemaphoreType.DMA,
        ],
    )
    def seg(x_hbm, src_hbm, dst_hbm, w_hbm, sums_hbm, cnts_hbm,
            acc, msg0, msg1, sidx0, sidx1, didx0, didx1, wv0, wv1,
            ones, zblk, sem_i0, sem_i1, sem_g0, sem_g1, sem_s0, sem_s1,
            sem_z):
        c = lax.axis_index("c")
        s = lax.axis_index("s")
        msg = (msg0, msg1)
        sidx = (sidx0, sidx1)
        didx = (didx0, didx1)
        wv = (wv0, wv1)
        sem_i = (sem_i0, sem_i1)
        sem_g = (sem_g0, sem_g1)
        sem_s = (sem_s0, sem_s1)

        def init_const(r, carry):
            for j in range(D // LANES):
                sl = pl.ds(j * LANES, LANES)
                zblk[r % GR, sl] = jnp.zeros((LANES,), jnp.float32)
                ones[r, sl] = jnp.full((LANES,), 1.0, jnp.float32)
            return carry
        lax.fori_loop(0, K, init_const, 0)

        def base_of(k):
            return (k * NTILES + s) * K

        def load_idx_start(k, b):
            bs = base_of(k)
            pltpu.async_copy(src_hbm.at[c, pl.ds(bs, K)], sidx[b], sem_i[b])
            pltpu.async_copy(dst_hbm.at[c, pl.ds(bs, K)], didx[b], sem_i[b])
            pltpu.async_copy(w_hbm.at[c, pl.ds(bs, K)], wv[b], sem_i[b])

        def load_idx_wait(k, b):
            bs = base_of(k)
            pltpu.make_async_copy(src_hbm.at[c, pl.ds(bs, K)], sidx[b],
                                  sem_i[b]).wait()
            pltpu.make_async_copy(dst_hbm.at[c, pl.ds(bs, K)], didx[b],
                                  sem_i[b]).wait()
            pltpu.make_async_copy(w_hbm.at[c, pl.ds(bs, K)], wv[b],
                                  sem_i[b]).wait()

        def load_dst_start(k, b):
            bs = base_of(k)
            pltpu.async_copy(dst_hbm.at[c, pl.ds(bs, K)], didx[b], sem_i[b])

        def load_dst_wait(k, b):
            bs = base_of(k)
            pltpu.make_async_copy(dst_hbm.at[c, pl.ds(bs, K)], didx[b],
                                  sem_i[b]).wait()

        def gather_start(b):
            pltpu.async_copy(x_hbm.at[sidx[b]], msg[b], sem_g[b])

        def gather_wait(b):
            pltpu.make_async_copy(x_hbm.at[sidx[b]], msg[b], sem_g[b]).wait()

        def scat_start(b):
            pltpu.async_copy(msg[b], acc.at[didx[b]], sem_s[b], add=True)

        def scat_wait(b):
            pltpu.make_async_copy(msg[b], acc.at[didx[b]], sem_s[b]).wait()

        def cnt_start(b):
            pltpu.async_copy(ones, acc.at[didx[b]], sem_s[b], add=True)

        def cnt_wait(b):
            pltpu.make_async_copy(ones, acc.at[didx[b]], sem_s[b]).wait()

        gdims = lax.GatherDimensionNumbers(
            offset_dims=(), collapsed_slice_dims=(0,), start_index_map=(0,))

        def scale(b):
            def scale_grp(g, cc):
                w16 = wv[b][pl.ds(g * LANES, LANES)]
                for lane in range(LANES):
                    wspl = lax.gather(
                        w16, jnp.full((LANES, 1), lane, jnp.int32),
                        gdims, (1,),
                        mode=lax.GatherScatterMode.PROMISE_IN_BOUNDS)
                    e = g * LANES + lane
                    for j in range(D // LANES):
                        sl = pl.ds(j * LANES, LANES)
                        msg[b][e, sl] = msg[b][e, sl] * wspl
                return cc
            lax.fori_loop(0, K // LANES, scale_grp, 0)

        def zero_acc():
            def start(t, carry):
                gid = t * NTILES + s

                @pl.when(gid < NG_ZERO)
                def _():
                    pltpu.async_copy(zblk, acc.at[pl.ds(gid * GR, GR)], sem_z)
                return carry
            nloop = (NG_ZERO + NTILES - 1) // NTILES
            lax.fori_loop(0, nloop, start, 0)

            def drain(t, carry):
                gid = t * NTILES + s

                @pl.when(gid < NG_ZERO)
                def _():
                    pltpu.make_async_copy(
                        zblk, acc.at[pl.ds(gid * GR, GR)], sem_z).wait()
                return carry
            lax.fori_loop(0, nloop, drain, 0)

        def copy_out(dst_out):
            def start(t, carry):
                gid = t * NTILES + s

                @pl.when(gid < NG_OUT)
                def _():
                    pltpu.async_copy(acc.at[pl.ds(gid * GR, GR)],
                                     dst_out.at[c, pl.ds(gid * GR, GR)], sem_z)
                return carry
            nloop = (NG_OUT + NTILES - 1) // NTILES
            lax.fori_loop(0, nloop, start, 0)

            def drain(t, carry):
                gid = t * NTILES + s

                @pl.when(gid < NG_OUT)
                def _():
                    pltpu.make_async_copy(
                        acc.at[pl.ds(gid * GR, GR)],
                        dst_out.at[c, pl.ds(gid * GR, GR)], sem_z).wait()
                return carry
            lax.fori_loop(0, nloop, drain, 0)

        zero_acc()
        plsc.subcore_barrier()

        load_idx_start(0, 0)
        load_idx_wait(0, 0)
        gather_start(0)

        def pair_body(t, carry):
            k0 = 2 * t
            gather_wait(0)
            scale(0)

            @pl.when(t > 0)
            def _():
                scat_wait(1)
            load_idx_start(k0 + 1, 1)
            scat_start(0)
            load_idx_wait(k0 + 1, 1)
            gather_start(1)
            gather_wait(1)
            scale(1)
            scat_wait(0)
            load_idx_start(k0 + 2, 0)
            scat_start(1)
            load_idx_wait(k0 + 2, 0)
            gather_start(0)
            return carry
        lax.fori_loop(0, NP, pair_body, 0)
        scat_wait(1)
        gather_wait(0)
        plsc.subcore_barrier()
        copy_out(sums_hbm)

        zero_acc()
        plsc.subcore_barrier()

        load_dst_start(0, 0)

        def cnt_pair(t, carry):
            k0 = 2 * t

            @pl.when(t > 0)
            def _():
                cnt_wait(1)
            load_dst_start(k0 + 1, 1)
            load_dst_wait(k0, 0)
            cnt_start(0)
            cnt_wait(0)
            load_dst_start(k0 + 2, 0)
            load_dst_wait(k0 + 1, 1)
            cnt_start(1)
            return carry
        lax.fori_loop(0, NP, cnt_pair, 0)
        cnt_wait(1)
        load_dst_wait(2 * NP, 0)
        plsc.subcore_barrier()
        copy_out(cnts_hbm)

    return seg(x, src, dst, w)


def _tc_combine(x, sums, cnts, W_self, W_neigh, b):
    BR = 1000
    b8 = jnp.broadcast_to(b[:, None, :], (N_RELS, 8, D))

    def body(x_ref, s_ref, c_ref, ws_ref, wn_ref, b_ref, o_ref):
        xb = x_ref[...]
        outs = []
        for r in range(N_RELS):
            cnt = c_ref[r][:, 0:1]
            hn = s_ref[r] / jnp.clip(cnt, 1.0, None)
            a = (jnp.dot(xb, ws_ref[r], preferred_element_type=jnp.float32)
                 + jnp.dot(hn, wn_ref[r], preferred_element_type=jnp.float32)
                 + b_ref[r, 0:1, :])
            outs.append(jnp.maximum(a, 0.0))
        o_ref[...] = 0.5 * (outs[0] + outs[1])

    return pl.pallas_call(
        body,
        grid=(N_NODES // BR,),
        in_specs=[
            pl.BlockSpec((BR, D), lambda i: (i, 0)),
            pl.BlockSpec((N_RELS, BR, D), lambda i: (0, i, 0)),
            pl.BlockSpec((N_RELS, BR, D), lambda i: (0, i, 0)),
            pl.BlockSpec((N_RELS, D, D), lambda i: (0, 0, 0)),
            pl.BlockSpec((N_RELS, D, D), lambda i: (0, 0, 0)),
            pl.BlockSpec((N_RELS, 8, D), lambda i: (0, 0, 0)),
        ],
        out_specs=pl.BlockSpec((BR, D), lambda i: (i, 0)),
        out_shape=jax.ShapeDtypeStruct((N_NODES, D), jnp.float32),
    )(x, sums, cnts, W_self, W_neigh, b8)


def kernel(x, edge_index_rel0, edge_index_rel1, edge_weight_rel0,
           edge_weight_rel1, W_self, W_neigh, b):
    src = jnp.stack([edge_index_rel0[0], edge_index_rel1[0]]).astype(jnp.int32)
    dst = jnp.stack([edge_index_rel0[1], edge_index_rel1[1]]).astype(jnp.int32)
    w = jnp.stack([edge_weight_rel0, edge_weight_rel1])
    pad = E_PAD - E
    src = jnp.concatenate([src, jnp.zeros((N_RELS, pad), jnp.int32)], axis=1)
    dst = jnp.concatenate(
        [dst, jnp.full((N_RELS, pad), N_NODES, jnp.int32)], axis=1)
    w = jnp.concatenate([w, jnp.zeros((N_RELS, pad), jnp.float32)], axis=1)
    sums, cnts = _sc_segment_sums(x, src, dst, w)
    return _tc_combine(x, sums, cnts, W_self, W_neigh, b)

# --- scband reference (transcript-rebuilt; emitter-appended) ---
"""Pipeline reference for scband-hetero-gcn-57432302682299 (READ-ONLY COPY).

The authoritative reference and input builder live on the scoring server;
editing this copy changes nothing except your own understanding.
"""

import jax, jax.numpy as jnp
import numpy as np

N_NODES = 10000
D_IN = 128
D_REP = 128
N_EDGES = 320000
N_RELS = 2

def setup_inputs(seed: int = 0) -> dict:
    key = jax.random.key(seed)
    ks = jax.random.split(key, 10)
    x = jax.random.normal(ks[0], (N_NODES, D_IN), dtype=jnp.float32)
    edge_index_rel0 = jax.random.randint(ks[1], (2, N_EDGES), 0, N_NODES, dtype=jnp.int64)
    edge_index_rel1 = jax.random.randint(ks[2], (2, N_EDGES), 0, N_NODES, dtype=jnp.int64)
    edge_weight_rel0 = jax.random.uniform(ks[3], (N_EDGES,), dtype=jnp.float32)
    edge_weight_rel1 = jax.random.uniform(ks[4], (N_EDGES,), dtype=jnp.float32)
    # Learned params: per-relation SAGEConv (mean aggregator): fc_self, fc_neigh, bias
    scale = 1.0 / np.sqrt(D_IN)
    W_self = jax.random.normal(ks[5], (N_RELS, D_IN, D_REP), dtype=jnp.float32) * scale
    W_neigh = jax.random.normal(ks[6], (N_RELS, D_IN, D_REP), dtype=jnp.float32) * scale
    b = jnp.zeros((N_RELS, D_REP), dtype=jnp.float32)
    return {"x": x, "edge_index_rel0": edge_index_rel0, "edge_index_rel1": edge_index_rel1,
            "edge_weight_rel0": edge_weight_rel0, "edge_weight_rel1": edge_weight_rel1,
            "W_self": W_self, "W_neigh": W_neigh, "b": b}

def _sage_conv(x, edge_index, edge_weight, W_s, W_n, bias):
    src = edge_index[0]
    dst = edge_index[1]
    # weighted messages from neighbors (gather) then scatter-add to destinations
    msgs = x[src] * edge_weight[:, None]
    summed = jax.ops.segment_sum(msgs, dst, num_segments=N_NODES)
    cnt = jax.ops.segment_sum(jnp.ones_like(edge_weight), dst, num_segments=N_NODES)
    h_neigh = summed / jnp.clip(cnt, 1.0, None)[:, None]
    out = x @ W_s + h_neigh @ W_n + bias
    return jax.nn.relu(out)

def reference(x, edge_index_rel0, edge_index_rel1, edge_weight_rel0, edge_weight_rel1, W_self, W_neigh, b):
    # HeteroGraphConv with aggregate='mean' over relations targeting the same node type
    out0 = _sage_conv(x, edge_index_rel0, edge_weight_rel0, W_self[0], W_neigh[0], b[0])
    out1 = _sage_conv(x, edge_index_rel1, edge_weight_rel1, W_self[1], W_neigh[1], b[1])
    return (out0 + out1) * 0.5

if __name__ == "__main__":
    import jax
    _d = setup_inputs()
    print(jax.jit(kernel)(*tuple(_d.values())))

</pallas_src>

<mosaic_0001>
#map = affine_map<(d0, d1) -> (0, 0)>
#map1 = affine_map<(d0, d1) -> (0, 0, 0)>
module attributes {stable_mosaic.version = 14 : i64} {
  func.func @seg(%arg0: i32, %arg1: i32, %arg2: memref<10000x128xf32, #tpu.memory_space<hbm>>, %arg3: memref<2x325632xi32, #tpu.memory_space<hbm>>, %arg4: memref<2x325632xi32, #tpu.memory_space<hbm>>, %arg5: memref<2x325632xf32, #tpu.memory_space<hbm>>, %arg6: memref<2x10000x128xf32, #tpu.memory_space<hbm>>, %arg7: memref<2x10000x128xf32, #tpu.memory_space<hbm>>, %arg8: memref<10008x128xf32, #tpu.memory_space<vmem_shared>>, %arg9: memref<128x128xf32, #tpu.memory_space<vmem>>, %arg10: memref<128x128xf32, #tpu.memory_space<vmem>>, %arg11: memref<128xi32, #tpu.memory_space<vmem>>, %arg12: memref<128xi32, #tpu.memory_space<vmem>>, %arg13: memref<128xi32, #tpu.memory_space<vmem>>, %arg14: memref<128xi32, #tpu.memory_space<vmem>>, %arg15: memref<128xf32, #tpu.memory_space<vmem>>, %arg16: memref<128xf32, #tpu.memory_space<vmem>>, %arg17: memref<128x128xf32, #tpu.memory_space<vmem>>, %arg18: memref<8x128xf32, #tpu.memory_space<vmem>>, %arg19: memref<!tpu.dma_semaphore, #tpu.memory_space<semaphore_mem>>, %arg20: memref<!tpu.dma_semaphore, #tpu.memory_space<semaphore_mem>>, %arg21: memref<!tpu.dma_semaphore, #tpu.memory_space<semaphore_mem>>, %arg22: memref<!tpu.dma_semaphore, #tpu.memory_space<semaphore_mem>>, %arg23: memref<!tpu.dma_semaphore, #tpu.memory_space<semaphore_mem>>, %arg24: memref<!tpu.dma_semaphore, #tpu.memory_space<semaphore_mem>>, %arg25: memref<!tpu.dma_semaphore, #tpu.memory_space<semaphore_mem>>) attributes {dimension_semantics = [#tpu.dimension_semantics<core_parallel>, #tpu.dimension_semantics<subcore_parallel>], iteration_bounds = array<i64: 2, 16>, scalar_prefetch = 0 : i64, scratch_operands = 18 : i64, tpu.core_type = #tpu.core_type<sc_vector_subcore>, window_params = [{transform_indices = #map}, {transform_indices = #map}, {transform_indices = #map}, {transform_indices = #map}, {transform_indices = #map1}, {transform_indices = #map1}]} {
    %scan3A = arith.constant 0 : i32
    %scan3A_0 = arith.constant 0 : i32
    %scan3A_1 = arith.constant 128 : i32
    %scan3A_2 = arith.addi %scan3A_0, %scan3A_1 : i32
    %scan3A_3 = arith.constant 1 : i32
    scf.for %scan3A_124 = %scan3A_0 to %scan3A_2 step %scan3A_3  : i32 {
      %broadcast_in_dim3A = arith.constant 0.000000e+00 : f32
      %broadcast_in_dim3A_125 = vector.broadcast %broadcast_in_dim3A : f32 to vector<16xf32>
      %jit3A = arith.constant 8 : i32
      %eq3A = arith.constant 0 : i32
      %eq3A_126 = arith.cmpi eq, %jit3A, %eq3A : i32
      %jit3A_127 = arith.constant 1 : i32
      %select_n3A = arith.select %eq3A_126, %jit3A_127, %jit3A : i32
      %rem3A = arith.remsi %scan3A_124, %select_n3A : i32
      %ne3A = arith.constant 0 : i32
      %ne3A_128 = arith.cmpi ne, %rem3A, %ne3A : i32
      %lt3A = arith.constant 0 : i32
      %lt3A_129 = arith.cmpi slt, %rem3A, %lt3A : i32
      %lt3A_130 = arith.constant 0 : i32
      %lt3A_131 = arith.cmpi slt, %select_n3A, %lt3A_130 : i32
      %ne3A_132 = arith.xori %lt3A_129, %lt3A_131 : i1
      %and3A = arith.andi %ne3A_132, %ne3A_128 : i1
      %add3A_133 = arith.addi %rem3A, %select_n3A : i32
      %select_n3A_134 = arith.select %and3A, %add3A_133, %rem3A : i32
      %swap3A = arith.index_cast %select_n3A_134 : i32 to index
      %swap3A_135 = arith.constant 0 : index
      %swap3A_136 = tpu.vector_load %arg18[%swap3A, %swap3A_135] {strides = array<i32>} : memref<8x128xf32, #tpu.memory_space<vmem>>, vector<1x16xf32>,
      %swap3A_137 = vector.shape_cast %swap3A_136 : vector<1x16xf32> to vector<16xf32>
      %swap3A_138 = vector.shape_cast %broadcast_in_dim3A_125 : vector<16xf32> to vector<1x16xf32>
      tpu.vector_store %arg18[%swap3A, %swap3A_135], %swap3A_138 {strides = array<i32>} : memref<8x128xf32, #tpu.memory_space<vmem>>, vector<1x16xf32>,
      %broadcast_in_dim3A_139 = arith.constant 1.000000e+00 : f32
      %broadcast_in_dim3A_140 = vector.broadcast %broadcast_in_dim3A_139 : f32 to vector<16xf32>
      %swap3A_141 = arith.index_cast %scan3A_124 : i32 to index
      %swap3A_142 = arith.constant 0 : index
      %swap3A_143 = tpu.vector_load %arg17[%swap3A_141, %swap3A_142] {strides = array<i32>} : memref<128x128xf32, #tpu.memory_space<vmem>>, vector<1x16xf32>,
      %swap3A_144 = vector.shape_cast %swap3A_143 : vector<1x16xf32> to vector<16xf32>
      %swap3A_145 = vector.shape_cast %broadcast_in_dim3A_140 : vector<16xf32> to vector<1x16xf32>
      tpu.vector_store %arg17[%swap3A_141, %swap3A_142], %swap3A_145 {strides = array<i32>} : memref<128x128xf32, #tpu.memory_space<vmem>>, vector<1x16xf32>,
      %broadcast_in_dim3A_146 = arith.constant 0.000000e+00 : f32
      %broadcast_in_dim3A_147 = vector.broadcast %broadcast_in_dim3A_146 : f32 to vector<16xf32>
      %jit3A_148 = arith.constant 8 : i32
      %eq3A_149 = arith.constant 0 : i32
      %eq3A_150 = arith.cmpi eq, %jit3A_148, %eq3A_149 : i32
      %jit3A_151 = arith.constant 1 : i32
      %select_n3A_152 = arith.select %eq3A_150, %jit3A_151, %jit3A_148 : i32
      %rem3A_153 = arith.remsi %scan3A_124, %select_n3A_152 : i32
      %ne3A_154 = arith.constant 0 : i32
      %ne3A_155 = arith.cmpi ne, %rem3A_153, %ne3A_154 : i32
      %lt3A_156 = arith.constant 0 : i32
      %lt3A_157 = arith.cmpi slt, %rem3A_153, %lt3A_156 : i32
      %lt3A_158 = arith.constant 0 : i32
      %lt3A_159 = arith.cmpi slt, %select_n3A_152, %lt3A_158 : i32
      %ne3A_160 = arith.xori %lt3A_157, %lt3A_159 : i1
      %and3A_161 = arith.andi %ne3A_160, %ne3A_155 : i1
      %add3A_162 = arith.addi %rem3A_153, %select_n3A_152 : i32
      %select_n3A_163 = arith.select %and3A_161, %add3A_162, %rem3A_153 : i32
      %swap3A_164 = arith.index_cast %select_n3A_163 : i32 to index
      %swap3A_165 = arith.constant 16 : index
      %swap3A_166 = tpu.vector_load %arg18[%swap3A_164, %swap3A_165] {strides = array<i32>} : memref<8x128xf32, #tpu.memory_space<vmem>>, vector<1x16xf32>,
      %swap3A_167 = vector.shape_cast %swap3A_166 : vector<1x16xf32> to vector<16xf32>
      %swap3A_168 = vector.shape_cast %broadcast_in_dim3A_147 : vector<16xf32> to vector<1x16xf32>
      tpu.vector_store %arg18[%swap3A_164, %swap3A_165], %swap3A_168 {strides = array<i32>} : memref<8x128xf32, #tpu.memory_space<vmem>>, vector<1x16xf32>,
      %broadcast_in_dim3A_169 = arith.constant 1.000000e+00 : f32
      %broadcast_in_dim3A_170 = vector.broadcast %broadcast_in_dim3A_169 : f32 to vector<16xf32>
      %swap3A_171 = arith.index_cast %scan3A_124 : i32 to index
      %swap3A_172 = arith.constant 16 : index
      %swap3A_173 = tpu.vector_load %arg17[%swap3A_171, %swap3A_172] {strides = array<i32>} : memref<128x128xf32, #tpu.memory_space<vmem>>, vector<1x16xf32>,
      %swap3A_174 = vector.shape_cast %swap3A_173 : vector<1x16xf32> to vector<16xf32>
      %swap3A_175 = vector.shape_cast %broadcast_in_dim3A_170 : vector<16xf32> to vector<1x16xf32>
      tpu.vector_store %arg17[%swap3A_171, %swap3A_172], %swap3A_175 {strides = array<i32>} : memref<128x128xf32, #tpu.memory_space<vmem>>, vector<1x16xf32>,
      %broadcast_in_dim3A_176 = arith.constant 0.000000e+00 : f32
      %broadcast_in_dim3A_177 = vector.broadcast %broadcast_in_dim3A_176 : f32 to vector<16xf32>
      %jit3A_178 = arith.constant 8 : i32
      %eq3A_179 = arith.constant 0 : i32
      %eq3A_180 = arith.cmpi eq, %jit3A_178, %eq3A_179 : i32
      %jit3A_181 = arith.constant 1 : i32
      %select_n3A_182 = arith.select %eq3A_180, %jit3A_181, %jit3A_178 : i32
      %rem3A_183 = arith.remsi %scan3A_124, %select_n3A_182 : i32
      %ne3A_184 = arith.constant 0 : i32
      %ne3A_185 = arith.cmpi ne, %rem3A_183, %ne3A_184 : i32
      %lt3A_186 = arith.constant 0 : i32
      %lt3A_187 = arith.cmpi slt, %rem3A_183, %lt3A_186 : i32
      %lt3A_188 = arith.constant 0 : i32
      %lt3A_189 = arith.cmpi slt, %select_n3A_182, %lt3A_188 : i32
      %ne3A_190 = arith.xori %lt3A_187, %lt3A_189 : i1
      %and3A_191 = arith.andi %ne3A_190, %ne3A_185 : i1
      %add3A_192 = arith.addi %rem3A_183, %select_n3A_182 : i32
      %select_n3A_193 = arith.select %and3A_191, %add3A_192, %rem3A_183 : i32
      %swap3A_194 = arith.index_cast %select_n3A_193 : i32 to index
      %swap3A_195 = arith.constant 32 : index
      %swap3A_196 = tpu.vector_load %arg18[%swap3A_194, %swap3A_195] {strides = array<i32>} : memref<8x128xf32, #tpu.memory_space<vmem>>, vector<1x16xf32>,
      %swap3A_197 = vector.shape_cast %swap3A_196 : vector<1x16xf32> to vector<16xf32>
      %swap3A_198 = vector.shape_cast %broadcast_in_dim3A_177 : vector<16xf32> to vector<1x16xf32>
      tpu.vector_store %arg18[%swap3A_194, %swap3A_195], %swap3A_198 {strides = array<i32>} : memref<8x128xf32, #tpu.memory_space<vmem>>, vector<1x16xf32>,
      %broadcast_in_dim3A_199 = arith.constant 1.000000e+00 : f32
      %broadcast_in_dim3A_200 = vector.broadcast %broadcast_in_dim3A_199 : f32 to vector<16xf32>
      %swap3A_201 = arith.index_cast %scan3A_124 : i32 to index
      %swap3A_202 = arith.constant 32 : index
      %swap3A_203 = tpu.vector_load %arg17[%swap3A_201, %swap3A_202] {strides = array<i32>} : memref<128x128xf32, #tpu.memory_space<vmem>>, vector<1x16xf32>,
      %swap3A_204 = vector.shape_cast %swap3A_203 : vector<1x16xf32> to vector<16xf32>
      %swap3A_205 = vector.shape_cast %broadcast_in_dim3A_200 : vector<16xf32> to vector<1x16xf32>
      tpu.vector_store %arg17[%swap3A_201, %swap3A_202], %swap3A_205 {strides = array<i32>} : memref<128x128xf32, #tpu.memory_space<vmem>>, vector<1x16xf32>,
      %broadcast_in_dim3A_206 = arith.constant 0.000000e+00 : f32
      %broadcast_in_dim3A_207 = vector.broadcast %broadcast_in_dim3A_206 : f32 to vector<16xf32>
      %jit3A_208 = arith.constant 8 : i32
      %eq3A_209 = arith.constant 0 : i32
      %eq3A_210 = arith.cmpi eq, %jit3A_208, %eq3A_209 : i32
      %jit3A_211 = arith.constant 1 : i32
      %select_n3A_212 = arith.select %eq3A_210, %jit3A_211, %jit3A_208 : i32
      %rem3A_213 = arith.remsi %scan3A_124, %select_n3A_212 : i32
      %ne3A_214 = arith.constant 0 : i32
      %ne3A_215 = arith.cmpi ne, %rem3A_213, %ne3A_214 : i32
      %lt3A_216 = arith.constant 0 : i32
      %lt3A_217 = arith.cmpi slt, %rem3A_213, %lt3A_216 : i32
      %lt3A_218 = arith.constant 0 : i32
      %lt3A_219 = arith.cmpi slt, %select_n3A_212, %lt3A_218 : i32
      %ne3A_220 = arith.xori %lt3A_217, %lt3A_219 : i1
      %and3A_221 = arith.andi %ne3A_220, %ne3A_215 : i1
      %add3A_222 = arith.addi %rem3A_213, %select_n3A_212 : i32
      %select_n3A_223 = arith.select %and3A_221, %add3A_222, %rem3A_213 : i32
      %swap3A_224 = arith.index_cast %select_n3A_223 : i32 to index
      %swap3A_225 = arith.constant 48 : index
      %swap3A_226 = tpu.vector_load %arg18[%swap3A_224, %swap3A_225] {strides = array<i32>} : memref<8x128xf32, #tpu.memory_space<vmem>>, vector<1x16xf32>,
      %swap3A_227 = vector.shape_cast %swap3A_226 : vector<1x16xf32> to vector<16xf32>
      %swap3A_228 = vector.shape_cast %broadcast_in_dim3A_207 : vector<16xf32> to vector<1x16xf32>
      tpu.vector_store %arg18[%swap3A_224, %swap3A_225], %swap3A_228 {strides = array<i32>} : memref<8x128xf32, #tpu.memory_space<vmem>>, vector<1x16xf32>,
      %broadcast_in_dim3A_229 = arith.constant 1.000000e+00 : f32
      %broadcast_in_dim3A_230 = vector.broadcast %broadcast_in_dim3A_229 : f32 to vector<16xf32>
      %swap3A_231 = arith.index_cast %scan3A_124 : i32 to index
      %swap3A_232 = arith.constant 48 : index
      %swap3A_233 = tpu.vector_load %arg17[%swap3A_231, %swap3A_232] {strides = array<i32>} : memref<128x128xf32, #tpu.memory_space<vmem>>, vector<1x16xf32>,
      %swap3A_234 = vector.shape_cast %swap3A_233 : vector<1x16xf32> to vector<16xf32>
      %swap3A_235 = vector.shape_cast %broadcast_in_dim3A_230 : vector<16xf32> to vector<1x16xf32>
      tpu.vector_store %arg17[%swap3A_231, %swap3A_232], %swap3A_235 {strides = array<i32>} : memref<128x128xf32, #tpu.memory_space<vmem>>, vector<1x16xf32>,
      %broadcast_in_dim3A_236 = arith.constant 0.000000e+00 : f32
      %broadcast_in_dim3A_237 = vector.broadcast %broadcast_in_dim3A_236 : f32 to vector<16xf32>
      %jit3A_238 = arith.constant 8 : i32
      %eq3A_239 = arith.constant 0 : i32
      %eq3A_240 = arith.cmpi eq, %jit3A_238, %eq3A_239 : i32
      %jit3A_241 = arith.constant 1 : i32
      %select_n3A_242 = arith.select %eq3A_240, %jit3A_241, %jit3A_238 : i32
      %rem3A_243 = arith.remsi %scan3A_124, %select_n3A_242 : i32
      %ne3A_244 = arith.constant 0 : i32
      %ne3A_245 = arith.cmpi ne, %rem3A_243, %ne3A_244 : i32
      %lt3A_246 = arith.constant 0 : i32
      %lt3A_247 = arith.cmpi slt, %rem3A_243, %lt3A_246 : i32
      %lt3A_248 = arith.constant 0 : i32
      %lt3A_249 = arith.cmpi slt, %select_n3A_242, %lt3A_248 : i32
      %ne3A_250 = arith.xori %lt3A_247, %lt3A_249 : i1
      %and3A_251 = arith.andi %ne3A_250, %ne3A_245 : i1
      %add3A_252 = arith.addi %rem3A_243, %select_n3A_242 : i32
      %select_n3A_253 = arith.select %and3A_251, %add3A_252, %rem3A_243 : i32
      %swap3A_254 = arith.index_cast %select_n3A_253 : i32 to index
      %swap3A_255 = arith.constant 64 : index
      %swap3A_256 = tpu.vector_load %arg18[%swap3A_254, %swap3A_255] {strides = array<i32>} : memref<8x128xf32, #tpu.memory_space<vmem>>, vector<1x16xf32>,
      %swap3A_257 = vector.shape_cast %swap3A_256 : vector<1x16xf32> to vector<16xf32>
      %swap3A_258 = vector.shape_cast %broadcast_in_dim3A_237 : vector<16xf32> to vector<1x16xf32>
      tpu.vector_store %arg18[%swap3A_254, %swap3A_255], %swap3A_258 {strides = array<i32>} : memref<8x128xf32, #tpu.memory_space<vmem>>, vector<1x16xf32>,
      %broadcast_in_dim3A_259 = arith.constant 1.000000e+00 : f32
      %broadcast_in_dim3A_260 = vector.broadcast %broadcast_in_dim3A_259 : f32 to vector<16xf32>
      %swap3A_261 = arith.index_cast %scan3A_124 : i32 to index
      %swap3A_262 = arith.constant 64 : index
      %swap3A_263 = tpu.vector_load %arg17[%swap3A_261, %swap3A_262] {strides = array<i32>} : memref<128x128xf32, #tpu.memory_space<vmem>>, vector<1x16xf32>,
      %swap3A_264 = vector.shape_cast %swap3A_263 : vector<1x16xf32> to vector<16xf32>
      %swap3A_265 = vector.shape_cast %broadcast_in_dim3A_260 : vector<16xf32> to vector<1x16xf32>
      tpu.vector_store %arg17[%swap3A_261, %swap3A_262], %swap3A_265 {strides = array<i32>} : memref<128x128xf32, #tpu.memory_space<vmem>>, vector<1x16xf32>,
      %broadcast_in_dim3A_266 = arith.constant 0.000000e+00 : f32
      %broadcast_in_dim3A_267 = vector.broadcast %broadcast_in_dim3A_266 : f32 to vector<16xf32>
      %jit3A_268 = arith.constant 8 : i32
      %eq3A_269 = arith.constant 0 : i32
      %eq3A_270 = arith.cmpi eq, %jit3A_268, %eq3A_269 : i32
      %jit3A_271 = arith.constant 1 : i32
      %select_n3A_272 = arith.select %eq3A_270, %jit3A_271, %jit3A_268 : i32
      %rem3A_273 = arith.remsi %scan3A_124, %select_n3A_272 : i32
      %ne3A_274 = arith.constant 0 : i32
      %ne3A_275 = arith.cmpi ne, %rem3A_273, %ne3A_274 : i32
      %lt3A_276 = arith.constant 0 : i32
      %lt3A_277 = arith.cmpi slt, %rem3A_273, %lt3A_276 : i32
      %lt3A_278 = arith.constant 0 : i32
      %lt3A_279 = arith.cmpi slt, %select_n3A_272, %lt3A_278 : i32
      %ne3A_280 = arith.xori %lt3A_277, %lt3A_279 : i1
      %and3A_281 = arith.andi %ne3A_280, %ne3A_275 : i1
      %add3A_282 = arith.addi %rem3A_273, %select_n3A_272 : i32
      %select_n3A_283 = arith.select %and3A_281, %add3A_282, %rem3A_273 : i32
      %swap3A_284 = arith.index_cast %select_n3A_283 : i32 to index
      %swap3A_285 = arith.constant 80 : index
      %swap3A_286 = tpu.vector_load %arg18[%swap3A_284, %swap3A_285] {strides = array<i32>} : memref<8x128xf32, #tpu.memory_space<vmem>>, vector<1x16xf32>,
      %swap3A_287 = vector.shape_cast %swap3A_286 : vector<1x16xf32> to vector<16xf32>
      %swap3A_288 = vector.shape_cast %broadcast_in_dim3A_267 : vector<16xf32> to vector<1x16xf32>
      tpu.vector_store %arg18[%swap3A_284, %swap3A_285], %swap3A_288 {strides = array<i32>} : memref<8x128xf32, #tpu.memory_space<vmem>>, vector<1x16xf32>,
      %broadcast_in_dim3A_289 = arith.constant 1.000000e+00 : f32
      %broadcast_in_dim3A_290 = vector.broadcast %broadcast_in_dim3A_289 : f32 to vector<16xf32>
      %swap3A_291 = arith.index_cast %scan3A_124 : i32 to index
      %swap3A_292 = arith.constant 80 : index
      %swap3A_293 = tpu.vector_load %arg17[%swap3A_291, %swap3A_292] {strides = array<i32>} : memref<128x128xf32, #tpu.memory_space<vmem>>, vector<1x16xf32>,
      %swap3A_294 = vector.shape_cast %swap3A_293 : vector<1x16xf32> to vector<16xf32>
      %swap3A_295 = vector.shape_cast %broadcast_in_dim3A_290 : vector<16xf32> to vector<1x16xf32>
      tpu.vector_store %arg17[%swap3A_291, %swap3A_292], %swap3A_295 {strides = array<i32>} : memref<128x128xf32, #tpu.memory_space<vmem>>, vector<1x16xf32>,
      %broadcast_in_dim3A_296 = arith.constant 0.000000e+00 : f32
      %broadcast_in_dim3A_297 = vector.broadcast %broadcast_in_dim3A_296 : f32 to vector<16xf32>
      %jit3A_298 = arith.constant 8 : i32
      %eq3A_299 = arith.constant 0 : i32
      %eq3A_300 = arith.cmpi eq, %jit3A_298, %eq3A_299 : i32
      %jit3A_301 = arith.constant 1 : i32
      %select_n3A_302 = arith.select %eq3A_300, %jit3A_301, %jit3A_298 : i32
      %rem3A_303 = arith.remsi %scan3A_124, %select_n3A_302 : i32
      %ne3A_304 = arith.constant 0 : i32
      %ne3A_305 = arith.cmpi ne, %rem3A_303, %ne3A_304 : i32
      %lt3A_306 = arith.constant 0 : i32
      %lt3A_307 = arith.cmpi slt, %rem3A_303, %lt3A_306 : i32
      %lt3A_308 = arith.constant 0 : i32
      %lt3A_309 = arith.cmpi slt, %select_n3A_302, %lt3A_308 : i32
      %ne3A_310 = arith.xori %lt3A_307, %lt3A_309 : i1
      %and3A_311 = arith.andi %ne3A_310, %ne3A_305 : i1
      %add3A_312 = arith.addi %rem3A_303, %select_n3A_302 : i32
      %select_n3A_313 = arith.select %and3A_311, %add3A_312, %rem3A_303 : i32
      %swap3A_314 = arith.index_cast %select_n3A_313 : i32 to index
      %swap3A_315 = arith.constant 96 : index
      %swap3A_316 = tpu.vector_load %arg18[%swap3A_314, %swap3A_315] {strides = array<i32>} : memref<8x128xf32, #tpu.memory_space<vmem>>, vector<1x16xf32>,
      %swap3A_317 = vector.shape_cast %swap3A_316 : vector<1x16xf32> to vector<16xf32>
      %swap3A_318 = vector.shape_cast %broadcast_in_dim3A_297 : vector<16xf32> to vector<1x16xf32>
      tpu.vector_store %arg18[%swap3A_314, %swap3A_315], %swap3A_318 {strides = array<i32>} : memref<8x128xf32, #tpu.memory_space<vmem>>, vector<1x16xf32>,
      %broadcast_in_dim3A_319 = arith.constant 1.000000e+00 : f32
      %broadcast_in_dim3A_320 = vector.broadcast %broadcast_in_dim3A_319 : f32 to vector<16xf32>
      %swap3A_321 = arith.index_cast %scan3A_124 : i32 to index
      %swap3A_322 = arith.constant 96 : index
      %swap3A_323 = tpu.vector_load %arg17[%swap3A_321, %swap3A_322] {strides = array<i32>} : memref<128x128xf32, #tpu.memory_space<vmem>>, vector<1x16xf32>,
      %swap3A_324 = vector.shape_cast %swap3A_323 : vector<1x16xf32> to vector<16xf32>
      %swap3A_325 = vector.shape_cast %broadcast_in_dim3A_320 : vector<16xf32> to vector<1x16xf32>
      tpu.vector_store %arg17[%swap3A_321, %swap3A_322], %swap3A_325 {strides = array<i32>} : memref<128x128xf32, #tpu.memory_space<vmem>>, vector<1x16xf32>,
      %broadcast_in_dim3A_326 = arith.constant 0.000000e+00 : f32
      %broadcast_in_dim3A_327 = vector.broadcast %broadcast_in_dim3A_326 : f32 to vector<16xf32>
      %jit3A_328 = arith.constant 8 : i32
      %eq3A_329 = arith.constant 0 : i32
      %eq3A_330 = arith.cmpi eq, %jit3A_328, %eq3A_329 : i32
      %jit3A_331 = arith.constant 1 : i32
      %select_n3A_332 = arith.select %eq3A_330, %jit3A_331, %jit3A_328 : i32
      %rem3A_333 = arith.remsi %scan3A_124, %select_n3A_332 : i32
      %ne3A_334 = arith.constant 0 : i32
      %ne3A_335 = arith.cmpi ne, %rem3A_333, %ne3A_334 : i32
      %lt3A_336 = arith.constant 0 : i32
      %lt3A_337 = arith.cmpi slt, %rem3A_333, %lt3A_336 : i32
      %lt3A_338 = arith.constant 0 : i32
      %lt3A_339 = arith.cmpi slt, %select_n3A_332, %lt3A_338 : i32
      %ne3A_340 = arith.xori %lt3A_337, %lt3A_339 : i1
      %and3A_341 = arith.andi %ne3A_340, %ne3A_335 : i1
      %add3A_342 = arith.addi %rem3A_333, %select_n3A_332 : i32
      %select_n3A_343 = arith.select %and3A_341, %add3A_342, %rem3A_333 : i32
      %swap3A_344 = arith.index_cast %select_n3A_343 : i32 to index
      %swap3A_345 = arith.constant 112 : index
      %swap3A_346 = tpu.vector_load %arg18[%swap3A_344, %swap3A_345] {strides = array<i32>} : memref<8x128xf32, #tpu.memory_space<vmem>>, vector<1x16xf32>,
      %swap3A_347 = vector.shape_cast %swap3A_346 : vector<1x16xf32> to vector<16xf32>
      %swap3A_348 = vector.shape_cast %broadcast_in_dim3A_327 : vector<16xf32> to vector<1x16xf32>
      tpu.vector_store %arg18[%swap3A_344, %swap3A_345], %swap3A_348 {strides = array<i32>} : memref<8x128xf32, #tpu.memory_space<vmem>>, vector<1x16xf32>,
      %broadcast_in_dim3A_349 = arith.constant 1.000000e+00 : f32
      %broadcast_in_dim3A_350 = vector.broadcast %broadcast_in_dim3A_349 : f32 to vector<16xf32>
      %swap3A_351 = arith.index_cast %scan3A_124 : i32 to index
      %swap3A_352 = arith.constant 112 : index
      %swap3A_353 = tpu.vector_load %arg17[%swap3A_351, %swap3A_352] {strides = array<i32>} : memref<128x128xf32, #tpu.memory_space<vmem>>, vector<1x16xf32>,
      %swap3A_354 = vector.shape_cast %swap3A_353 : vector<1x16xf32> to vector<16xf32>
      %swap3A_355 = vector.shape_cast %broadcast_in_dim3A_350 : vector<16xf32> to vector<1x16xf32>
      tpu.vector_store %arg17[%swap3A_351, %swap3A_352], %swap3A_355 {strides = array<i32>} : memref<128x128xf32, #tpu.memory_space<vmem>>, vector<1x16xf32>,
    }
    %scan3A_4 = arith.constant 128 : i32
    %scan3A_5 = arith.constant 0 : i32
    %scan3A_6 = arith.constant 0 : i32
    %scan3A_7 = arith.constant 79 : i32
    %scan3A_8 = arith.addi %scan3A_6, %scan3A_7 : i32
    %scan3A_9 = arith.constant 1 : i32
    scf.for %scan3A_124 = %scan3A_6 to %scan3A_8 step %scan3A_9  : i32 {
      %mul3A_125 = arith.constant 16 : i32
      %mul3A_126 = arith.muli %scan3A_124, %mul3A_125 : i32
      %add3A_127 = arith.addi %mul3A_126, %arg1 : i32
      %lt3A = arith.constant 1251 : i32
      %lt3A_128 = arith.cmpi slt, %add3A_127, %lt3A : i32
      %convert_element_type3A = arith.extui %lt3A_128 : i1 to i32
      %cond3A = arith.constant 0 : i32
      %cond3A_129 = arith.cmpi ne, %convert_element_type3A, %cond3A : i32
      scf.if %cond3A_129 {
        %mul3A_130 = arith.constant 8 : i32
        %mul3A_131 = arith.muli %add3A_127, %mul3A_130 : i32
        %dma_start3A_132 = arith.constant 0 : i32
        %dma_start3A_133 = tpu.memref_slice %arg8[%mul3A_131, %dma_start3A_132] : memref<10008x128xf32, #tpu.memory_space<vmem_shared>> -> memref<8x128xf32, #tpu.memory_space<vmem_shared>>
        %dma_start3A_134 = arith.constant 0 : i32
        %dma_start3A_135 = tpu.memref_slice %arg8[%mul3A_131, %dma_start3A_134] : memref<10008x128xf32, #tpu.memory_space<vmem_shared>> -> memref<8x128xf32, #tpu.memory_space<vmem_shared>>
        tpu.enqueue_dma source(%arg18 : memref<8x128xf32, #tpu.memory_space<vmem>>) target(%dma_start3A_135 : memref<8x128xf32, #tpu.memory_space<vmem_shared>>) target_semaphore(%arg25 : memref<!tpu.dma_semaphore, #tpu.memory_space<semaphore_mem>>)
      } else {
      }
    }
    %scan3A_10 = arith.constant 79 : i32
    %scan3A_11 = arith.constant 0 : i32
    %scan3A_12 = arith.constant 0 : i32
    %scan3A_13 = arith.constant 79 : i32
    %scan3A_14 = arith.addi %scan3A_12, %scan3A_13 : i32
    %scan3A_15 = arith.constant 1 : i32
    scf.for %scan3A_124 = %scan3A_12 to %scan3A_14 step %scan3A_15  : i32 {
      %mul3A_125 = arith.constant 16 : i32
      %mul3A_126 = arith.muli %scan3A_124, %mul3A_125 : i32
      %add3A_127 = arith.addi %mul3A_126, %arg1 : i32
      %lt3A = arith.constant 1251 : i32
      %lt3A_128 = arith.cmpi slt, %add3A_127, %lt3A : i32
      %convert_element_type3A = arith.extui %lt3A_128 : i1 to i32
      %cond3A = arith.constant 0 : i32
      %cond3A_129 = arith.cmpi ne, %convert_element_type3A, %cond3A : i32
      scf.if %cond3A_129 {
        %mul3A_130 = arith.constant 8 : i32
        %mul3A_131 = arith.muli %add3A_127, %mul3A_130 : i32
        %dma_wait3A_132 = arith.constant 0 : i32
        %dma_wait3A_133 = tpu.memref_slice %arg8[%mul3A_131, %dma_wait3A_132] : memref<10008x128xf32, #tpu.memory_space<vmem_shared>> -> memref<8x128xf32, #tpu.memory_space<vmem_shared>>
        %dma_wait3A_134 = arith.constant 0 : i32
        %dma_wait3A_135 = tpu.memref_slice %arg8[%mul3A_131, %dma_wait3A_134] : memref<10008x128xf32, #tpu.memory_space<vmem_shared>> -> memref<8x128xf32, #tpu.memory_space<vmem_shared>>
        tpu.wait_dma2 semaphore(%arg25 : memref<!tpu.dma_semaphore, #tpu.memory_space<semaphore_mem>>) src(%arg18 : memref<8x128xf32, #tpu.memory_space<vmem>>) dst(%dma_wait3A_135 : memref<8x128xf32, #tpu.memory_space<vmem_shared>>)
      } else {
      }
    }
    %scan3A_16 = arith.constant 79 : i32
    %barrier3A = arith.constant 0 : index
    tpu.barrier barrier_id(%barrier3A)
    %add3A = arith.constant 0 : i32
    %add3A_17 = arith.addi %add3A, %arg1 : i32
    %mul3A = arith.constant 128 : i32
    %mul3A_18 = arith.muli %add3A_17, %mul3A : i32
    %dma_start3A = tpu.memref_slice %arg3[%arg0, %mul3A_18] : memref<2x325632xi32, #tpu.memory_space<hbm>> -> memref<1x128xi32, #tpu.memory_space<hbm>>
    %dma_start3A_19 = tpu.memref_squeeze %dma_start3A : memref<1x128xi32, #tpu.memory_space<hbm>> -> memref<128xi32, #tpu.memory_space<hbm>>
    %dma_start3A_20 = tpu.memref_slice %arg3[%arg0, %mul3A_18] : memref<2x325632xi32, #tpu.memory_space<hbm>> -> memref<1x128xi32, #tpu.memory_space<hbm>>
    %dma_start3A_21 = tpu.memref_squeeze %dma_start3A_20 : memref<1x128xi32, #tpu.memory_space<hbm>> -> memref<128xi32, #tpu.memory_space<hbm>>
    tpu.enqueue_dma source(%dma_start3A_21 : memref<128xi32, #tpu.memory_space<hbm>>) target(%arg11 : memref<128xi32, #tpu.memory_space<vmem>>) target_semaphore(%arg19 : memref<!tpu.dma_semaphore, #tpu.memory_space<semaphore_mem>>)
    %dma_start3A_22 = tpu.memref_slice %arg4[%arg0, %mul3A_18] : memref<2x325632xi32, #tpu.memory_space<hbm>> -> memref<1x128xi32, #tpu.memory_space<hbm>>
    %dma_start3A_23 = tpu.memref_squeeze %dma_start3A_22 : memref<1x128xi32, #tpu.memory_space<hbm>> -> memref<128xi32, #tpu.memory_space<hbm>>
    %dma_start3A_24 = tpu.memref_slice %arg4[%arg0, %mul3A_18] : memref<2x325632xi32, #tpu.memory_space<hbm>> -> memref<1x128xi32, #tpu.memory_space<hbm>>
    %dma_start3A_25 = tpu.memref_squeeze %dma_start3A_24 : memref<1x128xi32, #tpu.memory_space<hbm>> -> memref<128xi32, #tpu.memory_space<hbm>>
    tpu.enqueue_dma source(%dma_start3A_25 : memref<128xi32, #tpu.memory_space<hbm>>) target(%arg13 : memref<128xi32, #tpu.memory_space<vmem>>) target_semaphore(%arg19 : memref<!tpu.dma_semaphore, #tpu.memory_space<semaphore_mem>>)
    %dma_start3A_26 = tpu.memref_slice %arg5[%arg0, %mul3A_18] : memref<2x325632xf32, #tpu.memory_space<hbm>> -> memref<1x128xf32, #tpu.memory_space<hbm>>
    %dma_start3A_27 = tpu.memref_squeeze %dma_start3A_26 : memref<1x128xf32, #tpu.memory_space<hbm>> -> memref<128xf32, #tpu.memory_space<hbm>>
    %dma_start3A_28 = tpu.memref_slice %arg5[%arg0, %mul3A_18] : memref<2x325632xf32, #tpu.memory_space<hbm>> -> memref<1x128xf32, #tpu.memory_space<hbm>>
    %dma_start3A_29 = tpu.memref_squeeze %dma_start3A_28 : memref<1x128xf32, #tpu.memory_space<hbm>> -> memref<128xf32, #tpu.memory_space<hbm>>
    tpu.enqueue_dma source(%dma_start3A_29 : memref<128xf32, #tpu.memory_space<hbm>>) target(%arg15 : memref<128xf32, #tpu.memory_space<vmem>>) target_semaphore(%arg19 : memref<!tpu.dma_semaphore, #tpu.memory_space<semaphore_mem>>)
    %add3A_30 = arith.constant 0 : i32
    %add3A_31 = arith.addi %add3A_30, %arg1 : i32
    %mul3A_32 = arith.constant 128 : i32
    %mul3A_33 = arith.muli %add3A_31, %mul3A_32 : i32
    %dma_wait3A = tpu.memref_slice %arg3[%arg0, %mul3A_33] : memref<2x325632xi32, #tpu.memory_space<hbm>> -> memref<1x128xi32, #tpu.memory_space<hbm>>
    %dma_wait3A_34 = tpu.memref_squeeze %dma_wait3A : memref<1x128xi32, #tpu.memory_space<hbm>> -> memref<128xi32, #tpu.memory_space<hbm>>
    %dma_wait3A_35 = tpu.memref_slice %arg3[%arg0, %mul3A_33] : memref<2x325632xi32, #tpu.memory_space<hbm>> -> memref<1x128xi32, #tpu.memory_space<hbm>>
    %dma_wait3A_36 = tpu.memref_squeeze %dma_wait3A_35 : memref<1x128xi32, #tpu.memory_space<hbm>> -> memref<128xi32, #tpu.memory_space<hbm>>
    tpu.wait_dma2 semaphore(%arg19 : memref<!tpu.dma_semaphore, #tpu.memory_space<semaphore_mem>>) src(%dma_wait3A_36 : memref<128xi32, #tpu.memory_space<hbm>>) dst(%arg11 : memref<128xi32, #tpu.memory_space<vmem>>)
    %dma_wait3A_37 = tpu.memref_slice %arg4[%arg0, %mul3A_33] : memref<2x325632xi32, #tpu.memory_space<hbm>> -> memref<1x128xi32, #tpu.memory_space<hbm>>
    %dma_wait3A_38 = tpu.memref_squeeze %dma_wait3A_37 : memref<1x128xi32, #tpu.memory_space<hbm>> -> memref<128xi32, #tpu.memory_space<hbm>>
    %dma_wait3A_39 = tpu.memref_slice %arg4[%arg0, %mul3A_33] : memref<2x325632xi32, #tpu.memory_space<hbm>> -> memref<1x128xi32, #tpu.memory_space<hbm>>
    %dma_wait3A_40 = tpu.memref_squeeze %dma_wait3A_39 : memref<1x128xi32, #tpu.memory_space<hbm>> -> memref<128xi32, #tpu.memory_space<hbm>>
    tpu.wait_dma2 semaphore(%arg19 : memref<!tpu.dma_semaphore, #tpu.memory_space<semaphore_mem>>) src(%dma_wait3A_40 : memref<128xi32, #tpu.memory_space<hbm>>) dst(%arg13 : memref<128xi32, #tpu.memory_space<vmem>>)
    %dma_wait3A_41 = tpu.memref_slice %arg5[%arg0, %mul3A_33] : memref<2x325632xf32, #tpu.memory_space<hbm>> -> memref<1x128xf32, #tpu.memory_space<hbm>>
    %dma_wait3A_42 = tpu.memref_squeeze %dma_wait3A_41 : memref<1x128xf32, #tpu.memory_space<hbm>> -> memref<128xf32, #tpu.memory_space<hbm>>
    %dma_wait3A_43 = tpu.memref_slice %arg5[%arg0, %mul3A_33] : memref<2x325632xf32, #tpu.memory_space<hbm>> -> memref<1x128xf32, #tpu.memory_space<hbm>>
    %dma_wait3A_44 = tpu.memref_squeeze %dma_wait3A_43 : memref<1x128xf32, #tpu.memory_space<hbm>> -> memref<128xf32, #tpu.memory_space<hbm>>
    tpu.wait_dma2 semaphore(%arg19 : memref<!tpu.dma_semaphore, #tpu.memory_space<semaphore_mem>>) src(%dma_wait3A_44 : memref<128xf32, #tpu.memory_space<hbm>>) dst(%arg15 : memref<128xf32, #tpu.memory_space<vmem>>)
    %dma_start3A_45 = arith.constant 0 : i32
    %dma_start3A_46 = arith.constant 0 : i32
    %dma_start3A_47 = tpu.memref_slice %arg2[%dma_start3A_45, %dma_start3A_46] : memref<10000x128xf32, #tpu.memory_space<hbm>> -> memref<10000x128xf32, #tpu.memory_space<hbm>>
    tpu.enqueue_indirect_dma source(%dma_start3A_47 : memref<10000x128xf32, #tpu.memory_space<hbm>>) target(%arg9 : memref<128x128xf32, #tpu.memory_space<vmem>>) offsets(%arg11 : memref<128xi32, #tpu.memory_space<vmem>>) semaphore(%arg21 : memref<!tpu.dma_semaphore, #tpu.memory_space<semaphore_mem>>)
    %scan3A_48 = arith.constant 0 : i32
    %scan3A_49 = arith.constant 0 : i32
    %scan3A_50 = arith.constant 79 : i32
    %scan3A_51 = arith.addi %scan3A_49, %scan3A_50 : i32
    %scan3A_52 = arith.constant 1 : i32
    scf.for %scan3A_124 = %scan3A_49 to %scan3A_51 step %scan3A_52  : i32 {
      %mul3A_125 = arith.constant 2 : i32
      %mul3A_126 = arith.muli %mul3A_125, %scan3A_124 : i32
      %dma_wait3A_127 = arith.constant 0 : i32
      %dma_wait3A_128 = arith.constant 0 : i32
      %dma_wait3A_129 = tpu.memref_slice %arg2[%dma_wait3A_127, %dma_wait3A_128] : memref<10000x128xf32, #tpu.memory_space<hbm>> -> memref<10000x128xf32, #tpu.memory_space<hbm>>
      tpu.wait_indirect_dma semaphore(%arg21 : memref<!tpu.dma_semaphore, #tpu.memory_space<semaphore_mem>>) src(%dma_wait3A_129 : memref<10000x128xf32, #tpu.memory_space<hbm>>) dst(%arg9 : memref<128x128xf32, #tpu.memory_space<vmem>>)
      %scan3A_130 = arith.constant 0 : i32
      %scan3A_131 = arith.constant 0 : i32
      %scan3A_132 = arith.constant 8 : i32
      %scan3A_133 = arith.addi %scan3A_131, %scan3A_132 : i32
      %scan3A_134 = arith.constant 1 : i32
      scf.for %scan3A_238 = %scan3A_131 to %scan3A_133 step %scan3A_134  : i32 {
        %mul3A_239 = arith.constant 16 : i32
        %mul3A_240 = arith.muli %scan3A_238, %mul3A_239 : i32
        %get3A = arith.index_cast %mul3A_240 : i32 to index
        %get3A_241 = tpu.vector_load %arg15[%get3A] {strides = array<i32>} : memref<128xf32, #tpu.memory_space<vmem>>, vector<16xf32>,
        %get3A_242 = vector.shape_cast %get3A_241 : vector<16xf32> to vector<16xf32>
        %broadcast_in_dim3A = arith.constant 0 : i32
        %broadcast_in_dim3A_243 = vector.broadcast %broadcast_in_dim3A : i32 to vector<16x1xi32>
        %gather3A = vector.shape_cast %broadcast_in_dim3A_243 : vector<16x1xi32> to vector<16xi32>
        %gather3A_244 = tpu.dynamic_gather %get3A_242[%gather3A] in [0] : vector<16xf32>, vector<16xi32> -> vector<16xf32>
        %mul3A_245 = arith.constant 16 : i32
        %mul3A_246 = arith.muli %scan3A_238, %mul3A_245 : i32
        %add3A_247 = arith.constant 0 : i32
        %add3A_248 = arith.addi %mul3A_246, %add3A_247 : i32
        %get3A_249 = arith.index_cast %add3A_248 : i32 to index
        %get3A_250 = arith.constant 0 : index
        %get3A_251 = tpu.vector_load %arg9[%get3A_249, %get3A_250] {strides = array<i32>} : memref<128x128xf32, #tpu.memory_space<vmem>>, vector<1x16xf32>,
        %get3A_252 = vector.shape_cast %get3A_251 : vector<1x16xf32> to vector<16xf32>
        %mul3A_253 = arith.mulf %get3A_252, %gather3A_244 : vector<16xf32>
        %swap3A = arith.index_cast %add3A_248 : i32 to index
        %swap3A_254 = arith.constant 0 : index
        %swap3A_255 = tpu.vector_load %arg9[%swap3A, %swap3A_254] {strides = array<i32>} : memref<128x128xf32, #tpu.memory_space<vmem>>, vector<1x16xf32>,
        %swap3A_256 = vector.shape_cast %swap3A_255 : vector<1x16xf32> to vector<16xf32>
        %swap3A_257 = vector.shape_cast %mul3A_253 : vector<16xf32> to vector<1x16xf32>
        tpu.vector_store %arg9[%swap3A, %swap3A_254], %swap3A_257 {strides = array<i32>} : memref<128x128xf32, #tpu.memory_space<vmem>>, vector<1x16xf32>,
        %get3A_258 = arith.index_cast %add3A_248 : i32 to index
        %get3A_259 = arith.constant 16 : index
        %get3A_260 = tpu.vector_load %arg9[%get3A_258, %get3A_259] {strides = array<i32>} : memref<128x128xf32, #tpu.memory_space<vmem>>, vector<1x16xf32>,
        %get3A_261 = vector.shape_cast %get3A_260 : vector<1x16xf32> to vector<16xf32>
        %mul3A_262 = arith.mulf %get3A_261, %gather3A_244 : vector<16xf32>
        %swap3A_263 = arith.index_cast %add3A_248 : i32 to index
        %swap3A_264 = arith.constant 16 : index
        %swap3A_265 = tpu.vector_load %arg9[%swap3A_263, %swap3A_264] {strides = array<i32>} : memref<128x128xf32, #tpu.memory_space<vmem>>, vector<1x16xf32>,
        %swap3A_266 = vector.shape_cast %swap3A_265 : vector<1x16xf32> to vector<16xf32>
        %swap3A_267 = vector.shape_cast %mul3A_262 : vector<16xf32> to vector<1x16xf32>
        tpu.vector_store %arg9[%swap3A_263, %swap3A_264], %swap3A_267 {strides = array<i32>} : memref<128x128xf32, #tpu.memory_space<vmem>>, vector<1x16xf32>,
        %get3A_268 = arith.index_cast %add3A_248 : i32 to index
        %get3A_269 = arith.constant 32 : index
        %get3A_270 = tpu.vector_load %arg9[%get3A_268, %get3A_269] {strides = array<i32>} : memref<128x128xf32, #tpu.memory_space<vmem>>, vector<1x16xf32>,
        %get3A_271 = vector.shape_cast %get3A_270 : vector<1x16xf32> to vector<16xf32>
        %mul3A_272 = arith.mulf %get3A_271, %gather3A_244 : vector<16xf32>
        %swap3A_273 = arith.index_cast %add3A_248 : i32 to index
        %swap3A_274 = arith.constant 32 : index
        %swap3A_275 = tpu.vector_load %arg9[%swap3A_273, %swap3A_274] {strides = array<i32>} : memref<128x128xf32, #tpu.memory_space<vmem>>, vector<1x16xf32>,
        %swap3A_276 = vector.shape_cast %swap3A_275 : vector<1x16xf32> to vector<16xf32>
        %swap3A_277 = vector.shape_cast %mul3A_272 : vector<16xf32> to vector<1x16xf32>
        tpu.vector_store %arg9[%swap3A_273, %swap3A_274], %swap3A_277 {strides = array<i32>} : memref<128x128xf32, #tpu.memory_space<vmem>>, vector<1x16xf32>,
        %get3A_278 = arith.index_cast %add3A_248 : i32 to index
        %get3A_279 = arith.constant 48 : index
        %get3A_280 = tpu.vector_load %arg9[%get3A_278, %get3A_279] {strides = array<i32>} : memref<128x128xf32, #tpu.memory_space<vmem>>, vector<1x16xf32>,
        %get3A_281 = vector.shape_cast %get3A_280 : vector<1x16xf32> to vector<16xf32>
        %mul3A_282 = arith.mulf %get3A_281, %gather3A_244 : vector<16xf32>
        %swap3A_283 = arith.index_cast %add3A_248 : i32 to index
        %swap3A_284 = arith.constant 48 : index
        %swap3A_285 = tpu.vector_load %arg9[%swap3A_283, %swap3A_284] {strides = array<i32>} : memref<128x128xf32, #tpu.memory_space<vmem>>, vector<1x16xf32>,
        %swap3A_286 = vector.shape_cast %swap3A_285 : vector<1x16xf32> to vector<16xf32>
        %swap3A_287 = vector.shape_cast %mul3A_282 : vector<16xf32> to vector<1x16xf32>
        tpu.vector_store %arg9[%swap3A_283, %swap3A_284], %swap3A_287 {strides = array<i32>} : memref<128x128xf32, #tpu.memory_space<vmem>>, vector<1x16xf32>,
        %get3A_288 = arith.index_cast %add3A_248 : i32 to index
        %get3A_289 = arith.constant 64 : index
        %get3A_290 = tpu.vector_load %arg9[%get3A_288, %get3A_289] {strides = array<i32>} : memref<128x128xf32, #tpu.memory_space<vmem>>, vector<1x16xf32>,
        %get3A_291 = vector.shape_cast %get3A_290 : vector<1x16xf32> to vector<16xf32>
        %mul3A_292 = arith.mulf %get3A_291, %gather3A_244 : vector<16xf32>
        %swap3A_293 = arith.index_cast %add3A_248 : i32 to index
        %swap3A_294 = arith.constant 64 : index
        %swap3A_295 = tpu.vector_load %arg9[%swap3A_293, %swap3A_294] {strides = array<i32>} : memref<128x128xf32, #tpu.memory_space<vmem>>, vector<1x16xf32>,
        %swap3A_296 = vector.shape_cast %swap3A_295 : vector<1x16xf32> to vector<16xf32>
        %swap3A_297 = vector.shape_cast %mul3A_292 : vector<16xf32> to vector<1x16xf32>
        tpu.vector_store %arg9[%swap3A_293, %swap3A_294], %swap3A_297 {strides = array<i32>} : memref<128x128xf32, #tpu.memory_space<vmem>>, vector<1x16xf32>,
        %get3A_298 = arith.index_cast %add3A_248 : i32 to index
        %get3A_299 = arith.constant 80 : index
        %get3A_300 = tpu.vector_load %arg9[%get3A_298, %get3A_299] {strides = array<i32>} : memref<128x128xf32, #tpu.memory_space<vmem>>, vector<1x16xf32>,
        %get3A_301 = vector.shape_cast %get3A_300 : vector<1x16xf32> to vector<16xf32>
        %mul3A_302 = arith.mulf %get3A_301, %gather3A_244 : vector<16xf32>
        %swap3A_303 = arith.index_cast %add3A_248 : i32 to index
        %swap3A_304 = arith.constant 80 : index
        %swap3A_305 = tpu.vector_load %arg9[%swap3A_303, %swap3A_304] {strides = array<i32>} : memref<128x128xf32, #tpu.memory_space<vmem>>, vector<1x16xf32>,
        %swap3A_306 = vector.shape_cast %swap3A_305 : vector<1x16xf32> to vector<16xf32>
        %swap3A_307 = vector.shape_cast %mul3A_302 : vector<16xf32> to vector<1x16xf32>
        tpu.vector_store %arg9[%swap3A_303, %swap3A_304], %swap3A_307 {strides = array<i32>} : memref<128x128xf32, #tpu.memory_space<vmem>>, vector<1x16xf32>,
        %get3A_308 = arith.index_cast %add3A_248 : i32 to index
        %get3A_309 = arith.constant 96 : index
        %get3A_310 = tpu.vector_load %arg9[%get3A_308, %get3A_309] {strides = array<i32>} : memref<128x128xf32, #tpu.memory_space<vmem>>, vector<1x16xf32>,
        %get3A_311 = vector.shape_cast %get3A_310 : vector<1x16xf32> to vector<16xf32>
        %mul3A_312 = arith.mulf %get3A_311, %gather3A_244 : vector<16xf32>
        %swap3A_313 = arith.index_cast %add3A_248 : i32 to index
        %swap3A_314 = arith.constant 96 : index
        %swap3A_315 = tpu.vector_load %arg9[%swap3A_313, %swap3A_314] {strides = array<i32>} : memref<128x128xf32, #tpu.memory_space<vmem>>, vector<1x16xf32>,
        %swap3A_316 = vector.shape_cast %swap3A_315 : vector<1x16xf32> to vector<16xf32>
        %swap3A_317 = vector.shape_cast %mul3A_312 : vector<16xf32> to vector<1x16xf32>
        tpu.vector_store %arg9[%swap3A_313, %swap3A_314], %swap3A_317 {strides = array<i32>} : memref<128x128xf32, #tpu.memory_space<vmem>>, vector<1x16xf32>,
        %get3A_318 = arith.index_cast %add3A_248 : i32 to index
        %get3A_319 = arith.constant 112 : index
        %get3A_320 = tpu.vector_load %arg9[%get3A_318, %get3A_319] {strides = array<i32>} : memref<128x128xf32, #tpu.memory_space<vmem>>, vector<1x16xf32>,
        %get3A_321 = vector.shape_cast %get3A_320 : vector<1x16xf32> to vector<16xf32>
        %mul3A_322 = arith.mulf %get3A_321, %gather3A_244 : vector<16xf32>
        %swap3A_323 = arith.index_cast %add3A_248 : i32 to index
        %swap3A_324 = arith.constant 112 : index
        %swap3A_325 = tpu.vector_load %arg9[%swap3A_323, %swap3A_324] {strides = array<i32>} : memref<128x128xf32, #tpu.memory_space<vmem>>, vector<1x16xf32>,
        %swap3A_326 = vector.shape_cast %swap3A_325 : vector<1x16xf32> to vector<16xf32>
        %swap3A_327 = vector.shape_cast %mul3A_322 : vector<16xf32> to vector<1x16xf32>
        tpu.vector_store %arg9[%swap3A_323, %swap3A_324], %swap3A_327 {strides = array<i32>} : memref<128x128xf32, #tpu.memory_space<vmem>>, vector<1x16xf32>,
        %broadcast_in_dim3A_328 = arith.constant 1 : i32
        %broadcast_in_dim3A_329 = vector.broadcast %broadcast_in_dim3A_328 : i32 to vector<16x1xi32>
        %gather3A_330 = vector.shape_cast %broadcast_in_dim3A_329 : vector<16x1xi32> to vector<16xi32>
        %gather3A_331 = tpu.dynamic_gather %get3A_242[%gather3A_330] in [0] : vector<16xf32>, vector<16xi32> -> vector<16xf32>
        %mul3A_332 = arith.constant 16 : i32
        %mul3A_333 = arith.muli %scan3A_238, %mul3A_332 : i32
        %add3A_334 = arith.constant 1 : i32
        %add3A_335 = arith.addi %mul3A_333, %add3A_334 : i32
        %get3A_336 = arith.index_cast %add3A_335 : i32 to index
        %get3A_337 = arith.constant 0 : index
        %get3A_338 = tpu.vector_load %arg9[%get3A_336, %get3A_337] {strides = array<i32>} : memref<128x128xf32, #tpu.memory_space<vmem>>, vector<1x16xf32>,
        %get3A_339 = vector.shape_cast %get3A_338 : vector<1x16xf32> to vector<16xf32>
        %mul3A_340 = arith.mulf %get3A_339, %gather3A_331 : vector<16xf32>
        %swap3A_341 = arith.index_cast %add3A_335 : i32 to index
        %swap3A_342 = arith.constant 0 : index
        %swap3A_343 = tpu.vector_load %arg9[%swap3A_341, %swap3A_342] {strides = array<i32>} : memref<128x128xf32, #tpu.memory_space<vmem>>, vector<1x16xf32>,
        %swap3A_344 = vector.shape_cast %swap3A_343 : vector<1x16xf32> to vector<16xf32>
        %swap3A_345 = vector.shape_cast %mul3A_340 : vector<16xf32> to vector<1x16xf32>
        tpu.vector_store %arg9[%swap3A_341, %swap3A_342], %swap3A_345 {strides = array<i32>} : memref<128x128xf32, #tpu.memory_space<vmem>>, vector<1x16xf32>,
        %get3A_346 = arith.index_cast %add3A_335 : i32 to index
        %get3A_347 = arith.constant 16 : index
        %get3A_348 = tpu.vector_load %arg9[%get3A_346, %get3A_347] {strides = array<i32>} : memref<128x128xf32, #tpu.memory_space<vmem>>, vector<1x16xf32>,
        %get3A_349 = vector.shape_cast %get3A_348 : vector<1x16xf32> to vector<16xf32>
        %mul3A_350 = arith.mulf %get3A_349, %gather3A_331 : vector<16xf32>
        %swap3A_351 = arith.index_cast %add3A_335 : i32 to index
        %swap3A_352 = arith.constant 16 : index
        %swap3A_353 = tpu.vector_load %arg9[%swap3A_351, %swap3A_352] {strides = array<i32>} : memref<128x128xf32, #tpu.memory_space<vmem>>, vector<1x16xf32>,
        %swap3A_354 = vector.shape_cast %swap3A_353 : vector<1x16xf32> to vector<16xf32>
        %swap3A_355 = vector.shape_cast %mul3A_350 : vector<16xf32> to vector<1x16xf32>
        tpu.vector_store %arg9[%swap3A_351, %swap3A_352], %swap3A_355 {strides = array<i32>} : memref<128x128xf32, #tpu.memory_space<vmem>>, vector<1x16xf32>,
        %get3A_356 = arith.index_cast %add3A_335 : i32 to index
        %get3A_357 = arith.constant 32 : index
        %get3A_358 = tpu.vector_load %arg9[%get3A_356, %get3A_357] {strides = array<i32>} : memref<128x128xf32, #tpu.memory_space<vmem>>, vector<1x16xf32>,
        %get3A_359 = vector.shape_cast %get3A_358 : vector<1x16xf32> to vector<16xf32>
        %mul3A_360 = arith.mulf %get3A_359, %gather3A_331 : vector<16xf32>
        %swap3A_361 = arith.index_cast %add3A_335 : i32 to index
        %swap3A_362 = arith.constant 32 : index
        %swap3A_363 = tpu.vector_load %arg9[%swap3A_361, %swap3A_362] {strides = array<i32>} : memref<128x128xf32, #tpu.memory_space<vmem>>, vector<1x16xf32>,
        %swap3A_364 = vector.shape_cast %swap3A_363 : vector<1x16xf32> to vector<16xf32>
        %swap3A_365 = vector.shape_cast %mul3A_360 : vector<16xf32> to vector<1x16xf32>
        tpu.vector_store %arg9[%swap3A_361, %swap3A_362], %swap3A_365 {strides = array<i32>} : memref<128x128xf32, #tpu.memory_space<vmem>>, vector<1x16xf32>,
        %get3A_366 = arith.index_cast %add3A_335 : i32 to index
        %get3A_367 = arith.constant 48 : index
        %get3A_368 = tpu.vector_load %arg9[%get3A_366, %get3A_367] {strides = array<i32>} : memref<128x128xf32, #tpu.memory_space<vmem>>, vector<1x16xf32>,
        %get3A_369 = vector.shape_cast %get3A_368 : vector<1x16xf32> to vector<16xf32>
        %mul3A_370 = arith.mulf %get3A_369, %gather3A_331 : vector<16xf32>
        %swap3A_371 = arith.index_cast %add3A_335 : i32 to index
        %swap3A_372 = arith.constant 48 : index
        %swap3A_373 = tpu.vector_load %arg9[%swap3A_371, %swap3A_372] {strides = array<i32>} : memref<128x128xf32, #tpu.memory_space<vmem>>, vector<1x16xf32>,
        %swap3A_374 = vector.shape_cast %swap3A_373 : vector<1x16xf32> to vector<16xf32>
        %swap3A_375 = vector.shape_cast %mul3A_370 : vector<16xf32> to vector<1x16xf32>
        tpu.vector_store %arg9[%swap3A_371, %swap3A_372], %swap3A_375 {strides = array<i32>} : memref<128x128xf32, #tpu.memory_space<vmem>>, vector<1x16xf32>,
        %get3A_376 = arith.index_cast %add3A_335 : i32 to index
        %get3A_377 = arith.constant 64 : index
        %get3A_378 = tpu.vector_load %arg9[%get3A_376, %get3A_377] {strides = array<i32>} : memref<128x128xf32, #tpu.memory_space<vmem>>, vector<1x16xf32>,
        %get3A_379 = vector.shape_cast %get3A_378 : vector<1x16xf32> to vector<16xf32>
        %mul3A_380 = arith.mulf %get3A_379, %gather3A_331 : vector<16xf32>
        %swap3A_381 = arith.index_cast %add3A_335 : i32 to index
        %swap3A_382 = arith.constant 64 : index
        %swap3A_383 = tpu.vector_load %arg9[%swap3A_381, %swap3A_382] {strides = array<i32>} : memref<128x128xf32, #tpu.memory_space<vmem>>, vector<1x16xf32>,
        %swap3A_384 = vector.shape_cast %swap3A_383 : vector<1x16xf32> to vector<16xf32>
        %swap3A_385 = vector.shape_cast %mul3A_380 : vector<16xf32> to vector<1x16xf32>
        tpu.vector_store %arg9[%swap3A_381, %swap3A_382], %swap3A_385 {strides = array<i32>} : memref<128x128xf32, #tpu.memory_space<vmem>>, vector<1x16xf32>,
        %get3A_386 = arith.index_cast %add3A_335 : i32 to index
        %get3A_387 = arith.constant 80 : index
        %get3A_388 = tpu.vector_load %arg9[%get3A_386, %get3A_387] {strides = array<i32>} : memref<128x128xf32, #tpu.memory_space<vmem>>, vector<1x16xf32>,
        %get3A_389 = vector.shape_cast %get3A_388 : vector<1x16xf32> to vector<16xf32>
        %mul3A_390 = arith.mulf %get3A_389, %gather3A_331 : vector<16xf32>
        %swap3A_391 = arith.index_cast %add3A_335 : i32 to index
        %swap3A_392 = arith.constant 80 : index
        %swap3A_393 = tpu.vector_load %arg9[%swap3A_391, %swap3A_392] {strides = array<i32>} : memref<128x128xf32, #tpu.memory_space<vmem>>, vector<1x16xf32>,
        %swap3A_394 = vector.shape_cast %swap3A_393 : vector<1x16xf32> to vector<16xf32>
        %swap3A_395 = vector.shape_cast %mul3A_390 : vector<16xf32> to vector<1x16xf32>
        tpu.vector_store %arg9[%swap3A_391, %swap3A_392], %swap3A_395 {strides = array<i32>} : memref<128x128xf32, #tpu.memory_space<vmem>>, vector<1x16xf32>,
        %get3A_396 = arith.index_cast %add3A_335 : i32 to index
        %get3A_397 = arith.constant 96 : index
        %get3A_398 = tpu.vector_load %arg9[%get3A_396, %get3A_397] {strides = array<i32>} : memref<128x128xf32, #tpu.memory_space<vmem>>, vector<1x16xf32>,
        %get3A_399 = vector.shape_cast %get3A_398 : vector<1x16xf32> to vector<16xf32>
        %mul3A_400 = arith.mulf %get3A_399, %gather3A_331 : vector<16xf32>
        %swap3A_401 = arith.index_cast %add3A_335 : i32 to index
        %swap3A_402 = arith.constant 96 : index
        %swap3A_403 = tpu.vector_load %arg9[%swap3A_401, %swap3A_402] {strides = array<i32>} : memref<128x128xf32, #tpu.memory_space<vmem>>, vector<1x16xf32>,
        %swap3A_404 = vector.shape_cast %swap3A_403 : vector<1x16xf32> to vector<16xf32>
        %swap3A_405 = vector.shape_cast %mul3A_400 : vector<16xf32> to vector<1x16xf32>
        tpu.vector_store %arg9[%swap3A_401, %swap3A_402], %swap3A_405 {strides = array<i32>} : memref<128x128xf32, #tpu.memory_space<vmem>>, vector<1x16xf32>,
        %get3A_406 = arith.index_cast %add3A_335 : i32 to index
        %get3A_407 = arith.constant 112 : index
        %get3A_408 = tpu.vector_load %arg9[%get3A_406, %get3A_407] {strides = array<i32>} : memref<128x128xf32, #tpu.memory_space<vmem>>, vector<1x16xf32>,
        %get3A_409 = vector.shape_cast %get3A_408 : vector<1x16xf32> to vector<16xf32>
        %mul3A_410 = arith.mulf %get3A_409, %gather3A_331 : vector<16xf32>
        %swap3A_411 = arith.index_cast %add3A_335 : i32 to index
        %swap3A_412 = arith.constant 112 : index
        %swap3A_413 = tpu.vector_load %arg9[%swap3A_411, %swap3A_412] {strides = array<i32>} : memref<128x128xf32, #tpu.memory_space<vmem>>, vector<1x16xf32>,
        %swap3A_414 = vector.shape_cast %swap3A_413 : vector<1x16xf32> to vector<16xf32>
        %swap3A_415 = vector.shape_cast %mul3A_410 : vector<16xf32> to vector<1x16xf32>
        tpu.vector_store %arg9[%swap3A_411, %swap3A_412], %swap3A_415 {strides = array<i32>} : memref<128x128xf32, #tpu.memory_space<vmem>>, vector<1x16xf32>,
        %broadcast_in_dim3A_416 = arith.constant 2 : i32
        %broadcast_in_dim3A_417 = vector.broadcast %broadcast_in_dim3A_416 : i32 to vector<16x1xi32>
        %gather3A_418 = vector.shape_cast %broadcast_in_dim3A_417 : vector<16x1xi32> to vector<16xi32>
        %gather3A_419 = tpu.dynamic_gather %get3A_242[%gather3A_418] in [0] : vector<16xf32>, vector<16xi32> -> vector<16xf32>
        %mul3A_420 = arith.constant 16 : i32
        %mul3A_421 = arith.muli %scan3A_238, %mul3A_420 : i32
        %add3A_422 = arith.constant 2 : i32
        %add3A_423 = arith.addi %mul3A_421, %add3A_422 : i32
        %get3A_424 = arith.index_cast %add3A_423 : i32 to index
        %get3A_425 = arith.constant 0 : index
        %get3A_426 = tpu.vector_load %arg9[%get3A_424, %get3A_425] {strides = array<i32>} : memref<128x128xf32, #tpu.memory_space<vmem>>, vector<1x16xf32>,
        %get3A_427 = vector.shape_cast %get3A_426 : vector<1x16xf32> to vector<16xf32>
        %mul3A_428 = arith.mulf %get3A_427, %gather3A_419 : vector<16xf32>
        %swap3A_429 = arith.index_cast %add3A_423 : i32 to index
        %swap3A_430 = arith.constant 0 : index
        %swap3A_431 = tpu.vector_load %arg9[%swap3A_429, %swap3A_430] {strides = array<i32>} : memref<128x128xf32, #tpu.memory_space<vmem>>, vector<1x16xf32>,
        %swap3A_432 = vector.shape_cast %swap3A_431 : vector<1x16xf32> to vector<16xf32>
        %swap3A_433 = vector.shape_cast %mul3A_428 : vector<16xf32> to vector<1x16xf32>
        tpu.vector_store %arg9[%swap3A_429, %swap3A_430], %swap3A_433 {strides = array<i32>} : memref<128x128xf32, #tpu.memory_space<vmem>>, vector<1x16xf32>,
        %get3A_434 = arith.index_cast %add3A_423 : i32 to index
        %get3A_435 = arith.constant 16 : index
        %get3A_436 = tpu.vector_load %arg9[%get3A_434, %get3A_435] {strides = array<i32>} : memref<128x128xf32, #tpu.memory_space<vmem>>, vector<1x16xf32>,
        %get3A_437 = vector.shape_cast %get3A_436 : vector<1x16xf32> to vector<16xf32>
        %mul3A_438 = arith.mulf %get3A_437, %gather3A_419 : vector<16xf32>
        %swap3A_439 = arith.index_cast %add3A_423 : i32 to index
        %swap3A_440 = arith.constant 16 : index
        %swap3A_441 = tpu.vector_load %arg9[%swap3A_439, %swap3A_440] {strides = array<i32>} : memref<128x128xf32, #tpu.memory_space<vmem>>, vector<1x16xf32>,
        %swap3A_442 = vector.shape_cast %swap3A_441 : vector<1x16xf32> to vector<16xf32>
        %swap3A_443 = vector.shape_cast %mul3A_438 : vector<16xf32> to vector<1x16xf32>
        tpu.vector_store %arg9[%swap3A_439, %swap3A_440], %swap3A_443 {strides = array<i32>} : memref<128x128xf32, #tpu.memory_space<vmem>>, vector<1x16xf32>,
        %get3A_444 = arith.index_cast %add3A_423 : i32 to index
        %get3A_445 = arith.constant 32 : index
        %get3A_446 = tpu.vector_load %arg9[%get3A_444, %get3A_445] {strides = array<i32>} : memref<128x128xf32, #tpu.memory_space<vmem>>, vector<1x16xf32>,
        %get3A_447 = vector.shape_cast %get3A_446 : vector<1x16xf32> to vector<16xf32>
        %mul3A_448 = arith.mulf %get3A_447, %gather3A_419 : vector<16xf32>
        %swap3A_449 = arith.index_cast %add3A_423 : i32 to index
        %swap3A_450 = arith.constant 32 : index
        %swap3A_451 = tpu.vector_load %arg9[%swap3A_449, %swap3A_450] {strides = array<i32>} : memref<128x128xf32, #tpu.memory_space<vmem>>, vector<1x16xf32>,
        %swap3A_452 = vector.shape_cast %swap3A_451 : vector<1x16xf32> to vector<16xf32>
        %swap3A_453 = vector.shape_cast %mul3A_448 : vector<16xf32> to vector<1x16xf32>
        tpu.vector_store %arg9[%swap3A_449, %swap3A_450], %swap3A_453 {strides = array<i32>} : memref<128x128xf32, #tpu.memory_space<vmem>>, vector<1x16xf32>,
        %get3A_454 = arith.index_cast %add3A_423 : i32 to index
        %get3A_455 = arith.constant 48 : index
        %get3A_456 = tpu.vector_load %arg9[%get3A_454, %get3A_455] {strides = array<i32>} : memref<128x128xf32, #tpu.memory_space<vmem>>, vector<1x16xf32>,
        %get3A_457 = vector.shape_cast %get3A_456 : vector<1x16xf32> to vector<16xf32>
        %mul3A_458 = arith.mulf %get3A_457, %gather3A_419 : vector<16xf32>
        %swap3A_459 = arith.index_cast %add3A_423 : i32 to index
        %swap3A_460 = arith.constant 48 : index
        %swap3A_461 = tpu.vector_load %arg9[%swap3A_459, %swap3A_460] {strides = array<i32>} : memref<128x128xf32, #tpu.memory_space<vmem>>, vector<1x16xf32>,
        %swap3A_462 = vector.shape_cast %swap3A_461 : vector<1x16xf32> to vector<16xf32>
        %swap3A_463 = vector.shape_cast %mul3A_458 : vector<16xf32> to vector<1x16xf32>
        tpu.vector_store %arg9[%swap3A_459, %swap3A_460], %swap3A_463 {strides = array<i32>} : memref<128x128xf32, #tpu.memory_space<vmem>>, vector<1x16xf32>,
        %get3A_464 = arith.index_cast %add3A_423 : i32 to index
        %get3A_465 = arith.constant 64 : index
        %get3A_466 = tpu.vector_load %arg9[%get3A_464, %get3A_465] {strides = array<i32>} : memref<128x128xf32, #tpu.memory_space<vmem>>, vector<1x16xf32>,
        %get3A_467 = vector.shape_cast %get3A_466 : vector<1x16xf32> to vector<16xf32>
        %mul3A_468 = arith.mulf %get3A_467, %gather3A_419 : vector<16xf32>
        %swap3A_469 = arith.index_cast %add3A_423 : i32 to index
        %swap3A_470 = arith.constant 64 : index
        %swap3A_471 = tpu.vector_load %arg9[%swap3A_469, %swap3A_470] {strides = array<i32>} : memref<128x128xf32, #tpu.memory_space<vmem>>, vector<1x16xf32>,
        %swap3A_472 = vector.shape_cast %swap3A_471 : vector<1x16xf32> to vector<16xf32>
        %swap3A_473 = vector.shape_cast %mul3A_468 : vector<16xf32> to vector<1x16xf32>
        tpu.vector_store %arg9[%swap3A_469, %swap3A_470], %swap3A_473 {strides = array<i32>} : memref<128x128xf32, #tpu.memory_space<vmem>>, vector<1x16xf32>,
        %get3A_474 = arith.index_cast %add3A_423 : i32 to index
        %get3A_475 = arith.constant 80 : index
        %get3A_476 = tpu.vector_load %arg9[%get3A_474, %get3A_475] {strides = array<i32>} : memref<128x128xf32, #tpu.memory_space<vmem>>, vector<1x16xf32>,
        %get3A_477 = vector.shape_cast %get3A_476 : vector<1x16xf32> to vector<16xf32>
        %mul3A_478 = arith.mulf %get3A_477, %gather3A_419 : vector<16xf32>
        %swap3A_479 = arith.index_cast %add3A_423 : i32 to index
        %swap3A_480 = arith.constant 80 : index
        %swap3A_481 = tpu.vector_load %arg9[%swap3A_479, %swap3A_480] {strides = array<i32>} : memref<128x128xf32, #tpu.memory_space<vmem>>, vector<1x16xf32>,
        %swap3A_482 = vector.shape_cast %swap3A_481 : vector<1x16xf32> to vector<16xf32>
        %swap3A_483 = vector.shape_cast %mul3A_478 : vector<16xf32> to vector<1x16xf32>
        tpu.vector_store %arg9[%swap3A_479, %swap3A_480], %swap3A_483 {strides = array<i32>} : memref<128x128xf32, #tpu.memory_space<vmem>>, vector<1x16xf32>,
        %get3A_484 = arith.index_cast %add3A_423 : i32 to index
        %get3A_485 = arith.constant 96 : index
        %get3A_486 = tpu.vector_load %arg9[%get3A_484, %get3A_485] {strides = array<i32>} : memref<128x128xf32, #tpu.memory_space<vmem>>, vector<1x16xf32>,
        %get3A_487 = vector.shape_cast %get3A_486 : vector<1x16xf32> to vector<16xf32>
        %mul3A_488 = arith.mulf %get3A_487, %gather3A_419 : vector<16xf32>
        %swap3A_489 = arith.index_cast %add3A_423 : i32 to index
        %swap3A_490 = arith.constant 96 : index
        %swap3A_491 = tpu.vector_load %arg9[%swap3A_489, %swap3A_490] {strides = array<i32>} : memref<128x128xf32, #tpu.memory_space<vmem>>, vector<1x16xf32>,
        %swap3A_492 = vector.shape_cast %swap3A_491 : vector<1x16xf32> to vector<16xf32>
        %swap3A_493 = vector.shape_cast %mul3A_488 : vector<16xf32> to vector<1x16xf32>
        tpu.vector_store %arg9[%swap3A_489, %swap3A_490], %swap3A_493 {strides = array<i32>} : memref<128x128xf32, #tpu.memory_space<vmem>>, vector<1x16xf32>,
        %get3A_494 = arith.index_cast %add3A_423 : i32 to index
        %get3A_495 = arith.constant 112 : index
        %get3A_496 = tpu.vector_load %arg9[%get3A_494, %get3A_495] {strides = array<i32>} : memref<128x128xf32, #tpu.memory_space<vmem>>, vector<1x16xf32>,
        %get3A_497 = vector.shape_cast %get3A_496 : vector<1x16xf32> to vector<16xf32>
        %mul3A_498 = arith.mulf %get3A_497, %gather3A_419 : vector<16xf32>
        %swap3A_499 = arith.index_cast %add3A_423 : i32 to index
        %swap3A_500 = arith.constant 112 : index
        %swap3A_501 = tpu.vector_load %arg9[%swap3A_499, %swap3A_500] {strides = array<i32>} : memref<128x128xf32, #tpu.memory_space<vmem>>, vector<1x16xf32>,
        %swap3A_502 = vector.shape_cast %swap3A_501 : vector<1x16xf32> to vector<16xf32>
        %swap3A_503 = vector.shape_cast %mul3A_498 : vector<16xf32> to vector<1x16xf32>
        tpu.vector_store %arg9[%swap3A_499, %swap3A_500], %swap3A_503 {strides = array<i32>} : memref<128x128xf32, #tpu.memory_space<vmem>>, vector<1x16xf32>,
        %broadcast_in_dim3A_504 = arith.constant 3 : i32
        %broadcast_in_dim3A_505 = vector.broadcast %broadcast_in_dim3A_504 : i32 to vector<16x1xi32>
        %gather3A_506 = vector.shape_cast %broadcast_in_dim3A_505 : vector<16x1xi32> to vector<16xi32>
        %gather3A_507 = tpu.dynamic_gather %get3A_242[%gather3A_506] in [0] : vector<16xf32>, vector<16xi32> -> vector<16xf32>
        %mul3A_508 = arith.constant 16 : i32
        %mul3A_509 = arith.muli %scan3A_238, %mul3A_508 : i32
        %add3A_510 = arith.constant 3 : i32
        %add3A_511 = arith.addi %mul3A_509, %add3A_510 : i32
        %get3A_512 = arith.index_cast %add3A_511 : i32 to index
        %get3A_513 = arith.constant 0 : index
        %get3A_514 = tpu.vector_load %arg9[%get3A_512, %get3A_513] {strides = array<i32>} : memref<128x128xf32, #tpu.memory_space<vmem>>, vector<1x16xf32>,
        %get3A_515 = vector.shape_cast %get3A_514 : vector<1x16xf32> to vector<16xf32>
        %mul3A_516 = arith.mulf %get3A_515, %gather3A_507 : vector<16xf32>
        %swap3A_517 = arith.index_cast %add3A_511 : i32 to index
        %swap3A_518 = arith.constant 0 : index
        %swap3A_519 = tpu.vector_load %arg9[%swap3A_517, %swap3A_518] {strides = array<i32>} : memref<128x128xf32, #tpu.memory_space<vmem>>, vector<1x16xf32>,
        %swap3A_520 = vector.shape_cast %swap3A_519 : vector<1x16xf32> to vector<16xf32>
        %swap3A_521 = vector.shape_cast %mul3A_516 : vector<16xf32> to vector<1x16xf32>
        tpu.vector_store %arg9[%swap3A_517, %swap3A_518], %swap3A_521 {strides = array<i32>} : memref<128x128xf32, #tpu.memory_space<vmem>>, vector<1x16xf32>,
        %get3A_522 = arith.index_cast %add3A_511 : i32 to index
        %get3A_523 = arith.constant 16 : index
        %get3A_524 = tpu.vector_load %arg9[%get3A_522, %get3A_523] {strides = array<i32>} : memref<128x128xf32, #tpu.memory_space<vmem>>, vector<1x16xf32>,
        %get3A_525 = vector.shape_cast %get3A_524 : vector<1x16xf32> to vector<16xf32>
        %mul3A_526 = arith.mulf %get3A_525, %gather3A_507 : vector<16xf32>
        %swap3A_527 = arith.index_cast %add3A_511 : i32 to index
        %swap3A_528 = arith.constant 16 : index
        %swap3A_529 = tpu.vector_load %arg9[%swap3A_527, %swap3A_528] {strides = array<i32>} : memref<128x128xf32, #tpu.memory_space<vmem>>, vector<1x16xf32>,
        %swap3A_530 = vector.shape_cast %swap3A_529 : vector<1x16xf32> to vector<16xf32>
        %swap3A_531 = vector.shape_cast %mul3A_526 : vector<16xf32> to vector<1x16xf32>
        tpu.vector_store %arg9[%swap3A_527, %swap3A_528], %swap3A_531 {strides = array<i32>} : memref<128x128xf32, #tpu.memory_space<vmem>>, vector<1x16xf32>,
        %get3A_532 = arith.index_cast %add3A_511 : i32 to index
        %get3A_533 = arith.constant 32 : index
        %get3A_534 = tpu.vector_load %arg9[%get3A_532, %get3A_533] {strides = array<i32>} : memref<128x128xf32, #tpu.memory_space<vmem>>, vector<1x16xf32>,
        %get3A_535 = vector.shape_cast %get3A_534 : vector<1x16xf32> to vector<16xf32>
        %mul3A_536 = arith.mulf %get3A_535, %gather3A_507 : vector<16xf32>
        %swap3A_537 = arith.index_cast %add3A_511 : i32 to index
        %swap3A_538 = arith.constant 32 : index
        %swap3A_539 = tpu.vector_load %arg9[%swap3A_537, %swap3A_538] {strides = array<i32>} : memref<128x128xf32, #tpu.memory_space<vmem>>, vector<1x16xf32>,
        %swap3A_540 = vector.shape_cast %swap3A_539 : vector<1x16xf32> to vector<16xf32>
        %swap3A_541 = vector.shape_cast %mul3A_536 : vector<16xf32> to vector<1x16xf32>
        tpu.vector_store %arg9[%swap3A_537, %swap3A_538], %swap3A_541 {strides = array<i32>} : memref<128x128xf32, #tpu.memory_space<vmem>>, vector<1x16xf32>,
        %get3A_542 = arith.index_cast %add3A_511 : i32 to index
        %get3A_543 = arith.constant 48 : index
        %get3A_544 = tpu.vector_load %arg9[%get3A_542, %get3A_543] {strides = array<i32>} : memref<128x128xf32, #tpu.memory_space<vmem>>, vector<1x16xf32>,
        %get3A_545 = vector.shape_cast %get3A_544 : vector<1x16xf32> to vector<16xf32>
        %mul3A_546 = arith.mulf %get3A_545, %gather3A_507 : vector<16xf32>
        %swap3A_547 = arith.index_cast %add3A_511 : i32 to index
        %swap3A_548 = arith.constant 48 : index
        %swap3A_549 = tpu.vector_load %arg9[%swap3A_547, %swap3A_548] {strides = array<i32>} : memref<128x128xf32, #tpu.memory_space<vmem>>, vector<1x16xf32>,
        %swap3A_550 = vector.shape_cast %swap3A_549 : vector<1x16xf32> to vector<16xf32>
        %swap3A_551 = vector.shape_cast %mul3A_546 : vector<16xf32> to vector<1x16xf32>
        tpu.vector_store %arg9[%swap3A_547, %swap3A_548], %swap3A_551 {strides = array<i32>} : memref<128x128xf32, #tpu.memory_space<vmem>>, vector<1x16xf32>,
        %get3A_552 = arith.index_cast %add3A_511 : i32 to index
        %get3A_553 = arith.constant 64 : index
        %get3A_554 = tpu.vector_load %arg9[%get3A_552, %get3A_553] {strides = array<i32>} : memref<128x128xf32, #tpu.memory_space<vmem>>, vector<1x16xf32>,
        %get3A_555 = vector.shape_cast %get3A_554 : vector<1x16xf32> to vector<16xf32>
        %mul3A_556 = arith.mulf %get3A_555, %gather3A_507 : vector<16xf32>
        %swap3A_557 = arith.index_cast %add3A_511 : i32 to index
        %swap3A_558 = arith.constant 64 : index
        %swap3A_559 = tpu.vector_load %arg9[%swap3A_557, %swap3A_558] {strides = array<i32>} : memref<128x128xf32, #tpu.memory_space<vmem>>, vector<1x16xf32>,
        %swap3A_560 = vector.shape_cast %swap3A_559 : vector<1x16xf32> to vector<16xf32>
        %swap3A_561 = vector.shape_cast %mul3A_556 : vector<16xf32> to vector<1x16xf32>
        tpu.vector_store %arg9[%swap3A_557, %swap3A_558], %swap3A_561 {strides = array<i32>} : memref<128x128xf32, #tpu.memory_space<vmem>>, vector<1x16xf32>,
        %get3A_562 = arith.index_cast %add3A_511 : i32 to index
        %get3A_563 = arith.constant 80 : index
        %get3A_564 = tpu.vector_load %arg9[%get3A_562, %get3A_563] {strides = array<i32>} : memref<128x128xf32, #tpu.memory_space<vmem>>, vector<1x16xf32>,
        %get3A_565 = vector.shape_cast %get3A_564 : vector<1x16xf32> to vector<16xf32>
        %mul3A_566 = arith.mulf %get3A_565, %gather3A_507 : vector<16xf32>
        %swap3A_567 = arith.index_cast %add3A_511 : i32 to index
        %swap3A_568 = arith.constant 80 : index
        %swap3A_569 = tpu.vector_load %arg9[%swap3A_567, %swap3A_568] {strides = array<i32>} : memref<128x128xf32, #tpu.memory_space<vmem>>, vector<1x16xf32>,
        %swap3A_570 = vector.shape_cast %swap3A_569 : vector<1x16xf32> to vector<16xf32>
        %swap3A_571 = vector.shape_cast %mul3A_566 : vector<16xf32> to vector<1x16xf32>
        tpu.vector_store %arg9[%swap3A_567, %swap3A_568], %swap3A_571 {strides = array<i32>} : memref<128x128xf32, #tpu.memory_space<vmem>>, vector<1x16xf32>,
        %get3A_572 = arith.index_cast %add3A_511 : i32 to index
        %get3A_573 = arith.constant 96 : index
        %get3A_574 = tpu.vector_load %arg9[%get3A_572, %get3A_573] {strides = array<i32>} : memref<128x128xf32, #tpu.memory_space<vmem>>, vector<1x16xf32>,
        %get3A_575 = vector.shape_cast %get3A_574 : vector<1x16xf32> to vector<16xf32>
        %mul3A_576 = arith.mulf %get3A_575, %gather3A_507 : vector<16xf32>
        %swap3A_577 = arith.index_cast %add3A_511 : i32 to index
        %swap3A_578 = arith.constant 96 : index
        %swap3A_579 = tpu.vector_load %arg9[%swap3A_577, %swap3A_578] {strides = array<i32>} : memref<128x128xf32, #tpu.memory_space<vmem>>, vector<1x16xf32>,
        %swap3A_580 = vector.shape_cast %swap3A_579 : vector<1x16xf32> to vector<16xf32>
        %swap3A_581 = vector.shape_cast %mul3A_576 : vector<16xf32> to vector<1x16xf32>
        tpu.vector_store %arg9[%swap3A_577, %swap3A_578], %swap3A_581 {strides = array<i32>} : memref<128x128xf32, #tpu.memory_space<vmem>>, vector<1x16xf32>,
        %get3A_582 = arith.index_cast %add3A_511 : i32 to index
        %get3A_583 = arith.constant 112 : index
        %get3A_584 = tpu.vector_load %arg9[%get3A_582, %get3A_583] {strides = array<i32>} : memref<128x128xf32, #tpu.memory_space<vmem>>, vector<1x16xf32>,
        %get3A_585 = vector.shape_cast %get3A_584 : vector<1x16xf32> to vector<16xf32>
        %mul3A_586 = arith.mulf %get3A_585, %gather3A_507 : vector<16xf32>
        %swap3A_587 = arith.index_cast %add3A_511 : i32 to index
        %swap3A_588 = arith.constant 112 : index
        %swap3A_589 = tpu.vector_load %arg9[%swap3A_587, %swap3A_588] {strides = array<i32>} : memref<128x128xf32, #tpu.memory_space<vmem>>, vector<1x16xf32>,
        %swap3A_590 = vector.shape_cast %swap3A_589 : vector<1x16xf32> to vector<16xf32>
        %swap3A_591 = vector.shape_cast %mul3A_586 : vector<16xf32> to vector<1x16xf32>
        tpu.vector_store %arg9[%swap3A_587, %swap3A_588], %swap3A_591 {strides = array<i32>} : memref<128x128xf32, #tpu.memory_space<vmem>>, vector<1x16xf32>,
        %broadcast_in_dim3A_592 = arith.constant 4 : i32
        %broadcast_in_dim3A_593 = vector.broadcast %broadcast_in_dim3A_592 : i32 to vector<16x1xi32>
        %gather3A_594 = vector.shape_cast %broadcast_in_dim3A_593 : vector<16x1xi32> to vector<16xi32>
        %gather3A_595 = tpu.dynamic_gather %get3A_242[%gather3A_594] in [0] : vector<16xf32>, vector<16xi32> -> vector<16xf32>
        %mul3A_596 = arith.constant 16 : i32
        %mul3A_597 = arith.muli %scan3A_238, %mul3A_596 : i32
        %add3A_598 = arith.constant 4 : i32
        %add3A_599 = arith.addi %mul3A_597, %add3A_598 : i32
        %get3A_600 = arith.index_cast %add3A_599 : i32 to index
        %get3A_601 = arith.constant 0 : index
        %get3A_602 = tpu.vector_load %arg9[%get3A_600, %get3A_601] {strides = array<i32>} : memref<128x128xf32, #tpu.memory_space<vmem>>, vector<1x16xf32>,
        %get3A_603 = vector.shape_cast %get3A_602 : vector<1x16xf32> to vector<16xf32>
        %mul3A_604 = arith.mulf %get3A_603, %gather3A_595 : vector<16xf32>
        %swap3A_605 = arith.index_cast %add3A_599 : i32 to index
        %swap3A_606 = arith.constant 0 : index
        %swap3A_607 = tpu.vector_load %arg9[%swap3A_605, %swap3A_606] {strides = array<i32>} : memref<128x128xf32, #tpu.memory_space<vmem>>, vector<1x16xf32>,
        %swap3A_608 = vector.shape_cast %swap3A_607 : vector<1x16xf32> to vector<16xf32>
        %swap3A_609 = vector.shape_cast %mul3A_604 : vector<16xf32> to vector<1x16xf32>
        tpu.vector_store %arg9[%swap3A_605, %swap3A_606], %swap3A_609 {strides = array<i32>} : memref<128x128xf32, #tpu.memory_space<vmem>>, vector<1x16xf32>,
        %get3A_610 = arith.index_cast %add3A_599 : i32 to index
        %get3A_611 = arith.constant 16 : index
        %get3A_612 = tpu.vector_load %arg9[%get3A_610, %get3A_611] {strides = array<i32>} : memref<128x128xf32, #tpu.memory_space<vmem>>, vector<1x16xf32>,
        %get3A_613 = vector.shape_cast %get3A_612 : vector<1x16xf32> to vector<16xf32>
        %mul3A_614 = arith.mulf %get3A_613, %gather3A_595 : vector<16xf32>
        %swap3A_615 = arith.index_cast %add3A_599 : i32 to index
        %swap3A_616 = arith.constant 16 : index
        %swap3A_617 = tpu.vector_load %arg9[%swap3A_615, %swap3A_616] {strides = array<i32>} : memref<128x128xf32, #tpu.memory_space<vmem>>, vector<1x16xf32>,
        %swap3A_618 = vector.shape_cast %swap3A_617 : vector<1x16xf32> to vector<16xf32>
        %swap3A_619 = vector.shape_cast %mul3A_614 : vector<16xf32> to vector<1x16xf32>
        tpu.vector_store %arg9[%swap3A_615, %swap3A_616], %swap3A_619 {strides = array<i32>} : memref<128x128xf32, #tpu.memory_space<vmem>>, vector<1x16xf32>,
        %get3A_620 = arith.index_cast %add3A_599 : i32 to index
        %get3A_621 = arith.constant 32 : index
        %get3A_622 = tpu.vector_load %arg9[%get3A_620, %get3A_621] {strides = array<i32>} : memref<128x128xf32, #tpu.memory_space<vmem>>, vector<1x16xf32>,
        %get3A_623 = vector.shape_cast %get3A_622 : vector<1x16xf32> to vector<16xf32>
        %mul3A_624 = arith.mulf %get3A_623, %gather3A_595 : vector<16xf32>
        %swap3A_625 = arith.index_cast %add3A_599 : i32 to index
        %swap3A_626 = arith.constant 32 : index
        %swap3A_627 = tpu.vector_load %arg9[%swap3A_625, %swap3A_626] {strides = array<i32>} : memref<128x128xf32, #tpu.memory_space<vmem>>, vector<1x16xf32>,
        %swap3A_628 = vector.shape_cast %swap3A_627 : vector<1x16xf32> to vector<16xf32>
        %swap3A_629 = vector.shape_cast %mul3A_624 : vector<16xf32> to vector<1x16xf32>
        tpu.vector_store %arg9[%swap3A_625, %swap3A_626], %swap3A_629 {strides = array<i32>} : memref<128x128xf32, #tpu.memory_space<vmem>>, vector<1x16xf32>,
        %get3A_630 = arith.index_cast %add3A_599 : i32 to index
        %get3A_631 = arith.constant 48 : index
        %get3A_632 = tpu.vector_load %arg9[%get3A_630, %get3A_631] {strides = array<i32>} : memref<128x128xf32, #tpu.memory_space<vmem>>, vector<1x16xf32>,
        %get3A_633 = vector.shape_cast %get3A_632 : vector<1x16xf32> to vector<16xf32>
        %mul3A_634 = arith.mulf %get3A_633, %gather3A_595 : vector<16xf32>
        %swap3A_635 = arith.index_cast %add3A_599 : i32 to index
        %swap3A_636 = arith.constant 48 : index
        %swap3A_637 = tpu.vector_load %arg9[%swap3A_635, %swap3A_636] {strides = array<i32>} : memref<128x128xf32, #tpu.memory_space<vmem>>, vector<1x16xf32>,
        %swap3A_638 = vector.shape_cast %swap3A_637 : vector<1x16xf32> to vector<16xf32>
        %swap3A_639 = vector.shape_cast %mul3A_634 : vector<16xf32> to vector<1x16xf32>
        tpu.vector_store %arg9[%swap3A_635, %swap3A_636], %swap3A_639 {strides = array<i32>} : memref<128x128xf32, #tpu.memory_space<vmem>>, vector<1x16xf32>,
        %get3A_640 = arith.index_cast %add3A_599 : i32 to index
        %get3A_641 = arith.constant 64 : index
        %get3A_642 = tpu.vector_load %arg9[%get3A_640, %get3A_641] {strides = array<i32>} : memref<128x128xf32, #tpu.memory_space<vmem>>, vector<1x16xf32>,
        %get3A_643 = vector.shape_cast %get3A_642 : vector<1x16xf32> to vector<16xf32>
        %mul3A_644 = arith.mulf %get3A_643, %gather3A_595 : vector<16xf32>
        %swap3A_645 = arith.index_cast %add3A_599 : i32 to index
        %swap3A_646 = arith.constant 64 : index
        %swap3A_647 = tpu.vector_load %arg9[%swap3A_645, %swap3A_646] {strides = array<i32>} : memref<128x128xf32, #tpu.memory_space<vmem>>, vector<1x16xf32>,
        %swap3A_648 = vector.shape_cast %swap3A_647 : vector<1x16xf32> to vector<16xf32>
        %swap3A_649 = vector.shape_cast %mul3A_644 : vector<16xf32> to vector<1x16xf32>
        tpu.vector_store %arg9[%swap3A_645, %swap3A_646], %swap3A_649 {strides = array<i32>} : memref<128x128xf32, #tpu.memory_space<vmem>>, vector<1x16xf32>,
        %get3A_650 = arith.index_cast %add3A_599 : i32 to index
        %get3A_651 = arith.constant 80 : index
        %get3A_652 = tpu.vector_load %arg9[%get3A_650, %get3A_651] {strides = array<i32>} : memref<128x128xf32, #tpu.memory_space<vmem>>, vector<1x16xf32>,
        %get3A_653 = vector.shape_cast %get3A_652 : vector<1x16xf32> to vector<16xf32>
        %mul3A_654 = arith.mulf %get3A_653, %gather3A_595 : vector<16xf32>
        %swap3A_655 = arith.index_cast %add3A_599 : i32 to index
        %swap3A_656 = arith.constant 80 : index
        %swap3A_657 = tpu.vector_load %arg9[%swap3A_655, %swap3A_656] {strides = array<i32>} : memref<128x128xf32, #tpu.memory_space<vmem>>, vector<1x16xf32>,
        %swap3A_658 = vector.shape_cast %swap3A_657 : vector<1x16xf32> to vector<16xf32>
        %swap3A_659 = vector.shape_cast %mul3A_654 : vector<16xf32> to vector<1x16xf32>
        tpu.vector_store %arg9[%swap3A_655, %swap3A_656], %swap3A_659 {strides = array<i32>} : memref<128x128xf32, #tpu.memory_space<vmem>>, vector<1x16xf32>,
        %get3A_660 = arith.index_cast %add3A_599 : i32 to index
        %get3A_661 = arith.constant 96 : index
        %get3A_662 = tpu.vector_load %arg9[%get3A_660, %get3A_661] {strides = array<i32>} : memref<128x128xf32, #tpu.memory_space<vmem>>, vector<1x16xf32>,
        %get3A_663 = vector.shape_cast %get3A_662 : vector<1x16xf32> to vector<16xf32>
        %mul3A_664 = arith.mulf %get3A_663, %gather3A_595 : vector<16xf32>
        %swap3A_665 = arith.index_cast %add3A_599 : i32 to index
        %swap3A_666 = arith.constant 96 : index
        %swap3A_667 = tpu.vector_load %arg9[%swap3A_665, %swap3A_666] {strides = array<i32>} : memref<128x128xf32, #tpu.memory_space<vmem>>, vector<1x16xf32>,
        %swap3A_668 = vector.shape_cast %swap3A_667 : vector<1x16xf32> to vector<16xf32>
        %swap3A_669 = vector.shape_cast %mul3A_664 : vector<16xf32> to vector<1x16xf32>
        tpu.vector_store %arg9[%swap3A_665, %swap3A_666], %swap3A_669 {strides = array<i32>} : memref<128x128xf32, #tpu.memory_space<vmem>>, vector<1x16xf32>,
        %get3A_670 = arith.index_cast %add3A_599 : i32 to index
        %get3A_671 = arith.constant 112 : index
        %get3A_672 = tpu.vector_load %arg9[%get3A_670, %get3A_671] {strides = array<i32>} : memref<128x128xf32, #tpu.memory_space<vmem>>, vector<1x16xf32>,
        %get3A_673 = vector.shape_cast %get3A_672 : vector<1x16xf32> to vector<16xf32>
        %mul3A_674 = arith.mulf %get3A_673, %gather3A_595 : vector<16xf32>
        %swap3A_675 = arith.index_cast %add3A_599 : i32 to index
        %swap3A_676 = arith.constant 112 : index
        %swap3A_677 = tpu.vector_load %arg9[%swap3A_675, %swap3A_676] {strides = array<i32>} : memref<128x128xf32, #tpu.memory_space<vmem>>, vector<1x16xf32>,
        %swap3A_678 = vector.shape_cast %swap3A_677 : vector<1x16xf32> to vector<16xf32>
        %swap3A_679 = vector.shape_cast %mul3A_674 : vector<16xf32> to vector<1x16xf32>
        tpu.vector_store %arg9[%swap3A_675, %swap3A_676], %swap3A_679 {strides = array<i32>} : memref<128x128xf32, #tpu.memory_space<vmem>>, vector<1x16xf32>,
        %broadcast_in_dim3A_680 = arith.constant 5 : i32
        %broadcast_in_dim3A_681 = vector.broadcast %broadcast_in_dim3A_680 : i32 to vector<16x1xi32>
        %gather3A_682 = vector.shape_cast %broadcast_in_dim3A_681 : vector<16x1xi32> to vector<16xi32>
        %gather3A_683 = tpu.dynamic_gather %get3A_242[%gather3A_682] in [0] : vector<16xf32>, vector<16xi32> -> vector<16xf32>
        %mul3A_684 = arith.constant 16 : i32
        %mul3A_685 = arith.muli %scan3A_238, %mul3A_684 : i32
        %add3A_686 = arith.constant 5 : i32
        %add3A_687 = arith.addi %mul3A_685, %add3A_686 : i32
        %get3A_688 = arith.index_cast %add3A_687 : i32 to index
        %get3A_689 = arith.constant 0 : index
        %get3A_690 = tpu.vector_load %arg9[%get3A_688, %get3A_689] {strides = array<i32>} : memref<128x128xf32, #tpu.memory_space<vmem>>, vector<1x16xf32>,
        %get3A_691 = vector.shape_cast %get3A_690 : vector<1x16xf32> to vector<16xf32>
        %mul3A_692 = arith.mulf %get3A_691, %gather3A_683 : vector<16xf32>
        %swap3A_693 = arith.index_cast %add3A_687 : i32 to index
        %swap3A_694 = arith.constant 0 : index
        %swap3A_695 = tpu.vector_load %arg9[%swap3A_693, %swap3A_694] {strides = array<i32>} : memref<128x128xf32, #tpu.memory_space<vmem>>, vector<1x16xf32>,
        %swap3A_696 = vector.shape_cast %swap3A_695 : vector<1x16xf32> to vector<16xf32>
        %swap3A_697 = vector.shape_cast %mul3A_692 : vector<16xf32> to vector<1x16xf32>
        tpu.vector_store %arg9[%swap3A_693, %swap3A_694], %swap3A_697 {strides = array<i32>} : memref<128x128xf32, #tpu.memory_space<vmem>>, vector<1x16xf32>,
        %get3A_698 = arith.index_cast %add3A_687 : i32 to index
        %get3A_699 = arith.constant 16 : index
        %get3A_700 = tpu.vector_load %arg9[%get3A_698, %get3A_699] {strides = array<i32>} : memref<128x128xf32, #tpu.memory_space<vmem>>, vector<1x16xf32>,
        %get3A_701 = vector.shape_cast %get3A_700 : vector<1x16xf32> to vector<16xf32>
        %mul3A_702 = arith.mulf %get3A_701, %gather3A_683 : vector<16xf32>
        %swap3A_703 = arith.index_cast %add3A_687 : i32 to index
        %swap3A_704 = arith.constant 16 : index
        %swap3A_705 = tpu.vector_load %arg9[%swap3A_703, %swap3A_704] {strides = array<i32>} : memref<128x128xf32, #tpu.memory_space<vmem>>, vector<1x16xf32>,
        %swap3A_706 = vector.shape_cast %swap3A_705 : vector<1x16xf32> to vector<16xf32>
        %swap3A_707 = vector.shape_cast %mul3A_702 : vector<16xf32> to vector<1x16xf32>
        tpu.vector_store %arg9[%swap3A_703, %swap3A_704], %swap3A_707 {strides = array<i32>} : memref<128x128xf32, #tpu.memory_space<vmem>>, vector<1x16xf32>,
        %get3A_708 = arith.index_cast %add3A_687 : i32 to index
        %get3A_709 = arith.constant 32 : index
        %get3A_710 = tpu.vector_load %arg9[%get3A_708, %get3A_709] {strides = array<i32>} : memref<128x128xf32, #tpu.memory_space<vmem>>, vector<1x16xf32>,
        %get3A_711 = vector.shape_cast %get3A_710 : vector<1x16xf32> to vector<16xf32>
        %mul3A_712 = arith.mulf %get3A_711, %gather3A_683 : vector<16xf32>
        %swap3A_713 = arith.index_cast %add3A_687 : i32 to index
        %swap3A_714 = arith.constant 32 : index
        %swap3A_715 = tpu.vector_load %arg9[%swap3A_713, %swap3A_714] {strides = array<i32>} : memref<128x128xf32, #tpu.memory_space<vmem>>, vector<1x16xf32>,
        %swap3A_716 = vector.shape_cast %swap3A_715 : vector<1x16xf32> to vector<16xf32>
        %swap3A_717 = vector.shape_cast %mul3A_712 : vector<16xf32> to vector<1x16xf32>
        tpu.vector_store %arg9[%swap3A_713, %swap3A_714], %swap3A_717 {strides = array<i32>} : memref<128x128xf32, #tpu.memory_space<vmem>>, vector<1x16xf32>,
        %get3A_718 = arith.index_cast %add3A_687 : i32 to index
        %get3A_719 = arith.constant 48 : index
        %get3A_720 = tpu.vector_load %arg9[%get3A_718, %get3A_719] {strides = array<i32>} : memref<128x128xf32, #tpu.memory_space<vmem>>, vector<1x16xf32>,
        %get3A_721 = vector.shape_cast %get3A_720 : vector<1x16xf32> to vector<16xf32>
        %mul3A_722 = arith.mulf %get3A_721, %gather3A_683 : vector<16xf32>
        %swap3A_723 = arith.index_cast %add3A_687 : i32 to index
        %swap3A_724 = arith.constant 48 : index
        %swap3A_725 = tpu.vector_load %arg9[%swap3A_723, %swap3A_724] {strides = array<i32>} : memref<128x128xf32, #tpu.memory_space<vmem>>, vector<1x16xf32>,
        %swap3A_726 = vector.shape_cast %swap3A_725 : vector<1x16xf32> to vector<16xf32>
        %swap3A_727 = vector.shape_cast %mul3A_722 : vector<16xf32> to vector<1x16xf32>
        tpu.vector_store %arg9[%swap3A_723, %swap3A_724], %swap3A_727 {strides = array<i32>} : memref<128x128xf32, #tpu.memory_space<vmem>>, vector<1x16xf32>,
        %get3A_728 = arith.index_cast %add3A_687 : i32 to index
        %get3A_729 = arith.constant 64 : index
        %get3A_730 = tpu.vector_load %arg9[%get3A_728, %get3A_729] {strides = array<i32>} : memref<128x128xf32, #tpu.memory_space<vmem>>, vector<1x16xf32>,
        %get3A_731 = vector.shape_cast %get3A_730 : vector<1x16xf32> to vector<16xf32>
        %mul3A_732 = arith.mulf %get3A_731, %gather3A_683 : vector<16xf32>
        %swap3A_733 = arith.index_cast %add3A_687 : i32 to index
        %swap3A_734 = arith.constant 64 : index
        %swap3A_735 = tpu.vector_load %arg9[%swap3A_733, %swap3A_734] {strides = array<i32>} : memref<128x128xf32, #tpu.memory_space<vmem>>, vector<1x16xf32>,
        %swap3A_736 = vector.shape_cast %swap3A_735 : vector<1x16xf32> to vector<16xf32>
        %swap3A_737 = vector.shape_cast %mul3A_732 : vector<16xf32> to vector<1x16xf32>
        tpu.vector_store %arg9[%swap3A_733, %swap3A_734], %swap3A_737 {strides = array<i32>} : memref<128x128xf32, #tpu.memory_space<vmem>>, vector<1x16xf32>,
        %get3A_738 = arith.index_cast %add3A_687 : i32 to index
        %get3A_739 = arith.constant 80 : index
        %get3A_740 = tpu.vector_load %arg9[%get3A_738, %get3A_739] {strides = array<i32>} : memref<128x128xf32, #tpu.memory_space<vmem>>, vector<1x16xf32>,
        %get3A_741 = vector.shape_cast %get3A_740 : vector<1x16xf32> to vector<16xf32>
        %mul3A_742 = arith.mulf %get3A_741, %gather3A_683 : vector<16xf32>
        %swap3A_743 = arith.index_cast %add3A_687 : i32 to index
        %swap3A_744 = arith.constant 80 : index
        %swap3A_745 = tpu.vector_load %arg9[%swap3A_743, %swap3A_744] {strides = array<i32>} : memref<128x128xf32, #tpu.memory_space<vmem>>, vector<1x16xf32>,
        %swap3A_746 = vector.shape_cast %swap3A_745 : vector<1x16xf32> to vector<16xf32>
        %swap3A_747 = vector.shape_cast %mul3A_742 : vector<16xf32> to vector<1x16xf32>
        tpu.vector_store %arg9[%swap3A_743, %swap3A_744], %swap3A_747 {strides = array<i32>} : memref<128x128xf32, #tpu.memory_space<vmem>>, vector<1x16xf32>,
        %get3A_748 = arith.index_cast %add3A_687 : i32 to index
        %get3A_749 = arith.constant 96 : index
        %get3A_750 = tpu.vector_load %arg9[%get3A_748, %get3A_749] {strides = array<i32>} : memref<128x128xf32, #tpu.memory_space<vmem>>, vector<1x16xf32>,
        %get3A_751 = vector.shape_cast %get3A_750 : vector<1x16xf32> to vector<16xf32>
        %mul3A_752 = arith.mulf %get3A_751, %gather3A_683 : vector<16xf32>
        %swap3A_753 = arith.index_cast %add3A_687 : i32 to index
        %swap3A_754 = arith.constant 96 : index
        %swap3A_755 = tpu.vector_load %arg9[%swap3A_753, %swap3A_754] {strides = array<i32>} : memref<128x128xf32, #tpu.memory_space<vmem>>, vector<1x16xf32>,
        %swap3A_756 = vector.shape_cast %swap3A_755 : vector<1x16xf32> to vector<16xf32>
        %swap3A_757 = vector.shape_cast %mul3A_752 : vector<16xf32> to vector<1x16xf32>
        tpu.vector_store %arg9[%swap3A_753, %swap3A_754], %swap3A_757 {strides = array<i32>} : memref<128x128xf32, #tpu.memory_space<vmem>>, vector<1x16xf32>,
        %get3A_758 = arith.index_cast %add3A_687 : i32 to index
        %get3A_759 = arith.constant 112 : index
        %get3A_760 = tpu.vector_load %arg9[%get3A_758, %get3A_759] {strides = array<i32>} : memref<128x128xf32, #tpu.memory_space<vmem>>, vector<1x16xf32>,
        %get3A_761 = vector.shape_cast %get3A_760 : vector<1x16xf32> to vector<16xf32>
        %mul3A_762 = arith.mulf %get3A_761, %gather3A_683 : vector<16xf32>
        %swap3A_763 = arith.index_cast %add3A_687 : i32 to index
        %swap3A_764 = arith.constant 112 : index
        %swap3A_765 = tpu.vector_load %arg9[%swap3A_763, %swap3A_764] {strides = array<i32>} : memref<128x128xf32, #tpu.memory_space<vmem>>, vector<1x16xf32>,
        %swap3A_766 = vector.shape_cast %swap3A_765 : vector<1x16xf32> to vector<16xf32>
        %swap3A_767 = vector.shape_cast %mul3A_762 : vector<16xf32> to vector<1x16xf32>
        tpu.vector_store %arg9[%swap3A_763, %swap3A_764], %swap3A_767 {strides = array<i32>} : memref<128x128xf32, #tpu.memory_space<vmem>>, vector<1x16xf32>,
        %broadcast_in_dim3A_768 = arith.constant 6 : i32
        %broadcast_in_dim3A_769 = vector.broadcast %broadcast_in_dim3A_768 : i32 to vector<16x1xi32>
        %gather3A_770 = vector.shape_cast %broadcast_in_dim3A_769 : vector<16x1xi32> to vector<16xi32>
        %gather3A_771 = tpu.dynamic_gather %get3A_242[%gather3A_770] in [0] : vector<16xf32>, vector<16xi32> -> vector<16xf32>
        %mul3A_772 = arith.constant 16 : i32
        %mul3A_773 = arith.muli %scan3A_238, %mul3A_772 : i32
        %add3A_774 = arith.constant 6 : i32
        %add3A_775 = arith.addi %mul3A_773, %add3A_774 : i32
        %get3A_776 = arith.index_cast %add3A_775 : i32 to index
        %get3A_777 = arith.constant 0 : index
        %get3A_778 = tpu.vector_load %arg9[%get3A_776, %get3A_777] {strides = array<i32>} : memref<128x128xf32, #tpu.memory_space<vmem>>, vector<1x16xf32>,
        %get3A_779 = vector.shape_cast %get3A_778 : vector<1x16xf32> to vector<16xf32>
        %mul3A_780 = arith.mulf %get3A_779, %gather3A_771 : vector<16xf32>
        %swap3A_781 = arith.index_cast %add3A_775 : i32 to index
        %swap3A_782 = arith.constant 0 : index
        %swap3A_783 = tpu.vector_load %arg9[%swap3A_781, %swap3A_782] {strides = array<i32>} : memref<128x128xf32, #tpu.memory_space<vmem>>, vector<1x16xf32>,
        %swap3A_784 = vector.shape_cast %swap3A_783 : vector<1x16xf32> to vector<16xf32>
        %swap3A_785 = vector.shape_cast %mul3A_780 : vector<16xf32> to vector<1x16xf32>
        tpu.vector_store %arg9[%swap3A_781, %swap3A_782], %swap3A_785 {strides = array<i32>} : memref<128x128xf32, #tpu.memory_space<vmem>>, vector<1x16xf32>,
        %get3A_786 = arith.index_cast %add3A_775 : i32 to index
        %get3A_787 = arith.constant 16 : index
        %get3A_788 = tpu.vector_load %arg9[%get3A_786, %get3A_787] {strides = array<i32>} : memref<128x128xf32, #tpu.memory_space<vmem>>, vector<1x16xf32>,
        %get3A_789 = vector.shape_cast %get3A_788 : vector<1x16xf32> to vector<16xf32>
        %mul3A_790 = arith.mulf %get3A_789, %gather3A_771 : vector<16xf32>
        %swap3A_791 = arith.index_cast %add3A_775 : i32 to index
        %swap3A_792 = arith.constant 16 : index
        %swap3A_793 = tpu.vector_load %arg9[%swap3A_791, %swap3A_792] {strides = array<i32>} : memref<128x128xf32, #tpu.memory_space<vmem>>, vector<1x16xf32>,
        %swap3A_794 = vector.shape_cast %swap3A_793 : vector<1x16xf32> to vector<16xf32>
        %swap3A_795 = vector.shape_cast %mul3A_790 : vector<16xf32> to vector<1x16xf32>
        tpu.vector_store %arg9[%swap3A_791, %swap3A_792], %swap3A_795 {strides = array<i32>} : memref<128x128xf32, #tpu.memory_space<vmem>>, vector<1x16xf32>,
        %get3A_796 = arith.index_cast %add3A_775 : i32 to index
        %get3A_797 = arith.constant 32 : index
        %get3A_798 = tpu.vector_load %arg9[%get3A_796, %get3A_797] {strides = array<i32>} : memref<128x128xf32, #tpu.memory_space<vmem>>, vector<1x16xf32>,
        %get3A_799 = vector.shape_cast %get3A_798 : vector<1x16xf32> to vector<16xf32>
        %mul3A_800 = arith.mulf %get3A_799, %gather3A_771 : vector<16xf32>
        %swap3A_801 = arith.index_cast %add3A_775 : i32 to index
        %swap3A_802 = arith.constant 32 : index
        %swap3A_803 = tpu.vector_load %arg9[%swap3A_801, %swap3A_802] {strides = array<i32>} : memref<128x128xf32, #tpu.memory_space<vmem>>, vector<1x16xf32>,
        %swap3A_804 = vector.shape_cast %swap3A_803 : vector<1x16xf32> to vector<16xf32>
        %swap3A_805 = vector.shape_cast %mul3A_800 : vector<16xf32> to vector<1x16xf32>
        tpu.vector_store %arg9[%swap3A_801, %swap3A_802], %swap3A_805 {strides = array<i32>} : memref<128x128xf32, #tpu.memory_space<vmem>>, vector<1x16xf32>,
        %get3A_806 = arith.index_cast %add3A_775 : i32 to index
        %get3A_807 = arith.constant 48 : index
        %get3A_808 = tpu.vector_load %arg9[%get3A_806, %get3A_807] {strides = array<i32>} : memref<128x128xf32, #tpu.memory_space<vmem>>, vector<1x16xf32>,
        %get3A_809 = vector.shape_cast %get3A_808 : vector<1x16xf32> to vector<16xf32>
        %mul3A_810 = arith.mulf %get3A_809, %gather3A_771 : vector<16xf32>
        %swap3A_811 = arith.index_cast %add3A_775 : i32 to index
        %swap3A_812 = arith.constant 48 : index
        %swap3A_813 = tpu.vector_load %arg9[%swap3A_811, %swap3A_812] {strides = array<i32>} : memref<128x128xf32, #tpu.memory_space<vmem>>, vector<1x16xf32>,
        %swap3A_814 = vector.shape_cast %swap3A_813 : vector<1x16xf32> to vector<16xf32>
        %swap3A_815 = vector.shape_cast %mul3A_810 : vector<16xf32> to vector<1x16xf32>
        tpu.vector_store %arg9[%swap3A_811, %swap3A_812], %swap3A_815 {strides = array<i32>} : memref<128x128xf32, #tpu.memory_space<vmem>>, vector<1x16xf32>,
        %get3A_816 = arith.index_cast %add3A_775 : i32 to index
        %get3A_817 = arith.constant 64 : index
        %get3A_818 = tpu.vector_load %arg9[%get3A_816, %get3A_817] {strides = array<i32>} : memref<128x128xf32, #tpu.memory_space<vmem>>, vector<1x16xf32>,
        %get3A_819 = vector.shape_cast %get3A_818 : vector<1x16xf32> to vector<16xf32>
        %mul3A_820 = arith.mulf %get3A_819, %gather3A_771 : vector<16xf32>
        %swap3A_821 = arith.index_cast %add3A_775 : i32 to index
        %swap3A_822 = arith.constant 64 : index
        %swap3A_823 = tpu.vector_load %arg9[%swap3A_821, %swap3A_822] {strides = array<i32>} : memref<128x128xf32, #tpu.memory_space<vmem>>, vector<1x16xf32>,
        %swap3A_824 = vector.shape_cast %swap3A_823 : vector<1x16xf32> to vector<16xf32>
        %swap3A_825 = vector.shape_cast %mul3A_820 : vector<16xf32> to vector<1x16xf32>
        tpu.vector_store %arg9[%swap3A_821, %swap3A_822], %swap3A_825 {strides = array<i32>} : memref<128x128xf32, #tpu.memory_space<vmem>>, vector<1x16xf32>,
        %get3A_826 = arith.index_cast %add3A_775 : i32 to index
        %get3A_827 = arith.constant 80 : index
        %get3A_828 = tpu.vector_load %arg9[%get3A_826, %get3A_827] {strides = array<i32>} : memref<128x128xf32, #tpu.memory_space<vmem>>, vector<1x16xf32>,
        %get3A_829 = vector.shape_cast %get3A_828 : vector<1x16xf32> to vector<16xf32>
        %mul3A_830 = arith.mulf %get3A_829, %gather3A_771 : vector<16xf32>
        %swap3A_831 = arith.index_cast %add3A_775 : i32 to index
        %swap3A_832 = arith.constant 80 : index
        %swap3A_833 = tpu.vector_load %arg9[%swap3A_831, %swap3A_832] {strides = array<i32>} : memref<128x128xf32, #tpu.memory_space<vmem>>, vector<1x16xf32>,
        %swap3A_834 = vector.shape_cast %swap3A_833 : vector<1x16xf32> to vector<16xf32>
        %swap3A_835 = vector.shape_cast %mul3A_830 : vector<16xf32> to vector<1x16xf32>
        tpu.vector_store %arg9[%swap3A_831, %swap3A_832], %swap3A_835 {strides = array<i32>} : memref<128x128xf32, #tpu.memory_space<vmem>>, vector<1x16xf32>,
        %get3A_836 = arith.index_cast %add3A_775 : i32 to index
        %get3A_837 = arith.constant 96 : index
        %get3A_838 = tpu.vector_load %arg9[%get3A_836, %get3A_837] {strides = array<i32>} : memref<128x128xf32, #tpu.memory_space<vmem>>, vector<1x16xf32>,
        %get3A_839 = vector.shape_cast %get3A_838 : vector<1x16xf32> to vector<16xf32>
        %mul3A_840 = arith.mulf %get3A_839, %gather3A_771 : vector<16xf32>
        %swap3A_841 = arith.index_cast %add3A_775 : i32 to index
        %swap3A_842 = arith.constant 96 : index
        %swap3A_843 = tpu.vector_load %arg9[%swap3A_841, %swap3A_842] {strides = array<i32>} : memref<128x128xf32, #tpu.memory_space<vmem>>, vector<1x16xf32>,
        %swap3A_844 = vector.shape_cast %swap3A_843 : vector<1x16xf32> to vector<16xf32>
        %swap3A_845 = vector.shape_cast %mul3A_840 : vector<16xf32> to vector<1x16xf32>
        tpu.vector_store %arg9[%swap3A_841, %swap3A_842], %swap3A_845 {strides = array<i32>} : memref<128x128xf32, #tpu.memory_space<vmem>>, vector<1x16xf32>,
        %get3A_846 = arith.index_cast %add3A_775 : i32 to index
        %get3A_847 = arith.constant 112 : index
        %get3A_848 = tpu.vector_load %arg9[%get3A_846, %get3A_847] {strides = array<i32>} : memref<128x128xf32, #tpu.memory_space<vmem>>, vector<1x16xf32>,
        %get3A_849 = vector.shape_cast %get3A_848 : vector<1x16xf32> to vector<16xf32>
        %mul3A_850 = arith.mulf %get3A_849, %gather3A_771 : vector<16xf32>
        %swap3A_851 = arith.index_cast %add3A_775 : i32 to index
        %swap3A_852 = arith.constant 112 : index
        %swap3A_853 = tpu.vector_load %arg9[%swap3A_851, %swap3A_852] {strides = array<i32>} : memref<128x128xf32, #tpu.memory_space<vmem>>, vector<1x16xf32>,
        %swap3A_854 = vector.shape_cast %swap3A_853 : vector<1x16xf32> to vector<16xf32>
        %swap3A_855 = vector.shape_cast %mul3A_850 : vector<16xf32> to vector<1x16xf32>
        tpu.vector_store %arg9[%swap3A_851, %swap3A_852], %swap3A_855 {strides = array<i32>} : memref<128x128xf32, #tpu.memory_space<vmem>>, vector<1x16xf32>,
        %broadcast_in_dim3A_856 = arith.constant 7 : i32
        %broadcast_in_dim3A_857 = vector.broadcast %broadcast_in_dim3A_856 : i32 to vector<16x1xi32>
        %gather3A_858 = vector.shape_cast %broadcast_in_dim3A_857 : vector<16x1xi32> to vector<16xi32>
        %gather3A_859 = tpu.dynamic_gather %get3A_242[%gather3A_858] in [0] : vector<16xf32>, vector<16xi32> -> vector<16xf32>
        %mul3A_860 = arith.constant 16 : i32
        %mul3A_861 = arith.muli %scan3A_238, %mul3A_860 : i32
        %add3A_862 = arith.constant 7 : i32
        %add3A_863 = arith.addi %mul3A_861, %add3A_862 : i32
        %get3A_864 = arith.index_cast %add3A_863 : i32 to index
        %get3A_865 = arith.constant 0 : index
        %get3A_866 = tpu.vector_load %arg9[%get3A_864, %get3A_865] {strides = array<i32>} : memref<128x128xf32, #tpu.memory_space<vmem>>, vector<1x16xf32>,
        %get3A_867 = vector.shape_cast %get3A_866 : vector<1x16xf32> to vector<16xf32>
        %mul3A_868 = arith.mulf %get3A_867, %gather3A_859 : vector<16xf32>
        %swap3A_869 = arith.index_cast %add3A_863 : i32 to index
        %swap3A_870 = arith.constant 0 : index
        %swap3A_871 = tpu.vector_load %arg9[%swap3A_869, %swap3A_870] {strides = array<i32>} : memref<128x128xf32, #tpu.memory_space<vmem>>, vector<1x16xf32>,
        %swap3A_872 = vector.shape_cast %swap3A_871 : vector<1x16xf32> to vector<16xf32>
        %swap3A_873 = vector.shape_cast %mul3A_868 : vector<16xf32> to vector<1x16xf32>
        tpu.vector_store %arg9[%swap3A_869, %swap3A_870], %swap3A_873 {strides = array<i32>} : memref<128x128xf32, #tpu.memory_space<vmem>>, vector<1x16xf32>,
        %get3A_874 = arith.index_cast %add3A_863 : i32 to index
        %get3A_875 = arith.constant 16 : index
        %get3A_876 = tpu.vector_load %arg9[%get3A_874, %get3A_875] {strides = array<i32>} : memref<128x128xf32, #tpu.memory_space<vmem>>, vector<1x16xf32>,
        %get3A_877 = vector.shape_cast %get3A_876 : vector<1x16xf32> to vector<16xf32>
        %mul3A_878 = arith.mulf %get3A_877, %gather3A_859 : vector<16xf32>
        %swap3A_879 = arith.index_cast %add3A_863 : i32 to index
        %swap3A_880 = arith.constant 16 : index
        %swap3A_881 = tpu.vector_load %arg9[%swap3A_879, %swap3A_880] {strides = array<i32>} : memref<128x128xf32, #tpu.memory_space<vmem>>, vector<1x16xf32>,
        %swap3A_882 = vector.shape_cast %swap3A_881 : vector<1x16xf32> to vector<16xf32>
        %swap3A_883 = vector.shape_cast %mul3A_878 : vector<16xf32> to vector<1x16xf32>
        tpu.vector_store %arg9[%swap3A_879, %swap3A_880], %swap3A_883 {strides = array<i32>} : memref<128x128xf32, #tpu.memory_space<vmem>>, vector<1x16xf32>,
        %get3A_884 = arith.index_cast %add3A_863 : i32 to index
        %get3A_885 = arith.constant 32 : index
        %get3A_886 = tpu.vector_load %arg9[%get3A_884, %get3A_885] {strides = array<i32>} : memref<128x128xf32, #tpu.memory_space<vmem>>, vector<1x16xf32>,
        %get3A_887 = vector.shape_cast %get3A_886 : vector<1x16xf32> to vector<16xf32>
        %mul3A_888 = arith.mulf %get3A_887, %gather3A_859 : vector<16xf32>
        %swap3A_889 = arith.index_cast %add3A_863 : i32 to index
        %swap3A_890 = arith.constant 32 : index
        %swap3A_891 = tpu.vector_load %arg9[%swap3A_889, %swap3A_890] {strides = array<i32>} : memref<128x128xf32, #tpu.memory_space<vmem>>, vector<1x16xf32>,
        %swap3A_892 = vector.shape_cast %swap3A_891 : vector<1x16xf32> to vector<16xf32>
        %swap3A_893 = vector.shape_cast %mul3A_888 : vector<16xf32> to vector<1x16xf32>
        tpu.vector_store %arg9[%swap3A_889, %swap3A_890], %swap3A_893 {strides = array<i32>} : memref<128x128xf32, #tpu.memory_space<vmem>>, vector<1x16xf32>,
        %get3A_894 = arith.index_cast %add3A_863 : i32 to index
        %get3A_895 = arith.constant 48 : index
        %get3A_896 = tpu.vector_load %arg9[%get3A_894, %get3A_895] {strides = array<i32>} : memref<128x128xf32, #tpu.memory_space<vmem>>, vector<1x16xf32>,
        %get3A_897 = vector.shape_cast %get3A_896 : vector<1x16xf32> to vector<16xf32>
        %mul3A_898 = arith.mulf %get3A_897, %gather3A_859 : vector<16xf32>
        %swap3A_899 = arith.index_cast %add3A_863 : i32 to index
        %swap3A_900 = arith.constant 48 : index
        %swap3A_901 = tpu.vector_load %arg9[%swap3A_899, %swap3A_900] {strides = array<i32>} : memref<128x128xf32, #tpu.memory_space<vmem>>, vector<1x16xf32>,
        %swap3A_902 = vector.shape_cast %swap3A_901 : vector<1x16xf32> to vector<16xf32>
        %swap3A_903 = vector.shape_cast %mul3A_898 : vector<16xf32> to vector<1x16xf32>
        tpu.vector_store %arg9[%swap3A_899, %swap3A_900], %swap3A_903 {strides = array<i32>} : memref<128x128xf32, #tpu.memory_space<vmem>>, vector<1x16xf32>,
        %get3A_904 = arith.index_cast %add3A_863 : i32 to index
        %get3A_905 = arith.constant 64 : index
        %get3A_906 = tpu.vector_load %arg9[%get3A_904, %get3A_905] {strides = array<i32>} : memref<128x128xf32, #tpu.memory_space<vmem>>, vector<1x16xf32>,
        %get3A_907 = vector.shape_cast %get3A_906 : vector<1x16xf32> to vector<16xf32>
        %mul3A_908 = arith.mulf %get3A_907, %gather3A_859 : vector<16xf32>
        %swap3A_909 = arith.index_cast %add3A_863 : i32 to index
        %swap3A_910 = arith.constant 64 : index
        %swap3A_911 = tpu.vector_load %arg9[%swap3A_909, %swap3A_910] {strides = array<i32>} : memref<128x128xf32, #tpu.memory_space<vmem>>, vector<1x16xf32>,
        %swap3A_912 = vector.shape_cast %swap3A_911 : vector<1x16xf32> to vector<16xf32>
        %swap3A_913 = vector.shape_cast %mul3A_908 : vector<16xf32> to vector<1x16xf32>
        tpu.vector_store %arg9[%swap3A_909, %swap3A_910], %swap3A_913 {strides = array<i32>} : memref<128x128xf32, #tpu.memory_space<vmem>>, vector<1x16xf32>,
        %get3A_914 = arith.index_cast %add3A_863 : i32 to index
        %get3A_915 = arith.constant 80 : index
        %get3A_916 = tpu.vector_load %arg9[%get3A_914, %get3A_915] {strides = array<i32>} : memref<128x128xf32, #tpu.memory_space<vmem>>, vector<1x16xf32>,
        %get3A_917 = vector.shape_cast %get3A_916 : vector<1x16xf32> to vector<16xf32>
        %mul3A_918 = arith.mulf %get3A_917, %gather3A_859 : vector<16xf32>
        %swap3A_919 = arith.index_cast %add3A_863 : i32 to index
        %swap3A_920 = arith.constant 80 : index
        %swap3A_921 = tpu.vector_load %arg9[%swap3A_919, %swap3A_920] {strides = array<i32>} : memref<128x128xf32, #tpu.memory_space<vmem>>, vector<1x16xf32>,
        %swap3A_922 = vector.shape_cast %swap3A_921 : vector<1x16xf32> to vector<16xf32>
        %swap3A_923 = vector.shape_cast %mul3A_918 : vector<16xf32> to vector<1x16xf32>
        tpu.vector_store %arg9[%swap3A_919, %swap3A_920], %swap3A_923 {strides = array<i32>} : memref<128x128xf32, #tpu.memory_space<vmem>>, vector<1x16xf32>,
        %get3A_924 = arith.index_cast %add3A_863 : i32 to index
        %get3A_925 = arith.constant 96 : index
        %get3A_926 = tpu.vector_load %arg9[%get3A_924, %get3A_925] {strides = array<i32>} : memref<128x128xf32, #tpu.memory_space<vmem>>, vector<1x16xf32>,
        %get3A_927 = vector.shape_cast %get3A_926 : vector<1x16xf32> to vector<16xf32>
        %mul3A_928 = arith.mulf %get3A_927, %gather3A_859 : vector<16xf32>
        %swap3A_929 = arith.index_cast %add3A_863 : i32 to index
        %swap3A_930 = arith.constant 96 : index
        %swap3A_931 = tpu.vector_load %arg9[%swap3A_929, %swap3A_930] {strides = array<i32>} : memref<128x128xf32, #tpu.memory_space<vmem>>, vector<1x16xf32>,
        %swap3A_932 = vector.shape_cast %swap3A_931 : vector<1x16xf32> to vector<16xf32>
        %swap3A_933 = vector.shape_cast %mul3A_928 : vector<16xf32> to vector<1x16xf32>
        tpu.vector_store %arg9[%swap3A_929, %swap3A_930], %swap3A_933 {strides = array<i32>} : memref<128x128xf32, #tpu.memory_space<vmem>>, vector<1x16xf32>,
        %get3A_934 = arith.index_cast %add3A_863 : i32 to index
        %get3A_935 = arith.constant 112 : index
        %get3A_936 = tpu.vector_load %arg9[%get3A_934, %get3A_935] {strides = array<i32>} : memref<128x128xf32, #tpu.memory_space<vmem>>, vector<1x16xf32>,
        %get3A_937 = vector.shape_cast %get3A_936 : vector<1x16xf32> to vector<16xf32>
        %mul3A_938 = arith.mulf %get3A_937, %gather3A_859 : vector<16xf32>
        %swap3A_939 = arith.index_cast %add3A_863 : i32 to index
        %swap3A_940 = arith.constant 112 : index
        %swap3A_941 = tpu.vector_load %arg9[%swap3A_939, %swap3A_940] {strides = array<i32>} : memref<128x128xf32, #tpu.memory_space<vmem>>, vector<1x16xf32>,
        %swap3A_942 = vector.shape_cast %swap3A_941 : vector<1x16xf32> to vector<16xf32>
        %swap3A_943 = vector.shape_cast %mul3A_938 : vector<16xf32> to vector<1x16xf32>
        tpu.vector_store %arg9[%swap3A_939, %swap3A_940], %swap3A_943 {strides = array<i32>} : memref<128x128xf32, #tpu.memory_space<vmem>>, vector<1x16xf32>,
        %broadcast_in_dim3A_944 = arith.constant 8 : i32
        %broadcast_in_dim3A_945 = vector.broadcast %broadcast_in_dim3A_944 : i32 to vector<16x1xi32>
        %gather3A_946 = vector.shape_cast %broadcast_in_dim3A_945 : vector<16x1xi32> to vector<16xi32>
        %gather3A_947 = tpu.dynamic_gather %get3A_242[%gather3A_946] in [0] : vector<16xf32>, vector<16xi32> -> vector<16xf32>
        %mul3A_948 = arith.constant 16 : i32
        %mul3A_949 = arith.muli %scan3A_238, %mul3A_948 : i32
        %add3A_950 = arith.constant 8 : i32
        %add3A_951 = arith.addi %mul3A_949, %add3A_950 : i32
        %get3A_952 = arith.index_cast %add3A_951 : i32 to index
        %get3A_953 = arith.constant 0 : index
        %get3A_954 = tpu.vector_load %arg9[%get3A_952, %get3A_953] {strides = array<i32>} : memref<128x128xf32, #tpu.memory_space<vmem>>, vector<1x16xf32>,
        %get3A_955 = vector.shape_cast %get3A_954 : vector<1x16xf32> to vector<16xf32>
        %mul3A_956 = arith.mulf %get3A_955, %gather3A_947 : vector<16xf32>
        %swap3A_957 = arith.index_cast %add3A_951 : i32 to index
        %swap3A_958 = arith.constant 0 : index
        %swap3A_959 = tpu.vector_load %arg9[%swap3A_957, %swap3A_958] {strides = array<i32>} : memref<128x128xf32, #tpu.memory_space<vmem>>, vector<1x16xf32>,
        %swap3A_960 = vector.shape_cast %swap3A_959 : vector<1x16xf32> to vector<16xf32>
        %swap3A_961 = vector.shape_cast %mul3A_956 : vector<16xf32> to vector<1x16xf32>
        tpu.vector_store %arg9[%swap3A_957, %swap3A_958], %swap3A_961 {strides = array<i32>} : memref<128x128xf32, #tpu.memory_space<vmem>>, vector<1x16xf32>,
        %get3A_962 = arith.index_cast %add3A_951 : i32 to index
        %get3A_963 = arith.constant 16 : index
        %get3A_964 = tpu.vector_load %arg9[%get3A_962, %get3A_963] {strides = array<i32>} : memref<128x128xf32, #tpu.memory_space<vmem>>, vector<1x16xf32>,
        %get3A_965 = vector.shape_cast %get3A_964 : vector<1x16xf32> to vector<16xf32>
        %mul3A_966 = arith.mulf %get3A_965, %gather3A_947 : vector<16xf32>
        %swap3A_967 = arith.index_cast %add3A_951 : i32 to index
        %swap3A_968 = arith.constant 16 : index
        %swap3A_969 = tpu.vector_load %arg9[%swap3A_967, %swap3A_968] {strides = array<i32>} : memref<128x128xf32, #tpu.memory_space<vmem>>, vector<1x16xf32>,
        %swap3A_970 = vector.shape_cast %swap3A_969 : vector<1x16xf32> to vector<16xf32>
        %swap3A_971 = vector.shape_cast %mul3A_966 : vector<16xf32> to vector<1x16xf32>
        tpu.vector_store %arg9[%swap3A_967, %swap3A_968], %swap3A_971 {strides = array<i32>} : memref<128x128xf32, #tpu.memory_space<vmem>>, vector<1x16xf32>,
        %get3A_972 = arith.index_cast %add3A_951 : i32 to index
        %get3A_973 = arith.constant 32 : index
        %get3A_974 = tpu.vector_load %arg9[%get3A_972, %get3A_973] {strides = array<i32>} : memref<128x128xf32, #tpu.memory_space<vmem>>, vector<1x16xf32>,
        %get3A_975 = vector.shape_cast %get3A_974 : vector<1x16xf32> to vector<16xf32>
        %mul3A_976 = arith.mulf %get3A_975, %gather3A_947 : vector<16xf32>
        %swap3A_977 = arith.index_cast %add3A_951 : i32 to index
        %swap3A_978 = arith.constant 32 : index
        %swap3A_979 = tpu.vector_load %arg9[%swap3A_977, %swap3A_978] {strides = array<i32>} : memref<128x128xf32, #tpu.memory_space<vmem>>, vector<1x16xf32>,
        %swap3A_980 = vector.shape_cast %swap3A_979 : vector<1x16xf32> to vector<16xf32>
        %swap3A_981 = vector.shape_cast %mul3A_976 : vector<16xf32> to vector<1x16xf32>
        tpu.vector_store %arg9[%swap3A_977, %swap3A_978], %swap3A_981 {strides = array<i32>} : memref<128x128xf32, #tpu.memory_space<vmem>>, vector<1x16xf32>,
        %get3A_982 = arith.index_cast %add3A_951 : i32 to index
        %get3A_983 = arith.constant 48 : index
        %get3A_984 = tpu.vector_load %arg9[%get3A_982, %get3A_983] {strides = array<i32>} : memref<128x128xf32, #tpu.memory_space<vmem>>, vector<1x16xf32>,
        %get3A_985 = vector.shape_cast %get3A_984 : vector<1x16xf32> to vector<16xf32>
        %mul3A_986 = arith.mulf %get3A_985, %gather3A_947 : vector<16xf32>
        %swap3A_987 = arith.index_cast %add3A_951 : i32 to index
        %swap3A_988 = arith.constant 48 : index
        %swap3A_989 = tpu.vector_load %arg9[%swap3A_987, %swap3A_988] {strides = array<i32>} : memref<128x128xf32, #tpu.memory_space<vmem>>, vector<1x16xf32>,
        %swap3A_990 = vector.shape_cast %swap3A_989 : vector<1x16xf32> to vector<16xf32>
        %swap3A_991 = vector.shape_cast %mul3A_986 : vector<16xf32> to vector<1x16xf32>
        tpu.vector_store %arg9[%swap3A_987, %swap3A_988], %swap3A_991 {strides = array<i32>} : memref<128x128xf32, #tpu.memory_space<vmem>>, vector<1x16xf32>,
        %get3A_992 = arith.index_cast %add3A_951 : i32 to index
        %get3A_993 = arith.constant 64 : index
        %get3A_994 = tpu.vector_load %arg9[%get3A_992, %get3A_993] {strides = array<i32>} : memref<128x128xf32, #tpu.memory_space<vmem>>, vector<1x16xf32>,
        %get3A_995 = vector.shape_cast %get3A_994 : vector<1x16xf32> to vector<16xf32>
        %mul3A_996 = arith.mulf %get3A_995, %gather3A_947 : vector<16xf32>
        %swap3A_997 = arith.index_cast %add3A_951 : i32 to index
        %swap3A_998 = arith.constant 64 : index
        %swap3A_999 = tpu.vector_load %arg9[%swap3A_997, %swap3A_998] {strides = array<i32>} : memref<128x128xf32, #tpu.memory_space<vmem>>, vector<1x16xf32>,
        %swap3A_1000 = vector.shape_cast %swap3A_999 : vector<1x16xf32> to vector<16xf32>
        %swap3A_1001 = vector.shape_cast %mul3A_996 : vector<16xf32> to vector<1x16xf32>
        tpu.vector_store %arg9[%swap3A_997, %swap3A_998], %swap3A_1001 {strides = array<i32>} : memref<128x128xf32, #tpu.memory_space<vmem>>, vector<1x16xf32>,
        %get3A_1002 = arith.index_cast %add3A_951 : i32 to index
        %get3A_1003 = arith.constant 80 : index
        %get3A_1004 = tpu.vector_load %arg9[%get3A_1002, %get3A_1003] {strides = array<i32>} : memref<128x128xf32, #tpu.memory_space<vmem>>, vector<1x16xf32>,
        %get3A_1005 = vector.shape_cast %get3A_1004 : vector<1x16xf32> to vector<16xf32>
        %mul3A_1006 = arith.mulf %get3A_1005, %gather3A_947 : vector<16xf32>
        %swap3A_1007 = arith.index_cast %add3A_951 : i32 to index
        %swap3A_1008 = arith.constant 80 : index
        %swap3A_1009 = tpu.vector_load %arg9[%swap3A_1007, %swap3A_1008] {strides = array<i32>} : memref<128x128xf32, #tpu.memory_space<vmem>>, vector<1x16xf32>,
        %swap3A_1010 = vector.shape_cast %swap3A_1009 : vector<1x16xf32> to vector<16xf32>
        %swap3A_1011 = vector.shape_cast %mul3A_1006 : vector<16xf32> to vector<1x16xf32>
        tpu.vector_store %arg9[%swap3A_1007, %swap3A_1008], %swap3A_1011 {strides = array<i32>} : memref<128x128xf32, #tpu.memory_space<vmem>>, vector<1x16xf32>,
        %get3A_1012 = arith.index_cast %add3A_951 : i32 to index
        %get3A_1013 = arith.constant 96 : index
        %get3A_1014 = tpu.vector_load %arg9[%get3A_1012, %get3A_1013] {strides = array<i32>} : memref<128x128xf32, #tpu.memory_space<vmem>>, vector<1x16xf32>,
        %get3A_1015 = vector.shape_cast %get3A_1014 : vector<1x16xf32> to vector<16xf32>
        %mul3A_1016 = arith.mulf %get3A_1015, %gather3A_947 : vector<16xf32>
        %swap3A_1017 = arith.index_cast %add3A_951 : i32 to index
        %swap3A_1018 = arith.constant 96 : index
        %swap3A_1019 = tpu.vector_load %arg9[%swap3A_1017, %swap3A_1018] {strides = array<i32>} : memref<128x128xf32, #tpu.memory_space<vmem>>, vector<1x16xf32>,
        %swap3A_1020 = vector.shape_cast %swap3A_1019 : vector<1x16xf32> to vector<16xf32>
        %swap3A_1021 = vector.shape_cast %mul3A_1016 : vector<16xf32> to vector<1x16xf32>
        tpu.vector_store %arg9[%swap3A_1017, %swap3A_1018], %swap3A_1021 {strides = array<i32>} : memref<128x128xf32, #tpu.memory_space<vmem>>, vector<1x16xf32>,
        %get3A_1022 = arith.index_cast %add3A_951 : i32 to index
        %get3A_1023 = arith.constant 112 : index
        %get3A_1024 = tpu.vector_load %arg9[%get3A_1022, %get3A_1023] {strides = array<i32>} : memref<128x128xf32, #tpu.memory_space<vmem>>, vector<1x16xf32>,
        %get3A_1025 = vector.shape_cast %get3A_1024 : vector<1x16xf32> to vector<16xf32>
        %mul3A_1026 = arith.mulf %get3A_1025, %gather3A_947 : vector<16xf32>
        %swap3A_1027 = arith.index_cast %add3A_951 : i32 to index
        %swap3A_1028 = arith.constant 112 : index
        %swap3A_1029 = tpu.vector_load %arg9[%swap3A_1027, %swap3A_1028] {strides = array<i32>} : memref<128x128xf32, #tpu.memory_space<vmem>>, vector<1x16xf32>,
        %swap3A_1030 = vector.shape_cast %swap3A_1029 : vector<1x16xf32> to vector<16xf32>
        %swap3A_1031 = vector.shape_cast %mul3A_1026 : vector<16xf32> to vector<1x16xf32>
        tpu.vector_store %arg9[%swap3A_1027, %swap3A_1028], %swap3A_1031 {strides = array<i32>} : memref<128x128xf32, #tpu.memory_space<vmem>>, vector<1x16xf32>,
        %broadcast_in_dim3A_1032 = arith.constant 9 : i32
        %broadcast_in_dim3A_1033 = vector.broadcast %broadcast_in_dim3A_1032 : i32 to vector<16x1xi32>
        %gather3A_1034 = vector.shape_cast %broadcast_in_dim3A_1033 : vector<16x1xi32> to vector<16xi32>
        %gather3A_1035 = tpu.dynamic_gather %get3A_242[%gather3A_1034] in [0] : vector<16xf32>, vector<16xi32> -> vector<16xf32>
        %mul3A_1036 = arith.constant 16 : i32
        %mul3A_1037 = arith.muli %scan3A_238, %mul3A_1036 : i32
        %add3A_1038 = arith.constant 9 : i32
        %add3A_1039 = arith.addi %mul3A_1037, %add3A_1038 : i32
        %get3A_1040 = arith.index_cast %add3A_1039 : i32 to index
        %get3A_1041 = arith.constant 0 : index
        %get3A_1042 = tpu.vector_load %arg9[%get3A_1040, %get3A_1041] {strides = array<i32>} : memref<128x128xf32, #tpu.memory_space<vmem>>, vector<1x16xf32>,
        %get3A_1043 = vector.shape_cast %get3A_1042 : vector<1x16xf32> to vector<16xf32>
        %mul3A_1044 = arith.mulf %get3A_1043, %gather3A_1035 : vector<16xf32>
        %swap3A_1045 = arith.index_cast %add3A_1039 : i32 to index
        %swap3A_1046 = arith.constant 0 : index
        %swap3A_1047 = tpu.vector_load %arg9[%swap3A_1045, %swap3A_1046] {strides = array<i32>} : memref<128x128xf32, #tpu.memory_space<vmem>>, vector<1x16xf32>,
        %swap3A_1048 = vector.shape_cast %swap3A_1047 : vector<1x16xf32> to vector<16xf32>
        %swap3A_1049 = vector.shape_cast %mul3A_1044 : vector<16xf32> to vector<1x16xf32>
        tpu.vector_store %arg9[%swap3A_1045, %swap3A_1046], %swap3A_1049 {strides = array<i32>} : memref<128x128xf32, #tpu.memory_space<vmem>>, vector<1x16xf32>,
        %get3A_1050 = arith.index_cast %add3A_1039 : i32 to index
        %get3A_1051 = arith.constant 16 : index
        %get3A_1052 = tpu.vector_load %arg9[%get3A_1050, %get3A_1051] {strides = array<i32>} : memref<128x128xf32, #tpu.memory_space<vmem>>, vector<1x16xf32>,
        %get3A_1053 = vector.shape_cast %get3A_1052 : vector<1x16xf32> to vector<16xf32>
        %mul3A_1054 = arith.mulf %get3A_1053, %gather3A_1035 : vector<16xf32>
        %swap3A_1055 = arith.index_cast %add3A_1039 : i32 to index
        %swap3A_1056 = arith.constant 16 : index
        %swap3A_1057 = tpu.vector_load %arg9[%swap3A_1055, %swap3A_1056] {strides = array<i32>} : memref<128x128xf32, #tpu.memory_space<vmem>>, vector<1x16xf32>,
        %swap3A_1058 = vector.shape_cast %swap3A_1057 : vector<1x16xf32> to vector<16xf32>
        %swap3A_1059 = vector.shape_cast %mul3A_1054 : vector<16xf32> to vector<1x16xf32>
        tpu.vector_store %arg9[%swap3A_1055, %swap3A_1056], %swap3A_1059 {strides = array<i32>} : memref<128x128xf32, #tpu.memory_space<vmem>>, vector<1x16xf32>,
        %get3A_1060 = arith.index_cast %add3A_1039 : i32 to index
        %get3A_1061 = arith.constant 32 : index
        %get3A_1062 = tpu.vector_load %arg9[%get3A_1060, %get3A_1061] {strides = array<i32>} : memref<128x128xf32, #tpu.memory_space<vmem>>, vector<1x16xf32>,
        %get3A_1063 = vector.shape_cast %get3A_1062 : vector<1x16xf32> to vector<16xf32>
        %mul3A_1064 = arith.mulf %get3A_1063, %gather3A_1035 : vector<16xf32>
        %swap3A_1065 = arith.index_cast %add3A_1039 : i32 to index
        %swap3A_1066 = arith.constant 32 : index
        %swap3A_1067 = tpu.vector_load %arg9[%swap3A_1065, %swap3A_1066] {strides = array<i32>} : memref<128x128xf32, #tpu.memory_space<vmem>>, vector<1x16xf32>,
        %swap3A_1068 = vector.shape_cast %swap3A_1067 : vector<1x16xf32> to vector<16xf32>
        %swap3A_1069 = vector.shape_cast %mul3A_1064 : vector<16xf32> to vector<1x16xf32>
        tpu.vector_store %arg9[%swap3A_1065, %swap3A_1066], %swap3A_1069 {strides = array<i32>} : memref<128x128xf32, #tpu.memory_space<vmem>>, vector<1x16xf32>,
        %get3A_1070 = arith.index_cast %add3A_1039 : i32 to index
        %get3A_1071 = arith.constant 48 : index
        %get3A_1072 = tpu.vector_load %arg9[%get3A_1070, %get3A_1071] {strides = array<i32>} : memref<128x128xf32, #tpu.memory_space<vmem>>, vector<1x16xf32>,
        %get3A_1073 = vector.shape_cast %get3A_1072 : vector<1x16xf32> to vector<16xf32>
        %mul3A_1074 = arith.mulf %get3A_1073, %gather3A_1035 : vector<16xf32>
        %swap3A_1075 = arith.index_cast %add3A_1039 : i32 to index
        %swap3A_1076 = arith.constant 48 : index
        %swap3A_1077 = tpu.vector_load %arg9[%swap3A_1075, %swap3A_1076] {strides = array<i32>} : memref<128x128xf32, #tpu.memory_space<vmem>>, vector<1x16xf32>,
        %swap3A_1078 = vector.shape_cast %swap3A_1077 : vector<1x16xf32> to vector<16xf32>
        %swap3A_1079 = vector.shape_cast %mul3A_1074 : vector<16xf32> to vector<1x16xf32>
        tpu.vector_store %arg9[%swap3A_1075, %swap3A_1076], %swap3A_1079 {strides = array<i32>} : memref<128x128xf32, #tpu.memory_space<vmem>>, vector<1x16xf32>,
        %get3A_1080 = arith.index_cast %add3A_1039 : i32 to index
        %get3A_1081 = arith.constant 64 : index
        %get3A_1082 = tpu.vector_load %arg9[%get3A_1080, %get3A_1081] {strides = array<i32>} : memref<128x128xf32, #tpu.memory_space<vmem>>, vector<1x16xf32>,
        %get3A_1083 = vector.shape_cast %get3A_1082 : vector<1x16xf32> to vector<16xf32>
        %mul3A_1084 = arith.mulf %get3A_1083, %gather3A_1035 : vector<16xf32>
        %swap3A_1085 = arith.index_cast %add3A_1039 : i32 to index
        %swap3A_1086 = arith.constant 64 : index
        %swap3A_1087 = tpu.vector_load %arg9[%swap3A_1085, %swap3A_1086] {strides = array<i32>} : memref<128x128xf32, #tpu.memory_space<vmem>>, vector<1x16xf32>,
        %swap3A_1088 = vector.shape_cast %swap3A_1087 : vector<1x16xf32> to vector<16xf32>
        %swap3A_1089 = vector.shape_cast %mul3A_1084 : vector<16xf32> to vector<1x16xf32>
        tpu.vector_store %arg9[%swap3A_1085, %swap3A_1086], %swap3A_1089 {strides = array<i32>} : memref<128x128xf32, #tpu.memory_space<vmem>>, vector<1x16xf32>,
        %get3A_1090 = arith.index_cast %add3A_1039 : i32 to index
        %get3A_1091 = arith.constant 80 : index
        %get3A_1092 = tpu.vector_load %arg9[%get3A_1090, %get3A_1091] {strides = array<i32>} : memref<128x128xf32, #tpu.memory_space<vmem>>, vector<1x16xf32>,
        %get3A_1093 = vector.shape_cast %get3A_1092 : vector<1x16xf32> to vector<16xf32>
        %mul3A_1094 = arith.mulf %get3A_1093, %gather3A_1035 : vector<16xf32>
        %swap3A_1095 = arith.index_cast %add3A_1039 : i32 to index
        %swap3A_1096 = arith.constant 80 : index
        %swap3A_1097 = tpu.vector_load %arg9[%swap3A_1095, %swap3A_1096] {strides = array<i32>} : memref<128x128xf32, #tpu.memory_space<vmem>>, vector<1x16xf32>,
        %swap3A_1098 = vector.shape_cast %swap3A_1097 : vector<1x16xf32> to vector<16xf32>
        %swap3A_1099 = vector.shape_cast %mul3A_1094 : vector<16xf32> to vector<1x16xf32>
        tpu.vector_store %arg9[%swap3A_1095, %swap3A_1096], %swap3A_1099 {strides = array<i32>} : memref<128x128xf32, #tpu.memory_space<vmem>>, vector<1x16xf32>,
        %get3A_1100 = arith.index_cast %add3A_1039 : i32 to index
        %get3A_1101 = arith.constant 96 : index
        %get3A_1102 = tpu.vector_load %arg9[%get3A_1100, %get3A_1101] {strides = array<i32>} : memref<128x128xf32, #tpu.memory_space<vmem>>, vector<1x16xf32>,
        %get3A_1103 = vector.shape_cast %get3A_1102 : vector<1x16xf32> to vector<16xf32>
        %mul3A_1104 = arith.mulf %get3A_1103, %gather3A_1035 : vector<16xf32>
        %swap3A_1105 = arith.index_cast %add3A_1039 : i32 to index
        %swap3A_1106 = arith.constant 96 : index
        %swap3A_1107 = tpu.vector_load %arg9[%swap3A_1105, %swap3A_1106] {strides = array<i32>} : memref<128x128xf32, #tpu.memory_space<vmem>>, vector<1x16xf32>,
        %swap3A_1108 = vector.shape_cast %swap3A_1107 : vector<1x16xf32> to vector<16xf32>
        %swap3A_1109 = vector.shape_cast %mul3A_1104 : vector<16xf32> to vector<1x16xf32>
        tpu.vector_store %arg9[%swap3A_1105, %swap3A_1106], %swap3A_1109 {strides = array<i32>} : memref<128x128xf32, #tpu.memory_space<vmem>>, vector<1x16xf32>,
        %get3A_1110 = arith.index_cast %add3A_1039 : i32 to index
        %get3A_1111 = arith.constant 112 : index
        %get3A_1112 = tpu.vector_load %arg9[%get3A_1110, %get3A_1111] {strides = array<i32>} : memref<128x128xf32, #tpu.memory_space<vmem>>, vector<1x16xf32>,
        %get3A_1113 = vector.shape_cast %get3A_1112 : vector<1x16xf32> to vector<16xf32>
        %mul3A_1114 = arith.mulf %get3A_1113, %gather3A_1035 : vector<16xf32>
        %swap3A_1115 = arith.index_cast %add3A_1039 : i32 to index
        %swap3A_1116 = arith.constant 112 : index
        %swap3A_1117 = tpu.vector_load %arg9[%swap3A_1115, %swap3A_1116] {strides = array<i32>} : memref<128x128xf32, #tpu.memory_space<vmem>>, vector<1x16xf32>,
        %swap3A_1118 = vector.shape_cast %swap3A_1117 : vector<1x16xf32> to vector<16xf32>
        %swap3A_1119 = vector.shape_cast %mul3A_1114 : vector<16xf32> to vector<1x16xf32>
        tpu.vector_store %arg9[%swap3A_1115, %swap3A_1116], %swap3A_1119 {strides = array<i32>} : memref<128x128xf32, #tpu.memory_space<vmem>>, vector<1x16xf32>,
        %broadcast_in_dim3A_1120 = arith.constant 10 : i32
        %broadcast_in_dim3A_1121 = vector.broadcast %broadcast_in_dim3A_1120 : i32 to vector<16x1xi32>
        %gather3A_1122 = vector.shape_cast %broadcast_in_dim3A_1121 : vector<16x1xi32> to vector<16xi32>
        %gather3A_1123 = tpu.dynamic_gather %get3A_242[%gather3A_1122] in [0] : vector<16xf32>, vector<16xi32> -> vector<16xf32>
        %mul3A_1124 = arith.constant 16 : i32
        %mul3A_1125 = arith.muli %scan3A_238, %mul3A_1124 : i32
        %add3A_1126 = arith.constant 10 : i32
        %add3A_1127 = arith.addi %mul3A_1125, %add3A_1126 : i32
        %get3A_1128 = arith.index_cast %add3A_1127 : i32 to index
        %get3A_1129 = arith.constant 0 : index
        %get3A_1130 = tpu.vector_load %arg9[%get3A_1128, %get3A_1129] {strides = array<i32>} : memref<128x128xf32, #tpu.memory_space<vmem>>, vector<1x16xf32>,
        %get3A_1131 = vector.shape_cast %get3A_1130 : vector<1x16xf32> to vector<16xf32>
        %mul3A_1132 = arith.mulf %get3A_1131, %gather3A_1123 : vector<16xf32>
        %swap3A_1133 = arith.index_cast %add3A_1127 : i32 to index
        %swap3A_1134 = arith.constant 0 : index
        %swap3A_1135 = tpu.vector_load %arg9[%swap3A_1133, %swap3A_1134] {strides = array<i32>} : memref<128x128xf32, #tpu.memory_space<vmem>>, vector<1x16xf32>,
        %swap3A_1136 = vector.shape_cast %swap3A_1135 : vector<1x16xf32> to vector<16xf32>
        %swap3A_1137 = vector.shape_cast %mul3A_1132 : vector<16xf32> to vector<1x16xf32>
        tpu.vector_store %arg9[%swap3A_1133, %swap3A_1134], %swap3A_1137 {strides = array<i32>} : memref<128x128xf32, #tpu.memory_space<vmem>>, vector<1x16xf32>,
        %get3A_1138 = arith.index_cast %add3A_1127 : i32 to index
        %get3A_1139 = arith.constant 16 : index
        %get3A_1140 = tpu.vector_load %arg9[%get3A_1138, %get3A_1139] {strides = array<i32>} : memref<128x128xf32, #tpu.memory_space<vmem>>, vector<1x16xf32>,
        %get3A_1141 = vector.shape_cast %get3A_1140 : vector<1x16xf32> to vector<16xf32>
        %mul3A_1142 = arith.mulf %get3A_1141, %gather3A_1123 : vector<16xf32>
        %swap3A_1143 = arith.index_cast %add3A_1127 : i32 to index
        %swap3A_1144 = arith.constant 16 : index
        %swap3A_1145 = tpu.vector_load %arg9[%swap3A_1143, %swap3A_1144] {strides = array<i32>} : memref<128x128xf32, #tpu.memory_space<vmem>>, vector<1x16xf32>,
        %swap3A_1146 = vector.shape_cast %swap3A_1145 : vector<1x16xf32> to vector<16xf32>
        %swap3A_1147 = vector.shape_cast %mul3A_1142 : vector<16xf32> to vector<1x16xf32>
        tpu.vector_store %arg9[%swap3A_1143, %swap3A_1144], %swap3A_1147 {strides = array<i32>} : memref<128x128xf32, #tpu.memory_space<vmem>>, vector<1x16xf32>,
        %get3A_1148 = arith.index_cast %add3A_1127 : i32 to index
        %get3A_1149 = arith.constant 32 : index
        %get3A_1150 = tpu.vector_load %arg9[%get3A_1148, %get3A_1149] {strides = array<i32>} : memref<128x128xf32, #tpu.memory_space<vmem>>, vector<1x16xf32>,
        %get3A_1151 = vector.shape_cast %get3A_1150 : vector<1x16xf32> to vector<16xf32>
        %mul3A_1152 = arith.mulf %get3A_1151, %gather3A_1123 : vector<16xf32>
        %swap3A_1153 = arith.index_cast %add3A_1127 : i32 to index
        %swap3A_1154 = arith.constant 32 : index
        %swap3A_1155 = tpu.vector_load %arg9[%swap3A_1153, %swap3A_1154] {strides = array<i32>} : memref<128x128xf32, #tpu.memory_space<vmem>>, vector<1x16xf32>,
        %swap3A_1156 = vector.shape_cast %swap3A_1155 : vector<1x16xf32> to vector<16xf32>
        %swap3A_1157 = vector.shape_cast %mul3A_1152 : vector<16xf32> to vector<1x16xf32>
        tpu.vector_store %arg9[%swap3A_1153, %swap3A_1154], %swap3A_1157 {strides = array<i32>} : memref<128x128xf32, #tpu.memory_space<vmem>>, vector<1x16xf32>,
        %get3A_1158 = arith.index_cast %add3A_1127 : i32 to index
        %get3A_1159 = arith.constant 48 : index
        %get3A_1160 = tpu.vector_load %arg9[%get3A_1158, %get3A_1159] {strides = array<i32>} : memref<128x128xf32, #tpu.memory_space<vmem>>, vector<1x16xf32>,
        %get3A_1161 = vector.shape_cast %get3A_1160 : vector<1x16xf32> to vector<16xf32>
        %mul3A_1162 = arith.mulf %get3A_1161, %gather3A_1123 : vector<16xf32>
        %swap3A_1163 = arith.index_cast %add3A_1127 : i32 to index
        %swap3A_1164 = arith.constant 48 : index
        %swap3A_1165 = tpu.vector_load %arg9[%swap3A_1163, %swap3A_1164] {strides = array<i32>} : memref<128x128xf32, #tpu.memory_space<vmem>>, vector<1x16xf32>,
        %swap3A_1166 = vector.shape_cast %swap3A_1165 : vector<1x16xf32> to vector<16xf32>
        %swap3A_1167 = vector.shape_cast %mul3A_1162 : vector<16xf32> to vector<1x16xf32>
        tpu.vector_store %arg9[%swap3A_1163, %swap3A_1164], %swap3A_1167 {strides = array<i32>} : memref<128x128xf32, #tpu.memory_space<vmem>>, vector<1x16xf32>,
        %get3A_1168 = arith.index_cast %add3A_1127 : i32 to index
        %get3A_1169 = arith.constant 64 : index
        %get3A_1170 = tpu.vector_load %arg9[%get3A_1168, %get3A_1169] {strides = array<i32>} : memref<128x128xf32, #tpu.memory_space<vmem>>, vector<1x16xf32>,
        %get3A_1171 = vector.shape_cast %get3A_1170 : vector<1x16xf32> to vector<16xf32>
        %mul3A_1172 = arith.mulf %get3A_1171, %gather3A_1123 : vector<16xf32>
        %swap3A_1173 = arith.index_cast %add3A_1127 : i32 to index
        %swap3A_1174 = arith.constant 64 : index
        %swap3A_1175 = tpu.vector_load %arg9[%swap3A_1173, %swap3A_1174] {strides = array<i32>} : memref<128x128xf32, #tpu.memory_space<vmem>>, vector<1x16xf32>,
        %swap3A_1176 = vector.shape_cast %swap3A_1175 : vector<1x16xf32> to vector<16xf32>
        %swap3A_1177 = vector.shape_cast %mul3A_1172 : vector<16xf32> to vector<1x16xf32>
        tpu.vector_store %arg9[%swap3A_1173, %swap3A_1174], %swap3A_1177 {strides = array<i32>} : memref<128x128xf32, #tpu.memory_space<vmem>>, vector<1x16xf32>,
        %get3A_1178 = arith.index_cast %add3A_1127 : i32 to index
        %get3A_1179 = arith.constant 80 : index
        %get3A_1180 = tpu.vector_load %arg9[%get3A_1178, %get3A_1179] {strides = array<i32>} : memref<128x128xf32, #tpu.memory_space<vmem>>, vector<1x16xf32>,
        %get3A_1181 = vector.shape_cast %get3A_1180 : vector<1x16xf32> to vector<16xf32>
        %mul3A_1182 = arith.mulf %get3A_1181, %gather3A_1123 : vector<16xf32>
        %swap3A_1183 = arith.index_cast %add3A_1127 : i32 to index
        %swap3A_1184 = arith.constant 80 : index
        %swap3A_1185 = tpu.vector_load %arg9[%swap3A_1183, %swap3A_1184] {strides = array<i32>} : memref<128x128xf32, #tpu.memory_space<vmem>>, vector<1x16xf32>,
        %swap3A_1186 = vector.shape_cast %swap3A_1185 : vector<1x16xf32> to vector<16xf32>
        %swap3A_1187 = vector.shape_cast %mul3A_1182 : vector<16xf32> to vector<1x16xf32>
        tpu.vector_store %arg9[%swap3A_1183, %swap3A_1184], %swap3A_1187 {strides = array<i32>} : memref<128x128xf32, #tpu.memory_space<vmem>>, vector<1x16xf32>,
        %get3A_1188 = arith.index_cast %add3A_1127 : i32 to index
        %get3A_1189 = arith.constant 96 : index
        %get3A_1190 = tpu.vector_load %arg9[%get3A_1188, %get3A_1189] {strides = array<i32>} : memref<128x128xf32, #tpu.memory_space<vmem>>, vector<1x16xf32>,
        %get3A_1191 = vector.shape_cast %get3A_1190 : vector<1x16xf32> to vector<16xf32>
        %mul3A_1192 = arith.mulf %get3A_1191, %gather3A_1123 : vector<16xf32>
        %swap3A_1193 = arith.index_cast %add3A_1127 : i32 to index
        %swap3A_1194 = arith.constant 96 : index
        %swap3A_1195 = tpu.vector_load %arg9[%swap3A_1193, %swap3A_1194] {strides = array<i32>} : memref<128x128xf32, #tpu.memory_space<vmem>>, vector<1x16xf32>,
        %swap3A_1196 = vector.shape_cast %swap3A_1195 : vector<1x16xf32> to vector<16xf32>
        %swap3A_1197 = vector.shape_cast %mul3A_1192 : vector<16xf32> to vector<1x16xf32>
        tpu.vector_store %arg9[%swap3A_1193, %swap3A_1194], %swap3A_1197 {strides = array<i32>} : memref<128x128xf32, #tpu.memory_space<vmem>>, vector<1x16xf32>,
        %get3A_1198 = arith.index_cast %add3A_1127 : i32 to index
        %get3A_1199 = arith.constant 112 : index
        %get3A_1200 = tpu.vector_load %arg9[%get3A_1198, %get3A_1199] {strides = array<i32>} : memref<128x128xf32, #tpu.memory_space<vmem>>, vector<1x16xf32>,
        %get3A_1201 = vector.shape_cast %get3A_1200 : vector<1x16xf32> to vector<16xf32>
        %mul3A_1202 = arith.mulf %get3A_1201, %gather3A_1123 : vector<16xf32>
        %swap3A_1203 = arith.index_cast %add3A_1127 : i32 to index
        %swap3A_1204 = arith.constant 112 : index
        %swap3A_1205 = tpu.vector_load %arg9[%swap3A_1203, %swap3A_1204] {strides = array<i32>} : memref<128x128xf32, #tpu.memory_space<vmem>>, vector<1x16xf32>,
        %swap3A_1206 = vector.shape_cast %swap3A_1205 : vector<1x16xf32> to vector<16xf32>
        %swap3A_1207 = vector.shape_cast %mul3A_1202 : vector<16xf32> to vector<1x16xf32>
        tpu.vector_store %arg9[%swap3A_1203, %swap3A_1204], %swap3A_1207 {strides = array<i32>} : memref<128x128xf32, #tpu.memory_space<vmem>>, vector<1x16xf32>,
        %broadcast_in_dim3A_1208 = arith.constant 11 : i32
        %broadcast_in_dim3A_1209 = vector.broadcast %broadcast_in_dim3A_1208 : i32 to vector<16x1xi32>
        %gather3A_1210 = vector.shape_cast %broadcast_in_dim3A_1209 : vector<16x1xi32> to vector<16xi32>
        %gather3A_1211 = tpu.dynamic_gather %get3A_242[%gather3A_1210] in [0] : vector<16xf32>, vector<16xi32> -> vector<16xf32>
        %mul3A_1212 = arith.constant 16 : i32
        %mul3A_1213 = arith.muli %scan3A_238, %mul3A_1212 : i32
        %add3A_1214 = arith.constant 11 : i32
        %add3A_1215 = arith.addi %mul3A_1213, %add3A_1214 : i32
        %get3A_1216 = arith.index_cast %add3A_1215 : i32 to index
        %get3A_1217 = arith.constant 0 : index
        %get3A_1218 = tpu.vector_load %arg9[%get3A_1216, %get3A_1217] {strides = array<i32>} : memref<128x128xf32, #tpu.memory_space<vmem>>, vector<1x16xf32>,
        %get3A_1219 = vector.shape_cast %get3A_1218 : vector<1x16xf32> to vector<16xf32>
        %mul3A_1220 = arith.mulf %get3A_1219, %gather3A_1211 : vector<16xf32>
        %swap3A_1221 = arith.index_cast %add3A_1215 : i32 to index
        %swap3A_1222 = arith.constant 0 : index
        %swap3A_1223 = tpu.vector_load %arg9[%swap3A_1221, %swap3A_1222] {strides = array<i32>} : memref<128x128xf32, #tpu.memory_space<vmem>>, vector<1x16xf32>,
        %swap3A_1224 = vector.shape_cast %swap3A_1223 : vector<1x16xf32> to vector<16xf32>
        %swap3A_1225 = vector.shape_cast %mul3A_1220 : vector<16xf32> to vector<1x16xf32>
        tpu.vector_store %arg9[%swap3A_1221, %swap3A_1222], %swap3A_1225 {strides = array<i32>} : memref<128x128xf32, #tpu.memory_space<vmem>>, vector<1x16xf32>,
        %get3A_1226 = arith.index_cast %add3A_1215 : i32 to index
        %get3A_1227 = arith.constant 16 : index
        %get3A_1228 = tpu.vector_load %arg9[%get3A_1226, %get3A_1227] {strides = array<i32>} : memref<128x128xf32, #tpu.memory_space<vmem>>, vector<1x16xf32>,
        %get3A_1229 = vector.shape_cast %get3A_1228 : vector<1x16xf32> to vector<16xf32>
        %mul3A_1230 = arith.mulf %get3A_1229, %gather3A_1211 : vector<16xf32>
        %swap3A_1231 = arith.index_cast %add3A_1215 : i32 to index
        %swap3A_1232 = arith.constant 16 : index
        %swap3A_1233 = tpu.vector_load %arg9[%swap3A_1231, %swap3A_1232] {strides = array<i32>} : memref<128x128xf32, #tpu.memory_space<vmem>>, vector<1x16xf32>,
        %swap3A_1234 = vector.shape_cast %swap3A_1233 : vector<1x16xf32> to vector<16xf32>
        %swap3A_1235 = vector.shape_cast %mul3A_1230 : vector<16xf32> to vector<1x16xf32>
        tpu.vector_store %arg9[%swap3A_1231, %swap3A_1232], %swap3A_1235 {strides = array<i32>} : memref<128x128xf32, #tpu.memory_space<vmem>>, vector<1x16xf32>,
        %get3A_1236 = arith.index_cast %add3A_1215 : i32 to index
        %get3A_1237 = arith.constant 32 : index
        %get3A_1238 = tpu.vector_load %arg9[%get3A_1236, %get3A_1237] {strides = array<i32>} : memref<128x128xf32, #tpu.memory_space<vmem>>, vector<1x16xf32>,
        %get3A_1239 = vector.shape_cast %get3A_1238 : vector<1x16xf32> to vector<16xf32>
        %mul3A_1240 = arith.mulf %get3A_1239, %gather3A_1211 : vector<16xf32>
        %swap3A_1241 = arith.index_cast %add3A_1215 : i32 to index
        %swap3A_1242 = arith.constant 32 : index
        %swap3A_1243 = tpu.vector_load %arg9[%swap3A_1241, %swap3A_1242] {strides = array<i32>} : memref<128x128xf32, #tpu.memory_space<vmem>>, vector<1x16xf32>,
        %swap3A_1244 = vector.shape_cast %swap3A_1243 : vector<1x16xf32> to vector<16xf32>
        %swap3A_1245 = vector.shape_cast %mul3A_1240 : vector<16xf32> to vector<1x16xf32>
        tpu.vector_store %arg9[%swap3A_1241, %swap3A_1242], %swap3A_1245 {strides = array<i32>} : memref<128x128xf32, #tpu.memory_space<vmem>>, vector<1x16xf32>,
        %get3A_1246 = arith.index_cast %add3A_1215 : i32 to index
        %get3A_1247 = arith.constant 48 : index
        %get3A_1248 = tpu.vector_load %arg9[%get3A_1246, %get3A_1247] {strides = array<i32>} : memref<128x128xf32, #tpu.memory_space<vmem>>, vector<1x16xf32>,
        %get3A_1249 = vector.shape_cast %get3A_1248 : vector<1x16xf32> to vector<16xf32>
        %mul3A_1250 = arith.mulf %get3A_1249, %gather3A_1211 : vector<16xf32>
        %swap3A_1251 = arith.index_cast %add3A_1215 : i32 to index
        %swap3A_1252 = arith.constant 48 : index
        %swap3A_1253 = tpu.vector_load %arg9[%swap3A_1251, %swap3A_1252] {strides = array<i32>} : memref<128x128xf32, #tpu.memory_space<vmem>>, vector<1x16xf32>,
        %swap3A_1254 = vector.shape_cast %swap3A_1253 : vector<1x16xf32> to vector<16xf32>
        %swap3A_1255 = vector.shape_cast %mul3A_1250 : vector<16xf32> to vector<1x16xf32>
        tpu.vector_store %arg9[%swap3A_1251, %swap3A_1252], %swap3A_1255 {strides = array<i32>} : memref<128x128xf32, #tpu.memory_space<vmem>>, vector<1x16xf32>,
        %get3A_1256 = arith.index_cast %add3A_1215 : i32 to index
        %get3A_1257 = arith.constant 64 : index
        %get3A_1258 = tpu.vector_load %arg9[%get3A_1256, %get3A_1257] {strides = array<i32>} : memref<128x128xf32, #tpu.memory_space<vmem>>, vector<1x16xf32>,
        %get3A_1259 = vector.shape_cast %get3A_1258 : vector<1x16xf32> to vector<16xf32>
        %mul3A_1260 = arith.mulf %get3A_1259, %gather3A_1211 : vector<16xf32>
        %swap3A_1261 = arith.index_cast %add3A_1215 : i32 to index
        %swap3A_1262 = arith.constant 64 : index
        %swap3A_1263 = tpu.vector_load %arg9[%swap3A_1261, %swap3A_1262] {strides = array<i32>} : memref<128x128xf32, #tpu.memory_space<vmem>>, vector<1x16xf32>,
        %swap3A_1264 = vector.shape_cast %swap3A_1263 : vector<1x16xf32> to vector<16xf32>
        %swap3A_1265 = vector.shape_cast %mul3A_1260 : vector<16xf32> to vector<1x16xf32>
        tpu.vector_store %arg9[%swap3A_1261, %swap3A_1262], %swap3A_1265 {strides = array<i32>} : memref<128x128xf32, #tpu.memory_space<vmem>>, vector<1x16xf32>,
        %get3A_1266 = arith.index_cast %add3A_1215 : i32 to index
        %get3A_1267 = arith.constant 80 : index
        %get3A_1268 = tpu.vector_load %arg9[%get3A_1266, %get3A_1267] {strides = array<i32>} : memref<128x128xf32, #tpu.memory_space<vmem>>, vector<1x16xf32>,
        %get3A_1269 = vector.shape_cast %get3A_1268 : vector<1x16xf32> to vector<16xf32>
        %mul3A_1270 = arith.mulf %get3A_1269, %gather3A_1211 : vector<16xf32>
        %swap3A_1271 = arith.index_cast %add3A_1215 : i32 to index
        %swap3A_1272 = arith.constant 80 : index
        %swap3A_1273 = tpu.vector_load %arg9[%swap3A_1271, %swap3A_1272] {strides = array<i32>} : memref<128x128xf32, #tpu.memory_space<vmem>>, vector<1x16xf32>,
        %swap3A_1274 = vector.shape_cast %swap3A_1273 : vector<1x16xf32> to vector<16xf32>
        %swap3A_1275 = vector.shape_cast %mul3A_1270 : vector<16xf32> to vector<1x16xf32>
        tpu.vector_store %arg9[%swap3A_1271, %swap3A_1272], %swap3A_1275 {strides = array<i32>} : memref<128x128xf32, #tpu.memory_space<vmem>>, vector<1x16xf32>,
        %get3A_1276 = arith.index_cast %add3A_1215 : i32 to index
        %get3A_1277 = arith.constant 96 : index
        %get3A_1278 = tpu.vector_load %arg9[%get3A_1276, %get3A_1277] {strides = array<i32>} : memref<128x128xf32, #tpu.memory_space<vmem>>, vector<1x16xf32>,
        %get3A_1279 = vector.shape_cast %get3A_1278 : vector<1x16xf32> to vector<16xf32>
        %mul3A_1280 = arith.mulf %get3A_1279, %gather3A_1211 : vector<16xf32>
        %swap3A_1281 = arith.index_cast %add3A_1215 : i32 to index
        %swap3A_1282 = arith.constant 96 : index
        %swap3A_1283 = tpu.vector_load %arg9[%swap3A_1281, %swap3A_1282] {strides = array<i32>} : memref<128x128xf32, #tpu.memory_space<vmem>>, vector<1x16xf32>,
        %swap3A_1284 = vector.shape_cast %swap3A_1283 : vector<1x16xf32> to vector<16xf32>
        %swap3A_1285 = vector.shape_cast %mul3A_1280 : vector<16xf32> to vector<1x16xf32>
        tpu.vector_store %arg9[%swap3A_1281, %swap3A_1282], %swap3A_1285 {strides = array<i32>} : memref<128x128xf32, #tpu.memory_space<vmem>>, vector<1x16xf32>,
        %get3A_1286 = arith.index_cast %add3A_1215 : i32 to index
        %get3A_1287 = arith.constant 112 : index
        %get3A_1288 = tpu.vector_load %arg9[%get3A_1286, %get3A_1287] {strides = array<i32>} : memref<128x128xf32, #tpu.memory_space<vmem>>, vector<1x16xf32>,
        %get3A_1289 = vector.shape_cast %get3A_1288 : vector<1x16xf32> to vector<16xf32>
        %mul3A_1290 = arith.mulf %get3A_1289, %gather3A_1211 : vector<16xf32>
        %swap3A_1291 = arith.index_cast %add3A_1215 : i32 to index
        %swap3A_1292 = arith.constant 112 : index
        %swap3A_1293 = tpu.vector_load %arg9[%swap3A_1291, %swap3A_1292] {strides = array<i32>} : memref<128x128xf32, #tpu.memory_space<vmem>>, vector<1x16xf32>,
        %swap3A_1294 = vector.shape_cast %swap3A_1293 : vector<1x16xf32> to vector<16xf32>
        %swap3A_1295 = vector.shape_cast %mul3A_1290 : vector<16xf32> to vector<1x16xf32>
        tpu.vector_store %arg9[%swap3A_1291, %swap3A_1292], %swap3A_1295 {strides = array<i32>} : memref<128x128xf32, #tpu.memory_space<vmem>>, vector<1x16xf32>,
        %broadcast_in_dim3A_1296 = arith.constant 12 : i32
        %broadcast_in_dim3A_1297 = vector.broadcast %broadcast_in_dim3A_1296 : i32 to vector<16x1xi32>
        %gather3A_1298 = vector.shape_cast %broadcast_in_dim3A_1297 : vector<16x1xi32> to vector<16xi32>
        %gather3A_1299 = tpu.dynamic_gather %get3A_242[%gather3A_1298] in [0] : vector<16xf32>, vector<16xi32> -> vector<16xf32>
        %mul3A_1300 = arith.constant 16 : i32
        %mul3A_1301 = arith.muli %scan3A_238, %mul3A_1300 : i32
        %add3A_1302 = arith.constant 12 : i32
        %add3A_1303 = arith.addi %mul3A_1301, %add3A_1302 : i32
        %get3A_1304 = arith.index_cast %add3A_1303 : i32 to index
        %get3A_1305 = arith.constant 0 : index
        %get3A_1306 = tpu.vector_load %arg9[%get3A_1304, %get3A_1305] {strides = array<i32>} : memref<128x128xf32, #tpu.memory_space<vmem>>, vector<1x16xf32>,
        %get3A_1307 = vector.shape_cast %get3A_1306 : vector<1x16xf32> to vector<16xf32>
        %mul3A_1308 = arith.mulf %get3A_1307, %gather3A_1299 : vector<16xf32>
        %swap3A_1309 = arith.index_cast %add3A_1303 : i32 to index
        %swap3A_1310 = arith.constant 0 : index
        %swap3A_1311 = tpu.vector_load %arg9[%swap3A_1309, %swap3A_1310] {strides = array<i32>} : memref<128x128xf32, #tpu.memory_space<vmem>>, vector<1x16xf32>,
        %swap3A_1312 = vector.shape_cast %swap3A_1311 : vector<1x16xf32> to vector<16xf32>
        %swap3A_1313 = vector.shape_cast %mul3A_1308 : vector<16xf32> to vector<1x16xf32>
        tpu.vector_store %arg9[%swap3A_1309, %swap3A_1310], %swap3A_1313 {strides = array<i32>} : memref<128x128xf32, #tpu.memory_space<vmem>>, vector<1x16xf32>,
        %get3A_1314 = arith.index_cast %add3A_1303 : i32 to index
        %get3A_1315 = arith.constant 16 : index
        %get3A_1316 = tpu.vector_load %arg9[%get3A_1314, %get3A_1315] {strides = array<i32>} : memref<128x128xf32, #tpu.memory_space<vmem>>, vector<1x16xf32>,
        %get3A_1317 = vector.shape_cast %get3A_1316 : vector<1x16xf32> to vector<16xf32>
        %mul3A_1318 = arith.mulf %get3A_1317, %gather3A_1299 : vector<16xf32>
        %swap3A_1319 = arith.index_cast %add3A_1303 : i32 to index
        %swap3A_1320 = arith.constant 16 : index
        %swap3A_1321 = tpu.vector_load %arg9[%swap3A_1319, %swap3A_1320] {strides = array<i32>} : memref<128x128xf32, #tpu.memory_space<vmem>>, vector<1x16xf32>,
        %swap3A_1322 = vector.shape_cast %swap3A_1321 : vector<1x16xf32> to vector<16xf32>
        %swap3A_1323 = vector.shape_cast %mul3A_1318 : vector<16xf32> to vector<1x16xf32>
        tpu.vector_store %arg9[%swap3A_1319, %swap3A_1320], %swap3A_1323 {strides = array<i32>} : memref<128x128xf32, #tpu.memory_space<vmem>>, vector<1x16xf32>,
        %get3A_1324 = arith.index_cast %add3A_1303 : i32 to index
        %get3A_1325 = arith.constant 32 : index
        %get3A_1326 = tpu.vector_load %arg9[%get3A_1324, %get3A_1325] {strides = array<i32>} : memref<128x128xf32, #tpu.memory_space<vmem>>, vector<1x16xf32>,
        %get3A_1327 = vector.shape_cast %get3A_1326 : vector<1x16xf32> to vector<16xf32>
        %mul3A_1328 = arith.mulf %get3A_1327, %gather3A_1299 : vector<16xf32>
        %swap3A_1329 = arith.index_cast %add3A_1303 : i32 to index
        %swap3A_1330 = arith.constant 32 : index
        %swap3A_1331 = tpu.vector_load %arg9[%swap3A_1329, %swap3A_1330] {strides = array<i32>} : memref<128x128xf32, #tpu.memory_space<vmem>>, vector<1x16xf32>,
        %swap3A_1332 = vector.shape_cast %swap3A_1331 : vector<1x16xf32> to vector<16xf32>
        %swap3A_1333 = vector.shape_cast %mul3A_1328 : vector<16xf32> to vector<1x16xf32>
        tpu.vector_store %arg9[%swap3A_1329, %swap3A_1330], %swap3A_1333 {strides = array<i32>} : memref<128x128xf32, #tpu.memory_space<vmem>>, vector<1x16xf32>,
        %get3A_1334 = arith.index_cast %add3A_1303 : i32 to index
        %get3A_1335 = arith.constant 48 : index
        %get3A_1336 = tpu.vector_load %arg9[%get3A_1334, %get3A_1335] {strides = array<i32>} : memref<128x128xf32, #tpu.memory_space<vmem>>, vector<1x16xf32>,
        %get3A_1337 = vector.shape_cast %get3A_1336 : vector<1x16xf32> to vector<16xf32>
        %mul3A_1338 = arith.mulf %get3A_1337, %gather3A_1299 : vector<16xf32>
        %swap3A_1339 = arith.index_cast %add3A_1303 : i32 to index
        %swap3A_1340 = arith.constant 48 : index
        %swap3A_1341 = tpu.vector_load %arg9[%swap3A_1339, %swap3A_1340] {strides = array<i32>} : memref<128x128xf32, #tpu.memory_space<vmem>>, vector<1x16xf32>,
        %swap3A_1342 = vector.shape_cast %swap3A_1341 : vector<1x16xf32> to vector<16xf32>
        %swap3A_1343 = vector.shape_cast %mul3A_1338 : vector<16xf32> to vector<1x16xf32>
        tpu.vector_store %arg9[%swap3A_1339, %swap3A_1340], %swap3A_1343 {strides = array<i32>} : memref<128x128xf32, #tpu.memory_space<vmem>>, vector<1x16xf32>,
        %get3A_1344 = arith.index_cast %add3A_1303 : i32 to index
        %get3A_1345 = arith.constant 64 : index
        %get3A_1346 = tpu.vector_load %arg9[%get3A_1344, %get3A_1345] {strides = array<i32>} : memref<128x128xf32, #tpu.memory_space<vmem>>, vector<1x16xf32>,
        %get3A_1347 = vector.shape_cast %get3A_1346 : vector<1x16xf32> to vector<16xf32>
        %mul3A_1348 = arith.mulf %get3A_1347, %gather3A_1299 : vector<16xf32>
        %swap3A_1349 = arith.index_cast %add3A_1303 : i32 to index
        %swap3A_1350 = arith.constant 64 : index
        %swap3A_1351 = tpu.vector_load %arg9[%swap3A_1349, %swap3A_1350] {strides = array<i32>} : memref<128x128xf32, #tpu.memory_space<vmem>>, vector<1x16xf32>,
        %swap3A_1352 = vector.shape_cast %swap3A_1351 : vector<1x16xf32> to vector<16xf32>
        %swap3A_1353 = vector.shape_cast %mul3A_1348 : vector<16xf32> to vector<1x16xf32>
        tpu.vector_store %arg9[%swap3A_1349, %swap3A_1350], %swap3A_1353 {strides = array<i32>} : memref<128x128xf32, #tpu.memory_space<vmem>>, vector<1x16xf32>,
        %get3A_1354 = arith.index_cast %add3A_1303 : i32 to index
        %get3A_1355 = arith.constant 80 : index
        %get3A_1356 = tpu.vector_load %arg9[%get3A_1354, %get3A_1355] {strides = array<i32>} : memref<128x128xf32, #tpu.memory_space<vmem>>, vector<1x16xf32>,
        %get3A_1357 = vector.shape_cast %get3A_1356 : vector<1x16xf32> to vector<16xf32>
        %mul3A_1358 = arith.mulf %get3A_1357, %gather3A_1299 : vector<16xf32>
        %swap3A_1359 = arith.index_cast %add3A_1303 : i32 to index
        %swap3A_1360 = arith.constant 80 : index
        %swap3A_1361 = tpu.vector_load %arg9[%swap3A_1359, %swap3A_1360] {strides = array<i32>} : memref<128x128xf32, #tpu.memory_space<vmem>>, vector<1x16xf32>,
        %swap3A_1362 = vector.shape_cast %swap3A_1361 : vector<1x16xf32> to vector<16xf32>
        %swap3A_1363 = vector.shape_cast %mul3A_1358 : vector<16xf32> to vector<1x16xf32>
        tpu.vector_store %arg9[%swap3A_1359, %swap3A_1360], %swap3A_1363 {strides = array<i32>} : memref<128x128xf32, #tpu.memory_space<vmem>>, vector<1x16xf32>,
        %get3A_1364 = arith.index_cast %add3A_1303 : i32 to index
        %get3A_1365 = arith.constant 96 : index
        %get3A_1366 = tpu.vector_load %arg9[%get3A_1364, %get3A_1365] {strides = array<i32>} : memref<128x128xf32, #tpu.memory_space<vmem>>, vector<1x16xf32>,
        %get3A_1367 = vector.shape_cast %get3A_1366 : vector<1x16xf32> to vector<16xf32>
        %mul3A_1368 = arith.mulf %get3A_1367, %gather3A_1299 : vector<16xf32>
        %swap3A_1369 = arith.index_cast %add3A_1303 : i32 to index
        %swap3A_1370 = arith.constant 96 : index
        %swap3A_1371 = tpu.vector_load %arg9[%swap3A_1369, %swap3A_1370] {strides = array<i32>} : memref<128x128xf32, #tpu.memory_space<vmem>>, vector<1x16xf32>,
        %swap3A_1372 = vector.shape_cast %swap3A_1371 : vector<1x16xf32> to vector<16xf32>
        %swap3A_1373 = vector.shape_cast %mul3A_1368 : vector<16xf32> to vector<1x16xf32>
        tpu.vector_store %arg9[%swap3A_1369, %swap3A_1370], %swap3A_1373 {strides = array<i32>} : memref<128x128xf32, #tpu.memory_space<vmem>>, vector<1x16xf32>,
        %get3A_1374 = arith.index_cast %add3A_1303 : i32 to index
        %get3A_1375 = arith.constant 112 : index
        %get3A_1376 = tpu.vector_load %arg9[%get3A_1374, %get3A_1375] {strides = array<i32>} : memref<128x128xf32, #tpu.memory_space<vmem>>, vector<1x16xf32>,
        %get3A_1377 = vector.shape_cast %get3A_1376 : vector<1x16xf32> to vector<16xf32>
        %mul3A_1378 = arith.mulf %get3A_1377, %gather3A_1299 : vector<16xf32>
        %swap3A_1379 = arith.index_cast %add3A_1303 : i32 to index
        %swap3A_1380 = arith.constant 112 : index
        %swap3A_1381 = tpu.vector_load %arg9[%swap3A_1379, %swap3A_1380] {strides = array<i32>} : memref<128x128xf32, #tpu.memory_space<vmem>>, vector<1x16xf32>,
        %swap3A_1382 = vector.shape_cast %swap3A_1381 : vector<1x16xf32> to vector<16xf32>
        %swap3A_1383 = vector.shape_cast %mul3A_1378 : vector<16xf32> to vector<1x16xf32>
        tpu.vector_store %arg9[%swap3A_1379, %swap3A_1380], %swap3A_1383 {strides = array<i32>} : memref<128x128xf32, #tpu.memory_space<vmem>>, vector<1x16xf32>,
        %broadcast_in_dim3A_1384 = arith.constant 13 : i32
        %broadcast_in_dim3A_1385 = vector.broadcast %broadcast_in_dim3A_1384 : i32 to vector<16x1xi32>
        %gather3A_1386 = vector.shape_cast %broadcast_in_dim3A_1385 : vector<16x1xi32> to vector<16xi32>
        %gather3A_1387 = tpu.dynamic_gather %get3A_242[%gather3A_1386] in [0] : vector<16xf32>, vector<16xi32> -> vector<16xf32>
        %mul3A_1388 = arith.constant 16 : i32
        %mul3A_1389 = arith.muli %scan3A_238, %mul3A_1388 : i32
        %add3A_1390 = arith.constant 13 : i32
        %add3A_1391 = arith.addi %mul3A_1389, %add3A_1390 : i32
        %get3A_1392 = arith.index_cast %add3A_1391 : i32 to index
        %get3A_1393 = arith.constant 0 : index
        %get3A_1394 = tpu.vector_load %arg9[%get3A_1392, %get3A_1393] {strides = array<i32>} : memref<128x128xf32, #tpu.memory_space<vmem>>, vector<1x16xf32>,
        %get3A_1395 = vector.shape_cast %get3A_1394 : vector<1x16xf32> to vector<16xf32>
        %mul3A_1396 = arith.mulf %get3A_1395, %gather3A_1387 : vector<16xf32>
        %swap3A_1397 = arith.index_cast %add3A_1391 : i32 to index
        %swap3A_1398 = arith.constant 0 : index
        %swap3A_1399 = tpu.vector_load %arg9[%swap3A_1397, %swap3A_1398] {strides = array<i32>} : memref<128x128xf32, #tpu.memory_space<vmem>>, vector<1x16xf32>,
        %swap3A_1400 = vector.shape_cast %swap3A_1399 : vector<1x16xf32> to vector<16xf32>
        %swap3A_1401 = vector.shape_cast %mul3A_1396 : vector<16xf32> to vector<1x16xf32>
        tpu.vector_store %arg9[%swap3A_1397, %swap3A_1398], %swap3A_1401 {strides = array<i32>} : memref<128x128xf32, #tpu.memory_space<vmem>>, vector<1x16xf32>,
        %get3A_1402 = arith.index_cast %add3A_1391 : i32 to index
        %get3A_1403 = arith.constant 16 : index
        %get3A_1404 = tpu.vector_load %arg9[%get3A_1402, %get3A_1403] {strides = array<i32>} : memref<128x128xf32, #tpu.memory_space<vmem>>, vector<1x16xf32>,
        %get3A_1405 = vector.shape_cast %get3A_1404 : vector<1x16xf32> to vector<16xf32>
        %mul3A_1406 = arith.mulf %get3A_1405, %gather3A_1387 : vector<16xf32>
        %swap3A_1407 = arith.index_cast %add3A_1391 : i32 to index
        %swap3A_1408 = arith.constant 16 : index
        %swap3A_1409 = tpu.vector_load %arg9[%swap3A_1407, %swap3A_1408] {strides = array<i32>} : memref<128x128xf32, #tpu.memory_space<vmem>>, vector<1x16xf32>,
        %swap3A_1410 = vector.shape_cast %swap3A_1409 : vector<1x16xf32> to vector<16xf32>
        %swap3A_1411 = vector.shape_cast %mul3A_1406 : vector<16xf32> to vector<1x16xf32>
        tpu.vector_store %arg9[%swap3A_1407, %swap3A_1408], %swap3A_1411 {strides = array<i32>} : memref<128x128xf32, #tpu.memory_space<vmem>>, vector<1x16xf32>,
        %get3A_1412 = arith.index_cast %add3A_1391 : i32 to index
        %get3A_1413 = arith.constant 32 : index
        %get3A_1414 = tpu.vector_load %arg9[%get3A_1412, %get3A_1413] {strides = array<i32>} : memref<128x128xf32, #tpu.memory_space<vmem>>, vector<1x16xf32>,
        %get3A_1415 = vector.shape_cast %get3A_1414 : vector<1x16xf32> to vector<16xf32>
        %mul3A_1416 = arith.mulf %get3A_1415, %gather3A_1387 : vector<16xf32>
        %swap3A_1417 = arith.index_cast %add3A_1391 : i32 to index
        %swap3A_1418 = arith.constant 32 : index
        %swap3A_1419 = tpu.vector_load %arg9[%swap3A_1417, %swap3A_1418] {strides = array<i32>} : memref<128x128xf32, #tpu.memory_space<vmem>>, vector<1x16xf32>,
        %swap3A_1420 = vector.shape_cast %swap3A_1419 : vector<1x16xf32> to vector<16xf32>
        %swap3A_1421 = vector.shape_cast %mul3A_1416 : vector<16xf32> to vector<1x16xf32>
        tpu.vector_store %arg9[%swap3A_1417, %swap3A_1418], %swap3A_1421 {strides = array<i32>} : memref<128x128xf32, #tpu.memory_space<vmem>>, vector<1x16xf32>,
        %get3A_1422 = arith.index_cast %add3A_1391 : i32 to index
        %get3A_1423 = arith.constant 48 : index
        %get3A_1424 = tpu.vector_load %arg9[%get3A_1422, %get3A_1423] {strides = array<i32>} : memref<128x128xf32, #tpu.memory_space<vmem>>, vector<1x16xf32>,
        %get3A_1425 = vector.shape_cast %get3A_1424 : vector<1x16xf32> to vector<16xf32>
        %mul3A_1426 = arith.mulf %get3A_1425, %gather3A_1387 : vector<16xf32>
        %swap3A_1427 = arith.index_cast %add3A_1391 : i32 to index
        %swap3A_1428 = arith.constant 48 : index
        %swap3A_1429 = tpu.vector_load %arg9[%swap3A_1427, %swap3A_1428] {strides = array<i32>} : memref<128x128xf32, #tpu.memory_space<vmem>>, vector<1x16xf32>,
        %swap3A_1430 = vector.shape_cast %swap3A_1429 : vector<1x16xf32> to vector<16xf32>
        %swap3A_1431 = vector.shape_cast %mul3A_1426 : vector<16xf32> to vector<1x16xf32>
        tpu.vector_store %arg9[%swap3A_1427, %swap3A_1428], %swap3A_1431 {strides = array<i32>} : memref<128x128xf32, #tpu.memory_space<vmem>>, vector<1x16xf32>,
        %get3A_1432 = arith.index_cast %add3A_1391 : i32 to index
        %get3A_1433 = arith.constant 64 : index
        %get3A_1434 = tpu.vector_load %arg9[%get3A_1432, %get3A_1433] {strides = array<i32>} : memref<128x128xf32, #tpu.memory_space<vmem>>, vector<1x16xf32>,
        %get3A_1435 = vector.shape_cast %get3A_1434 : vector<1x16xf32> to vector<16xf32>
        %mul3A_1436 = arith.mulf %get3A_1435, %gather3A_1387 : vector<16xf32>
        %swap3A_1437 = arith.index_cast %add3A_1391 : i32 to index
        %swap3A_1438 = arith.constant 64 : index
        %swap3A_1439 = tpu.vector_load %arg9[%swap3A_1437, %swap3A_1438] {strides = array<i32>} : memref<128x128xf32, #tpu.memory_space<vmem>>, vector<1x16xf32>,
        %swap3A_1440 = vector.shape_cast %swap3A_1439 : vector<1x16xf32> to vector<16xf32>
        %swap3A_1441 = vector.shape_cast %mul3A_1436 : vector<16xf32> to vector<1x16xf32>
        tpu.vector_store %arg9[%swap3A_1437, %swap3A_1438], %swap3A_1441 {strides = array<i32>} : memref<128x128xf32, #tpu.memory_space<vmem>>, vector<1x16xf32>,
        %get3A_1442 = arith.index_cast %add3A_1391 : i32 to index
        %get3A_1443 = arith.constant 80 : index
        %get3A_1444 = tpu.vector_load %arg9[%get3A_1442, %get3A_1443] {strides = array<i32>} : memref<128x128xf32, #tpu.memory_space<vmem>>, vector<1x16xf32>,
        %get3A_1445 = vector.shape_cast %get3A_1444 : vector<1x16xf32> to vector<16xf32>
        %mul3A_1446 = arith.mulf %get3A_1445, %gather3A_1387 : vector<16xf32>
        %swap3A_1447 = arith.index_cast %add3A_1391 : i32 to index
        %swap3A_1448 = arith.constant 80 : index
        %swap3A_1449 = tpu.vector_load %arg9[%swap3A_1447, %swap3A_1448] {strides = array<i32>} : memref<128x128xf32, #tpu.memory_space<vmem>>, vector<1x16xf32>,
        %swap3A_1450 = vector.shape_cast %swap3A_1449 : vector<1x16xf32> to vector<16xf32>
        %swap3A_1451 = vector.shape_cast %mul3A_1446 : vector<16xf32> to vector<1x16xf32>
        tpu.vector_store %arg9[%swap3A_1447, %swap3A_1448], %swap3A_1451 {strides = array<i32>} : memref<128x128xf32, #tpu.memory_space<vmem>>, vector<1x16xf32>,
        %get3A_1452 = arith.index_cast %add3A_1391 : i32 to index
        %get3A_1453 = arith.constant 96 : index
        %get3A_1454 = tpu.vector_load %arg9[%get3A_1452, %get3A_1453] {strides = array<i32>} : memref<128x128xf32, #tpu.memory_space<vmem>>, vector<1x16xf32>,
        %get3A_1455 = vector.shape_cast %get3A_1454 : vector<1x16xf32> to vector<16xf32>
        %mul3A_1456 = arith.mulf %get3A_1455, %gather3A_1387 : vector<16xf32>
        %swap3A_1457 = arith.index_cast %add3A_1391 : i32 to index
        %swap3A_1458 = arith.constant 96 : index
        %swap3A_1459 = tpu.vector_load %arg9[%swap3A_1457, %swap3A_1458] {strides = array<i32>} : memref<128x128xf32, #tpu.memory_space<vmem>>, vector<1x16xf32>,
        %swap3A_1460 = vector.shape_cast %swap3A_1459 : vector<1x16xf32> to vector<16xf32>
        %swap3A_1461 = vector.shape_cast %mul3A_1456 : vector<16xf32> to vector<1x16xf32>
        tpu.vector_store %arg9[%swap3A_1457, %swap3A_1458], %swap3A_1461 {strides = array<i32>} : memref<128x128xf32, #tpu.memory_space<vmem>>, vector<1x16xf32>,
        %get3A_1462 = arith.index_cast %add3A_1391 : i32 to index
        %get3A_1463 = arith.constant 112 : index
        %get3A_1464 = tpu.vector_load %arg9[%get3A_1462, %get3A_1463] {strides = array<i32>} : memref<128x128xf32, #tpu.memory_space<vmem>>, vector<1x16xf32>,
        %get3A_1465 = vector.shape_cast %get3A_1464 : vector<1x16xf32> to vector<16xf32>
        %mul3A_1466 = arith.mulf %get3A_1465, %gather3A_1387 : vector<16xf32>
        %swap3A_1467 = arith.index_cast %add3A_1391 : i32 to index
        %swap3A_1468 = arith.constant 112 : index
        %swap3A_1469 = tpu.vector_load %arg9[%swap3A_1467, %swap3A_1468] {strides = array<i32>} : memref<128x128xf32, #tpu.memory_space<vmem>>, vector<1x16xf32>,
        %swap3A_1470 = vector.shape_cast %swap3A_1469 : vector<1x16xf32> to vector<16xf32>
        %swap3A_1471 = vector.shape_cast %mul3A_1466 : vector<16xf32> to vector<1x16xf32>
        tpu.vector_store %arg9[%swap3A_1467, %swap3A_1468], %swap3A_1471 {strides = array<i32>} : memref<128x128xf32, #tpu.memory_space<vmem>>, vector<1x16xf32>,
        %broadcast_in_dim3A_1472 = arith.constant 14 : i32
        %broadcast_in_dim3A_1473 = vector.broadcast %broadcast_in_dim3A_1472 : i32 to vector<16x1xi32>
        %gather3A_1474 = vector.shape_cast %broadcast_in_dim3A_1473 : vector<16x1xi32> to vector<16xi32>
        %gather3A_1475 = tpu.dynamic_gather %get3A_242[%gather3A_1474] in [0] : vector<16xf32>, vector<16xi32> -> vector<16xf32>
        %mul3A_1476 = arith.constant 16 : i32
        %mul3A_1477 = arith.muli %scan3A_238, %mul3A_1476 : i32
        %add3A_1478 = arith.constant 14 : i32
        %add3A_1479 = arith.addi %mul3A_1477, %add3A_1478 : i32
        %get3A_1480 = arith.index_cast %add3A_1479 : i32 to index
        %get3A_1481 = arith.constant 0 : index
        %get3A_1482 = tpu.vector_load %arg9[%get3A_1480, %get3A_1481] {strides = array<i32>} : memref<128x128xf32, #tpu.memory_space<vmem>>, vector<1x16xf32>,
        %get3A_1483 = vector.shape_cast %get3A_1482 : vector<1x16xf32> to vector<16xf32>
        %mul3A_1484 = arith.mulf %get3A_1483, %gather3A_1475 : vector<16xf32>
        %swap3A_1485 = arith.index_cast %add3A_1479 : i32 to index
        %swap3A_1486 = arith.constant 0 : index
        %swap3A_1487 = tpu.vector_load %arg9[%swap3A_1485, %swap3A_1486] {strides = array<i32>} : memref<128x128xf32, #tpu.memory_space<vmem>>, vector<1x16xf32>,
        %swap3A_1488 = vector.shape_cast %swap3A_1487 : vector<1x16xf32> to vector<16xf32>
        %swap3A_1489 = vector.shape_cast %mul3A_1484 : vector<16xf32> to vector<1x16xf32>
        tpu.vector_store %arg9[%swap3A_1485, %swap3A_1486], %swap3A_1489 {strides = array<i32>} : memref<128x128xf32, #tpu.memory_space<vmem>>, vector<1x16xf32>,
        %get3A_1490 = arith.index_cast %add3A_1479 : i32 to index
        %get3A_1491 = arith.constant 16 : index
        %get3A_1492 = tpu.vector_load %arg9[%get3A_1490, %get3A_1491] {strides = array<i32>} : memref<128x128xf32, #tpu.memory_space<vmem>>, vector<1x16xf32>,
        %get3A_1493 = vector.shape_cast %get3A_1492 : vector<1x16xf32> to vector<16xf32>
        %mul3A_1494 = arith.mulf %get3A_1493, %gather3A_1475 : vector<16xf32>
        %swap3A_1495 = arith.index_cast %add3A_1479 : i32 to index
        %swap3A_1496 = arith.constant 16 : index
        %swap3A_1497 = tpu.vector_load %arg9[%swap3A_1495, %swap3A_1496] {strides = array<i32>} : memref<128x128xf32, #tpu.memory_space<vmem>>, vector<1x16xf32>,
        %swap3A_1498 = vector.shape_cast %swap3A_1497 : vector<1x16xf32> to vector<16xf32>
        %swap3A_1499 = vector.shape_cast %mul3A_1494 : vector<16xf32> to vector<1x16xf32>
        tpu.vector_store %arg9[%swap3A_1495, %swap3A_1496], %swap3A_1499 {strides = array<i32>} : memref<128x128xf32, #tpu.memory_space<vmem>>, vector<1x16xf32>,
        %get3A_1500 = arith.index_cast %add3A_1479 : i32 to index
        %get3A_1501 = arith.constant 32 : index
        %get3A_1502 = tpu.vector_load %arg9[%get3A_1500, %get3A_1501] {strides = array<i32>} : memref<128x128xf32, #tpu.memory_space<vmem>>, vector<1x16xf32>,
        %get3A_1503 = vector.shape_cast %get3A_1502 : vector<1x16xf32> to vector<16xf32>
        %mul3A_1504 = arith.mulf %get3A_1503, %gather3A_1475 : vector<16xf32>
        %swap3A_1505 = arith.index_cast %add3A_1479 : i32 to index
        %swap3A_1506 = arith.constant 32 : index
        %swap3A_1507 = tpu.vector_load %arg9[%swap3A_1505, %swap3A_1506] {strides = array<i32>} : memref<128x128xf32, #tpu.memory_space<vmem>>, vector<1x16xf32>,
        %swap3A_1508 = vector.shape_cast %swap3A_1507 : vector<1x16xf32> to vector<16xf32>
        %swap3A_1509 = vector.shape_cast %mul3A_1504 : vector<16xf32> to vector<1x16xf32>
        tpu.vector_store %arg9[%swap3A_1505, %swap3A_1506], %swap3A_1509 {strides = array<i32>} : memref<128x128xf32, #tpu.memory_space<vmem>>, vector<1x16xf32>,
        %get3A_1510 = arith.index_cast %add3A_1479 : i32 to index
        %get3A_1511 = arith.constant 48 : index
        %get3A_1512 = tpu.vector_load %arg9[%get3A_1510, %get3A_1511] {strides = array<i32>} : memref<128x128xf32, #tpu.memory_space<vmem>>, vector<1x16xf32>,
        %get3A_1513 = vector.shape_cast %get3A_1512 : vector<1x16xf32> to vector<16xf32>
        %mul3A_1514 = arith.mulf %get3A_1513, %gather3A_1475 : vector<16xf32>
        %swap3A_1515 = arith.index_cast %add3A_1479 : i32 to index
        %swap3A_1516 = arith.constant 48 : index
        %swap3A_1517 = tpu.vector_load %arg9[%swap3A_1515, %swap3A_1516] {strides = array<i32>} : memref<128x128xf32, #tpu.memory_space<vmem>>, vector<1x16xf32>,
        %swap3A_1518 = vector.shape_cast %swap3A_1517 : vector<1x16xf32> to vector<16xf32>
        %swap3A_1519 = vector.shape_cast %mul3A_1514 : vector<16xf32> to vector<1x16xf32>
        tpu.vector_store %arg9[%swap3A_1515, %swap3A_1516], %swap3A_1519 {strides = array<i32>} : memref<128x128xf32, #tpu.memory_space<vmem>>, vector<1x16xf32>,
        %get3A_1520 = arith.index_cast %add3A_1479 : i32 to index
        %get3A_1521 = arith.constant 64 : index
        %get3A_1522 = tpu.vector_load %arg9[%get3A_1520, %get3A_1521] {strides = array<i32>} : memref<128x128xf32, #tpu.memory_space<vmem>>, vector<1x16xf32>,
        %get3A_1523 = vector.shape_cast %get3A_1522 : vector<1x16xf32> to vector<16xf32>
        %mul3A_1524 = arith.mulf %get3A_1523, %gather3A_1475 : vector<16xf32>
        %swap3A_1525 = arith.index_cast %add3A_1479 : i32 to index
        %swap3A_1526 = arith.constant 64 : index
        %swap3A_1527 = tpu.vector_load %arg9[%swap3A_1525, %swap3A_1526] {strides = array<i32>} : memref<128x128xf32, #tpu.memory_space<vmem>>, vector<1x16xf32>,
        %swap3A_1528 = vector.shape_cast %swap3A_1527 : vector<1x16xf32> to vector<16xf32>
        %swap3A_1529 = vector.shape_cast %mul3A_1524 : vector<16xf32> to vector<1x16xf32>
        tpu.vector_store %arg9[%swap3A_1525, %swap3A_1526], %swap3A_1529 {strides = array<i32>} : memref<128x128xf32, #tpu.memory_space<vmem>>, vector<1x16xf32>,
        %get3A_1530 = arith.index_cast %add3A_1479 : i32 to index
        %get3A_1531 = arith.constant 80 : index
        %get3A_1532 = tpu.vector_load %arg9[%get3A_1530, %get3A_1531] {strides = array<i32>} : memref<128x128xf32, #tpu.memory_space<vmem>>, vector<1x16xf32>,
        %get3A_1533 = vector.shape_cast %get3A_1532 : vector<1x16xf32> to vector<16xf32>
        %mul3A_1534 = arith.mulf %get3A_1533, %gather3A_1475 : vector<16xf32>
        %swap3A_1535 = arith.index_cast %add3A_1479 : i32 to index
        %swap3A_1536 = arith.constant 80 : index
        %swap3A_1537 = tpu.vector_load %arg9[%swap3A_1535, %swap3A_1536] {strides = array<i32>} : memref<128x128xf32, #tpu.memory_space<vmem>>, vector<1x16xf32>,
        %swap3A_1538 = vector.shape_cast %swap3A_1537 : vector<1x16xf32> to vector<16xf32>
        %swap3A_1539 = vector.shape_cast %mul3A_1534 : vector<16xf32> to vector<1x16xf32>
        tpu.vector_store %arg9[%swap3A_1535, %swap3A_1536], %swap3A_1539 {strides = array<i32>} : memref<128x128xf32, #tpu.memory_space<vmem>>, vector<1x16xf32>,
        %get3A_1540 = arith.index_cast %add3A_1479 : i32 to index
        %get3A_1541 = arith.constant 96 : index
        %get3A_1542 = tpu.vector_load %arg9[%get3A_1540, %get3A_1541] {strides = array<i32>} : memref<128x128xf32, #tpu.memory_space<vmem>>, vector<1x16xf32>,
        %get3A_1543 = vector.shape_cast %get3A_1542 : vector<1x16xf32> to vector<16xf32>
        %mul3A_1544 = arith.mulf %get3A_1543, %gather3A_1475 : vector<16xf32>
        %swap3A_1545 = arith.index_cast %add3A_1479 : i32 to index
        %swap3A_1546 = arith.constant 96 : index
        %swap3A_1547 = tpu.vector_load %arg9[%swap3A_1545, %swap3A_1546] {strides = array<i32>} : memref<128x128xf32, #tpu.memory_space<vmem>>, vector<1x16xf32>,
        %swap3A_1548 = vector.shape_cast %swap3A_1547 : vector<1x16xf32> to vector<16xf32>
        %swap3A_1549 = vector.shape_cast %mul3A_1544 : vector<16xf32> to vector<1x16xf32>
        tpu.vector_store %arg9[%swap3A_1545, %swap3A_1546], %swap3A_1549 {strides = array<i32>} : memref<128x128xf32, #tpu.memory_space<vmem>>, vector<1x16xf32>,
        %get3A_1550 = arith.index_cast %add3A_1479 : i32 to index
        %get3A_1551 = arith.constant 112 : index
        %get3A_1552 = tpu.vector_load %arg9[%get3A_1550, %get3A_1551] {strides = array<i32>} : memref<128x128xf32, #tpu.memory_space<vmem>>, vector<1x16xf32>,
        %get3A_1553 = vector.shape_cast %get3A_1552 : vector<1x16xf32> to vector<16xf32>
        %mul3A_1554 = arith.mulf %get3A_1553, %gather3A_1475 : vector<16xf32>
        %swap3A_1555 = arith.index_cast %add3A_1479 : i32 to index
        %swap3A_1556 = arith.constant 112 : index
        %swap3A_1557 = tpu.vector_load %arg9[%swap3A_1555, %swap3A_1556] {strides = array<i32>} : memref<128x128xf32, #tpu.memory_space<vmem>>, vector<1x16xf32>,
        %swap3A_1558 = vector.shape_cast %swap3A_1557 : vector<1x16xf32> to vector<16xf32>
        %swap3A_1559 = vector.shape_cast %mul3A_1554 : vector<16xf32> to vector<1x16xf32>
        tpu.vector_store %arg9[%swap3A_1555, %swap3A_1556], %swap3A_1559 {strides = array<i32>} : memref<128x128xf32, #tpu.memory_space<vmem>>, vector<1x16xf32>,
        %broadcast_in_dim3A_1560 = arith.constant 15 : i32
        %broadcast_in_dim3A_1561 = vector.broadcast %broadcast_in_dim3A_1560 : i32 to vector<16x1xi32>
        %gather3A_1562 = vector.shape_cast %broadcast_in_dim3A_1561 : vector<16x1xi32> to vector<16xi32>
        %gather3A_1563 = tpu.dynamic_gather %get3A_242[%gather3A_1562] in [0] : vector<16xf32>, vector<16xi32> -> vector<16xf32>
        %mul3A_1564 = arith.constant 16 : i32
        %mul3A_1565 = arith.muli %scan3A_238, %mul3A_1564 : i32
        %add3A_1566 = arith.constant 15 : i32
        %add3A_1567 = arith.addi %mul3A_1565, %add3A_1566 : i32
        %get3A_1568 = arith.index_cast %add3A_1567 : i32 to index
        %get3A_1569 = arith.constant 0 : index
        %get3A_1570 = tpu.vector_load %arg9[%get3A_1568, %get3A_1569] {strides = array<i32>} : memref<128x128xf32, #tpu.memory_space<vmem>>, vector<1x16xf32>,
        %get3A_1571 = vector.shape_cast %get3A_1570 : vector<1x16xf32> to vector<16xf32>
        %mul3A_1572 = arith.mulf %get3A_1571, %gather3A_1563 : vector<16xf32>
        %swap3A_1573 = arith.index_cast %add3A_1567 : i32 to index
        %swap3A_1574 = arith.constant 0 : index
        %swap3A_1575 = tpu.vector_load %arg9[%swap3A_1573, %swap3A_1574] {strides = array<i32>} : memref<128x128xf32, #tpu.memory_space<vmem>>, vector<1x16xf32>,
        %swap3A_1576 = vector.shape_cast %swap3A_1575 : vector<1x16xf32> to vector<16xf32>
        %swap3A_1577 = vector.shape_cast %mul3A_1572 : vector<16xf32> to vector<1x16xf32>
        tpu.vector_store %arg9[%swap3A_1573, %swap3A_1574], %swap3A_1577 {strides = array<i32>} : memref<128x128xf32, #tpu.memory_space<vmem>>, vector<1x16xf32>,
        %get3A_1578 = arith.index_cast %add3A_1567 : i32 to index
        %get3A_1579 = arith.constant 16 : index
        %get3A_1580 = tpu.vector_load %arg9[%get3A_1578, %get3A_1579] {strides = array<i32>} : memref<128x128xf32, #tpu.memory_space<vmem>>, vector<1x16xf32>,
        %get3A_1581 = vector.shape_cast %get3A_1580 : vector<1x16xf32> to vector<16xf32>
        %mul3A_1582 = arith.mulf %get3A_1581, %gather3A_1563 : vector<16xf32>
        %swap3A_1583 = arith.index_cast %add3A_1567 : i32 to index
        %swap3A_1584 = arith.constant 16 : index
        %swap3A_1585 = tpu.vector_load %arg9[%swap3A_1583, %swap3A_1584] {strides = array<i32>} : memref<128x128xf32, #tpu.memory_space<vmem>>, vector<1x16xf32>,
        %swap3A_1586 = vector.shape_cast %swap3A_1585 : vector<1x16xf32> to vector<16xf32>
        %swap3A_1587 = vector.shape_cast %mul3A_1582 : vector<16xf32> to vector<1x16xf32>
        tpu.vector_store %arg9[%swap3A_1583, %swap3A_1584], %swap3A_1587 {strides = array<i32>} : memref<128x128xf32, #tpu.memory_space<vmem>>, vector<1x16xf32>,
        %get3A_1588 = arith.index_cast %add3A_1567 : i32 to index
        %get3A_1589 = arith.constant 32 : index
        %get3A_1590 = tpu.vector_load %arg9[%get3A_1588, %get3A_1589] {strides = array<i32>} : memref<128x128xf32, #tpu.memory_space<vmem>>, vector<1x16xf32>,
        %get3A_1591 = vector.shape_cast %get3A_1590 : vector<1x16xf32> to vector<16xf32>
        %mul3A_1592 = arith.mulf %get3A_1591, %gather3A_1563 : vector<16xf32>
        %swap3A_1593 = arith.index_cast %add3A_1567 : i32 to index
        %swap3A_1594 = arith.constant 32 : index
        %swap3A_1595 = tpu.vector_load %arg9[%swap3A_1593, %swap3A_1594] {strides = array<i32>} : memref<128x128xf32, #tpu.memory_space<vmem>>, vector<1x16xf32>,
        %swap3A_1596 = vector.shape_cast %swap3A_1595 : vector<1x16xf32> to vector<16xf32>
        %swap3A_1597 = vector.shape_cast %mul3A_1592 : vector<16xf32> to vector<1x16xf32>
        tpu.vector_store %arg9[%swap3A_1593, %swap3A_1594], %swap3A_1597 {strides = array<i32>} : memref<128x128xf32, #tpu.memory_space<vmem>>, vector<1x16xf32>,
        %get3A_1598 = arith.index_cast %add3A_1567 : i32 to index
        %get3A_1599 = arith.constant 48 : index
        %get3A_1600 = tpu.vector_load %arg9[%get3A_1598, %get3A_1599] {strides = array<i32>} : memref<128x128xf32, #tpu.memory_space<vmem>>, vector<1x16xf32>,
        %get3A_1601 = vector.shape_cast %get3A_1600 : vector<1x16xf32> to vector<16xf32>
        %mul3A_1602 = arith.mulf %get3A_1601, %gather3A_1563 : vector<16xf32>
        %swap3A_1603 = arith.index_cast %add3A_1567 : i32 to index
        %swap3A_1604 = arith.constant 48 : index
        %swap3A_1605 = tpu.vector_load %arg9[%swap3A_1603, %swap3A_1604] {strides = array<i32>} : memref<128x128xf32, #tpu.memory_space<vmem>>, vector<1x16xf32>,
        %swap3A_1606 = vector.shape_cast %swap3A_1605 : vector<1x16xf32> to vector<16xf32>
        %swap3A_1607 = vector.shape_cast %mul3A_1602 : vector<16xf32> to vector<1x16xf32>
        tpu.vector_store %arg9[%swap3A_1603, %swap3A_1604], %swap3A_1607 {strides = array<i32>} : memref<128x128xf32, #tpu.memory_space<vmem>>, vector<1x16xf32>,
        %get3A_1608 = arith.index_cast %add3A_1567 : i32 to index
        %get3A_1609 = arith.constant 64 : index
        %get3A_1610 = tpu.vector_load %arg9[%get3A_1608, %get3A_1609] {strides = array<i32>} : memref<128x128xf32, #tpu.memory_space<vmem>>, vector<1x16xf32>,
        %get3A_1611 = vector.shape_cast %get3A_1610 : vector<1x16xf32> to vector<16xf32>
        %mul3A_1612 = arith.mulf %get3A_1611, %gather3A_1563 : vector<16xf32>
        %swap3A_1613 = arith.index_cast %add3A_1567 : i32 to index
        %swap3A_1614 = arith.constant 64 : index
        %swap3A_1615 = tpu.vector_load %arg9[%swap3A_1613, %swap3A_1614] {strides = array<i32>} : memref<128x128xf32, #tpu.memory_space<vmem>>, vector<1x16xf32>,
        %swap3A_1616 = vector.shape_cast %swap3A_1615 : vector<1x16xf32> to vector<16xf32>
        %swap3A_1617 = vector.shape_cast %mul3A_1612 : vector<16xf32> to vector<1x16xf32>
        tpu.vector_store %arg9[%swap3A_1613, %swap3A_1614], %swap3A_1617 {strides = array<i32>} : memref<128x128xf32, #tpu.memory_space<vmem>>, vector<1x16xf32>,
        %get3A_1618 = arith.index_cast %add3A_1567 : i32 to index
        %get3A_1619 = arith.constant 80 : index
        %get3A_1620 = tpu.vector_load %arg9[%get3A_1618, %get3A_1619] {strides = array<i32>} : memref<128x128xf32, #tpu.memory_space<vmem>>, vector<1x16xf32>,
        %get3A_1621 = vector.shape_cast %get3A_1620 : vector<1x16xf32> to vector<16xf32>
        %mul3A_1622 = arith.mulf %get3A_1621, %gather3A_1563 : vector<16xf32>
        %swap3A_1623 = arith.index_cast %add3A_1567 : i32 to index
        %swap3A_1624 = arith.constant 80 : index
        %swap3A_1625 = tpu.vector_load %arg9[%swap3A_1623, %swap3A_1624] {strides = array<i32>} : memref<128x128xf32, #tpu.memory_space<vmem>>, vector<1x16xf32>,
        %swap3A_1626 = vector.shape_cast %swap3A_1625 : vector<1x16xf32> to vector<16xf32>
        %swap3A_1627 = vector.shape_cast %mul3A_1622 : vector<16xf32> to vector<1x16xf32>
        tpu.vector_store %arg9[%swap3A_1623, %swap3A_1624], %swap3A_1627 {strides = array<i32>} : memref<128x128xf32, #tpu.memory_space<vmem>>, vector<1x16xf32>,
        %get3A_1628 = arith.index_cast %add3A_1567 : i32 to index
        %get3A_1629 = arith.constant 96 : index
        %get3A_1630 = tpu.vector_load %arg9[%get3A_1628, %get3A_1629] {strides = array<i32>} : memref<128x128xf32, #tpu.memory_space<vmem>>, vector<1x16xf32>,
        %get3A_1631 = vector.shape_cast %get3A_1630 : vector<1x16xf32> to vector<16xf32>
        %mul3A_1632 = arith.mulf %get3A_1631, %gather3A_1563 : vector<16xf32>
        %swap3A_1633 = arith.index_cast %add3A_1567 : i32 to index
        %swap3A_1634 = arith.constant 96 : index
        %swap3A_1635 = tpu.vector_load %arg9[%swap3A_1633, %swap3A_1634] {strides = array<i32>} : memref<128x128xf32, #tpu.memory_space<vmem>>, vector<1x16xf32>,
        %swap3A_1636 = vector.shape_cast %swap3A_1635 : vector<1x16xf32> to vector<16xf32>
        %swap3A_1637 = vector.shape_cast %mul3A_1632 : vector<16xf32> to vector<1x16xf32>
        tpu.vector_store %arg9[%swap3A_1633, %swap3A_1634], %swap3A_1637 {strides = array<i32>} : memref<128x128xf32, #tpu.memory_space<vmem>>, vector<1x16xf32>,
        %get3A_1638 = arith.index_cast %add3A_1567 : i32 to index
        %get3A_1639 = arith.constant 112 : index
        %get3A_1640 = tpu.vector_load %arg9[%get3A_1638, %get3A_1639] {strides = array<i32>} : memref<128x128xf32, #tpu.memory_space<vmem>>, vector<1x16xf32>,
        %get3A_1641 = vector.shape_cast %get3A_1640 : vector<1x16xf32> to vector<16xf32>
        %mul3A_1642 = arith.mulf %get3A_1641, %gather3A_1563 : vector<16xf32>
        %swap3A_1643 = arith.index_cast %add3A_1567 : i32 to index
        %swap3A_1644 = arith.constant 112 : index
        %swap3A_1645 = tpu.vector_load %arg9[%swap3A_1643, %swap3A_1644] {strides = array<i32>} : memref<128x128xf32, #tpu.memory_space<vmem>>, vector<1x16xf32>,
        %swap3A_1646 = vector.shape_cast %swap3A_1645 : vector<1x16xf32> to vector<16xf32>
        %swap3A_1647 = vector.shape_cast %mul3A_1642 : vector<16xf32> to vector<1x16xf32>
        tpu.vector_store %arg9[%swap3A_1643, %swap3A_1644], %swap3A_1647 {strides = array<i32>} : memref<128x128xf32, #tpu.memory_space<vmem>>, vector<1x16xf32>,
      }
      %scan3A_135 = arith.constant 8 : i32
      %gt3A = arith.constant 0 : i32
      %gt3A_136 = arith.cmpi sgt, %scan3A_124, %gt3A : i32
      %convert_element_type3A = arith.extui %gt3A_136 : i1 to i32
      %cond3A = arith.constant 0 : i32
      %cond3A_137 = arith.cmpi ne, %convert_element_type3A, %cond3A : i32
      scf.if %cond3A_137 {
        %dma_wait3A_238 = arith.constant 0 : i32
        %dma_wait3A_239 = arith.constant 0 : i32
        %dma_wait3A_240 = tpu.memref_slice %arg8[%dma_wait3A_238, %dma_wait3A_239] : memref<10008x128xf32, #tpu.memory_space<vmem_shared>> -> memref<10008x128xf32, #tpu.memory_space<vmem_shared>>
        tpu.wait_indirect_dma semaphore(%arg24 : memref<!tpu.dma_semaphore, #tpu.memory_space<semaphore_mem>>) src(%arg10 : memref<128x128xf32, #tpu.memory_space<vmem>>) dst(%dma_wait3A_240 : memref<10008x128xf32, #tpu.memory_space<vmem_shared>>)
      } else {
      }
      %add3A_138 = arith.constant 1 : i32
      %add3A_139 = arith.addi %mul3A_126, %add3A_138 : i32
      %mul3A_140 = arith.constant 16 : i32
      %mul3A_141 = arith.muli %add3A_139, %mul3A_140 : i32
      %add3A_142 = arith.addi %mul3A_141, %arg1 : i32
      %mul3A_143 = arith.constant 128 : i32
      %mul3A_144 = arith.muli %add3A_142, %mul3A_143 : i32
      %dma_start3A_145 = tpu.memref_slice %arg3[%arg0, %mul3A_144] : memref<2x325632xi32, #tpu.memory_space<hbm>> -> memref<1x128xi32, #tpu.memory_space<hbm>>
      %dma_start3A_146 = tpu.memref_squeeze %dma_start3A_145 : memref<1x128xi32, #tpu.memory_space<hbm>> -> memref<128xi32, #tpu.memory_space<hbm>>
      %dma_start3A_147 = tpu.memref_slice %arg3[%arg0, %mul3A_144] : memref<2x325632xi32, #tpu.memory_space<hbm>> -> memref<1x128xi32, #tpu.memory_space<hbm>>
      %dma_start3A_148 = tpu.memref_squeeze %dma_start3A_147 : memref<1x128xi32, #tpu.memory_space<hbm>> -> memref<128xi32, #tpu.memory_space<hbm>>
      tpu.enqueue_dma source(%dma_start3A_148 : memref<128xi32, #tpu.memory_space<hbm>>) target(%arg12 : memref<128xi32, #tpu.memory_space<vmem>>) target_semaphore(%arg20 : memref<!tpu.dma_semaphore, #tpu.memory_space<semaphore_mem>>)
      %dma_start3A_149 = tpu.memref_slice %arg4[%arg0, %mul3A_144] : memref<2x325632xi32, #tpu.memory_space<hbm>> -> memref<1x128xi32, #tpu.memory_space<hbm>>
      %dma_start3A_150 = tpu.memref_squeeze %dma_start3A_149 : memref<1x128xi32, #tpu.memory_space<hbm>> -> memref<128xi32, #tpu.memory_space<hbm>>
      %dma_start3A_151 = tpu.memref_slice %arg4[%arg0, %mul3A_144] : memref<2x325632xi32, #tpu.memory_space<hbm>> -> memref<1x128xi32, #tpu.memory_space<hbm>>
      %dma_start3A_152 = tpu.memref_squeeze %dma_start3A_151 : memref<1x128xi32, #tpu.memory_space<hbm>> -> memref<128xi32, #tpu.memory_space<hbm>>
      tpu.enqueue_dma source(%dma_start3A_152 : memref<128xi32, #tpu.memory_space<hbm>>) target(%arg14 : memref<128xi32, #tpu.memory_space<vmem>>) target_semaphore(%arg20 : memref<!tpu.dma_semaphore, #tpu.memory_space<semaphore_mem>>)
      %dma_start3A_153 = tpu.memref_slice %arg5[%arg0, %mul3A_144] : memref<2x325632xf32, #tpu.memory_space<hbm>> -> memref<1x128xf32, #tpu.memory_space<hbm>>
      %dma_start3A_154 = tpu.memref_squeeze %dma_start3A_153 : memref<1x128xf32, #tpu.memory_space<hbm>> -> memref<128xf32, #tpu.memory_space<hbm>>
      %dma_start3A_155 = tpu.memref_slice %arg5[%arg0, %mul3A_144] : memref<2x325632xf32, #tpu.memory_space<hbm>> -> memref<1x128xf32, #tpu.memory_space<hbm>>
      %dma_start3A_156 = tpu.memref_squeeze %dma_start3A_155 : memref<1x128xf32, #tpu.memory_space<hbm>> -> memref<128xf32, #tpu.memory_space<hbm>>
      tpu.enqueue_dma source(%dma_start3A_156 : memref<128xf32, #tpu.memory_space<hbm>>) target(%arg16 : memref<128xf32, #tpu.memory_space<vmem>>) target_semaphore(%arg20 : memref<!tpu.dma_semaphore, #tpu.memory_space<semaphore_mem>>)
      %dma_start3A_157 = arith.constant 0 : i32
      %dma_start3A_158 = arith.constant 0 : i32
      %dma_start3A_159 = tpu.memref_slice %arg8[%dma_start3A_157, %dma_start3A_158] : memref<10008x128xf32, #tpu.memory_space<vmem_shared>> -> memref<10008x128xf32, #tpu.memory_space<vmem_shared>>
      tpu.enqueue_indirect_dma source(%arg9 : memref<128x128xf32, #tpu.memory_space<vmem>>) target(%dma_start3A_159 : memref<10008x128xf32, #tpu.memory_space<vmem_shared>>) offsets(%arg13 : memref<128xi32, #tpu.memory_space<vmem>>) semaphore(%arg23 : memref<!tpu.dma_semaphore, #tpu.memory_space<semaphore_mem>>) {add = true}
      %add3A_160 = arith.constant 1 : i32
      %add3A_161 = arith.addi %mul3A_126, %add3A_160 : i32
      %mul3A_162 = arith.constant 16 : i32
      %mul3A_163 = arith.muli %add3A_161, %mul3A_162 : i32
      %add3A_164 = arith.addi %mul3A_163, %arg1 : i32
      %mul3A_165 = arith.constant 128 : i32
      %mul3A_166 = arith.muli %add3A_164, %mul3A_165 : i32
      %dma_wait3A_167 = tpu.memref_slice %arg3[%arg0, %mul3A_166] : memref<2x325632xi32, #tpu.memory_space<hbm>> -> memref<1x128xi32, #tpu.memory_space<hbm>>
      %dma_wait3A_168 = tpu.memref_squeeze %dma_wait3A_167 : memref<1x128xi32, #tpu.memory_space<hbm>> -> memref<128xi32, #tpu.memory_space<hbm>>
      %dma_wait3A_169 = tpu.memref_slice %arg3[%arg0, %mul3A_166] : memref<2x325632xi32, #tpu.memory_space<hbm>> -> memref<1x128xi32, #tpu.memory_space<hbm>>
      %dma_wait3A_170 = tpu.memref_squeeze %dma_wait3A_169 : memref<1x128xi32, #tpu.memory_space<hbm>> -> memref<128xi32, #tpu.memory_space<hbm>>
      tpu.wait_dma2 semaphore(%arg20 : memref<!tpu.dma_semaphore, #tpu.memory_space<semaphore_mem>>) src(%dma_wait3A_170 : memref<128xi32, #tpu.memory_space<hbm>>) dst(%arg12 : memref<128xi32, #tpu.memory_space<vmem>>)
      %dma_wait3A_171 = tpu.memref_slice %arg4[%arg0, %mul3A_166] : memref<2x325632xi32, #tpu.memory_space<hbm>> -> memref<1x128xi32, #tpu.memory_space<hbm>>
      %dma_wait3A_172 = tpu.memref_squeeze %dma_wait3A_171 : memref<1x128xi32, #tpu.memory_space<hbm>> -> memref<128xi32, #tpu.memory_space<hbm>>
      %dma_wait3A_173 = tpu.memref_slice %arg4[%arg0, %mul3A_166] : memref<2x325632xi32, #tpu.memory_space<hbm>> -> memref<1x128xi32, #tpu.memory_space<hbm>>
      %dma_wait3A_174 = tpu.memref_squeeze %dma_wait3A_173 : memref<1x128xi32, #tpu.memory_space<hbm>> -> memref<128xi32, #tpu.memory_space<hbm>>
      tpu.wait_dma2 semaphore(%arg20 : memref<!tpu.dma_semaphore, #tpu.memory_space<semaphore_mem>>) src(%dma_wait3A_174 : memref<128xi32, #tpu.memory_space<hbm>>) dst(%arg14 : memref<128xi32, #tpu.memory_space<vmem>>)
      %dma_wait3A_175 = tpu.memref_slice %arg5[%arg0, %mul3A_166] : memref<2x325632xf32, #tpu.memory_space<hbm>> -> memref<1x128xf32, #tpu.memory_space<hbm>>
      %dma_wait3A_176 = tpu.memref_squeeze %dma_wait3A_175 : memref<1x128xf32, #tpu.memory_space<hbm>> -> memref<128xf32, #tpu.memory_space<hbm>>
      %dma_wait3A_177 = tpu.memref_slice %arg5[%arg0, %mul3A_166] : memref<2x325632xf32, #tpu.memory_space<hbm>> -> memref<1x128xf32, #tpu.memory_space<hbm>>
      %dma_wait3A_178 = tpu.memref_squeeze %dma_wait3A_177 : memref<1x128xf32, #tpu.memory_space<hbm>> -> memref<128xf32, #tpu.memory_space<hbm>>
      tpu.wait_dma2 semaphore(%arg20 : memref<!tpu.dma_semaphore, #tpu.memory_space<semaphore_mem>>) src(%dma_wait3A_178 : memref<128xf32, #tpu.memory_space<hbm>>) dst(%arg16 : memref<128xf32, #tpu.memory_space<vmem>>)
      %dma_start3A_179 = arith.constant 0 : i32
      %dma_start3A_180 = arith.constant 0 : i32
      %dma_start3A_181 = tpu.memref_slice %arg2[%dma_start3A_179, %dma_start3A_180] : memref<10000x128xf32, #tpu.memory_space<hbm>> -> memref<10000x128xf32, #tpu.memory_space<hbm>>
      tpu.enqueue_indirect_dma source(%dma_start3A_181 : memref<10000x128xf32, #tpu.memory_space<hbm>>) target(%arg10 : memref<128x128xf32, #tpu.memory_space<vmem>>) offsets(%arg12 : memref<128xi32, #tpu.memory_space<vmem>>) semaphore(%arg22 : memref<!tpu.dma_semaphore, #tpu.memory_space<semaphore_mem>>)
      %dma_wait3A_182 = arith.constant 0 : i32
      %dma_wait3A_183 = arith.constant 0 : i32
      %dma_wait3A_184 = tpu.memref_slice %arg2[%dma_wait3A_182, %dma_wait3A_183] : memref<10000x128xf32, #tpu.memory_space<hbm>> -> memref<10000x128xf32, #tpu.memory_space<hbm>>
      tpu.wait_indirect_dma semaphore(%arg22 : memref<!tpu.dma_semaphore, #tpu.memory_space<semaphore_mem>>) src(%dma_wait3A_184 : memref<10000x128xf32, #tpu.memory_space<hbm>>) dst(%arg10 : memref<128x128xf32, #tpu.memory_space<vmem>>)
      %scan3A_185 = arith.constant 0 : i32
      %scan3A_186 = arith.constant 0 : i32
      %scan3A_187 = arith.constant 8 : i32
      %scan3A_188 = arith.addi %scan3A_186, %scan3A_187 : i32
      %scan3A_189 = arith.constant 1 : i32
      scf.for %scan3A_238 = %scan3A_186 to %scan3A_188 step %scan3A_189  : i32 {
        %mul3A_239 = arith.constant 16 : i32
        %mul3A_240 = arith.muli %scan3A_238, %mul3A_239 : i32
        %get3A = arith.index_cast %mul3A_240 : i32 to index
        %get3A_241 = tpu.vector_load %arg16[%get3A] {strides = array<i32>} : memref<128xf32, #tpu.memory_space<vmem>>, vector<16xf32>,
        %get3A_242 = vector.shape_cast %get3A_241 : vector<16xf32> to vector<16xf32>
        %broadcast_in_dim3A = arith.constant 0 : i32
        %broadcast_in_dim3A_243 = vector.broadcast %broadcast_in_dim3A : i32 to vector<16x1xi32>
        %gather3A = vector.shape_cast %broadcast_in_dim3A_243 : vector<16x1xi32> to vector<16xi32>
        %gather3A_244 = tpu.dynamic_gather %get3A_242[%gather3A] in [0] : vector<16xf32>, vector<16xi32> -> vector<16xf32>
        %mul3A_245 = arith.constant 16 : i32
        %mul3A_246 = arith.muli %scan3A_238, %mul3A_245 : i32
        %add3A_247 = arith.constant 0 : i32
        %add3A_248 = arith.addi %mul3A_246, %add3A_247 : i32
        %get3A_249 = arith.index_cast %add3A_248 : i32 to index
        %get3A_250 = arith.constant 0 : index
        %get3A_251 = tpu.vector_load %arg10[%get3A_249, %get3A_250] {strides = array<i32>} : memref<128x128xf32, #tpu.memory_space<vmem>>, vector<1x16xf32>,
        %get3A_252 = vector.shape_cast %get3A_251 : vector<1x16xf32> to vector<16xf32>
        %mul3A_253 = arith.mulf %get3A_252, %gather3A_244 : vector<16xf32>
        %swap3A = arith.index_cast %add3A_248 : i32 to index
        %swap3A_254 = arith.constant 0 : index
        %swap3A_255 = tpu.vector_load %arg10[%swap3A, %swap3A_254] {strides = array<i32>} : memref<128x128xf32, #tpu.memory_space<vmem>>, vector<1x16xf32>,
        %swap3A_256 = vector.shape_cast %swap3A_255 : vector<1x16xf32> to vector<16xf32>
        %swap3A_257 = vector.shape_cast %mul3A_253 : vector<16xf32> to vector<1x16xf32>
        tpu.vector_store %arg10[%swap3A, %swap3A_254], %swap3A_257 {strides = array<i32>} : memref<128x128xf32, #tpu.memory_space<vmem>>, vector<1x16xf32>,
        %get3A_258 = arith.index_cast %add3A_248 : i32 to index
        %get3A_259 = arith.constant 16 : index
        %get3A_260 = tpu.vector_load %arg10[%get3A_258, %get3A_259] {strides = array<i32>} : memref<128x128xf32, #tpu.memory_space<vmem>>, vector<1x16xf32>,
        %get3A_261 = vector.shape_cast %get3A_260 : vector<1x16xf32> to vector<16xf32>
        %mul3A_262 = arith.mulf %get3A_261, %gather3A_244 : vector<16xf32>
        %swap3A_263 = arith.index_cast %add3A_248 : i32 to index
        %swap3A_264 = arith.constant 16 : index
        %swap3A_265 = tpu.vector_load %arg10[%swap3A_263, %swap3A_264] {strides = array<i32>} : memref<128x128xf32, #tpu.memory_space<vmem>>, vector<1x16xf32>,
        %swap3A_266 = vector.shape_cast %swap3A_265 : vector<1x16xf32> to vector<16xf32>
        %swap3A_267 = vector.shape_cast %mul3A_262 : vector<16xf32> to vector<1x16xf32>
        tpu.vector_store %arg10[%swap3A_263, %swap3A_264], %swap3A_267 {strides = array<i32>} : memref<128x128xf32, #tpu.memory_space<vmem>>, vector<1x16xf32>,
        %get3A_268 = arith.index_cast %add3A_248 : i32 to index
        %get3A_269 = arith.constant 32 : index
        %get3A_270 = tpu.vector_load %arg10[%get3A_268, %get3A_269] {strides = array<i32>} : memref<128x128xf32, #tpu.memory_space<vmem>>, vector<1x16xf32>,
        %get3A_271 = vector.shape_cast %get3A_270 : vector<1x16xf32> to vector<16xf32>
        %mul3A_272 = arith.mulf %get3A_271, %gather3A_244 : vector<16xf32>
        %swap3A_273 = arith.index_cast %add3A_248 : i32 to index
        %swap3A_274 = arith.constant 32 : index
        %swap3A_275 = tpu.vector_load %arg10[%swap3A_273, %swap3A_274] {strides = array<i32>} : memref<128x128xf32, #tpu.memory_space<vmem>>, vector<1x16xf32>,
        %swap3A_276 = vector.shape_cast %swap3A_275 : vector<1x16xf32> to vector<16xf32>
        %swap3A_277 = vector.shape_cast %mul3A_272 : vector<16xf32> to vector<1x16xf32>
        tpu.vector_store %arg10[%swap3A_273, %swap3A_274], %swap3A_277 {strides = array<i32>} : memref<128x128xf32, #tpu.memory_space<vmem>>, vector<1x16xf32>,
        %get3A_278 = arith.index_cast %add3A_248 : i32 to index
        %get3A_279 = arith.constant 48 : index
        %get3A_280 = tpu.vector_load %arg10[%get3A_278, %get3A_279] {strides = array<i32>} : memref<128x128xf32, #tpu.memory_space<vmem>>, vector<1x16xf32>,
        %get3A_281 = vector.shape_cast %get3A_280 : vector<1x16xf32> to vector<16xf32>
        %mul3A_282 = arith.mulf %get3A_281, %gather3A_244 : vector<16xf32>
        %swap3A_283 = arith.index_cast %add3A_248 : i32 to index
        %swap3A_284 = arith.constant 48 : index
        %swap3A_285 = tpu.vector_load %arg10[%swap3A_283, %swap3A_284] {strides = array<i32>} : memref<128x128xf32, #tpu.memory_space<vmem>>, vector<1x16xf32>,
        %swap3A_286 = vector.shape_cast %swap3A_285 : vector<1x16xf32> to vector<16xf32>
        %swap3A_287 = vector.shape_cast %mul3A_282 : vector<16xf32> to vector<1x16xf32>
        tpu.vector_store %arg10[%swap3A_283, %swap3A_284], %swap3A_287 {strides = array<i32>} : memref<128x128xf32, #tpu.memory_space<vmem>>, vector<1x16xf32>,
        %get3A_288 = arith.index_cast %add3A_248 : i32 to index
        %get3A_289 = arith.constant 64 : index
        %get3A_290 = tpu.vector_load %arg10[%get3A_288, %get3A_289] {strides = array<i32>} : memref<128x128xf32, #tpu.memory_space<vmem>>, vector<1x16xf32>,
        %get3A_291 = vector.shape_cast %get3A_290 : vector<1x16xf32> to vector<16xf32>
        %mul3A_292 = arith.mulf %get3A_291, %gather3A_244 : vector<16xf32>
        %swap3A_293 = arith.index_cast %add3A_248 : i32 to index
        %swap3A_294 = arith.constant 64 : index
        %swap3A_295 = tpu.vector_load %arg10[%swap3A_293, %swap3A_294] {strides = array<i32>} : memref<128x128xf32, #tpu.memory_space<vmem>>, vector<1x16xf32>,
        %swap3A_296 = vector.shape_cast %swap3A_295 : vector<1x16xf32> to vector<16xf32>
        %swap3A_297 = vector.shape_cast %mul3A_292 : vector<16xf32> to vector<1x16xf32>
        tpu.vector_store %arg10[%swap3A_293, %swap3A_294], %swap3A_297 {strides = array<i32>} : memref<128x128xf32, #tpu.memory_space<vmem>>, vector<1x16xf32>,
        %get3A_298 = arith.index_cast %add3A_248 : i32 to index
        %get3A_299 = arith.constant 80 : index
        %get3A_300 = tpu.vector_load %arg10[%get3A_298, %get3A_299] {strides = array<i32>} : memref<128x128xf32, #tpu.memory_space<vmem>>, vector<1x16xf32>,
        %get3A_301 = vector.shape_cast %get3A_300 : vector<1x16xf32> to vector<16xf32>
        %mul3A_302 = arith.mulf %get3A_301, %gather3A_244 : vector<16xf32>
        %swap3A_303 = arith.index_cast %add3A_248 : i32 to index
        %swap3A_304 = arith.constant 80 : index
        %swap3A_305 = tpu.vector_load %arg10[%swap3A_303, %swap3A_304] {strides = array<i32>} : memref<128x128xf32, #tpu.memory_space<vmem>>, vector<1x16xf32>,
        %swap3A_306 = vector.shape_cast %swap3A_305 : vector<1x16xf32> to vector<16xf32>
        %swap3A_307 = vector.shape_cast %mul3A_302 : vector<16xf32> to vector<1x16xf32>
        tpu.vector_store %arg10[%swap3A_303, %swap3A_304], %swap3A_307 {strides = array<i32>} : memref<128x128xf32, #tpu.memory_space<vmem>>, vector<1x16xf32>,
        %get3A_308 = arith.index_cast %add3A_248 : i32 to index
        %get3A_309 = arith.constant 96 : index
        %get3A_310 = tpu.vector_load %arg10[%get3A_308, %get3A_309] {strides = array<i32>} : memref<128x128xf32, #tpu.memory_space<vmem>>, vector<1x16xf32>,
        %get3A_311 = vector.shape_cast %get3A_310 : vector<1x16xf32> to vector<16xf32>
        %mul3A_312 = arith.mulf %get3A_311, %gather3A_244 : vector<16xf32>
        %swap3A_313 = arith.index_cast %add3A_248 : i32 to index
        %swap3A_314 = arith.constant 96 : index
        %swap3A_315 = tpu.vector_load %arg10[%swap3A_313, %swap3A_314] {strides = array<i32>} : memref<128x128xf32, #tpu.memory_space<vmem>>, vector<1x16xf32>,
        %swap3A_316 = vector.shape_cast %swap3A_315 : vector<1x16xf32> to vector<16xf32>
        %swap3A_317 = vector.shape_cast %mul3A_312 : vector<16xf32> to vector<1x16xf32>
        tpu.vector_store %arg10[%swap3A_313, %swap3A_314], %swap3A_317 {strides = array<i32>} : memref<128x128xf32, #tpu.memory_space<vmem>>, vector<1x16xf32>,
        %get3A_318 = arith.index_cast %add3A_248 : i32 to index
        %get3A_319 = arith.constant 112 : index
        %get3A_320 = tpu.vector_load %arg10[%get3A_318, %get3A_319] {strides = array<i32>} : memref<128x128xf32, #tpu.memory_space<vmem>>, vector<1x16xf32>,
        %get3A_321 = vector.shape_cast %get3A_320 : vector<1x16xf32> to vector<16xf32>
        %mul3A_322 = arith.mulf %get3A_321, %gather3A_244 : vector<16xf32>
        %swap3A_323 = arith.index_cast %add3A_248 : i32 to index
        %swap3A_324 = arith.constant 112 : index
        %swap3A_325 = tpu.vector_load %arg10[%swap3A_323, %swap3A_324] {strides = array<i32>} : memref<128x128xf32, #tpu.memory_space<vmem>>, vector<1x16xf32>,
        %swap3A_326 = vector.shape_cast %swap3A_325 : vector<1x16xf32> to vector<16xf32>
        %swap3A_327 = vector.shape_cast %mul3A_322 : vector<16xf32> to vector<1x16xf32>
        tpu.vector_store %arg10[%swap3A_323, %swap3A_324], %swap3A_327 {strides = array<i32>} : memref<128x128xf32, #tpu.memory_space<vmem>>, vector<1x16xf32>,
        %broadcast_in_dim3A_328 = arith.constant 1 : i32
        %broadcast_in_dim3A_329 = vector.broadcast %broadcast_in_dim3A_328 : i32 to vector<16x1xi32>
        %gather3A_330 = vector.shape_cast %broadcast_in_dim3A_329 : vector<16x1xi32> to vector<16xi32>
        %gather3A_331 = tpu.dynamic_gather %get3A_242[%gather3A_330] in [0] : vector<16xf32>, vector<16xi32> -> vector<16xf32>
        %mul3A_332 = arith.constant 16 : i32
        %mul3A_333 = arith.muli %scan3A_238, %mul3A_332 : i32
        %add3A_334 = arith.constant 1 : i32
        %add3A_335 = arith.addi %mul3A_333, %add3A_334 : i32
        %get3A_336 = arith.index_cast %add3A_335 : i32 to index
        %get3A_337 = arith.constant 0 : index
        %get3A_338 = tpu.vector_load %arg10[%get3A_336, %get3A_337] {strides = array<i32>} : memref<128x128xf32, #tpu.memory_space<vmem>>, vector<1x16xf32>,
        %get3A_339 = vector.shape_cast %get3A_338 : vector<1x16xf32> to vector<16xf32>
        %mul3A_340 = arith.mulf %get3A_339, %gather3A_331 : vector<16xf32>
        %swap3A_341 = arith.index_cast %add3A_335 : i32 to index
        %swap3A_342 = arith.constant 0 : index
        %swap3A_343 = tpu.vector_load %arg10[%swap3A_341, %swap3A_342] {strides = array<i32>} : memref<128x128xf32, #tpu.memory_space<vmem>>, vector<1x16xf32>,
        %swap3A_344 = vector.shape_cast %swap3A_343 : vector<1x16xf32> to vector<16xf32>
        %swap3A_345 = vector.shape_cast %mul3A_340 : vector<16xf32> to vector<1x16xf32>
        tpu.vector_store %arg10[%swap3A_341, %swap3A_342], %swap3A_345 {strides = array<i32>} : memref<128x128xf32, #tpu.memory_space<vmem>>, vector<1x16xf32>,
        %get3A_346 = arith.index_cast %add3A_335 : i32 to index
        %get3A_347 = arith.constant 16 : index
        %get3A_348 = tpu.vector_load %arg10[%get3A_346, %get3A_347] {strides = array<i32>} : memref<128x128xf32, #tpu.memory_space<vmem>>, vector<1x16xf32>,
        %get3A_349 = vector.shape_cast %get3A_348 : vector<1x16xf32> to vector<16xf32>
        %mul3A_350 = arith.mulf %get3A_349, %gather3A_331 : vector<16xf32>
        %swap3A_351 = arith.index_cast %add3A_335 : i32 to index
        %swap3A_352 = arith.constant 16 : index
        %swap3A_353 = tpu.vector_load %arg10[%swap3A_351, %swap3A_352] {strides = array<i32>} : memref<128x128xf32, #tpu.memory_space<vmem>>, vector<1x16xf32>,
        %swap3A_354 = vector.shape_cast %swap3A_353 : vector<1x16xf32> to vector<16xf32>
        %swap3A_355 = vector.shape_cast %mul3A_350 : vector<16xf32> to vector<1x16xf32>
        tpu.vector_store %arg10[%swap3A_351, %swap3A_352], %swap3A_355 {strides = array<i32>} : memref<128x128xf32, #tpu.memory_space<vmem>>, vector<1x16xf32>,
        %get3A_356 = arith.index_cast %add3A_335 : i32 to index
        %get3A_357 = arith.constant 32 : index
        %get3A_358 = tpu.vector_load %arg10[%get3A_356, %get3A_357] {strides = array<i32>} : memref<128x128xf32, #tpu.memory_space<vmem>>, vector<1x16xf32>,
        %get3A_359 = vector.shape_cast %get3A_358 : vector<1x16xf32> to vector<16xf32>
        %mul3A_360 = arith.mulf %get3A_359, %gather3A_331 : vector<16xf32>
        %swap3A_361 = arith.index_cast %add3A_335 : i32 to index
        %swap3A_362 = arith.constant 32 : index
        %swap3A_363 = tpu.vector_load %arg10[%swap3A_361, %swap3A_362] {strides = array<i32>} : memref<128x128xf32, #tpu.memory_space<vmem>>, vector<1x16xf32>,
        %swap3A_364 = vector.shape_cast %swap3A_363 : vector<1x16xf32> to vector<16xf32>
        %swap3A_365 = vector.shape_cast %mul3A_360 : vector<16xf32> to vector<1x16xf32>
        tpu.vector_store %arg10[%swap3A_361, %swap3A_362], %swap3A_365 {strides = array<i32>} : memref<128x128xf32, #tpu.memory_space<vmem>>, vector<1x16xf32>,
        %get3A_366 = arith.index_cast %add3A_335 : i32 to index
        %get3A_367 = arith.constant 48 : index
        %get3A_368 = tpu.vector_load %arg10[%get3A_366, %get3A_367] {strides = array<i32>} : memref<128x128xf32, #tpu.memory_space<vmem>>, vector<1x16xf32>,
        %get3A_369 = vector.shape_cast %get3A_368 : vector<1x16xf32> to vector<16xf32>
        %mul3A_370 = arith.mulf %get3A_369, %gather3A_331 : vector<16xf32>
        %swap3A_371 = arith.index_cast %add3A_335 : i32 to index
        %swap3A_372 = arith.constant 48 : index
        %swap3A_373 = tpu.vector_load %arg10[%swap3A_371, %swap3A_372] {strides = array<i32>} : memref<128x128xf32, #tpu.memory_space<vmem>>, vector<1x16xf32>,
        %swap3A_374 = vector.shape_cast %swap3A_373 : vector<1x16xf32> to vector<16xf32>
        %swap3A_375 = vector.shape_cast %mul3A_370 : vector<16xf32> to vector<1x16xf32>
        tpu.vector_store %arg10[%swap3A_371, %swap3A_372], %swap3A_375 {strides = array<i32>} : memref<128x128xf32, #tpu.memory_space<vmem>>, vector<1x16xf32>,
        %get3A_376 = arith.index_cast %add3A_335 : i32 to index
        %get3A_377 = arith.constant 64 : index
        %get3A_378 = tpu.vector_load %arg10[%get3A_376, %get3A_377] {strides = array<i32>} : memref<128x128xf32, #tpu.memory_space<vmem>>, vector<1x16xf32>,
        %get3A_379 = vector.shape_cast %get3A_378 : vector<1x16xf32> to vector<16xf32>
        %mul3A_380 = arith.mulf %get3A_379, %gather3A_331 : vector<16xf32>
        %swap3A_381 = arith.index_cast %add3A_335 : i32 to index
        %swap3A_382 = arith.constant 64 : index
        %swap3A_383 = tpu.vector_load %arg10[%swap3A_381, %swap3A_382] {strides = array<i32>} : memref<128x128xf32, #tpu.memory_space<vmem>>, vector<1x16xf32>,
        %swap3A_384 = vector.shape_cast %swap3A_383 : vector<1x16xf32> to vector<16xf32>
        %swap3A_385 = vector.shape_cast %mul3A_380 : vector<16xf32> to vector<1x16xf32>
        tpu.vector_store %arg10[%swap3A_381, %swap3A_382], %swap3A_385 {strides = array<i32>} : memref<128x128xf32, #tpu.memory_space<vmem>>, vector<1x16xf32>,
        %get3A_386 = arith.index_cast %add3A_335 : i32 to index
        %get3A_387 = arith.constant 80 : index
        %get3A_388 = tpu.vector_load %arg10[%get3A_386, %get3A_387] {strides = array<i32>} : memref<128x128xf32, #tpu.memory_space<vmem>>, vector<1x16xf32>,
        %get3A_389 = vector.shape_cast %get3A_388 : vector<1x16xf32> to vector<16xf32>
        %mul3A_390 = arith.mulf %get3A_389, %gather3A_331 : vector<16xf32>
        %swap3A_391 = arith.index_cast %add3A_335 : i32 to index
        %swap3A_392 = arith.constant 80 : index
        %swap3A_393 = tpu.vector_load %arg10[%swap3A_391, %swap3A_392] {strides = array<i32>} : memref<128x128xf32, #tpu.memory_space<vmem>>, vector<1x16xf32>,
        %swap3A_394 = vector.shape_cast %swap3A_393 : vector<1x16xf32> to vector<16xf32>
        %swap3A_395 = vector.shape_cast %mul3A_390 : vector<16xf32> to vector<1x16xf32>
        tpu.vector_store %arg10[%swap3A_391, %swap3A_392], %swap3A_395 {strides = array<i32>} : memref<128x128xf32, #tpu.memory_space<vmem>>, vector<1x16xf32>,
        %get3A_396 = arith.index_cast %add3A_335 : i32 to index
        %get3A_397 = arith.constant 96 : index
        %get3A_398 = tpu.vector_load %arg10[%get3A_396, %get3A_397] {strides = array<i32>} : memref<128x128xf32, #tpu.memory_space<vmem>>, vector<1x16xf32>,
        %get3A_399 = vector.shape_cast %get3A_398 : vector<1x16xf32> to vector<16xf32>
        %mul3A_400 = arith.mulf %get3A_399, %gather3A_331 : vector<16xf32>
        %swap3A_401 = arith.index_cast %add3A_335 : i32 to index
        %swap3A_402 = arith.constant 96 : index
        %swap3A_403 = tpu.vector_load %arg10[%swap3A_401, %swap3A_402] {strides = array<i32>} : memref<128x128xf32, #tpu.memory_space<vmem>>, vector<1x16xf32>,
        %swap3A_404 = vector.shape_cast %swap3A_403 : vector<1x16xf32> to vector<16xf32>
        %swap3A_405 = vector.shape_cast %mul3A_400 : vector<16xf32> to vector<1x16xf32>
        tpu.vector_store %arg10[%swap3A_401, %swap3A_402], %swap3A_405 {strides = array<i32>} : memref<128x128xf32, #tpu.memory_space<vmem>>, vector<1x16xf32>,
        %get3A_406 = arith.index_cast %add3A_335 : i32 to index
        %get3A_407 = arith.constant 112 : index
        %get3A_408 = tpu.vector_load %arg10[%get3A_406, %get3A_407] {strides = array<i32>} : memref<128x128xf32, #tpu.memory_space<vmem>>, vector<1x16xf32>,
        %get3A_409 = vector.shape_cast %get3A_408 : vector<1x16xf32> to vector<16xf32>
        %mul3A_410 = arith.mulf %get3A_409, %gather3A_331 : vector<16xf32>
        %swap3A_411 = arith.index_cast %add3A_335 : i32 to index
        %swap3A_412 = arith.constant 112 : index
        %swap3A_413 = tpu.vector_load %arg10[%swap3A_411, %swap3A_412] {strides = array<i32>} : memref<128x128xf32, #tpu.memory_space<vmem>>, vector<1x16xf32>,
        %swap3A_414 = vector.shape_cast %swap3A_413 : vector<1x16xf32> to vector<16xf32>
        %swap3A_415 = vector.shape_cast %mul3A_410 : vector<16xf32> to vector<1x16xf32>
        tpu.vector_store %arg10[%swap3A_411, %swap3A_412], %swap3A_415 {strides = array<i32>} : memref<128x128xf32, #tpu.memory_space<vmem>>, vector<1x16xf32>,
        %broadcast_in_dim3A_416 = arith.constant 2 : i32
        %broadcast_in_dim3A_417 = vector.broadcast %broadcast_in_dim3A_416 : i32 to vector<16x1xi32>
        %gather3A_418 = vector.shape_cast %broadcast_in_dim3A_417 : vector<16x1xi32> to vector<16xi32>
        %gather3A_419 = tpu.dynamic_gather %get3A_242[%gather3A_418] in [0] : vector<16xf32>, vector<16xi32> -> vector<16xf32>
        %mul3A_420 = arith.constant 16 : i32
        %mul3A_421 = arith.muli %scan3A_238, %mul3A_420 : i32
        %add3A_422 = arith.constant 2 : i32
        %add3A_423 = arith.addi %mul3A_421, %add3A_422 : i32
        %get3A_424 = arith.index_cast %add3A_423 : i32 to index
        %get3A_425 = arith.constant 0 : index
        %get3A_426 = tpu.vector_load %arg10[%get3A_424, %get3A_425] {strides = array<i32>} : memref<128x128xf32, #tpu.memory_space<vmem>>, vector<1x16xf32>,
        %get3A_427 = vector.shape_cast %get3A_426 : vector<1x16xf32> to vector<16xf32>
        %mul3A_428 = arith.mulf %get3A_427, %gather3A_419 : vector<16xf32>
        %swap3A_429 = arith.index_cast %add3A_423 : i32 to index
        %swap3A_430 = arith.constant 0 : index
        %swap3A_431 = tpu.vector_load %arg10[%swap3A_429, %swap3A_430] {strides = array<i32>} : memref<128x128xf32, #tpu.memory_space<vmem>>, vector<1x16xf32>,
        %swap3A_432 = vector.shape_cast %swap3A_431 : vector<1x16xf32> to vector<16xf32>
        %swap3A_433 = vector.shape_cast %mul3A_428 : vector<16xf32> to vector<1x16xf32>
        tpu.vector_store %arg10[%swap3A_429, %swap3A_430], %swap3A_433 {strides = array<i32>} : memref<128x128xf32, #tpu.memory_space<vmem>>, vector<1x16xf32>,
        %get3A_434 = arith.index_cast %add3A_423 : i32 to index
        %get3A_435 = arith.constant 16 : index
        %get3A_436 = tpu.vector_load %arg10[%get3A_434, %get3A_435] {strides = array<i32>} : memref<128x128xf32, #tpu.memory_space<vmem>>, vector<1x16xf32>,
        %get3A_437 = vector.shape_cast %get3A_436 : vector<1x16xf32> to vector<16xf32>
        %mul3A_438 = arith.mulf %get3A_437, %gather3A_419 : vector<16xf32>
        %swap3A_439 = arith.index_cast %add3A_423 : i32 to index
        %swap3A_440 = arith.constant 16 : index
        %swap3A_441 = tpu.vector_load %arg10[%swap3A_439, %swap3A_440] {strides = array<i32>} : memref<128x128xf32, #tpu.memory_space<vmem>>, vector<1x16xf32>,
        %swap3A_442 = vector.shape_cast %swap3A_441 : vector<1x16xf32> to vector<16xf32>
        %swap3A_443 = vector.shape_cast %mul3A_438 : vector<16xf32> to vector<1x16xf32>
        tpu.vector_store %arg10[%swap3A_439, %swap3A_440], %swap3A_443 {strides = array<i32>} : memref<128x128xf32, #tpu.memory_space<vmem>>, vector<1x16xf32>,
        %get3A_444 = arith.index_cast %add3A_423 : i32 to index
        %get3A_445 = arith.constant 32 : index
        %get3A_446 = tpu.vector_load %arg10[%get3A_444, %get3A_445] {strides = array<i32>} : memref<128x128xf32, #tpu.memory_space<vmem>>, vector<1x16xf32>,
        %get3A_447 = vector.shape_cast %get3A_446 : vector<1x16xf32> to vector<16xf32>
        %mul3A_448 = arith.mulf %get3A_447, %gather3A_419 : vector<16xf32>
        %swap3A_449 = arith.index_cast %add3A_423 : i32 to index
        %swap3A_450 = arith.constant 32 : index
        %swap3A_451 = tpu.vector_load %arg10[%swap3A_449, %swap3A_450] {strides = array<i32>} : memref<128x128xf32, #tpu.memory_space<vmem>>, vector<1x16xf32>,
        %swap3A_452 = vector.shape_cast %swap3A_451 : vector<1x16xf32> to vector<16xf32>
        %swap3A_453 = vector.shape_cast %mul3A_448 : vector<16xf32> to vector<1x16xf32>
        tpu.vector_store %arg10[%swap3A_449, %swap3A_450], %swap3A_453 {strides = array<i32>} : memref<128x128xf32, #tpu.memory_space<vmem>>, vector<1x16xf32>,
        %get3A_454 = arith.index_cast %add3A_423 : i32 to index
        %get3A_455 = arith.constant 48 : index
        %get3A_456 = tpu.vector_load %arg10[%get3A_454, %get3A_455] {strides = array<i32>} : memref<128x128xf32, #tpu.memory_space<vmem>>, vector<1x16xf32>,
        %get3A_457 = vector.shape_cast %get3A_456 : vector<1x16xf32> to vector<16xf32>
        %mul3A_458 = arith.mulf %get3A_457, %gather3A_419 : vector<16xf32>
        %swap3A_459 = arith.index_cast %add3A_423 : i32 to index
        %swap3A_460 = arith.constant 48 : index
        %swap3A_461 = tpu.vector_load %arg10[%swap3A_459, %swap3A_460] {strides = array<i32>} : memref<128x128xf32, #tpu.memory_space<vmem>>, vector<1x16xf32>,
        %swap3A_462 = vector.shape_cast %swap3A_461 : vector<1x16xf32> to vector<16xf32>
        %swap3A_463 = vector.shape_cast %mul3A_458 : vector<16xf32> to vector<1x16xf32>
        tpu.vector_store %arg10[%swap3A_459, %swap3A_460], %swap3A_463 {strides = array<i32>} : memref<128x128xf32, #tpu.memory_space<vmem>>, vector<1x16xf32>,
        %get3A_464 = arith.index_cast %add3A_423 : i32 to index
        %get3A_465 = arith.constant 64 : index
        %get3A_466 = tpu.vector_load %arg10[%get3A_464, %get3A_465] {strides = array<i32>} : memref<128x128xf32, #tpu.memory_space<vmem>>, vector<1x16xf32>,
        %get3A_467 = vector.shape_cast %get3A_466 : vector<1x16xf32> to vector<16xf32>
        %mul3A_468 = arith.mulf %get3A_467, %gather3A_419 : vector<16xf32>
        %swap3A_469 = arith.index_cast %add3A_423 : i32 to index
        %swap3A_470 = arith.constant 64 : index
        %swap3A_471 = tpu.vector_load %arg10[%swap3A_469, %swap3A_470] {strides = array<i32>} : memref<128x128xf32, #tpu.memory_space<vmem>>, vector<1x16xf32>,
        %swap3A_472 = vector.shape_cast %swap3A_471 : vector<1x16xf32> to vector<16xf32>
        %swap3A_473 = vector.shape_cast %mul3A_468 : vector<16xf32> to vector<1x16xf32>
        tpu.vector_store %arg10[%swap3A_469, %swap3A_470], %swap3A_473 {strides = array<i32>} : memref<128x128xf32, #tpu.memory_space<vmem>>, vector<1x16xf32>,
        %get3A_474 = arith.index_cast %add3A_423 : i32 to index
        %get3A_475 = arith.constant 80 : index
        %get3A_476 = tpu.vector_load %arg10[%get3A_474, %get3A_475] {strides = array<i32>} : memref<128x128xf32, #tpu.memory_space<vmem>>, vector<1x16xf32>,
        %get3A_477 = vector.shape_cast %get3A_476 : vector<1x16xf32> to vector<16xf32>
        %mul3A_478 = arith.mulf %get3A_477, %gather3A_419 : vector<16xf32>
        %swap3A_479 = arith.index_cast %add3A_423 : i32 to index
        %swap3A_480 = arith.constant 80 : index
        %swap3A_481 = tpu.vector_load %arg10[%swap3A_479, %swap3A_480] {strides = array<i32>} : memref<128x128xf32, #tpu.memory_space<vmem>>, vector<1x16xf32>,
        %swap3A_482 = vector.shape_cast %swap3A_481 : vector<1x16xf32> to vector<16xf32>
        %swap3A_483 = vector.shape_cast %mul3A_478 : vector<16xf32> to vector<1x16xf32>
        tpu.vector_store %arg10[%swap3A_479, %swap3A_480], %swap3A_483 {strides = array<i32>} : memref<128x128xf32, #tpu.memory_space<vmem>>, vector<1x16xf32>,
        %get3A_484 = arith.index_cast %add3A_423 : i32 to index
        %get3A_485 = arith.constant 96 : index
        %get3A_486 = tpu.vector_load %arg10[%get3A_484, %get3A_485] {strides = array<i32>} : memref<128x128xf32, #tpu.memory_space<vmem>>, vector<1x16xf32>,
        %get3A_487 = vector.shape_cast %get3A_486 : vector<1x16xf32> to vector<16xf32>
        %mul3A_488 = arith.mulf %get3A_487, %gather3A_419 : vector<16xf32>
        %swap3A_489 = arith.index_cast %add3A_423 : i32 to index
        %swap3A_490 = arith.constant 96 : index
        %swap3A_491 = tpu.vector_load %arg10[%swap3A_489, %swap3A_490] {strides = array<i32>} : memref<128x128xf32, #tpu.memory_space<vmem>>, vector<1x16xf32>,
        %swap3A_492 = vector.shape_cast %swap3A_491 : vector<1x16xf32> to vector<16xf32>
        %swap3A_493 = vector.shape_cast %mul3A_488 : vector<16xf32> to vector<1x16xf32>
        tpu.vector_store %arg10[%swap3A_489, %swap3A_490], %swap3A_493 {strides = array<i32>} : memref<128x128xf32, #tpu.memory_space<vmem>>, vector<1x16xf32>,
        %get3A_494 = arith.index_cast %add3A_423 : i32 to index
        %get3A_495 = arith.constant 112 : index
        %get3A_496 = tpu.vector_load %arg10[%get3A_494, %get3A_495] {strides = array<i32>} : memref<128x128xf32, #tpu.memory_space<vmem>>, vector<1x16xf32>,
        %get3A_497 = vector.shape_cast %get3A_496 : vector<1x16xf32> to vector<16xf32>
        %mul3A_498 = arith.mulf %get3A_497, %gather3A_419 : vector<16xf32>
        %swap3A_499 = arith.index_cast %add3A_423 : i32 to index
        %swap3A_500 = arith.constant 112 : index
        %swap3A_501 = tpu.vector_load %arg10[%swap3A_499, %swap3A_500] {strides = array<i32>} : memref<128x128xf32, #tpu.memory_space<vmem>>, vector<1x16xf32>,
        %swap3A_502 = vector.shape_cast %swap3A_501 : vector<1x16xf32> to vector<16xf32>
        %swap3A_503 = vector.shape_cast %mul3A_498 : vector<16xf32> to vector<1x16xf32>
        tpu.vector_store %arg10[%swap3A_499, %swap3A_500], %swap3A_503 {strides = array<i32>} : memref<128x128xf32, #tpu.memory_space<vmem>>, vector<1x16xf32>,
        %broadcast_in_dim3A_504 = arith.constant 3 : i32
        %broadcast_in_dim3A_505 = vector.broadcast %broadcast_in_dim3A_504 : i32 to vector<16x1xi32>
        %gather3A_506 = vector.shape_cast %broadcast_in_dim3A_505 : vector<16x1xi32> to vector<16xi32>
        %gather3A_507 = tpu.dynamic_gather %get3A_242[%gather3A_506] in [0] : vector<16xf32>, vector<16xi32> -> vector<16xf32>
        %mul3A_508 = arith.constant 16 : i32
        %mul3A_509 = arith.muli %scan3A_238, %mul3A_508 : i32
        %add3A_510 = arith.constant 3 : i32
        %add3A_511 = arith.addi %mul3A_509, %add3A_510 : i32
        %get3A_512 = arith.index_cast %add3A_511 : i32 to index
        %get3A_513 = arith.constant 0 : index
        %get3A_514 = tpu.vector_load %arg10[%get3A_512, %get3A_513] {strides = array<i32>} : memref<128x128xf32, #tpu.memory_space<vmem>>, vector<1x16xf32>,
        %get3A_515 = vector.shape_cast %get3A_514 : vector<1x16xf32> to vector<16xf32>
        %mul3A_516 = arith.mulf %get3A_515, %gather3A_507 : vector<16xf32>
        %swap3A_517 = arith.index_cast %add3A_511 : i32 to index
        %swap3A_518 = arith.constant 0 : index
        %swap3A_519 = tpu.vector_load %arg10[%swap3A_517, %swap3A_518] {strides = array<i32>} : memref<128x128xf32, #tpu.memory_space<vmem>>, vector<1x16xf32>,
        %swap3A_520 = vector.shape_cast %swap3A_519 : vector<1x16xf32> to vector<16xf32>
        %swap3A_521 = vector.shape_cast %mul3A_516 : vector<16xf32> to vector<1x16xf32>
        tpu.vector_store %arg10[%swap3A_517, %swap3A_518], %swap3A_521 {strides = array<i32>} : memref<128x128xf32, #tpu.memory_space<vmem>>, vector<1x16xf32>,
        %get3A_522 = arith.index_cast %add3A_511 : i32 to index
        %get3A_523 = arith.constant 16 : index
        %get3A_524 = tpu.vector_load %arg10[%get3A_522, %get3A_523] {strides = array<i32>} : memref<128x128xf32, #tpu.memory_space<vmem>>, vector<1x16xf32>,
        %get3A_525 = vector.shape_cast %get3A_524 : vector<1x16xf32> to vector<16xf32>
        %mul3A_526 = arith.mulf %get3A_525, %gather3A_507 : vector<16xf32>
        %swap3A_527 = arith.index_cast %add3A_511 : i32 to index
        %swap3A_528 = arith.constant 16 : index
        %swap3A_529 = tpu.vector_load %arg10[%swap3A_527, %swap3A_528] {strides = array<i32>} : memref<128x128xf32, #tpu.memory_space<vmem>>, vector<1x16xf32>,
        %swap3A_530 = vector.shape_cast %swap3A_529 : vector<1x16xf32> to vector<16xf32>
        %swap3A_531 = vector.shape_cast %mul3A_526 : vector<16xf32> to vector<1x16xf32>
        tpu.vector_store %arg10[%swap3A_527, %swap3A_528], %swap3A_531 {strides = array<i32>} : memref<128x128xf32, #tpu.memory_space<vmem>>, vector<1x16xf32>,
        %get3A_532 = arith.index_cast %add3A_511 : i32 to index
        %get3A_533 = arith.constant 32 : index
        %get3A_534 = tpu.vector_load %arg10[%get3A_532, %get3A_533] {strides = array<i32>} : memref<128x128xf32, #tpu.memory_space<vmem>>, vector<1x16xf32>,
        %get3A_535 = vector.shape_cast %get3A_534 : vector<1x16xf32> to vector<16xf32>
        %mul3A_536 = arith.mulf %get3A_535, %gather3A_507 : vector<16xf32>
        %swap3A_537 = arith.index_cast %add3A_511 : i32 to index
        %swap3A_538 = arith.constant 32 : index
        %swap3A_539 = tpu.vector_load %arg10[%swap3A_537, %swap3A_538] {strides = array<i32>} : memref<128x128xf32, #tpu.memory_space<vmem>>, vector<1x16xf32>,
        %swap3A_540 = vector.shape_cast %swap3A_539 : vector<1x16xf32> to vector<16xf32>
        %swap3A_541 = vector.shape_cast %mul3A_536 : vector<16xf32> to vector<1x16xf32>
        tpu.vector_store %arg10[%swap3A_537, %swap3A_538], %swap3A_541 {strides = array<i32>} : memref<128x128xf32, #tpu.memory_space<vmem>>, vector<1x16xf32>,
        %get3A_542 = arith.index_cast %add3A_511 : i32 to index
        %get3A_543 = arith.constant 48 : index
        %get3A_544 = tpu.vector_load %arg10[%get3A_542, %get3A_543] {strides = array<i32>} : memref<128x128xf32, #tpu.memory_space<vmem>>, vector<1x16xf32>,
        %get3A_545 = vector.shape_cast %get3A_544 : vector<1x16xf32> to vector<16xf32>
        %mul3A_546 = arith.mulf %get3A_545, %gather3A_507 : vector<16xf32>
        %swap3A_547 = arith.index_cast %add3A_511 : i32 to index
        %swap3A_548 = arith.constant 48 : index
        %swap3A_549 = tpu.vector_load %arg10[%swap3A_547, %swap3A_548] {strides = array<i32>} : memref<128x128xf32, #tpu.memory_space<vmem>>, vector<1x16xf32>,
        %swap3A_550 = vector.shape_cast %swap3A_549 : vector<1x16xf32> to vector<16xf32>
        %swap3A_551 = vector.shape_cast %mul3A_546 : vector<16xf32> to vector<1x16xf32>
        tpu.vector_store %arg10[%swap3A_547, %swap3A_548], %swap3A_551 {strides = array<i32>} : memref<128x128xf32, #tpu.memory_space<vmem>>, vector<1x16xf32>,
        %get3A_552 = arith.index_cast %add3A_511 : i32 to index
        %get3A_553 = arith.constant 64 : index
        %get3A_554 = tpu.vector_load %arg10[%get3A_552, %get3A_553] {strides = array<i32>} : memref<128x128xf32, #tpu.memory_space<vmem>>, vector<1x16xf32>,
        %get3A_555 = vector.shape_cast %get3A_554 : vector<1x16xf32> to vector<16xf32>
        %mul3A_556 = arith.mulf %get3A_555, %gather3A_507 : vector<16xf32>
        %swap3A_557 = arith.index_cast %add3A_511 : i32 to index
        %swap3A_558 = arith.constant 64 : index
        %swap3A_559 = tpu.vector_load %arg10[%swap3A_557, %swap3A_558] {strides = array<i32>} : memref<128x128xf32, #tpu.memory_space<vmem>>, vector<1x16xf32>,
        %swap3A_560 = vector.shape_cast %swap3A_559 : vector<1x16xf32> to vector<16xf32>
        %swap3A_561 = vector.shape_cast %mul3A_556 : vector<16xf32> to vector<1x16xf32>
        tpu.vector_store %arg10[%swap3A_557, %swap3A_558], %swap3A_561 {strides = array<i32>} : memref<128x128xf32, #tpu.memory_space<vmem>>, vector<1x16xf32>,
        %get3A_562 = arith.index_cast %add3A_511 : i32 to index
        %get3A_563 = arith.constant 80 : index
        %get3A_564 = tpu.vector_load %arg10[%get3A_562, %get3A_563] {strides = array<i32>} : memref<128x128xf32, #tpu.memory_space<vmem>>, vector<1x16xf32>,
        %get3A_565 = vector.shape_cast %get3A_564 : vector<1x16xf32> to vector<16xf32>
        %mul3A_566 = arith.mulf %get3A_565, %gather3A_507 : vector<16xf32>
        %swap3A_567 = arith.index_cast %add3A_511 : i32 to index
        %swap3A_568 = arith.constant 80 : index
        %swap3A_569 = tpu.vector_load %arg10[%swap3A_567, %swap3A_568] {strides = array<i32>} : memref<128x128xf32, #tpu.memory_space<vmem>>, vector<1x16xf32>,
        %swap3A_570 = vector.shape_cast %swap3A_569 : vector<1x16xf32> to vector<16xf32>
        %swap3A_571 = vector.shape_cast %mul3A_566 : vector<16xf32> to vector<1x16xf32>
        tpu.vector_store %arg10[%swap3A_567, %swap3A_568], %swap3A_571 {strides = array<i32>} : memref<128x128xf32, #tpu.memory_space<vmem>>, vector<1x16xf32>,
        %get3A_572 = arith.index_cast %add3A_511 : i32 to index
        %get3A_573 = arith.constant 96 : index
        %get3A_574 = tpu.vector_load %arg10[%get3A_572, %get3A_573] {strides = array<i32>} : memref<128x128xf32, #tpu.memory_space<vmem>>, vector<1x16xf32>,
        %get3A_575 = vector.shape_cast %get3A_574 : vector<1x16xf32> to vector<16xf32>
        %mul3A_576 = arith.mulf %get3A_575, %gather3A_507 : vector<16xf32>
        %swap3A_577 = arith.index_cast %add3A_511 : i32 to index
        %swap3A_578 = arith.constant 96 : index
        %swap3A_579 = tpu.vector_load %arg10[%swap3A_577, %swap3A_578] {strides = array<i32>} : memref<128x128xf32, #tpu.memory_space<vmem>>, vector<1x16xf32>,
        %swap3A_580 = vector.shape_cast %swap3A_579 : vector<1x16xf32> to vector<16xf32>
        %swap3A_581 = vector.shape_cast %mul3A_576 : vector<16xf32> to vector<1x16xf32>
        tpu.vector_store %arg10[%swap3A_577, %swap3A_578], %swap3A_581 {strides = array<i32>} : memref<128x128xf32, #tpu.memory_space<vmem>>, vector<1x16xf32>,
        %get3A_582 = arith.index_cast %add3A_511 : i32 to index
        %get3A_583 = arith.constant 112 : index
        %get3A_584 = tpu.vector_load %arg10[%get3A_582, %get3A_583] {strides = array<i32>} : memref<128x128xf32, #tpu.memory_space<vmem>>, vector<1x16xf32>,
        %get3A_585 = vector.shape_cast %get3A_584 : vector<1x16xf32> to vector<16xf32>
        %mul3A_586 = arith.mulf %get3A_585, %gather3A_507 : vector<16xf32>
        %swap3A_587 = arith.index_cast %add3A_511 : i32 to index
        %swap3A_588 = arith.constant 112 : index
        %swap3A_589 = tpu.vector_load %arg10[%swap3A_587, %swap3A_588] {strides = array<i32>} : memref<128x128xf32, #tpu.memory_space<vmem>>, vector<1x16xf32>,
        %swap3A_590 = vector.shape_cast %swap3A_589 : vector<1x16xf32> to vector<16xf32>
        %swap3A_591 = vector.shape_cast %mul3A_586 : vector<16xf32> to vector<1x16xf32>
        tpu.vector_store %arg10[%swap3A_587, %swap3A_588], %swap3A_591 {strides = array<i32>} : memref<128x128xf32, #tpu.memory_space<vmem>>, vector<1x16xf32>,
        %broadcast_in_dim3A_592 = arith.constant 4 : i32
        %broadcast_in_dim3A_593 = vector.broadcast %broadcast_in_dim3A_592 : i32 to vector<16x1xi32>
        %gather3A_594 = vector.shape_cast %broadcast_in_dim3A_593 : vector<16x1xi32> to vector<16xi32>
        %gather3A_595 = tpu.dynamic_gather %get3A_242[%gather3A_594] in [0] : vector<16xf32>, vector<16xi32> -> vector<16xf32>
        %mul3A_596 = arith.constant 16 : i32
        %mul3A_597 = arith.muli %scan3A_238, %mul3A_596 : i32
        %add3A_598 = arith.constant 4 : i32
        %add3A_599 = arith.addi %mul3A_597, %add3A_598 : i32
        %get3A_600 = arith.index_cast %add3A_599 : i32 to index
        %get3A_601 = arith.constant 0 : index
        %get3A_602 = tpu.vector_load %arg10[%get3A_600, %get3A_601] {strides = array<i32>} : memref<128x128xf32, #tpu.memory_space<vmem>>, vector<1x16xf32>,
        %get3A_603 = vector.shape_cast %get3A_602 : vector<1x16xf32> to vector<16xf32>
        %mul3A_604 = arith.mulf %get3A_603, %gather3A_595 : vector<16xf32>
        %swap3A_605 = arith.index_cast %add3A_599 : i32 to index
        %swap3A_606 = arith.constant 0 : index
        %swap3A_607 = tpu.vector_load %arg10[%swap3A_605, %swap3A_606] {strides = array<i32>} : memref<128x128xf32, #tpu.memory_space<vmem>>, vector<1x16xf32>,
        %swap3A_608 = vector.shape_cast %swap3A_607 : vector<1x16xf32> to vector<16xf32>
        %swap3A_609 = vector.shape_cast %mul3A_604 : vector<16xf32> to vector<1x16xf32>
        tpu.vector_store %arg10[%swap3A_605, %swap3A_606], %swap3A_609 {strides = array<i32>} : memref<128x128xf32, #tpu.memory_space<vmem>>, vector<1x16xf32>,
        %get3A_610 = arith.index_cast %add3A_599 : i32 to index
        %get3A_611 = arith.constant 16 : index
        %get3A_612 = tpu.vector_load %arg10[%get3A_610, %get3A_611] {strides = array<i32>} : memref<128x128xf32, #tpu.memory_space<vmem>>, vector<1x16xf32>,
        %get3A_613 = vector.shape_cast %get3A_612 : vector<1x16xf32> to vector<16xf32>
        %mul3A_614 = arith.mulf %get3A_613, %gather3A_595 : vector<16xf32>
        %swap3A_615 = arith.index_cast %add3A_599 : i32 to index
        %swap3A_616 = arith.constant 16 : index
        %swap3A_617 = tpu.vector_load %arg10[%swap3A_615, %swap3A_616] {strides = array<i32>} : memref<128x128xf32, #tpu.memory_space<vmem>>, vector<1x16xf32>,
        %swap3A_618 = vector.shape_cast %swap3A_617 : vector<1x16xf32> to vector<16xf32>
        %swap3A_619 = vector.shape_cast %mul3A_614 : vector<16xf32> to vector<1x16xf32>
        tpu.vector_store %arg10[%swap3A_615, %swap3A_616], %swap3A_619 {strides = array<i32>} : memref<128x128xf32, #tpu.memory_space<vmem>>, vector<1x16xf32>,
        %get3A_620 = arith.index_cast %add3A_599 : i32 to index
        %get3A_621 = arith.constant 32 : index
        %get3A_622 = tpu.vector_load %arg10[%get3A_620, %get3A_621] {strides = array<i32>} : memref<128x128xf32, #tpu.memory_space<vmem>>, vector<1x16xf32>,
        %get3A_623 = vector.shape_cast %get3A_622 : vector<1x16xf32> to vector<16xf32>
        %mul3A_624 = arith.mulf %get3A_623, %gather3A_595 : vector<16xf32>
        %swap3A_625 = arith.index_cast %add3A_599 : i32 to index
        %swap3A_626 = arith.constant 32 : index
        %swap3A_627 = tpu.vector_load %arg10[%swap3A_625, %swap3A_626] {strides = array<i32>} : memref<128x128xf32, #tpu.memory_space<vmem>>, vector<1x16xf32>,
        %swap3A_628 = vector.shape_cast %swap3A_627 : vector<1x16xf32> to vector<16xf32>
        %swap3A_629 = vector.shape_cast %mul3A_624 : vector<16xf32> to vector<1x16xf32>
        tpu.vector_store %arg10[%swap3A_625, %swap3A_626], %swap3A_629 {strides = array<i32>} : memref<128x128xf32, #tpu.memory_space<vmem>>, vector<1x16xf32>,
        %get3A_630 = arith.index_cast %add3A_599 : i32 to index
        %get3A_631 = arith.constant 48 : index
        %get3A_632 = tpu.vector_load %arg10[%get3A_630, %get3A_631] {strides = array<i32>} : memref<128x128xf32, #tpu.memory_space<vmem>>, vector<1x16xf32>,
        %get3A_633 = vector.shape_cast %get3A_632 : vector<1x16xf32> to vector<16xf32>
        %mul3A_634 = arith.mulf %get3A_633, %gather3A_595 : vector<16xf32>
        %swap3A_635 = arith.index_cast %add3A_599 : i32 to index
        %swap3A_636 = arith.constant 48 : index
        %swap3A_637 = tpu.vector_load %arg10[%swap3A_635, %swap3A_636] {strides = array<i32>} : memref<128x128xf32, #tpu.memory_space<vmem>>, vector<1x16xf32>,
        %swap3A_638 = vector.shape_cast %swap3A_637 : vector<1x16xf32> to vector<16xf32>
        %swap3A_639 = vector.shape_cast %mul3A_634 : vector<16xf32> to vector<1x16xf32>
        tpu.vector_store %arg10[%swap3A_635, %swap3A_636], %swap3A_639 {strides = array<i32>} : memref<128x128xf32, #tpu.memory_space<vmem>>, vector<1x16xf32>,
        %get3A_640 = arith.index_cast %add3A_599 : i32 to index
        %get3A_641 = arith.constant 64 : index
        %get3A_642 = tpu.vector_load %arg10[%get3A_640, %get3A_641] {strides = array<i32>} : memref<128x128xf32, #tpu.memory_space<vmem>>, vector<1x16xf32>,
        %get3A_643 = vector.shape_cast %get3A_642 : vector<1x16xf32> to vector<16xf32>
        %mul3A_644 = arith.mulf %get3A_643, %gather3A_595 : vector<16xf32>
        %swap3A_645 = arith.index_cast %add3A_599 : i32 to index
        %swap3A_646 = arith.constant 64 : index
        %swap3A_647 = tpu.vector_load %arg10[%swap3A_645, %swap3A_646] {strides = array<i32>} : memref<128x128xf32, #tpu.memory_space<vmem>>, vector<1x16xf32>,
        %swap3A_648 = vector.shape_cast %swap3A_647 : vector<1x16xf32> to vector<16xf32>
        %swap3A_649 = vector.shape_cast %mul3A_644 : vector<16xf32> to vector<1x16xf32>
        tpu.vector_store %arg10[%swap3A_645, %swap3A_646], %swap3A_649 {strides = array<i32>} : memref<128x128xf32, #tpu.memory_space<vmem>>, vector<1x16xf32>,
        %get3A_650 = arith.index_cast %add3A_599 : i32 to index
        %get3A_651 = arith.constant 80 : index
        %get3A_652 = tpu.vector_load %arg10[%get3A_650, %get3A_651] {strides = array<i32>} : memref<128x128xf32, #tpu.memory_space<vmem>>, vector<1x16xf32>,
        %get3A_653 = vector.shape_cast %get3A_652 : vector<1x16xf32> to vector<16xf32>
        %mul3A_654 = arith.mulf %get3A_653, %gather3A_595 : vector<16xf32>
        %swap3A_655 = arith.index_cast %add3A_599 : i32 to index
        %swap3A_656 = arith.constant 80 : index
        %swap3A_657 = tpu.vector_load %arg10[%swap3A_655, %swap3A_656] {strides = array<i32>} : memref<128x128xf32, #tpu.memory_space<vmem>>, vector<1x16xf32>,
        %swap3A_658 = vector.shape_cast %swap3A_657 : vector<1x16xf32> to vector<16xf32>
        %swap3A_659 = vector.shape_cast %mul3A_654 : vector<16xf32> to vector<1x16xf32>
        tpu.vector_store %arg10[%swap3A_655, %swap3A_656], %swap3A_659 {strides = array<i32>} : memref<128x128xf32, #tpu.memory_space<vmem>>, vector<1x16xf32>,
        %get3A_660 = arith.index_cast %add3A_599 : i32 to index
        %get3A_661 = arith.constant 96 : index
        %get3A_662 = tpu.vector_load %arg10[%get3A_660, %get3A_661] {strides = array<i32>} : memref<128x128xf32, #tpu.memory_space<vmem>>, vector<1x16xf32>,
        %get3A_663 = vector.shape_cast %get3A_662 : vector<1x16xf32> to vector<16xf32>
        %mul3A_664 = arith.mulf %get3A_663, %gather3A_595 : vector<16xf32>
        %swap3A_665 = arith.index_cast %add3A_599 : i32 to index
        %swap3A_666 = arith.constant 96 : index
        %swap3A_667 = tpu.vector_load %arg10[%swap3A_665, %swap3A_666] {strides = array<i32>} : memref<128x128xf32, #tpu.memory_space<vmem>>, vector<1x16xf32>,
        %swap3A_668 = vector.shape_cast %swap3A_667 : vector<1x16xf32> to vector<16xf32>
        %swap3A_669 = vector.shape_cast %mul3A_664 : vector<16xf32> to vector<1x16xf32>
        tpu.vector_store %arg10[%swap3A_665, %swap3A_666], %swap3A_669 {strides = array<i32>} : memref<128x128xf32, #tpu.memory_space<vmem>>, vector<1x16xf32>,
        %get3A_670 = arith.index_cast %add3A_599 : i32 to index
        %get3A_671 = arith.constant 112 : index
        %get3A_672 = tpu.vector_load %arg10[%get3A_670, %get3A_671] {strides = array<i32>} : memref<128x128xf32, #tpu.memory_space<vmem>>, vector<1x16xf32>,
        %get3A_673 = vector.shape_cast %get3A_672 : vector<1x16xf32> to vector<16xf32>
        %mul3A_674 = arith.mulf %get3A_673, %gather3A_595 : vector<16xf32>
        %swap3A_675 = arith.index_cast %add3A_599 : i32 to index
        %swap3A_676 = arith.constant 112 : index
        %swap3A_677 = tpu.vector_load %arg10[%swap3A_675, %swap3A_676] {strides = array<i32>} : memref<128x128xf32, #tpu.memory_space<vmem>>, vector<1x16xf32>,
        %swap3A_678 = vector.shape_cast %swap3A_677 : vector<1x16xf32> to vector<16xf32>
        %swap3A_679 = vector.shape_cast %mul3A_674 : vector<16xf32> to vector<1x16xf32>
        tpu.vector_store %arg10[%swap3A_675, %swap3A_676], %swap3A_679 {strides = array<i32>} : memref<128x128xf32, #tpu.memory_space<vmem>>, vector<1x16xf32>,
        %broadcast_in_dim3A_680 = arith.constant 5 : i32
        %broadcast_in_dim3A_681 = vector.broadcast %broadcast_in_dim3A_680 : i32 to vector<16x1xi32>
        %gather3A_682 = vector.shape_cast %broadcast_in_dim3A_681 : vector<16x1xi32> to vector<16xi32>
        %gather3A_683 = tpu.dynamic_gather %get3A_242[%gather3A_682] in [0] : vector<16xf32>, vector<16xi32> -> vector<16xf32>
        %mul3A_684 = arith.constant 16 : i32
        %mul3A_685 = arith.muli %scan3A_238, %mul3A_684 : i32
        %add3A_686 = arith.constant 5 : i32
        %add3A_687 = arith.addi %mul3A_685, %add3A_686 : i32
        %get3A_688 = arith.index_cast %add3A_687 : i32 to index
        %get3A_689 = arith.constant 0 : index
        %get3A_690 = tpu.vector_load %arg10[%get3A_688, %get3A_689] {strides = array<i32>} : memref<128x128xf32, #tpu.memory_space<vmem>>, vector<1x16xf32>,
        %get3A_691 = vector.shape_cast %get3A_690 : vector<1x16xf32> to vector<16xf32>
        %mul3A_692 = arith.mulf %get3A_691, %gather3A_683 : vector<16xf32>
        %swap3A_693 = arith.index_cast %add3A_687 : i32 to index
        %swap3A_694 = arith.constant 0 : index
        %swap3A_695 = tpu.vector_load %arg10[%swap3A_693, %swap3A_694] {strides = array<i32>} : memref<128x128xf32, #tpu.memory_space<vmem>>, vector<1x16xf32>,
        %swap3A_696 = vector.shape_cast %swap3A_695 : vector<1x16xf32> to vector<16xf32>
        %swap3A_697 = vector.shape_cast %mul3A_692 : vector<16xf32> to vector<1x16xf32>
        tpu.vector_store %arg10[%swap3A_693, %swap3A_694], %swap3A_697 {strides = array<i32>} : memref<128x128xf32, #tpu.memory_space<vmem>>, vector<1x16xf32>,
        %get3A_698 = arith.index_cast %add3A_687 : i32 to index
        %get3A_699 = arith.constant 16 : index
        %get3A_700 = tpu.vector_load %arg10[%get3A_698, %get3A_699] {strides = array<i32>} : memref<128x128xf32, #tpu.memory_space<vmem>>, vector<1x16xf32>,
        %get3A_701 = vector.shape_cast %get3A_700 : vector<1x16xf32> to vector<16xf32>
        %mul3A_702 = arith.mulf %get3A_701, %gather3A_683 : vector<16xf32>
        %swap3A_703 = arith.index_cast %add3A_687 : i32 to index
        %swap3A_704 = arith.constant 16 : index
        %swap3A_705 = tpu.vector_load %arg10[%swap3A_703, %swap3A_704] {strides = array<i32>} : memref<128x128xf32, #tpu.memory_space<vmem>>, vector<1x16xf32>,
        %swap3A_706 = vector.shape_cast %swap3A_705 : vector<1x16xf32> to vector<16xf32>
        %swap3A_707 = vector.shape_cast %mul3A_702 : vector<16xf32> to vector<1x16xf32>
        tpu.vector_store %arg10[%swap3A_703, %swap3A_704], %swap3A_707 {strides = array<i32>} : memref<128x128xf32, #tpu.memory_space<vmem>>, vector<1x16xf32>,
        %get3A_708 = arith.index_cast %add3A_687 : i32 to index
        %get3A_709 = arith.constant 32 : index
        %get3A_710 = tpu.vector_load %arg10[%get3A_708, %get3A_709] {strides = array<i32>} : memref<128x128xf32, #tpu.memory_space<vmem>>, vector<1x16xf32>,
        %get3A_711 = vector.shape_cast %get3A_710 : vector<1x16xf32> to vector<16xf32>
        %mul3A_712 = arith.mulf %get3A_711, %gather3A_683 : vector<16xf32>
        %swap3A_713 = arith.index_cast %add3A_687 : i32 to index
        %swap3A_714 = arith.constant 32 : index
        %swap3A_715 = tpu.vector_load %arg10[%swap3A_713, %swap3A_714] {strides = array<i32>} : memref<128x128xf32, #tpu.memory_space<vmem>>, vector<1x16xf32>,
        %swap3A_716 = vector.shape_cast %swap3A_715 : vector<1x16xf32> to vector<16xf32>
        %swap3A_717 = vector.shape_cast %mul3A_712 : vector<16xf32> to vector<1x16xf32>
        tpu.vector_store %arg10[%swap3A_713, %swap3A_714], %swap3A_717 {strides = array<i32>} : memref<128x128xf32, #tpu.memory_space<vmem>>, vector<1x16xf32>,
        %get3A_718 = arith.index_cast %add3A_687 : i32 to index
        %get3A_719 = arith.constant 48 : index
        %get3A_720 = tpu.vector_load %arg10[%get3A_718, %get3A_719] {strides = array<i32>} : memref<128x128xf32, #tpu.memory_space<vmem>>, vector<1x16xf32>,
        %get3A_721 = vector.shape_cast %get3A_720 : vector<1x16xf32> to vector<16xf32>
        %mul3A_722 = arith.mulf %get3A_721, %gather3A_683 : vector<16xf32>
        %swap3A_723 = arith.index_cast %add3A_687 : i32 to index
        %swap3A_724 = arith.constant 48 : index
        %swap3A_725 = tpu.vector_load %arg10[%swap3A_723, %swap3A_724] {strides = array<i32>} : memref<128x128xf32, #tpu.memory_space<vmem>>, vector<1x16xf32>,
        %swap3A_726 = vector.shape_cast %swap3A_725 : vector<1x16xf32> to vector<16xf32>
        %swap3A_727 = vector.shape_cast %mul3A_722 : vector<16xf32> to vector<1x16xf32>
        tpu.vector_store %arg10[%swap3A_723, %swap3A_724], %swap3A_727 {strides = array<i32>} : memref<128x128xf32, #tpu.memory_space<vmem>>, vector<1x16xf32>,
        %get3A_728 = arith.index_cast %add3A_687 : i32 to index
        %get3A_729 = arith.constant 64 : index
        %get3A_730 = tpu.vector_load %arg10[%get3A_728, %get3A_729] {strides = array<i32>} : memref<128x128xf32, #tpu.memory_space<vmem>>, vector<1x16xf32>,
        %get3A_731 = vector.shape_cast %get3A_730 : vector<1x16xf32> to vector<16xf32>
        %mul3A_732 = arith.mulf %get3A_731, %gather3A_683 : vector<16xf32>
        %swap3A_733 = arith.index_cast %add3A_687 : i32 to index
        %swap3A_734 = arith.constant 64 : index
        %swap3A_735 = tpu.vector_load %arg10[%swap3A_733, %swap3A_734] {strides = array<i32>} : memref<128x128xf32, #tpu.memory_space<vmem>>, vector<1x16xf32>,
        %swap3A_736 = vector.shape_cast %swap3A_735 : vector<1x16xf32> to vector<16xf32>
        %swap3A_737 = vector.shape_cast %mul3A_732 : vector<16xf32> to vector<1x16xf32>
        tpu.vector_store %arg10[%swap3A_733, %swap3A_734], %swap3A_737 {strides = array<i32>} : memref<128x128xf32, #tpu.memory_space<vmem>>, vector<1x16xf32>,
        %get3A_738 = arith.index_cast %add3A_687 : i32 to index
        %get3A_739 = arith.constant 80 : index
        %get3A_740 = tpu.vector_load %arg10[%get3A_738, %get3A_739] {strides = array<i32>} : memref<128x128xf32, #tpu.memory_space<vmem>>, vector<1x16xf32>,
        %get3A_741 = vector.shape_cast %get3A_740 : vector<1x16xf32> to vector<16xf32>
        %mul3A_742 = arith.mulf %get3A_741, %gather3A_683 : vector<16xf32>
        %swap3A_743 = arith.index_cast %add3A_687 : i32 to index
        %swap3A_744 = arith.constant 80 : index
        %swap3A_745 = tpu.vector_load %arg10[%swap3A_743, %swap3A_744] {strides = array<i32>} : memref<128x128xf32, #tpu.memory_space<vmem>>, vector<1x16xf32>,
        %swap3A_746 = vector.shape_cast %swap3A_745 : vector<1x16xf32> to vector<16xf32>
        %swap3A_747 = vector.shape_cast %mul3A_742 : vector<16xf32> to vector<1x16xf32>
        tpu.vector_store %arg10[%swap3A_743, %swap3A_744], %swap3A_747 {strides = array<i32>} : memref<128x128xf32, #tpu.memory_space<vmem>>, vector<1x16xf32>,
        %get3A_748 = arith.index_cast %add3A_687 : i32 to index
        %get3A_749 = arith.constant 96 : index
        %get3A_750 = tpu.vector_load %arg10[%get3A_748, %get3A_749] {strides = array<i32>} : memref<128x128xf32, #tpu.memory_space<vmem>>, vector<1x16xf32>,
        %get3A_751 = vector.shape_cast %get3A_750 : vector<1x16xf32> to vector<16xf32>
        %mul3A_752 = arith.mulf %get3A_751, %gather3A_683 : vector<16xf32>
        %swap3A_753 = arith.index_cast %add3A_687 : i32 to index
        %swap3A_754 = arith.constant 96 : index
        %swap3A_755 = tpu.vector_load %arg10[%swap3A_753, %swap3A_754] {strides = array<i32>} : memref<128x128xf32, #tpu.memory_space<vmem>>, vector<1x16xf32>,
        %swap3A_756 = vector.shape_cast %swap3A_755 : vector<1x16xf32> to vector<16xf32>
        %swap3A_757 = vector.shape_cast %mul3A_752 : vector<16xf32> to vector<1x16xf32>
        tpu.vector_store %arg10[%swap3A_753, %swap3A_754], %swap3A_757 {strides = array<i32>} : memref<128x128xf32, #tpu.memory_space<vmem>>, vector<1x16xf32>,
        %get3A_758 = arith.index_cast %add3A_687 : i32 to index
        %get3A_759 = arith.constant 112 : index
        %get3A_760 = tpu.vector_load %arg10[%get3A_758, %get3A_759] {strides = array<i32>} : memref<128x128xf32, #tpu.memory_space<vmem>>, vector<1x16xf32>,
        %get3A_761 = vector.shape_cast %get3A_760 : vector<1x16xf32> to vector<16xf32>
        %mul3A_762 = arith.mulf %get3A_761, %gather3A_683 : vector<16xf32>
        %swap3A_763 = arith.index_cast %add3A_687 : i32 to index
        %swap3A_764 = arith.constant 112 : index
        %swap3A_765 = tpu.vector_load %arg10[%swap3A_763, %swap3A_764] {strides = array<i32>} : memref<128x128xf32, #tpu.memory_space<vmem>>, vector<1x16xf32>,
        %swap3A_766 = vector.shape_cast %swap3A_765 : vector<1x16xf32> to vector<16xf32>
        %swap3A_767 = vector.shape_cast %mul3A_762 : vector<16xf32> to vector<1x16xf32>
        tpu.vector_store %arg10[%swap3A_763, %swap3A_764], %swap3A_767 {strides = array<i32>} : memref<128x128xf32, #tpu.memory_space<vmem>>, vector<1x16xf32>,
        %broadcast_in_dim3A_768 = arith.constant 6 : i32
        %broadcast_in_dim3A_769 = vector.broadcast %broadcast_in_dim3A_768 : i32 to vector<16x1xi32>
        %gather3A_770 = vector.shape_cast %broadcast_in_dim3A_769 : vector<16x1xi32> to vector<16xi32>
        %gather3A_771 = tpu.dynamic_gather %get3A_242[%gather3A_770] in [0] : vector<16xf32>, vector<16xi32> -> vector<16xf32>
        %mul3A_772 = arith.constant 16 : i32
        %mul3A_773 = arith.muli %scan3A_238, %mul3A_772 : i32
        %add3A_774 = arith.constant 6 : i32
        %add3A_775 = arith.addi %mul3A_773, %add3A_774 : i32
        %get3A_776 = arith.index_cast %add3A_775 : i32 to index
        %get3A_777 = arith.constant 0 : index
        %get3A_778 = tpu.vector_load %arg10[%get3A_776, %get3A_777] {strides = array<i32>} : memref<128x128xf32, #tpu.memory_space<vmem>>, vector<1x16xf32>,
        %get3A_779 = vector.shape_cast %get3A_778 : vector<1x16xf32> to vector<16xf32>
        %mul3A_780 = arith.mulf %get3A_779, %gather3A_771 : vector<16xf32>
        %swap3A_781 = arith.index_cast %add3A_775 : i32 to index
        %swap3A_782 = arith.constant 0 : index
        %swap3A_783 = tpu.vector_load %arg10[%swap3A_781, %swap3A_782] {strides = array<i32>} : memref<128x128xf32, #tpu.memory_space<vmem>>, vector<1x16xf32>,
        %swap3A_784 = vector.shape_cast %swap3A_783 : vector<1x16xf32> to vector<16xf32>
        %swap3A_785 = vector.shape_cast %mul3A_780 : vector<16xf32> to vector<1x16xf32>
        tpu.vector_store %arg10[%swap3A_781, %swap3A_782], %swap3A_785 {strides = array<i32>} : memref<128x128xf32, #tpu.memory_space<vmem>>, vector<1x16xf32>,
        %get3A_786 = arith.index_cast %add3A_775 : i32 to index
        %get3A_787 = arith.constant 16 : index
        %get3A_788 = tpu.vector_load %arg10[%get3A_786, %get3A_787] {strides = array<i32>} : memref<128x128xf32, #tpu.memory_space<vmem>>, vector<1x16xf32>,
        %get3A_789 = vector.shape_cast %get3A_788 : vector<1x16xf32> to vector<16xf32>
        %mul3A_790 = arith.mulf %get3A_789, %gather3A_771 : vector<16xf32>
        %swap3A_791 = arith.index_cast %add3A_775 : i32 to index
        %swap3A_792 = arith.constant 16 : index
        %swap3A_793 = tpu.vector_load %arg10[%swap3A_791, %swap3A_792] {strides = array<i32>} : memref<128x128xf32, #tpu.memory_space<vmem>>, vector<1x16xf32>,
        %swap3A_794 = vector.shape_cast %swap3A_793 : vector<1x16xf32> to vector<16xf32>
        %swap3A_795 = vector.shape_cast %mul3A_790 : vector<16xf32> to vector<1x16xf32>
        tpu.vector_store %arg10[%swap3A_791, %swap3A_792], %swap3A_795 {strides = array<i32>} : memref<128x128xf32, #tpu.memory_space<vmem>>, vector<1x16xf32>,
        %get3A_796 = arith.index_cast %add3A_775 : i32 to index
        %get3A_797 = arith.constant 32 : index
        %get3A_798 = tpu.vector_load %arg10[%get3A_796, %get3A_797] {strides = array<i32>} : memref<128x128xf32, #tpu.memory_space<vmem>>, vector<1x16xf32>,
        %get3A_799 = vector.shape_cast %get3A_798 : vector<1x16xf32> to vector<16xf32>
        %mul3A_800 = arith.mulf %get3A_799, %gather3A_771 : vector<16xf32>
        %swap3A_801 = arith.index_cast %add3A_775 : i32 to index
        %swap3A_802 = arith.constant 32 : index
        %swap3A_803 = tpu.vector_load %arg10[%swap3A_801, %swap3A_802] {strides = array<i32>} : memref<128x128xf32, #tpu.memory_space<vmem>>, vector<1x16xf32>,
        %swap3A_804 = vector.shape_cast %swap3A_803 : vector<1x16xf32> to vector<16xf32>
        %swap3A_805 = vector.shape_cast %mul3A_800 : vector<16xf32> to vector<1x16xf32>
        tpu.vector_store %arg10[%swap3A_801, %swap3A_802], %swap3A_805 {strides = array<i32>} : memref<128x128xf32, #tpu.memory_space<vmem>>, vector<1x16xf32>,
        %get3A_806 = arith.index_cast %add3A_775 : i32 to index
        %get3A_807 = arith.constant 48 : index
        %get3A_808 = tpu.vector_load %arg10[%get3A_806, %get3A_807] {strides = array<i32>} : memref<128x128xf32, #tpu.memory_space<vmem>>, vector<1x16xf32>,
        %get3A_809 = vector.shape_cast %get3A_808 : vector<1x16xf32> to vector<16xf32>
        %mul3A_810 = arith.mulf %get3A_809, %gather3A_771 : vector<16xf32>
        %swap3A_811 = arith.index_cast %add3A_775 : i32 to index
        %swap3A_812 = arith.constant 48 : index
        %swap3A_813 = tpu.vector_load %arg10[%swap3A_811, %swap3A_812] {strides = array<i32>} : memref<128x128xf32, #tpu.memory_space<vmem>>, vector<1x16xf32>,
        %swap3A_814 = vector.shape_cast %swap3A_813 : vector<1x16xf32> to vector<16xf32>
        %swap3A_815 = vector.shape_cast %mul3A_810 : vector<16xf32> to vector<1x16xf32>
        tpu.vector_store %arg10[%swap3A_811, %swap3A_812], %swap3A_815 {strides = array<i32>} : memref<128x128xf32, #tpu.memory_space<vmem>>, vector<1x16xf32>,
        %get3A_816 = arith.index_cast %add3A_775 : i32 to index
        %get3A_817 = arith.constant 64 : index
        %get3A_818 = tpu.vector_load %arg10[%get3A_816, %get3A_817] {strides = array<i32>} : memref<128x128xf32, #tpu.memory_space<vmem>>, vector<1x16xf32>,
        %get3A_819 = vector.shape_cast %get3A_818 : vector<1x16xf32> to vector<16xf32>
        %mul3A_820 = arith.mulf %get3A_819, %gather3A_771 : vector<16xf32>
        %swap3A_821 = arith.index_cast %add3A_775 : i32 to index
        %swap3A_822 = arith.constant 64 : index
        %swap3A_823 = tpu.vector_load %arg10[%swap3A_821, %swap3A_822] {strides = array<i32>} : memref<128x128xf32, #tpu.memory_space<vmem>>, vector<1x16xf32>,
        %swap3A_824 = vector.shape_cast %swap3A_823 : vector<1x16xf32> to vector<16xf32>
        %swap3A_825 = vector.shape_cast %mul3A_820 : vector<16xf32> to vector<1x16xf32>
        tpu.vector_store %arg10[%swap3A_821, %swap3A_822], %swap3A_825 {strides = array<i32>} : memref<128x128xf32, #tpu.memory_space<vmem>>, vector<1x16xf32>,
        %get3A_826 = arith.index_cast %add3A_775 : i32 to index
        %get3A_827 = arith.constant 80 : index
        %get3A_828 = tpu.vector_load %arg10[%get3A_826, %get3A_827] {strides = array<i32>} : memref<128x128xf32, #tpu.memory_space<vmem>>, vector<1x16xf32>,
        %get3A_829 = vector.shape_cast %get3A_828 : vector<1x16xf32> to vector<16xf32>
        %mul3A_830 = arith.mulf %get3A_829, %gather3A_771 : vector<16xf32>
        %swap3A_831 = arith.index_cast %add3A_775 : i32 to index
        %swap3A_832 = arith.constant 80 : index
        %swap3A_833 = tpu.vector_load %arg10[%swap3A_831, %swap3A_832] {strides = array<i32>} : memref<128x128xf32, #tpu.memory_space<vmem>>, vector<1x16xf32>,
        %swap3A_834 = vector.shape_cast %swap3A_833 : vector<1x16xf32> to vector<16xf32>
        %swap3A_835 = vector.shape_cast %mul3A_830 : vector<16xf32> to vector<1x16xf32>
        tpu.vector_store %arg10[%swap3A_831, %swap3A_832], %swap3A_835 {strides = array<i32>} : memref<128x128xf32, #tpu.memory_space<vmem>>, vector<1x16xf32>,
        %get3A_836 = arith.index_cast %add3A_775 : i32 to index
        %get3A_837 = arith.constant 96 : index
        %get3A_838 = tpu.vector_load %arg10[%get3A_836, %get3A_837] {strides = array<i32>} : memref<128x128xf32, #tpu.memory_space<vmem>>, vector<1x16xf32>,
        %get3A_839 = vector.shape_cast %get3A_838 : vector<1x16xf32> to vector<16xf32>
        %mul3A_840 = arith.mulf %get3A_839, %gather3A_771 : vector<16xf32>
        %swap3A_841 = arith.index_cast %add3A_775 : i32 to index
        %swap3A_842 = arith.constant 96 : index
        %swap3A_843 = tpu.vector_load %arg10[%swap3A_841, %swap3A_842] {strides = array<i32>} : memref<128x128xf32, #tpu.memory_space<vmem>>, vector<1x16xf32>,
        %swap3A_844 = vector.shape_cast %swap3A_843 : vector<1x16xf32> to vector<16xf32>
        %swap3A_845 = vector.shape_cast %mul3A_840 : vector<16xf32> to vector<1x16xf32>
        tpu.vector_store %arg10[%swap3A_841, %swap3A_842], %swap3A_845 {strides = array<i32>} : memref<128x128xf32, #tpu.memory_space<vmem>>, vector<1x16xf32>,
        %get3A_846 = arith.index_cast %add3A_775 : i32 to index
        %get3A_847 = arith.constant 112 : index
        %get3A_848 = tpu.vector_load %arg10[%get3A_846, %get3A_847] {strides = array<i32>} : memref<128x128xf32, #tpu.memory_space<vmem>>, vector<1x16xf32>,
        %get3A_849 = vector.shape_cast %get3A_848 : vector<1x16xf32> to vector<16xf32>
        %mul3A_850 = arith.mulf %get3A_849, %gather3A_771 : vector<16xf32>
        %swap3A_851 = arith.index_cast %add3A_775 : i32 to index
        %swap3A_852 = arith.constant 112 : index
        %swap3A_853 = tpu.vector_load %arg10[%swap3A_851, %swap3A_852] {strides = array<i32>} : memref<128x128xf32, #tpu.memory_space<vmem>>, vector<1x16xf32>,
        %swap3A_854 = vector.shape_cast %swap3A_853 : vector<1x16xf32> to vector<16xf32>
        %swap3A_855 = vector.shape_cast %mul3A_850 : vector<16xf32> to vector<1x16xf32>
        tpu.vector_store %arg10[%swap3A_851, %swap3A_852], %swap3A_855 {strides = array<i32>} : memref<128x128xf32, #tpu.memory_space<vmem>>, vector<1x16xf32>,
        %broadcast_in_dim3A_856 = arith.constant 7 : i32
        %broadcast_in_dim3A_857 = vector.broadcast %broadcast_in_dim3A_856 : i32 to vector<16x1xi32>
        %gather3A_858 = vector.shape_cast %broadcast_in_dim3A_857 : vector<16x1xi32> to vector<16xi32>
        %gather3A_859 = tpu.dynamic_gather %get3A_242[%gather3A_858] in [0] : vector<16xf32>, vector<16xi32> -> vector<16xf32>
        %mul3A_860 = arith.constant 16 : i32
        %mul3A_861 = arith.muli %scan3A_238, %mul3A_860 : i32
        %add3A_862 = arith.constant 7 : i32
        %add3A_863 = arith.addi %mul3A_861, %add3A_862 : i32
        %get3A_864 = arith.index_cast %add3A_863 : i32 to index
        %get3A_865 = arith.constant 0 : index
        %get3A_866 = tpu.vector_load %arg10[%get3A_864, %get3A_865] {strides = array<i32>} : memref<128x128xf32, #tpu.memory_space<vmem>>, vector<1x16xf32>,
        %get3A_867 = vector.shape_cast %get3A_866 : vector<1x16xf32> to vector<16xf32>
        %mul3A_868 = arith.mulf %get3A_867, %gather3A_859 : vector<16xf32>
        %swap3A_869 = arith.index_cast %add3A_863 : i32 to index
        %swap3A_870 = arith.constant 0 : index
        %swap3A_871 = tpu.vector_load %arg10[%swap3A_869, %swap3A_870] {strides = array<i32>} : memref<128x128xf32, #tpu.memory_space<vmem>>, vector<1x16xf32>,
        %swap3A_872 = vector.shape_cast %swap3A_871 : vector<1x16xf32> to vector<16xf32>
        %swap3A_873 = vector.shape_cast %mul3A_868 : vector<16xf32> to vector<1x16xf32>
        tpu.vector_store %arg10[%swap3A_869, %swap3A_870], %swap3A_873 {strides = array<i32>} : memref<128x128xf32, #tpu.memory_space<vmem>>, vector<1x16xf32>,
        %get3A_874 = arith.index_cast %add3A_863 : i32 to index
        %get3A_875 = arith.constant 16 : index
        %get3A_876 = tpu.vector_load %arg10[%get3A_874, %get3A_875] {strides = array<i32>} : memref<128x128xf32, #tpu.memory_space<vmem>>, vector<1x16xf32>,
        %get3A_877 = vector.shape_cast %get3A_876 : vector<1x16xf32> to vector<16xf32>
        %mul3A_878 = arith.mulf %get3A_877, %gather3A_859 : vector<16xf32>
        %swap3A_879 = arith.index_cast %add3A_863 : i32 to index
        %swap3A_880 = arith.constant 16 : index
        %swap3A_881 = tpu.vector_load %arg10[%swap3A_879, %swap3A_880] {strides = array<i32>} : memref<128x128xf32, #tpu.memory_space<vmem>>, vector<1x16xf32>,
        %swap3A_882 = vector.shape_cast %swap3A_881 : vector<1x16xf32> to vector<16xf32>
        %swap3A_883 = vector.shape_cast %mul3A_878 : vector<16xf32> to vector<1x16xf32>
        tpu.vector_store %arg10[%swap3A_879, %swap3A_880], %swap3A_883 {strides = array<i32>} : memref<128x128xf32, #tpu.memory_space<vmem>>, vector<1x16xf32>,
        %get3A_884 = arith.index_cast %add3A_863 : i32 to index
        %get3A_885 = arith.constant 32 : index
        %get3A_886 = tpu.vector_load %arg10[%get3A_884, %get3A_885] {strides = array<i32>} : memref<128x128xf32, #tpu.memory_space<vmem>>, vector<1x16xf32>,
        %get3A_887 = vector.shape_cast %get3A_886 : vector<1x16xf32> to vector<16xf32>
        %mul3A_888 = arith.mulf %get3A_887, %gather3A_859 : vector<16xf32>
        %swap3A_889 = arith.index_cast %add3A_863 : i32 to index
        %swap3A_890 = arith.constant 32 : index
        %swap3A_891 = tpu.vector_load %arg10[%swap3A_889, %swap3A_890] {strides = array<i32>} : memref<128x128xf32, #tpu.memory_space<vmem>>, vector<1x16xf32>,
        %swap3A_892 = vector.shape_cast %swap3A_891 : vector<1x16xf32> to vector<16xf32>
        %swap3A_893 = vector.shape_cast %mul3A_888 : vector<16xf32> to vector<1x16xf32>
        tpu.vector_store %arg10[%swap3A_889, %swap3A_890], %swap3A_893 {strides = array<i32>} : memref<128x128xf32, #tpu.memory_space<vmem>>, vector<1x16xf32>,
        %get3A_894 = arith.index_cast %add3A_863 : i32 to index
        %get3A_895 = arith.constant 48 : index
        %get3A_896 = tpu.vector_load %arg10[%get3A_894, %get3A_895] {strides = array<i32>} : memref<128x128xf32, #tpu.memory_space<vmem>>, vector<1x16xf32>,
        %get3A_897 = vector.shape_cast %get3A_896 : vector<1x16xf32> to vector<16xf32>
        %mul3A_898 = arith.mulf %get3A_897, %gather3A_859 : vector<16xf32>
        %swap3A_899 = arith.index_cast %add3A_863 : i32 to index
        %swap3A_900 = arith.constant 48 : index
        %swap3A_901 = tpu.vector_load %arg10[%swap3A_899, %swap3A_900] {strides = array<i32>} : memref<128x128xf32, #tpu.memory_space<vmem>>, vector<1x16xf32>,
        %swap3A_902 = vector.shape_cast %swap3A_901 : vector<1x16xf32> to vector<16xf32>
        %swap3A_903 = vector.shape_cast %mul3A_898 : vector<16xf32> to vector<1x16xf32>
        tpu.vector_store %arg10[%swap3A_899, %swap3A_900], %swap3A_903 {strides = array<i32>} : memref<128x128xf32, #tpu.memory_space<vmem>>, vector<1x16xf32>,
        %get3A_904 = arith.index_cast %add3A_863 : i32 to index
        %get3A_905 = arith.constant 64 : index
        %get3A_906 = tpu.vector_load %arg10[%get3A_904, %get3A_905] {strides = array<i32>} : memref<128x128xf32, #tpu.memory_space<vmem>>, vector<1x16xf32>,
        %get3A_907 = vector.shape_cast %get3A_906 : vector<1x16xf32> to vector<16xf32>
        %mul3A_908 = arith.mulf %get3A_907, %gather3A_859 : vector<16xf32>
        %swap3A_909 = arith.index_cast %add3A_863 : i32 to index
        %swap3A_910 = arith.constant 64 : index
        %swap3A_911 = tpu.vector_load %arg10[%swap3A_909, %swap3A_910] {strides = array<i32>} : memref<128x128xf32, #tpu.memory_space<vmem>>, vector<1x16xf32>,
        %swap3A_912 = vector.shape_cast %swap3A_911 : vector<1x16xf32> to vector<16xf32>
        %swap3A_913 = vector.shape_cast %mul3A_908 : vector<16xf32> to vector<1x16xf32>
        tpu.vector_store %arg10[%swap3A_909, %swap3A_910], %swap3A_913 {strides = array<i32>} : memref<128x128xf32, #tpu.memory_space<vmem>>, vector<1x16xf32>,
        %get3A_914 = arith.index_cast %add3A_863 : i32 to index
        %get3A_915 = arith.constant 80 : index
        %get3A_916 = tpu.vector_load %arg10[%get3A_914, %get3A_915] {strides = array<i32>} : memref<128x128xf32, #tpu.memory_space<vmem>>, vector<1x16xf32>,
        %get3A_917 = vector.shape_cast %get3A_916 : vector<1x16xf32> to vector<16xf32>
        %mul3A_918 = arith.mulf %get3A_917, %gather3A_859 : vector<16xf32>
        %swap3A_919 = arith.index_cast %add3A_863 : i32 to index
        %swap3A_920 = arith.constant 80 : index
        %swap3A_921 = tpu.vector_load %arg10[%swap3A_919, %swap3A_920] {strides = array<i32>} : memref<128x128xf32, #tpu.memory_space<vmem>>, vector<1x16xf32>,
        %swap3A_922 = vector.shape_cast %swap3A_921 : vector<1x16xf32> to vector<16xf32>
        %swap3A_923 = vector.shape_cast %mul3A_918 : vector<16xf32> to vector<1x16xf32>
        tpu.vector_store %arg10[%swap3A_919, %swap3A_920], %swap3A_923 {strides = array<i32>} : memref<128x128xf32, #tpu.memory_space<vmem>>, vector<1x16xf32>,
        %get3A_924 = arith.index_cast %add3A_863 : i32 to index
        %get3A_925 = arith.constant 96 : index
        %get3A_926 = tpu.vector_load %arg10[%get3A_924, %get3A_925] {strides = array<i32>} : memref<128x128xf32, #tpu.memory_space<vmem>>, vector<1x16xf32>,
        %get3A_927 = vector.shape_cast %get3A_926 : vector<1x16xf32> to vector<16xf32>
        %mul3A_928 = arith.mulf %get3A_927, %gather3A_859 : vector<16xf32>
        %swap3A_929 = arith.index_cast %add3A_863 : i32 to index
        %swap3A_930 = arith.constant 96 : index
        %swap3A_931 = tpu.vector_load %arg10[%swap3A_929, %swap3A_930] {strides = array<i32>} : memref<128x128xf32, #tpu.memory_space<vmem>>, vector<1x16xf32>,
        %swap3A_932 = vector.shape_cast %swap3A_931 : vector<1x16xf32> to vector<16xf32>
        %swap3A_933 = vector.shape_cast %mul3A_928 : vector<16xf32> to vector<1x16xf32>
        tpu.vector_store %arg10[%swap3A_929, %swap3A_930], %swap3A_933 {strides = array<i32>} : memref<128x128xf32, #tpu.memory_space<vmem>>, vector<1x16xf32>,
        %get3A_934 = arith.index_cast %add3A_863 : i32 to index
        %get3A_935 = arith.constant 112 : index
        %get3A_936 = tpu.vector_load %arg10[%get3A_934, %get3A_935] {strides = array<i32>} : memref<128x128xf32, #tpu.memory_space<vmem>>, vector<1x16xf32>,
        %get3A_937 = vector.shape_cast %get3A_936 : vector<1x16xf32> to vector<16xf32>
        %mul3A_938 = arith.mulf %get3A_937, %gather3A_859 : vector<16xf32>
        %swap3A_939 = arith.index_cast %add3A_863 : i32 to index
        %swap3A_940 = arith.constant 112 : index
        %swap3A_941 = tpu.vector_load %arg10[%swap3A_939, %swap3A_940] {strides = array<i32>} : memref<128x128xf32, #tpu.memory_space<vmem>>, vector<1x16xf32>,
        %swap3A_942 = vector.shape_cast %swap3A_941 : vector<1x16xf32> to vector<16xf32>
        %swap3A_943 = vector.shape_cast %mul3A_938 : vector<16xf32> to vector<1x16xf32>
        tpu.vector_store %arg10[%swap3A_939, %swap3A_940], %swap3A_943 {strides = array<i32>} : memref<128x128xf32, #tpu.memory_space<vmem>>, vector<1x16xf32>,
        %broadcast_in_dim3A_944 = arith.constant 8 : i32
        %broadcast_in_dim3A_945 = vector.broadcast %broadcast_in_dim3A_944 : i32 to vector<16x1xi32>
        %gather3A_946 = vector.shape_cast %broadcast_in_dim3A_945 : vector<16x1xi32> to vector<16xi32>
        %gather3A_947 = tpu.dynamic_gather %get3A_242[%gather3A_946] in [0] : vector<16xf32>, vector<16xi32> -> vector<16xf32>
        %mul3A_948 = arith.constant 16 : i32
        %mul3A_949 = arith.muli %scan3A_238, %mul3A_948 : i32
        %add3A_950 = arith.constant 8 : i32
        %add3A_951 = arith.addi %mul3A_949, %add3A_950 : i32
        %get3A_952 = arith.index_cast %add3A_951 : i32 to index
        %get3A_953 = arith.constant 0 : index
        %get3A_954 = tpu.vector_load %arg10[%get3A_952, %get3A_953] {strides = array<i32>} : memref<128x128xf32, #tpu.memory_space<vmem>>, vector<1x16xf32>,
        %get3A_955 = vector.shape_cast %get3A_954 : vector<1x16xf32> to vector<16xf32>
        %mul3A_956 = arith.mulf %get3A_955, %gather3A_947 : vector<16xf32>
        %swap3A_957 = arith.index_cast %add3A_951 : i32 to index
        %swap3A_958 = arith.constant 0 : index
        %swap3A_959 = tpu.vector_load %arg10[%swap3A_957, %swap3A_958] {strides = array<i32>} : memref<128x128xf32, #tpu.memory_space<vmem>>, vector<1x16xf32>,
        %swap3A_960 = vector.shape_cast %swap3A_959 : vector<1x16xf32> to vector<16xf32>
        %swap3A_961 = vector.shape_cast %mul3A_956 : vector<16xf32> to vector<1x16xf32>
        tpu.vector_store %arg10[%swap3A_957, %swap3A_958], %swap3A_961 {strides = array<i32>} : memref<128x128xf32, #tpu.memory_space<vmem>>, vector<1x16xf32>,
        %get3A_962 = arith.index_cast %add3A_951 : i32 to index
        %get3A_963 = arith.constant 16 : index
        %get3A_964 = tpu.vector_load %arg10[%get3A_962, %get3A_963] {strides = array<i32>} : memref<128x128xf32, #tpu.memory_space<vmem>>, vector<1x16xf32>,
        %get3A_965 = vector.shape_cast %get3A_964 : vector<1x16xf32> to vector<16xf32>
        %mul3A_966 = arith.mulf %get3A_965, %gather3A_947 : vector<16xf32>
        %swap3A_967 = arith.index_cast %add3A_951 : i32 to index
        %swap3A_968 = arith.constant 16 : index
        %swap3A_969 = tpu.vector_load %arg10[%swap3A_967, %swap3A_968] {strides = array<i32>} : memref<128x128xf32, #tpu.memory_space<vmem>>, vector<1x16xf32>,
        %swap3A_970 = vector.shape_cast %swap3A_969 : vector<1x16xf32> to vector<16xf32>
        %swap3A_971 = vector.shape_cast %mul3A_966 : vector<16xf32> to vector<1x16xf32>
        tpu.vector_store %arg10[%swap3A_967, %swap3A_968], %swap3A_971 {strides = array<i32>} : memref<128x128xf32, #tpu.memory_space<vmem>>, vector<1x16xf32>,
        %get3A_972 = arith.index_cast %add3A_951 : i32 to index
        %get3A_973 = arith.constant 32 : index
        %get3A_974 = tpu.vector_load %arg10[%get3A_972, %get3A_973] {strides = array<i32>} : memref<128x128xf32, #tpu.memory_space<vmem>>, vector<1x16xf32>,
        %get3A_975 = vector.shape_cast %get3A_974 : vector<1x16xf32> to vector<16xf32>
        %mul3A_976 = arith.mulf %get3A_975, %gather3A_947 : vector<16xf32>
        %swap3A_977 = arith.index_cast %add3A_951 : i32 to index
        %swap3A_978 = arith.constant 32 : index
        %swap3A_979 = tpu.vector_load %arg10[%swap3A_977, %swap3A_978] {strides = array<i32>} : memref<128x128xf32, #tpu.memory_space<vmem>>, vector<1x16xf32>,
        %swap3A_980 = vector.shape_cast %swap3A_979 : vector<1x16xf32> to vector<16xf32>
        %swap3A_981 = vector.shape_cast %mul3A_976 : vector<16xf32> to vector<1x16xf32>
        tpu.vector_store %arg10[%swap3A_977, %swap3A_978], %swap3A_981 {strides = array<i32>} : memref<128x128xf32, #tpu.memory_space<vmem>>, vector<1x16xf32>,
        %get3A_982 = arith.index_cast %add3A_951 : i32 to index
        %get3A_983 = arith.constant 48 : index
        %get3A_984 = tpu.vector_load %arg10[%get3A_982, %get3A_983] {strides = array<i32>} : memref<128x128xf32, #tpu.memory_space<vmem>>, vector<1x16xf32>,
        %get3A_985 = vector.shape_cast %get3A_984 : vector<1x16xf32> to vector<16xf32>
        %mul3A_986 = arith.mulf %get3A_985, %gather3A_947 : vector<16xf32>
        %swap3A_987 = arith.index_cast %add3A_951 : i32 to index
        %swap3A_988 = arith.constant 48 : index
        %swap3A_989 = tpu.vector_load %arg10[%swap3A_987, %swap3A_988] {strides = array<i32>} : memref<128x128xf32, #tpu.memory_space<vmem>>, vector<1x16xf32>,
        %swap3A_990 = vector.shape_cast %swap3A_989 : vector<1x16xf32> to vector<16xf32>
        %swap3A_991 = vector.shape_cast %mul3A_986 : vector<16xf32> to vector<1x16xf32>
        tpu.vector_store %arg10[%swap3A_987, %swap3A_988], %swap3A_991 {strides = array<i32>} : memref<128x128xf32, #tpu.memory_space<vmem>>, vector<1x16xf32>,
        %get3A_992 = arith.index_cast %add3A_951 : i32 to index
        %get3A_993 = arith.constant 64 : index
        %get3A_994 = tpu.vector_load %arg10[%get3A_992, %get3A_993] {strides = array<i32>} : memref<128x128xf32, #tpu.memory_space<vmem>>, vector<1x16xf32>,
        %get3A_995 = vector.shape_cast %get3A_994 : vector<1x16xf32> to vector<16xf32>
        %mul3A_996 = arith.mulf %get3A_995, %gather3A_947 : vector<16xf32>
        %swap3A_997 = arith.index_cast %add3A_951 : i32 to index
        %swap3A_998 = arith.constant 64 : index
        %swap3A_999 = tpu.vector_load %arg10[%swap3A_997, %swap3A_998] {strides = array<i32>} : memref<128x128xf32, #tpu.memory_space<vmem>>, vector<1x16xf32>,
        %swap3A_1000 = vector.shape_cast %swap3A_999 : vector<1x16xf32> to vector<16xf32>
        %swap3A_1001 = vector.shape_cast %mul3A_996 : vector<16xf32> to vector<1x16xf32>
        tpu.vector_store %arg10[%swap3A_997, %swap3A_998], %swap3A_1001 {strides = array<i32>} : memref<128x128xf32, #tpu.memory_space<vmem>>, vector<1x16xf32>,
        %get3A_1002 = arith.index_cast %add3A_951 : i32 to index
        %get3A_1003 = arith.constant 80 : index
        %get3A_1004 = tpu.vector_load %arg10[%get3A_1002, %get3A_1003] {strides = array<i32>} : memref<128x128xf32, #tpu.memory_space<vmem>>, vector<1x16xf32>,
        %get3A_1005 = vector.shape_cast %get3A_1004 : vector<1x16xf32> to vector<16xf32>
        %mul3A_1006 = arith.mulf %get3A_1005, %gather3A_947 : vector<16xf32>
        %swap3A_1007 = arith.index_cast %add3A_951 : i32 to index
        %swap3A_1008 = arith.constant 80 : index
        %swap3A_1009 = tpu.vector_load %arg10[%swap3A_1007, %swap3A_1008] {strides = array<i32>} : memref<128x128xf32, #tpu.memory_space<vmem>>, vector<1x16xf32>,
        %swap3A_1010 = vector.shape_cast %swap3A_1009 : vector<1x16xf32> to vector<16xf32>
        %swap3A_1011 = vector.shape_cast %mul3A_1006 : vector<16xf32> to vector<1x16xf32>
        tpu.vector_store %arg10[%swap3A_1007, %swap3A_1008], %swap3A_1011 {strides = array<i32>} : memref<128x128xf32, #tpu.memory_space<vmem>>, vector<1x16xf32>,
        %get3A_1012 = arith.index_cast %add3A_951 : i32 to index
        %get3A_1013 = arith.constant 96 : index
        %get3A_1014 = tpu.vector_load %arg10[%get3A_1012, %get3A_1013] {strides = array<i32>} : memref<128x128xf32, #tpu.memory_space<vmem>>, vector<1x16xf32>,
        %get3A_1015 = vector.shape_cast %get3A_1014 : vector<1x16xf32> to vector<16xf32>
        %mul3A_1016 = arith.mulf %get3A_1015, %gather3A_947 : vector<16xf32>
        %swap3A_1017 = arith.index_cast %add3A_951 : i32 to index
        %swap3A_1018 = arith.constant 96 : index
        %swap3A_1019 = tpu.vector_load %arg10[%swap3A_1017, %swap3A_1018] {strides = array<i32>} : memref<128x128xf32, #tpu.memory_space<vmem>>, vector<1x16xf32>,
        %swap3A_1020 = vector.shape_cast %swap3A_1019 : vector<1x16xf32> to vector<16xf32>
        %swap3A_1021 = vector.shape_cast %mul3A_1016 : vector<16xf32> to vector<1x16xf32>
        tpu.vector_store %arg10[%swap3A_1017, %swap3A_1018], %swap3A_1021 {strides = array<i32>} : memref<128x128xf32, #tpu.memory_space<vmem>>, vector<1x16xf32>,
        %get3A_1022 = arith.index_cast %add3A_951 : i32 to index
        %get3A_1023 = arith.constant 112 : index
        %get3A_1024 = tpu.vector_load %arg10[%get3A_1022, %get3A_1023] {strides = array<i32>} : memref<128x128xf32, #tpu.memory_space<vmem>>, vector<1x16xf32>,
        %get3A_1025 = vector.shape_cast %get3A_1024 : vector<1x16xf32> to vector<16xf32>
        %mul3A_1026 = arith.mulf %get3A_1025, %gather3A_947 : vector<16xf32>
        %swap3A_1027 = arith.index_cast %add3A_951 : i32 to index
        %swap3A_1028 = arith.constant 112 : index
        %swap3A_1029 = tpu.vector_load %arg10[%swap3A_1027, %swap3A_1028] {strides = array<i32>} : memref<128x128xf32, #tpu.memory_space<vmem>>, vector<1x16xf32>,
        %swap3A_1030 = vector.shape_cast %swap3A_1029 : vector<1x16xf32> to vector<16xf32>
        %swap3A_1031 = vector.shape_cast %mul3A_1026 : vector<16xf32> to vector<1x16xf32>
        tpu.vector_store %arg10[%swap3A_1027, %swap3A_1028], %swap3A_1031 {strides = array<i32>} : memref<128x128xf32, #tpu.memory_space<vmem>>, vector<1x16xf32>,
        %broadcast_in_dim3A_1032 = arith.constant 9 : i32
        %broadcast_in_dim3A_1033 = vector.broadcast %broadcast_in_dim3A_1032 : i32 to vector<16x1xi32>
        %gather3A_1034 = vector.shape_cast %broadcast_in_dim3A_1033 : vector<16x1xi32> to vector<16xi32>
        %gather3A_1035 = tpu.dynamic_gather %get3A_242[%gather3A_1034] in [0] : vector<16xf32>, vector<16xi32> -> vector<16xf32>
        %mul3A_1036 = arith.constant 16 : i32
        %mul3A_1037 = arith.muli %scan3A_238, %mul3A_1036 : i32
        %add3A_1038 = arith.constant 9 : i32
        %add3A_1039 = arith.addi %mul3A_1037, %add3A_1038 : i32
        %get3A_1040 = arith.index_cast %add3A_1039 : i32 to index
        %get3A_1041 = arith.constant 0 : index
        %get3A_1042 = tpu.vector_load %arg10[%get3A_1040, %get3A_1041] {strides = array<i32>} : memref<128x128xf32, #tpu.memory_space<vmem>>, vector<1x16xf32>,
        %get3A_1043 = vector.shape_cast %get3A_1042 : vector<1x16xf32> to vector<16xf32>
        %mul3A_1044 = arith.mulf %get3A_1043, %gather3A_1035 : vector<16xf32>
        %swap3A_1045 = arith.index_cast %add3A_1039 : i32 to index
        %swap3A_1046 = arith.constant 0 : index
        %swap3A_1047 = tpu.vector_load %arg10[%swap3A_1045, %swap3A_1046] {strides = array<i32>} : memref<128x128xf32, #tpu.memory_space<vmem>>, vector<1x16xf32>,
        %swap3A_1048 = vector.shape_cast %swap3A_1047 : vector<1x16xf32> to vector<16xf32>
        %swap3A_1049 = vector.shape_cast %mul3A_1044 : vector<16xf32> to vector<1x16xf32>
        tpu.vector_store %arg10[%swap3A_1045, %swap3A_1046], %swap3A_1049 {strides = array<i32>} : memref<128x128xf32, #tpu.memory_space<vmem>>, vector<1x16xf32>,
        %get3A_1050 = arith.index_cast %add3A_1039 : i32 to index
        %get3A_1051 = arith.constant 16 : index
        %get3A_1052 = tpu.vector_load %arg10[%get3A_1050, %get3A_1051] {strides = array<i32>} : memref<128x128xf32, #tpu.memory_space<vmem>>, vector<1x16xf32>,
        %get3A_1053 = vector.shape_cast %get3A_1052 : vector<1x16xf32> to vector<16xf32>
        %mul3A_1054 = arith.mulf %get3A_1053, %gather3A_1035 : vector<16xf32>
        %swap3A_1055 = arith.index_cast %add3A_1039 : i32 to index
        %swap3A_1056 = arith.constant 16 : index
        %swap3A_1057 = tpu.vector_load %arg10[%swap3A_1055, %swap3A_1056] {strides = array<i32>} : memref<128x128xf32, #tpu.memory_space<vmem>>, vector<1x16xf32>,
        %swap3A_1058 = vector.shape_cast %swap3A_1057 : vector<1x16xf32> to vector<16xf32>
        %swap3A_1059 = vector.shape_cast %mul3A_1054 : vector<16xf32> to vector<1x16xf32>
        tpu.vector_store %arg10[%swap3A_1055, %swap3A_1056], %swap3A_1059 {strides = array<i32>} : memref<128x128xf32, #tpu.memory_space<vmem>>, vector<1x16xf32>,
        %get3A_1060 = arith.index_cast %add3A_1039 : i32 to index
        %get3A_1061 = arith.constant 32 : index
        %get3A_1062 = tpu.vector_load %arg10[%get3A_1060, %get3A_1061] {strides = array<i32>} : memref<128x128xf32, #tpu.memory_space<vmem>>, vector<1x16xf32>,
        %get3A_1063 = vector.shape_cast %get3A_1062 : vector<1x16xf32> to vector<16xf32>
        %mul3A_1064 = arith.mulf %get3A_1063, %gather3A_1035 : vector<16xf32>
        %swap3A_1065 = arith.index_cast %add3A_1039 : i32 to index
        %swap3A_1066 = arith.constant 32 : index
        %swap3A_1067 = tpu.vector_load %arg10[%swap3A_1065, %swap3A_1066] {strides = array<i32>} : memref<128x128xf32, #tpu.memory_space<vmem>>, vector<1x16xf32>,
        %swap3A_1068 = vector.shape_cast %swap3A_1067 : vector<1x16xf32> to vector<16xf32>
        %swap3A_1069 = vector.shape_cast %mul3A_1064 : vector<16xf32> to vector<1x16xf32>
        tpu.vector_store %arg10[%swap3A_1065, %swap3A_1066], %swap3A_1069 {strides = array<i32>} : memref<128x128xf32, #tpu.memory_space<vmem>>, vector<1x16xf32>,
        %get3A_1070 = arith.index_cast %add3A_1039 : i32 to index
        %get3A_1071 = arith.constant 48 : index
        %get3A_1072 = tpu.vector_load %arg10[%get3A_1070, %get3A_1071] {strides = array<i32>} : memref<128x128xf32, #tpu.memory_space<vmem>>, vector<1x16xf32>,
        %get3A_1073 = vector.shape_cast %get3A_1072 : vector<1x16xf32> to vector<16xf32>
        %mul3A_1074 = arith.mulf %get3A_1073, %gather3A_1035 : vector<16xf32>
        %swap3A_1075 = arith.index_cast %add3A_1039 : i32 to index
        %swap3A_1076 = arith.constant 48 : index
        %swap3A_1077 = tpu.vector_load %arg10[%swap3A_1075, %swap3A_1076] {strides = array<i32>} : memref<128x128xf32, #tpu.memory_space<vmem>>, vector<1x16xf32>,
        %swap3A_1078 = vector.shape_cast %swap3A_1077 : vector<1x16xf32> to vector<16xf32>
        %swap3A_1079 = vector.shape_cast %mul3A_1074 : vector<16xf32> to vector<1x16xf32>
        tpu.vector_store %arg10[%swap3A_1075, %swap3A_1076], %swap3A_1079 {strides = array<i32>} : memref<128x128xf32, #tpu.memory_space<vmem>>, vector<1x16xf32>,
        %get3A_1080 = arith.index_cast %add3A_1039 : i32 to index
        %get3A_1081 = arith.constant 64 : index
        %get3A_1082 = tpu.vector_load %arg10[%get3A_1080, %get3A_1081] {strides = array<i32>} : memref<128x128xf32, #tpu.memory_space<vmem>>, vector<1x16xf32>,
        %get3A_1083 = vector.shape_cast %get3A_1082 : vector<1x16xf32> to vector<16xf32>
        %mul3A_1084 = arith.mulf %get3A_1083, %gather3A_1035 : vector<16xf32>
        %swap3A_1085 = arith.index_cast %add3A_1039 : i32 to index
        %swap3A_1086 = arith.constant 64 : index
        %swap3A_1087 = tpu.vector_load %arg10[%swap3A_1085, %swap3A_1086] {strides = array<i32>} : memref<128x128xf32, #tpu.memory_space<vmem>>, vector<1x16xf32>,
        %swap3A_1088 = vector.shape_cast %swap3A_1087 : vector<1x16xf32> to vector<16xf32>
        %swap3A_1089 = vector.shape_cast %mul3A_1084 : vector<16xf32> to vector<1x16xf32>
        tpu.vector_store %arg10[%swap3A_1085, %swap3A_1086], %swap3A_1089 {strides = array<i32>} : memref<128x128xf32, #tpu.memory_space<vmem>>, vector<1x16xf32>,
        %get3A_1090 = arith.index_cast %add3A_1039 : i32 to index
        %get3A_1091 = arith.constant 80 : index
        %get3A_1092 = tpu.vector_load %arg10[%get3A_1090, %get3A_1091] {strides = array<i32>} : memref<128x128xf32, #tpu.memory_space<vmem>>, vector<1x16xf32>,
        %get3A_1093 = vector.shape_cast %get3A_1092 : vector<1x16xf32> to vector<16xf32>
        %mul3A_1094 = arith.mulf %get3A_1093, %gather3A_1035 : vector<16xf32>
        %swap3A_1095 = arith.index_cast %add3A_1039 : i32 to index
        %swap3A_1096 = arith.constant 80 : index
        %swap3A_1097 = tpu.vector_load %arg10[%swap3A_1095, %swap3A_1096] {strides = array<i32>} : memref<128x128xf32, #tpu.memory_space<vmem>>, vector<1x16xf32>,
        %swap3A_1098 = vector.shape_cast %swap3A_1097 : vector<1x16xf32> to vector<16xf32>
        %swap3A_1099 = vector.shape_cast %mul3A_1094 : vector<16xf32> to vector<1x16xf32>
        tpu.vector_store %arg10[%swap3A_1095, %swap3A_1096], %swap3A_1099 {strides = array<i32>} : memref<128x128xf32, #tpu.memory_space<vmem>>, vector<1x16xf32>,
        %get3A_1100 = arith.index_cast %add3A_1039 : i32 to index
        %get3A_1101 = arith.constant 96 : index
        %get3A_1102 = tpu.vector_load %arg10[%get3A_1100, %get3A_1101] {strides = array<i32>} : memref<128x128xf32, #tpu.memory_space<vmem>>, vector<1x16xf32>,
        %get3A_1103 = vector.shape_cast %get3A_1102 : vector<1x16xf32> to vector<16xf32>
        %mul3A_1104 = arith.mulf %get3A_1103, %gather3A_1035 : vector<16xf32>
        %swap3A_1105 = arith.index_cast %add3A_1039 : i32 to index
        %swap3A_1106 = arith.constant 96 : index
        %swap3A_1107 = tpu.vector_load %arg10[%swap3A_1105, %swap3A_1106] {strides = array<i32>} : memref<128x128xf32, #tpu.memory_space<vmem>>, vector<1x16xf32>,
        %swap3A_1108 = vector.shape_cast %swap3A_1107 : vector<1x16xf32> to vector<16xf32>
        %swap3A_1109 = vector.shape_cast %mul3A_1104 : vector<16xf32> to vector<1x16xf32>
        tpu.vector_store %arg10[%swap3A_1105, %swap3A_1106], %swap3A_1109 {strides = array<i32>} : memref<128x128xf32, #tpu.memory_space<vmem>>, vector<1x16xf32>,
        %get3A_1110 = arith.index_cast %add3A_1039 : i32 to index
        %get3A_1111 = arith.constant 112 : index
        %get3A_1112 = tpu.vector_load %arg10[%get3A_1110, %get3A_1111] {strides = array<i32>} : memref<128x128xf32, #tpu.memory_space<vmem>>, vector<1x16xf32>,
        %get3A_1113 = vector.shape_cast %get3A_1112 : vector<1x16xf32> to vector<16xf32>
        %mul3A_1114 = arith.mulf %get3A_1113, %gather3A_1035 : vector<16xf32>
        %swap3A_1115 = arith.index_cast %add3A_1039 : i32 to index
        %swap3A_1116 = arith.constant 112 : index
        %swap3A_1117 = tpu.vector_load %arg10[%swap3A_1115, %swap3A_1116] {strides = array<i32>} : memref<128x128xf32, #tpu.memory_space<vmem>>, vector<1x16xf32>,
        %swap3A_1118 = vector.shape_cast %swap3A_1117 : vector<1x16xf32> to vector<16xf32>
        %swap3A_1119 = vector.shape_cast %mul3A_1114 : vector<16xf32> to vector<1x16xf32>
        tpu.vector_store %arg10[%swap3A_1115, %swap3A_1116], %swap3A_1119 {strides = array<i32>} : memref<128x128xf32, #tpu.memory_space<vmem>>, vector<1x16xf32>,
        %broadcast_in_dim3A_1120 = arith.constant 10 : i32
        %broadcast_in_dim3A_1121 = vector.broadcast %broadcast_in_dim3A_1120 : i32 to vector<16x1xi32>
        %gather3A_1122 = vector.shape_cast %broadcast_in_dim3A_1121 : vector<16x1xi32> to vector<16xi32>
        %gather3A_1123 = tpu.dynamic_gather %get3A_242[%gather3A_1122] in [0] : vector<16xf32>, vector<16xi32> -> vector<16xf32>
        %mul3A_1124 = arith.constant 16 : i32
        %mul3A_1125 = arith.muli %scan3A_238, %mul3A_1124 : i32
        %add3A_1126 = arith.constant 10 : i32
        %add3A_1127 = arith.addi %mul3A_1125, %add3A_1126 : i32
        %get3A_1128 = arith.index_cast %add3A_1127 : i32 to index
        %get3A_1129 = arith.constant 0 : index
        %get3A_1130 = tpu.vector_load %arg10[%get3A_1128, %get3A_1129] {strides = array<i32>} : memref<128x128xf32, #tpu.memory_space<vmem>>, vector<1x16xf32>,
        %get3A_1131 = vector.shape_cast %get3A_1130 : vector<1x16xf32> to vector<16xf32>
        %mul3A_1132 = arith.mulf %get3A_1131, %gather3A_1123 : vector<16xf32>
        %swap3A_1133 = arith.index_cast %add3A_1127 : i32 to index
        %swap3A_1134 = arith.constant 0 : index
        %swap3A_1135 = tpu.vector_load %arg10[%swap3A_1133, %swap3A_1134] {strides = array<i32>} : memref<128x128xf32, #tpu.memory_space<vmem>>, vector<1x16xf32>,
        %swap3A_1136 = vector.shape_cast %swap3A_1135 : vector<1x16xf32> to vector<16xf32>
        %swap3A_1137 = vector.shape_cast %mul3A_1132 : vector<16xf32> to vector<1x16xf32>
        tpu.vector_store %arg10[%swap3A_1133, %swap3A_1134], %swap3A_1137 {strides = array<i32>} : memref<128x128xf32, #tpu.memory_space<vmem>>, vector<1x16xf32>,
        %get3A_1138 = arith.index_cast %add3A_1127 : i32 to index
        %get3A_1139 = arith.constant 16 : index
        %get3A_1140 = tpu.vector_load %arg10[%get3A_1138, %get3A_1139] {strides = array<i32>} : memref<128x128xf32, #tpu.memory_space<vmem>>, vector<1x16xf32>,
        %get3A_1141 = vector.shape_cast %get3A_1140 : vector<1x16xf32> to vector<16xf32>
        %mul3A_1142 = arith.mulf %get3A_1141, %gather3A_1123 : vector<16xf32>
        %swap3A_1143 = arith.index_cast %add3A_1127 : i32 to index
        %swap3A_1144 = arith.constant 16 : index
        %swap3A_1145 = tpu.vector_load %arg10[%swap3A_1143, %swap3A_1144] {strides = array<i32>} : memref<128x128xf32, #tpu.memory_space<vmem>>, vector<1x16xf32>,
        %swap3A_1146 = vector.shape_cast %swap3A_1145 : vector<1x16xf32> to vector<16xf32>
        %swap3A_1147 = vector.shape_cast %mul3A_1142 : vector<16xf32> to vector<1x16xf32>
        tpu.vector_store %arg10[%swap3A_1143, %swap3A_1144], %swap3A_1147 {strides = array<i32>} : memref<128x128xf32, #tpu.memory_space<vmem>>, vector<1x16xf32>,
        %get3A_1148 = arith.index_cast %add3A_1127 : i32 to index
        %get3A_1149 = arith.constant 32 : index
        %get3A_1150 = tpu.vector_load %arg10[%get3A_1148, %get3A_1149] {strides = array<i32>} : memref<128x128xf32, #tpu.memory_space<vmem>>, vector<1x16xf32>,
        %get3A_1151 = vector.shape_cast %get3A_1150 : vector<1x16xf32> to vector<16xf32>
        %mul3A_1152 = arith.mulf %get3A_1151, %gather3A_1123 : vector<16xf32>
        %swap3A_1153 = arith.index_cast %add3A_1127 : i32 to index
        %swap3A_1154 = arith.constant 32 : index
        %swap3A_1155 = tpu.vector_load %arg10[%swap3A_1153, %swap3A_1154] {strides = array<i32>} : memref<128x128xf32, #tpu.memory_space<vmem>>, vector<1x16xf32>,
        %swap3A_1156 = vector.shape_cast %swap3A_1155 : vector<1x16xf32> to vector<16xf32>
        %swap3A_1157 = vector.shape_cast %mul3A_1152 : vector<16xf32> to vector<1x16xf32>
        tpu.vector_store %arg10[%swap3A_1153, %swap3A_1154], %swap3A_1157 {strides = array<i32>} : memref<128x128xf32, #tpu.memory_space<vmem>>, vector<1x16xf32>,
        %get3A_1158 = arith.index_cast %add3A_1127 : i32 to index
        %get3A_1159 = arith.constant 48 : index
        %get3A_1160 = tpu.vector_load %arg10[%get3A_1158, %get3A_1159] {strides = array<i32>} : memref<128x128xf32, #tpu.memory_space<vmem>>, vector<1x16xf32>,
        %get3A_1161 = vector.shape_cast %get3A_1160 : vector<1x16xf32> to vector<16xf32>
        %mul3A_1162 = arith.mulf %get3A_1161, %gather3A_1123 : vector<16xf32>
        %swap3A_1163 = arith.index_cast %add3A_1127 : i32 to index
        %swap3A_1164 = arith.constant 48 : index
        %swap3A_1165 = tpu.vector_load %arg10[%swap3A_1163, %swap3A_1164] {strides = array<i32>} : memref<128x128xf32, #tpu.memory_space<vmem>>, vector<1x16xf32>,
        %swap3A_1166 = vector.shape_cast %swap3A_1165 : vector<1x16xf32> to vector<16xf32>
        %swap3A_1167 = vector.shape_cast %mul3A_1162 : vector<16xf32> to vector<1x16xf32>
        tpu.vector_store %arg10[%swap3A_1163, %swap3A_1164], %swap3A_1167 {strides = array<i32>} : memref<128x128xf32, #tpu.memory_space<vmem>>, vector<1x16xf32>,
        %get3A_1168 = arith.index_cast %add3A_1127 : i32 to index
        %get3A_1169 = arith.constant 64 : index
        %get3A_1170 = tpu.vector_load %arg10[%get3A_1168, %get3A_1169] {strides = array<i32>} : memref<128x128xf32, #tpu.memory_space<vmem>>, vector<1x16xf32>,
        %get3A_1171 = vector.shape_cast %get3A_1170 : vector<1x16xf32> to vector<16xf32>
        %mul3A_1172 = arith.mulf %get3A_1171, %gather3A_1123 : vector<16xf32>
        %swap3A_1173 = arith.index_cast %add3A_1127 : i32 to index
        %swap3A_1174 = arith.constant 64 : index
        %swap3A_1175 = tpu.vector_load %arg10[%swap3A_1173, %swap3A_1174] {strides = array<i32>} : memref<128x128xf32, #tpu.memory_space<vmem>>, vector<1x16xf32>,
        %swap3A_1176 = vector.shape_cast %swap3A_1175 : vector<1x16xf32> to vector<16xf32>
        %swap3A_1177 = vector.shape_cast %mul3A_1172 : vector<16xf32> to vector<1x16xf32>
        tpu.vector_store %arg10[%swap3A_1173, %swap3A_1174], %swap3A_1177 {strides = array<i32>} : memref<128x128xf32, #tpu.memory_space<vmem>>, vector<1x16xf32>,
        %get3A_1178 = arith.index_cast %add3A_1127 : i32 to index
        %get3A_1179 = arith.constant 80 : index
        %get3A_1180 = tpu.vector_load %arg10[%get3A_1178, %get3A_1179] {strides = array<i32>} : memref<128x128xf32, #tpu.memory_space<vmem>>, vector<1x16xf32>,
        %get3A_1181 = vector.shape_cast %get3A_1180 : vector<1x16xf32> to vector<16xf32>
        %mul3A_1182 = arith.mulf %get3A_1181, %gather3A_1123 : vector<16xf32>
        %swap3A_1183 = arith.index_cast %add3A_1127 : i32 to index
        %swap3A_1184 = arith.constant 80 : index
        %swap3A_1185 = tpu.vector_load %arg10[%swap3A_1183, %swap3A_1184] {strides = array<i32>} : memref<128x128xf32, #tpu.memory_space<vmem>>, vector<1x16xf32>,
        %swap3A_1186 = vector.shape_cast %swap3A_1185 : vector<1x16xf32> to vector<16xf32>
        %swap3A_1187 = vector.shape_cast %mul3A_1182 : vector<16xf32> to vector<1x16xf32>
        tpu.vector_store %arg10[%swap3A_1183, %swap3A_1184], %swap3A_1187 {strides = array<i32>} : memref<128x128xf32, #tpu.memory_space<vmem>>, vector<1x16xf32>,
        %get3A_1188 = arith.index_cast %add3A_1127 : i32 to index
        %get3A_1189 = arith.constant 96 : index
        %get3A_1190 = tpu.vector_load %arg10[%get3A_1188, %get3A_1189] {strides = array<i32>} : memref<128x128xf32, #tpu.memory_space<vmem>>, vector<1x16xf32>,
        %get3A_1191 = vector.shape_cast %get3A_1190 : vector<1x16xf32> to vector<16xf32>
        %mul3A_1192 = arith.mulf %get3A_1191, %gather3A_1123 : vector<16xf32>
        %swap3A_1193 = arith.index_cast %add3A_1127 : i32 to index
        %swap3A_1194 = arith.constant 96 : index
        %swap3A_1195 = tpu.vector_load %arg10[%swap3A_1193, %swap3A_1194] {strides = array<i32>} : memref<128x128xf32, #tpu.memory_space<vmem>>, vector<1x16xf32>,
        %swap3A_1196 = vector.shape_cast %swap3A_1195 : vector<1x16xf32> to vector<16xf32>
        %swap3A_1197 = vector.shape_cast %mul3A_1192 : vector<16xf32> to vector<1x16xf32>
        tpu.vector_store %arg10[%swap3A_1193, %swap3A_1194], %swap3A_1197 {strides = array<i32>} : memref<128x128xf32, #tpu.memory_space<vmem>>, vector<1x16xf32>,
        %get3A_1198 = arith.index_cast %add3A_1127 : i32 to index
        %get3A_1199 = arith.constant 112 : index
        %get3A_1200 = tpu.vector_load %arg10[%get3A_1198, %get3A_1199] {strides = array<i32>} : memref<128x128xf32, #tpu.memory_space<vmem>>, vector<1x16xf32>,
        %get3A_1201 = vector.shape_cast %get3A_1200 : vector<1x16xf32> to vector<16xf32>
        %mul3A_1202 = arith.mulf %get3A_1201, %gather3A_1123 : vector<16xf32>
        %swap3A_1203 = arith.index_cast %add3A_1127 : i32 to index
        %swap3A_1204 = arith.constant 112 : index
        %swap3A_1205 = tpu.vector_load %arg10[%swap3A_1203, %swap3A_1204] {strides = array<i32>} : memref<128x128xf32, #tpu.memory_space<vmem>>, vector<1x16xf32>,
        %swap3A_1206 = vector.shape_cast %swap3A_1205 : vector<1x16xf32> to vector<16xf32>
        %swap3A_1207 = vector.shape_cast %mul3A_1202 : vector<16xf32> to vector<1x16xf32>
        tpu.vector_store %arg10[%swap3A_1203, %swap3A_1204], %swap3A_1207 {strides = array<i32>} : memref<128x128xf32, #tpu.memory_space<vmem>>, vector<1x16xf32>,
        %broadcast_in_dim3A_1208 = arith.constant 11 : i32
        %broadcast_in_dim3A_1209 = vector.broadcast %broadcast_in_dim3A_1208 : i32 to vector<16x1xi32>
        %gather3A_1210 = vector.shape_cast %broadcast_in_dim3A_1209 : vector<16x1xi32> to vector<16xi32>
        %gather3A_1211 = tpu.dynamic_gather %get3A_242[%gather3A_1210] in [0] : vector<16xf32>, vector<16xi32> -> vector<16xf32>
        %mul3A_1212 = arith.constant 16 : i32
        %mul3A_1213 = arith.muli %scan3A_238, %mul3A_1212 : i32
        %add3A_1214 = arith.constant 11 : i32
        %add3A_1215 = arith.addi %mul3A_1213, %add3A_1214 : i32
        %get3A_1216 = arith.index_cast %add3A_1215 : i32 to index
        %get3A_1217 = arith.constant 0 : index
        %get3A_1218 = tpu.vector_load %arg10[%get3A_1216, %get3A_1217] {strides = array<i32>} : memref<128x128xf32, #tpu.memory_space<vmem>>, vector<1x16xf32>,
        %get3A_1219 = vector.shape_cast %get3A_1218 : vector<1x16xf32> to vector<16xf32>
        %mul3A_1220 = arith.mulf %get3A_1219, %gather3A_1211 : vector<16xf32>
        %swap3A_1221 = arith.index_cast %add3A_1215 : i32 to index
        %swap3A_1222 = arith.constant 0 : index
        %swap3A_1223 = tpu.vector_load %arg10[%swap3A_1221, %swap3A_1222] {strides = array<i32>} : memref<128x128xf32, #tpu.memory_space<vmem>>, vector<1x16xf32>,
        %swap3A_1224 = vector.shape_cast %swap3A_1223 : vector<1x16xf32> to vector<16xf32>
        %swap3A_1225 = vector.shape_cast %mul3A_1220 : vector<16xf32> to vector<1x16xf32>
        tpu.vector_store %arg10[%swap3A_1221, %swap3A_1222], %swap3A_1225 {strides = array<i32>} : memref<128x128xf32, #tpu.memory_space<vmem>>, vector<1x16xf32>,
        %get3A_1226 = arith.index_cast %add3A_1215 : i32 to index
        %get3A_1227 = arith.constant 16 : index
        %get3A_1228 = tpu.vector_load %arg10[%get3A_1226, %get3A_1227] {strides = array<i32>} : memref<128x128xf32, #tpu.memory_space<vmem>>, vector<1x16xf32>,
        %get3A_1229 = vector.shape_cast %get3A_1228 : vector<1x16xf32> to vector<16xf32>
        %mul3A_1230 = arith.mulf %get3A_1229, %gather3A_1211 : vector<16xf32>
        %swap3A_1231 = arith.index_cast %add3A_1215 : i32 to index
        %swap3A_1232 = arith.constant 16 : index
        %swap3A_1233 = tpu.vector_load %arg10[%swap3A_1231, %swap3A_1232] {strides = array<i32>} : memref<128x128xf32, #tpu.memory_space<vmem>>, vector<1x16xf32>,
        %swap3A_1234 = vector.shape_cast %swap3A_1233 : vector<1x16xf32> to vector<16xf32>
        %swap3A_1235 = vector.shape_cast %mul3A_1230 : vector<16xf32> to vector<1x16xf32>
        tpu.vector_store %arg10[%swap3A_1231, %swap3A_1232], %swap3A_1235 {strides = array<i32>} : memref<128x128xf32, #tpu.memory_space<vmem>>, vector<1x16xf32>,
        %get3A_1236 = arith.index_cast %add3A_1215 : i32 to index
        %get3A_1237 = arith.constant 32 : index
        %get3A_1238 = tpu.vector_load %arg10[%get3A_1236, %get3A_1237] {strides = array<i32>} : memref<128x128xf32, #tpu.memory_space<vmem>>, vector<1x16xf32>,
        %get3A_1239 = vector.shape_cast %get3A_1238 : vector<1x16xf32> to vector<16xf32>
        %mul3A_1240 = arith.mulf %get3A_1239, %gather3A_1211 : vector<16xf32>
        %swap3A_1241 = arith.index_cast %add3A_1215 : i32 to index
        %swap3A_1242 = arith.constant 32 : index
        %swap3A_1243 = tpu.vector_load %arg10[%swap3A_1241, %swap3A_1242] {strides = array<i32>} : memref<128x128xf32, #tpu.memory_space<vmem>>, vector<1x16xf32>,
        %swap3A_1244 = vector.shape_cast %swap3A_1243 : vector<1x16xf32> to vector<16xf32>
        %swap3A_1245 = vector.shape_cast %mul3A_1240 : vector<16xf32> to vector<1x16xf32>
        tpu.vector_store %arg10[%swap3A_1241, %swap3A_1242], %swap3A_1245 {strides = array<i32>} : memref<128x128xf32, #tpu.memory_space<vmem>>, vector<1x16xf32>,
        %get3A_1246 = arith.index_cast %add3A_1215 : i32 to index
        %get3A_1247 = arith.constant 48 : index
        %get3A_1248 = tpu.vector_load %arg10[%get3A_1246, %get3A_1247] {strides = array<i32>} : memref<128x128xf32, #tpu.memory_space<vmem>>, vector<1x16xf32>,
        %get3A_1249 = vector.shape_cast %get3A_1248 : vector<1x16xf32> to vector<16xf32>
        %mul3A_1250 = arith.mulf %get3A_1249, %gather3A_1211 : vector<16xf32>
        %swap3A_1251 = arith.index_cast %add3A_1215 : i32 to index
        %swap3A_1252 = arith.constant 48 : index
        %swap3A_1253 = tpu.vector_load %arg10[%swap3A_1251, %swap3A_1252] {strides = array<i32>} : memref<128x128xf32, #tpu.memory_space<vmem>>, vector<1x16xf32>,
        %swap3A_1254 = vector.shape_cast %swap3A_1253 : vector<1x16xf32> to vector<16xf32>
        %swap3A_1255 = vector.shape_cast %mul3A_1250 : vector<16xf32> to vector<1x16xf32>
        tpu.vector_store %arg10[%swap3A_1251, %swap3A_1252], %swap3A_1255 {strides = array<i32>} : memref<128x128xf32, #tpu.memory_space<vmem>>, vector<1x16xf32>,
        %get3A_1256 = arith.index_cast %add3A_1215 : i32 to index
        %get3A_1257 = arith.constant 64 : index
        %get3A_1258 = tpu.vector_load %arg10[%get3A_1256, %get3A_1257] {strides = array<i32>} : memref<128x128xf32, #tpu.memory_space<vmem>>, vector<1x16xf32>,
        %get3A_1259 = vector.shape_cast %get3A_1258 : vector<1x16xf32> to vector<16xf32>
        %mul3A_1260 = arith.mulf %get3A_1259, %gather3A_1211 : vector<16xf32>
        %swap3A_1261 = arith.index_cast %add3A_1215 : i32 to index
        %swap3A_1262 = arith.constant 64 : index
        %swap3A_1263 = tpu.vector_load %arg10[%swap3A_1261, %swap3A_1262] {strides = array<i32>} : memref<128x128xf32, #tpu.memory_space<vmem>>, vector<1x16xf32>,
        %swap3A_1264 = vector.shape_cast %swap3A_1263 : vector<1x16xf32> to vector<16xf32>
        %swap3A_1265 = vector.shape_cast %mul3A_1260 : vector<16xf32> to vector<1x16xf32>
        tpu.vector_store %arg10[%swap3A_1261, %swap3A_1262], %swap3A_1265 {strides = array<i32>} : memref<128x128xf32, #tpu.memory_space<vmem>>, vector<1x16xf32>,
        %get3A_1266 = arith.index_cast %add3A_1215 : i32 to index
        %get3A_1267 = arith.constant 80 : index
        %get3A_1268 = tpu.vector_load %arg10[%get3A_1266, %get3A_1267] {strides = array<i32>} : memref<128x128xf32, #tpu.memory_space<vmem>>, vector<1x16xf32>,
        %get3A_1269 = vector.shape_cast %get3A_1268 : vector<1x16xf32> to vector<16xf32>
        %mul3A_1270 = arith.mulf %get3A_1269, %gather3A_1211 : vector<16xf32>
        %swap3A_1271 = arith.index_cast %add3A_1215 : i32 to index
        %swap3A_1272 = arith.constant 80 : index
        %swap3A_1273 = tpu.vector_load %arg10[%swap3A_1271, %swap3A_1272] {strides = array<i32>} : memref<128x128xf32, #tpu.memory_space<vmem>>, vector<1x16xf32>,
        %swap3A_1274 = vector.shape_cast %swap3A_1273 : vector<1x16xf32> to vector<16xf32>
        %swap3A_1275 = vector.shape_cast %mul3A_1270 : vector<16xf32> to vector<1x16xf32>
        tpu.vector_store %arg10[%swap3A_1271, %swap3A_1272], %swap3A_1275 {strides = array<i32>} : memref<128x128xf32, #tpu.memory_space<vmem>>, vector<1x16xf32>,
        %get3A_1276 = arith.index_cast %add3A_1215 : i32 to index
        %get3A_1277 = arith.constant 96 : index
        %get3A_1278 = tpu.vector_load %arg10[%get3A_1276, %get3A_1277] {strides = array<i32>} : memref<128x128xf32, #tpu.memory_space<vmem>>, vector<1x16xf32>,
        %get3A_1279 = vector.shape_cast %get3A_1278 : vector<1x16xf32> to vector<16xf32>
        %mul3A_1280 = arith.mulf %get3A_1279, %gather3A_1211 : vector<16xf32>
        %swap3A_1281 = arith.index_cast %add3A_1215 : i32 to index
        %swap3A_1282 = arith.constant 96 : index
        %swap3A_1283 = tpu.vector_load %arg10[%swap3A_1281, %swap3A_1282] {strides = array<i32>} : memref<128x128xf32, #tpu.memory_space<vmem>>, vector<1x16xf32>,
        %swap3A_1284 = vector.shape_cast %swap3A_1283 : vector<1x16xf32> to vector<16xf32>
        %swap3A_1285 = vector.shape_cast %mul3A_1280 : vector<16xf32> to vector<1x16xf32>
        tpu.vector_store %arg10[%swap3A_1281, %swap3A_1282], %swap3A_1285 {strides = array<i32>} : memref<128x128xf32, #tpu.memory_space<vmem>>, vector<1x16xf32>,
        %get3A_1286 = arith.index_cast %add3A_1215 : i32 to index
        %get3A_1287 = arith.constant 112 : index
        %get3A_1288 = tpu.vector_load %arg10[%get3A_1286, %get3A_1287] {strides = array<i32>} : memref<128x128xf32, #tpu.memory_space<vmem>>, vector<1x16xf32>,
        %get3A_1289 = vector.shape_cast %get3A_1288 : vector<1x16xf32> to vector<16xf32>
        %mul3A_1290 = arith.mulf %get3A_1289, %gather3A_1211 : vector<16xf32>
        %swap3A_1291 = arith.index_cast %add3A_1215 : i32 to index
        %swap3A_1292 = arith.constant 112 : index
        %swap3A_1293 = tpu.vector_load %arg10[%swap3A_1291, %swap3A_1292] {strides = array<i32>} : memref<128x128xf32, #tpu.memory_space<vmem>>, vector<1x16xf32>,
        %swap3A_1294 = vector.shape_cast %swap3A_1293 : vector<1x16xf32> to vector<16xf32>
        %swap3A_1295 = vector.shape_cast %mul3A_1290 : vector<16xf32> to vector<1x16xf32>
        tpu.vector_store %arg10[%swap3A_1291, %swap3A_1292], %swap3A_1295 {strides = array<i32>} : memref<128x128xf32, #tpu.memory_space<vmem>>, vector<1x16xf32>,
        %broadcast_in_dim3A_1296 = arith.constant 12 : i32
        %broadcast_in_dim3A_1297 = vector.broadcast %broadcast_in_dim3A_1296 : i32 to vector<16x1xi32>
        %gather3A_1298 = vector.shape_cast %broadcast_in_dim3A_1297 : vector<16x1xi32> to vector<16xi32>
        %gather3A_1299 = tpu.dynamic_gather %get3A_242[%gather3A_1298] in [0] : vector<16xf32>, vector<16xi32> -> vector<16xf32>
        %mul3A_1300 = arith.constant 16 : i32
        %mul3A_1301 = arith.muli %scan3A_238, %mul3A_1300 : i32
        %add3A_1302 = arith.constant 12 : i32
        %add3A_1303 = arith.addi %mul3A_1301, %add3A_1302 : i32
        %get3A_1304 = arith.index_cast %add3A_1303 : i32 to index
        %get3A_1305 = arith.constant 0 : index
        %get3A_1306 = tpu.vector_load %arg10[%get3A_1304, %get3A_1305] {strides = array<i32>} : memref<128x128xf32, #tpu.memory_space<vmem>>, vector<1x16xf32>,
        %get3A_1307 = vector.shape_cast %get3A_1306 : vector<1x16xf32> to vector<16xf32>
        %mul3A_1308 = arith.mulf %get3A_1307, %gather3A_1299 : vector<16xf32>
        %swap3A_1309 = arith.index_cast %add3A_1303 : i32 to index
        %swap3A_1310 = arith.constant 0 : index
        %swap3A_1311 = tpu.vector_load %arg10[%swap3A_1309, %swap3A_1310] {strides = array<i32>} : memref<128x128xf32, #tpu.memory_space<vmem>>, vector<1x16xf32>,
        %swap3A_1312 = vector.shape_cast %swap3A_1311 : vector<1x16xf32> to vector<16xf32>
        %swap3A_1313 = vector.shape_cast %mul3A_1308 : vector<16xf32> to vector<1x16xf32>
        tpu.vector_store %arg10[%swap3A_1309, %swap3A_1310], %swap3A_1313 {strides = array<i32>} : memref<128x128xf32, #tpu.memory_space<vmem>>, vector<1x16xf32>,
        %get3A_1314 = arith.index_cast %add3A_1303 : i32 to index
        %get3A_1315 = arith.constant 16 : index
        %get3A_1316 = tpu.vector_load %arg10[%get3A_1314, %get3A_1315] {strides = array<i32>} : memref<128x128xf32, #tpu.memory_space<vmem>>, vector<1x16xf32>,
        %get3A_1317 = vector.shape_cast %get3A_1316 : vector<1x16xf32> to vector<16xf32>
        %mul3A_1318 = arith.mulf %get3A_1317, %gather3A_1299 : vector<16xf32>
        %swap3A_1319 = arith.index_cast %add3A_1303 : i32 to index
        %swap3A_1320 = arith.constant 16 : index
        %swap3A_1321 = tpu.vector_load %arg10[%swap3A_1319, %swap3A_1320] {strides = array<i32>} : memref<128x128xf32, #tpu.memory_space<vmem>>, vector<1x16xf32>,
        %swap3A_1322 = vector.shape_cast %swap3A_1321 : vector<1x16xf32> to vector<16xf32>
        %swap3A_1323 = vector.shape_cast %mul3A_1318 : vector<16xf32> to vector<1x16xf32>
        tpu.vector_store %arg10[%swap3A_1319, %swap3A_1320], %swap3A_1323 {strides = array<i32>} : memref<128x128xf32, #tpu.memory_space<vmem>>, vector<1x16xf32>,
        %get3A_1324 = arith.index_cast %add3A_1303 : i32 to index
        %get3A_1325 = arith.constant 32 : index
        %get3A_1326 = tpu.vector_load %arg10[%get3A_1324, %get3A_1325] {strides = array<i32>} : memref<128x128xf32, #tpu.memory_space<vmem>>, vector<1x16xf32>,
        %get3A_1327 = vector.shape_cast %get3A_1326 : vector<1x16xf32> to vector<16xf32>
        %mul3A_1328 = arith.mulf %get3A_1327, %gather3A_1299 : vector<16xf32>
        %swap3A_1329 = arith.index_cast %add3A_1303 : i32 to index
        %swap3A_1330 = arith.constant 32 : index
        %swap3A_1331 = tpu.vector_load %arg10[%swap3A_1329, %swap3A_1330] {strides = array<i32>} : memref<128x128xf32, #tpu.memory_space<vmem>>, vector<1x16xf32>,
        %swap3A_1332 = vector.shape_cast %swap3A_1331 : vector<1x16xf32> to vector<16xf32>
        %swap3A_1333 = vector.shape_cast %mul3A_1328 : vector<16xf32> to vector<1x16xf32>
        tpu.vector_store %arg10[%swap3A_1329, %swap3A_1330], %swap3A_1333 {strides = array<i32>} : memref<128x128xf32, #tpu.memory_space<vmem>>, vector<1x16xf32>,
        %get3A_1334 = arith.index_cast %add3A_1303 : i32 to index
        %get3A_1335 = arith.constant 48 : index
        %get3A_1336 = tpu.vector_load %arg10[%get3A_1334, %get3A_1335] {strides = array<i32>} : memref<128x128xf32, #tpu.memory_space<vmem>>, vector<1x16xf32>,
        %get3A_1337 = vector.shape_cast %get3A_1336 : vector<1x16xf32> to vector<16xf32>
        %mul3A_1338 = arith.mulf %get3A_1337, %gather3A_1299 : vector<16xf32>
        %swap3A_1339 = arith.index_cast %add3A_1303 : i32 to index
        %swap3A_1340 = arith.constant 48 : index
        %swap3A_1341 = tpu.vector_load %arg10[%swap3A_1339, %swap3A_1340] {strides = array<i32>} : memref<128x128xf32, #tpu.memory_space<vmem>>, vector<1x16xf32>,
        %swap3A_1342 = vector.shape_cast %swap3A_1341 : vector<1x16xf32> to vector<16xf32>
        %swap3A_1343 = vector.shape_cast %mul3A_1338 : vector<16xf32> to vector<1x16xf32>
        tpu.vector_store %arg10[%swap3A_1339, %swap3A_1340], %swap3A_1343 {strides = array<i32>} : memref<128x128xf32, #tpu.memory_space<vmem>>, vector<1x16xf32>,
        %get3A_1344 = arith.index_cast %add3A_1303 : i32 to index
        %get3A_1345 = arith.constant 64 : index
        %get3A_1346 = tpu.vector_load %arg10[%get3A_1344, %get3A_1345] {strides = array<i32>} : memref<128x128xf32, #tpu.memory_space<vmem>>, vector<1x16xf32>,
        %get3A_1347 = vector.shape_cast %get3A_1346 : vector<1x16xf32> to vector<16xf32>
        %mul3A_1348 = arith.mulf %get3A_1347, %gather3A_1299 : vector<16xf32>
        %swap3A_1349 = arith.index_cast %add3A_1303 : i32 to index
        %swap3A_1350 = arith.constant 64 : index
        %swap3A_1351 = tpu.vector_load %arg10[%swap3A_1349, %swap3A_1350] {strides = array<i32>} : memref<128x128xf32, #tpu.memory_space<vmem>>, vector<1x16xf32>,
        %swap3A_1352 = vector.shape_cast %swap3A_1351 : vector<1x16xf32> to vector<16xf32>
        %swap3A_1353 = vector.shape_cast %mul3A_1348 : vector<16xf32> to vector<1x16xf32>
        tpu.vector_store %arg10[%swap3A_1349, %swap3A_1350], %swap3A_1353 {strides = array<i32>} : memref<128x128xf32, #tpu.memory_space<vmem>>, vector<1x16xf32>,
        %get3A_1354 = arith.index_cast %add3A_1303 : i32 to index
        %get3A_1355 = arith.constant 80 : index
        %get3A_1356 = tpu.vector_load %arg10[%get3A_1354, %get3A_1355] {strides = array<i32>} : memref<128x128xf32, #tpu.memory_space<vmem>>, vector<1x16xf32>,
        %get3A_1357 = vector.shape_cast %get3A_1356 : vector<1x16xf32> to vector<16xf32>
        %mul3A_1358 = arith.mulf %get3A_1357, %gather3A_1299 : vector<16xf32>
        %swap3A_1359 = arith.index_cast %add3A_1303 : i32 to index
        %swap3A_1360 = arith.constant 80 : index
        %swap3A_1361 = tpu.vector_load %arg10[%swap3A_1359, %swap3A_1360] {strides = array<i32>} : memref<128x128xf32, #tpu.memory_space<vmem>>, vector<1x16xf32>,
        %swap3A_1362 = vector.shape_cast %swap3A_1361 : vector<1x16xf32> to vector<16xf32>
        %swap3A_1363 = vector.shape_cast %mul3A_1358 : vector<16xf32> to vector<1x16xf32>
        tpu.vector_store %arg10[%swap3A_1359, %swap3A_1360], %swap3A_1363 {strides = array<i32>} : memref<128x128xf32, #tpu.memory_space<vmem>>, vector<1x16xf32>,
        %get3A_1364 = arith.index_cast %add3A_1303 : i32 to index
        %get3A_1365 = arith.constant 96 : index
        %get3A_1366 = tpu.vector_load %arg10[%get3A_1364, %get3A_1365] {strides = array<i32>} : memref<128x128xf32, #tpu.memory_space<vmem>>, vector<1x16xf32>,
        %get3A_1367 = vector.shape_cast %get3A_1366 : vector<1x16xf32> to vector<16xf32>
        %mul3A_1368 = arith.mulf %get3A_1367, %gather3A_1299 : vector<16xf32>
        %swap3A_1369 = arith.index_cast %add3A_1303 : i32 to index
        %swap3A_1370 = arith.constant 96 : index
        %swap3A_1371 = tpu.vector_load %arg10[%swap3A_1369, %swap3A_1370] {strides = array<i32>} : memref<128x128xf32, #tpu.memory_space<vmem>>, vector<1x16xf32>,
        %swap3A_1372 = vector.shape_cast %swap3A_1371 : vector<1x16xf32> to vector<16xf32>
        %swap3A_1373 = vector.shape_cast %mul3A_1368 : vector<16xf32> to vector<1x16xf32>
        tpu.vector_store %arg10[%swap3A_1369, %swap3A_1370], %swap3A_1373 {strides = array<i32>} : memref<128x128xf32, #tpu.memory_space<vmem>>, vector<1x16xf32>,
        %get3A_1374 = arith.index_cast %add3A_1303 : i32 to index
        %get3A_1375 = arith.constant 112 : index
        %get3A_1376 = tpu.vector_load %arg10[%get3A_1374, %get3A_1375] {strides = array<i32>} : memref<128x128xf32, #tpu.memory_space<vmem>>, vector<1x16xf32>,
        %get3A_1377 = vector.shape_cast %get3A_1376 : vector<1x16xf32> to vector<16xf32>
        %mul3A_1378 = arith.mulf %get3A_1377, %gather3A_1299 : vector<16xf32>
        %swap3A_1379 = arith.index_cast %add3A_1303 : i32 to index
        %swap3A_1380 = arith.constant 112 : index
        %swap3A_1381 = tpu.vector_load %arg10[%swap3A_1379, %swap3A_1380] {strides = array<i32>} : memref<128x128xf32, #tpu.memory_space<vmem>>, vector<1x16xf32>,
        %swap3A_1382 = vector.shape_cast %swap3A_1381 : vector<1x16xf32> to vector<16xf32>
        %swap3A_1383 = vector.shape_cast %mul3A_1378 : vector<16xf32> to vector<1x16xf32>
        tpu.vector_store %arg10[%swap3A_1379, %swap3A_1380], %swap3A_1383 {strides = array<i32>} : memref<128x128xf32, #tpu.memory_space<vmem>>, vector<1x16xf32>,
        %broadcast_in_dim3A_1384 = arith.constant 13 : i32
        %broadcast_in_dim3A_1385 = vector.broadcast %broadcast_in_dim3A_1384 : i32 to vector<16x1xi32>
        %gather3A_1386 = vector.shape_cast %broadcast_in_dim3A_1385 : vector<16x1xi32> to vector<16xi32>
        %gather3A_1387 = tpu.dynamic_gather %get3A_242[%gather3A_1386] in [0] : vector<16xf32>, vector<16xi32> -> vector<16xf32>
        %mul3A_1388 = arith.constant 16 : i32
        %mul3A_1389 = arith.muli %scan3A_238, %mul3A_1388 : i32
        %add3A_1390 = arith.constant 13 : i32
        %add3A_1391 = arith.addi %mul3A_1389, %add3A_1390 : i32
        %get3A_1392 = arith.index_cast %add3A_1391 : i32 to index
        %get3A_1393 = arith.constant 0 : index
        %get3A_1394 = tpu.vector_load %arg10[%get3A_1392, %get3A_1393] {strides = array<i32>} : memref<128x128xf32, #tpu.memory_space<vmem>>, vector<1x16xf32>,
        %get3A_1395 = vector.shape_cast %get3A_1394 : vector<1x16xf32> to vector<16xf32>
        %mul3A_1396 = arith.mulf %get3A_1395, %gather3A_1387 : vector<16xf32>
        %swap3A_1397 = arith.index_cast %add3A_1391 : i32 to index
        %swap3A_1398 = arith.constant 0 : index
        %swap3A_1399 = tpu.vector_load %arg10[%swap3A_1397, %swap3A_1398] {strides = array<i32>} : memref<128x128xf32, #tpu.memory_space<vmem>>, vector<1x16xf32>,
        %swap3A_1400 = vector.shape_cast %swap3A_1399 : vector<1x16xf32> to vector<16xf32>
        %swap3A_1401 = vector.shape_cast %mul3A_1396 : vector<16xf32> to vector<1x16xf32>
        tpu.vector_store %arg10[%swap3A_1397, %swap3A_1398], %swap3A_1401 {strides = array<i32>} : memref<128x128xf32, #tpu.memory_space<vmem>>, vector<1x16xf32>,
        %get3A_1402 = arith.index_cast %add3A_1391 : i32 to index
        %get3A_1403 = arith.constant 16 : index
        %get3A_1404 = tpu.vector_load %arg10[%get3A_1402, %get3A_1403] {strides = array<i32>} : memref<128x128xf32, #tpu.memory_space<vmem>>, vector<1x16xf32>,
        %get3A_1405 = vector.shape_cast %get3A_1404 : vector<1x16xf32> to vector<16xf32>
        %mul3A_1406 = arith.mulf %get3A_1405, %gather3A_1387 : vector<16xf32>
        %swap3A_1407 = arith.index_cast %add3A_1391 : i32 to index
        %swap3A_1408 = arith.constant 16 : index
        %swap3A_1409 = tpu.vector_load %arg10[%swap3A_1407, %swap3A_1408] {strides = array<i32>} : memref<128x128xf32, #tpu.memory_space<vmem>>, vector<1x16xf32>,
        %swap3A_1410 = vector.shape_cast %swap3A_1409 : vector<1x16xf32> to vector<16xf32>
        %swap3A_1411 = vector.shape_cast %mul3A_1406 : vector<16xf32> to vector<1x16xf32>
        tpu.vector_store %arg10[%swap3A_1407, %swap3A_1408], %swap3A_1411 {strides = array<i32>} : memref<128x128xf32, #tpu.memory_space<vmem>>, vector<1x16xf32>,
        %get3A_1412 = arith.index_cast %add3A_1391 : i32 to index
        %get3A_1413 = arith.constant 32 : index
        %get3A_1414 = tpu.vector_load %arg10[%get3A_1412, %get3A_1413] {strides = array<i32>} : memref<128x128xf32, #tpu.memory_space<vmem>>, vector<1x16xf32>,
        %get3A_1415 = vector.shape_cast %get3A_1414 : vector<1x16xf32> to vector<16xf32>
        %mul3A_1416 = arith.mulf %get3A_1415, %gather3A_1387 : vector<16xf32>
        %swap3A_1417 = arith.index_cast %add3A_1391 : i32 to index
        %swap3A_1418 = arith.constant 32 : index
        %swap3A_1419 = tpu.vector_load %arg10[%swap3A_1417, %swap3A_1418] {strides = array<i32>} : memref<128x128xf32, #tpu.memory_space<vmem>>, vector<1x16xf32>,
        %swap3A_1420 = vector.shape_cast %swap3A_1419 : vector<1x16xf32> to vector<16xf32>
        %swap3A_1421 = vector.shape_cast %mul3A_1416 : vector<16xf32> to vector<1x16xf32>
        tpu.vector_store %arg10[%swap3A_1417, %swap3A_1418], %swap3A_1421 {strides = array<i32>} : memref<128x128xf32, #tpu.memory_space<vmem>>, vector<1x16xf32>,
        %get3A_1422 = arith.index_cast %add3A_1391 : i32 to index
        %get3A_1423 = arith.constant 48 : index
        %get3A_1424 = tpu.vector_load %arg10[%get3A_1422, %get3A_1423] {strides = array<i32>} : memref<128x128xf32, #tpu.memory_space<vmem>>, vector<1x16xf32>,
        %get3A_1425 = vector.shape_cast %get3A_1424 : vector<1x16xf32> to vector<16xf32>
        %mul3A_1426 = arith.mulf %get3A_1425, %gather3A_1387 : vector<16xf32>
        %swap3A_1427 = arith.index_cast %add3A_1391 : i32 to index
        %swap3A_1428 = arith.constant 48 : index
        %swap3A_1429 = tpu.vector_load %arg10[%swap3A_1427, %swap3A_1428] {strides = array<i32>} : memref<128x128xf32, #tpu.memory_space<vmem>>, vector<1x16xf32>,
        %swap3A_1430 = vector.shape_cast %swap3A_1429 : vector<1x16xf32> to vector<16xf32>
        %swap3A_1431 = vector.shape_cast %mul3A_1426 : vector<16xf32> to vector<1x16xf32>
        tpu.vector_store %arg10[%swap3A_1427, %swap3A_1428], %swap3A_1431 {strides = array<i32>} : memref<128x128xf32, #tpu.memory_space<vmem>>, vector<1x16xf32>,
        %get3A_1432 = arith.index_cast %add3A_1391 : i32 to index
        %get3A_1433 = arith.constant 64 : index
        %get3A_1434 = tpu.vector_load %arg10[%get3A_1432, %get3A_1433] {strides = array<i32>} : memref<128x128xf32, #tpu.memory_space<vmem>>, vector<1x16xf32>,
        %get3A_1435 = vector.shape_cast %get3A_1434 : vector<1x16xf32> to vector<16xf32>
        %mul3A_1436 = arith.mulf %get3A_1435, %gather3A_1387 : vector<16xf32>
        %swap3A_1437 = arith.index_cast %add3A_1391 : i32 to index
        %swap3A_1438 = arith.constant 64 : index
        %swap3A_1439 = tpu.vector_load %arg10[%swap3A_1437, %swap3A_1438] {strides = array<i32>} : memref<128x128xf32, #tpu.memory_space<vmem>>, vector<1x16xf32>,
        %swap3A_1440 = vector.shape_cast %swap3A_1439 : vector<1x16xf32> to vector<16xf32>
        %swap3A_1441 = vector.shape_cast %mul3A_1436 : vector<16xf32> to vector<1x16xf32>
        tpu.vector_store %arg10[%swap3A_1437, %swap3A_1438], %swap3A_1441 {strides = array<i32>} : memref<128x128xf32, #tpu.memory_space<vmem>>, vector<1x16xf32>,
        %get3A_1442 = arith.index_cast %add3A_1391 : i32 to index
        %get3A_1443 = arith.constant 80 : index
        %get3A_1444 = tpu.vector_load %arg10[%get3A_1442, %get3A_1443] {strides = array<i32>} : memref<128x128xf32, #tpu.memory_space<vmem>>, vector<1x16xf32>,
        %get3A_1445 = vector.shape_cast %get3A_1444 : vector<1x16xf32> to vector<16xf32>
        %mul3A_1446 = arith.mulf %get3A_1445, %gather3A_1387 : vector<16xf32>
        %swap3A_1447 = arith.index_cast %add3A_1391 : i32 to index
        %swap3A_1448 = arith.constant 80 : index
        %swap3A_1449 = tpu.vector_load %arg10[%swap3A_1447, %swap3A_1448] {strides = array<i32>} : memref<128x128xf32, #tpu.memory_space<vmem>>, vector<1x16xf32>,
        %swap3A_1450 = vector.shape_cast %swap3A_1449 : vector<1x16xf32> to vector<16xf32>
        %swap3A_1451 = vector.shape_cast %mul3A_1446 : vector<16xf32> to vector<1x16xf32>
        tpu.vector_store %arg10[%swap3A_1447, %swap3A_1448], %swap3A_1451 {strides = array<i32>} : memref<128x128xf32, #tpu.memory_space<vmem>>, vector<1x16xf32>,
        %get3A_1452 = arith.index_cast %add3A_1391 : i32 to index
        %get3A_1453 = arith.constant 96 : index
        %get3A_1454 = tpu.vector_load %arg10[%get3A_1452, %get3A_1453] {strides = array<i32>} : memref<128x128xf32, #tpu.memory_space<vmem>>, vector<1x16xf32>,
        %get3A_1455 = vector.shape_cast %get3A_1454 : vector<1x16xf32> to vector<16xf32>
        %mul3A_1456 = arith.mulf %get3A_1455, %gather3A_1387 : vector<16xf32>
        %swap3A_1457 = arith.index_cast %add3A_1391 : i32 to index
        %swap3A_1458 = arith.constant 96 : index
        %swap3A_1459 = tpu.vector_load %arg10[%swap3A_1457, %swap3A_1458] {strides = array<i32>} : memref<128x128xf32, #tpu.memory_space<vmem>>, vector<1x16xf32>,
        %swap3A_1460 = vector.shape_cast %swap3A_1459 : vector<1x16xf32> to vector<16xf32>
        %swap3A_1461 = vector.shape_cast %mul3A_1456 : vector<16xf32> to vector<1x16xf32>
        tpu.vector_store %arg10[%swap3A_1457, %swap3A_1458], %swap3A_1461 {strides = array<i32>} : memref<128x128xf32, #tpu.memory_space<vmem>>, vector<1x16xf32>,
        %get3A_1462 = arith.index_cast %add3A_1391 : i32 to index
        %get3A_1463 = arith.constant 112 : index
        %get3A_1464 = tpu.vector_load %arg10[%get3A_1462, %get3A_1463] {strides = array<i32>} : memref<128x128xf32, #tpu.memory_space<vmem>>, vector<1x16xf32>,
        %get3A_1465 = vector.shape_cast %get3A_1464 : vector<1x16xf32> to vector<16xf32>
        %mul3A_1466 = arith.mulf %get3A_1465, %gather3A_1387 : vector<16xf32>
        %swap3A_1467 = arith.index_cast %add3A_1391 : i32 to index
        %swap3A_1468 = arith.constant 112 : index
        %swap3A_1469 = tpu.vector_load %arg10[%swap3A_1467, %swap3A_1468] {strides = array<i32>} : memref<128x128xf32, #tpu.memory_space<vmem>>, vector<1x16xf32>,
        %swap3A_1470 = vector.shape_cast %swap3A_1469 : vector<1x16xf32> to vector<16xf32>
        %swap3A_1471 = vector.shape_cast %mul3A_1466 : vector<16xf32> to vector<1x16xf32>
        tpu.vector_store %arg10[%swap3A_1467, %swap3A_1468], %swap3A_1471 {strides = array<i32>} : memref<128x128xf32, #tpu.memory_space<vmem>>, vector<1x16xf32>,
        %broadcast_in_dim3A_1472 = arith.constant 14 : i32
        %broadcast_in_dim3A_1473 = vector.broadcast %broadcast_in_dim3A_1472 : i32 to vector<16x1xi32>
        %gather3A_1474 = vector.shape_cast %broadcast_in_dim3A_1473 : vector<16x1xi32> to vector<16xi32>
        %gather3A_1475 = tpu.dynamic_gather %get3A_242[%gather3A_1474] in [0] : vector<16xf32>, vector<16xi32> -> vector<16xf32>
        %mul3A_1476 = arith.constant 16 : i32
        %mul3A_1477 = arith.muli %scan3A_238, %mul3A_1476 : i32
        %add3A_1478 = arith.constant 14 : i32
        %add3A_1479 = arith.addi %mul3A_1477, %add3A_1478 : i32
        %get3A_1480 = arith.index_cast %add3A_1479 : i32 to index
        %get3A_1481 = arith.constant 0 : index
        %get3A_1482 = tpu.vector_load %arg10[%get3A_1480, %get3A_1481] {strides = array<i32>} : memref<128x128xf32, #tpu.memory_space<vmem>>, vector<1x16xf32>,
        %get3A_1483 = vector.shape_cast %get3A_1482 : vector<1x16xf32> to vector<16xf32>
        %mul3A_1484 = arith.mulf %get3A_1483, %gather3A_1475 : vector<16xf32>
        %swap3A_1485 = arith.index_cast %add3A_1479 : i32 to index
        %swap3A_1486 = arith.constant 0 : index
        %swap3A_1487 = tpu.vector_load %arg10[%swap3A_1485, %swap3A_1486] {strides = array<i32>} : memref<128x128xf32, #tpu.memory_space<vmem>>, vector<1x16xf32>,
        %swap3A_1488 = vector.shape_cast %swap3A_1487 : vector<1x16xf32> to vector<16xf32>
        %swap3A_1489 = vector.shape_cast %mul3A_1484 : vector<16xf32> to vector<1x16xf32>
        tpu.vector_store %arg10[%swap3A_1485, %swap3A_1486], %swap3A_1489 {strides = array<i32>} : memref<128x128xf32, #tpu.memory_space<vmem>>, vector<1x16xf32>,
        %get3A_1490 = arith.index_cast %add3A_1479 : i32 to index
        %get3A_1491 = arith.constant 16 : index
        %get3A_1492 = tpu.vector_load %arg10[%get3A_1490, %get3A_1491] {strides = array<i32>} : memref<128x128xf32, #tpu.memory_space<vmem>>, vector<1x16xf32>,
        %get3A_1493 = vector.shape_cast %get3A_1492 : vector<1x16xf32> to vector<16xf32>
        %mul3A_1494 = arith.mulf %get3A_1493, %gather3A_1475 : vector<16xf32>
        %swap3A_1495 = arith.index_cast %add3A_1479 : i32 to index
        %swap3A_1496 = arith.constant 16 : index
        %swap3A_1497 = tpu.vector_load %arg10[%swap3A_1495, %swap3A_1496] {strides = array<i32>} : memref<128x128xf32, #tpu.memory_space<vmem>>, vector<1x16xf32>,
        %swap3A_1498 = vector.shape_cast %swap3A_1497 : vector<1x16xf32> to vector<16xf32>
        %swap3A_1499 = vector.shape_cast %mul3A_1494 : vector<16xf32> to vector<1x16xf32>
        tpu.vector_store %arg10[%swap3A_1495, %swap3A_1496], %swap3A_1499 {strides = array<i32>} : memref<128x128xf32, #tpu.memory_space<vmem>>, vector<1x16xf32>,
        %get3A_1500 = arith.index_cast %add3A_1479 : i32 to index
        %get3A_1501 = arith.constant 32 : index
        %get3A_1502 = tpu.vector_load %arg10[%get3A_1500, %get3A_1501] {strides = array<i32>} : memref<128x128xf32, #tpu.memory_space<vmem>>, vector<1x16xf32>,
        %get3A_1503 = vector.shape_cast %get3A_1502 : vector<1x16xf32> to vector<16xf32>
        %mul3A_1504 = arith.mulf %get3A_1503, %gather3A_1475 : vector<16xf32>
        %swap3A_1505 = arith.index_cast %add3A_1479 : i32 to index
        %swap3A_1506 = arith.constant 32 : index
        %swap3A_1507 = tpu.vector_load %arg10[%swap3A_1505, %swap3A_1506] {strides = array<i32>} : memref<128x128xf32, #tpu.memory_space<vmem>>, vector<1x16xf32>,
        %swap3A_1508 = vector.shape_cast %swap3A_1507 : vector<1x16xf32> to vector<16xf32>
        %swap3A_1509 = vector.shape_cast %mul3A_1504 : vector<16xf32> to vector<1x16xf32>
        tpu.vector_store %arg10[%swap3A_1505, %swap3A_1506], %swap3A_1509 {strides = array<i32>} : memref<128x128xf32, #tpu.memory_space<vmem>>, vector<1x16xf32>,
        %get3A_1510 = arith.index_cast %add3A_1479 : i32 to index
        %get3A_1511 = arith.constant 48 : index
        %get3A_1512 = tpu.vector_load %arg10[%get3A_1510, %get3A_1511] {strides = array<i32>} : memref<128x128xf32, #tpu.memory_space<vmem>>, vector<1x16xf32>,
        %get3A_1513 = vector.shape_cast %get3A_1512 : vector<1x16xf32> to vector<16xf32>
        %mul3A_1514 = arith.mulf %get3A_1513, %gather3A_1475 : vector<16xf32>
        %swap3A_1515 = arith.index_cast %add3A_1479 : i32 to index
        %swap3A_1516 = arith.constant 48 : index
        %swap3A_1517 = tpu.vector_load %arg10[%swap3A_1515, %swap3A_1516] {strides = array<i32>} : memref<128x128xf32, #tpu.memory_space<vmem>>, vector<1x16xf32>,
        %swap3A_1518 = vector.shape_cast %swap3A_1517 : vector<1x16xf32> to vector<16xf32>
        %swap3A_1519 = vector.shape_cast %mul3A_1514 : vector<16xf32> to vector<1x16xf32>
        tpu.vector_store %arg10[%swap3A_1515, %swap3A_1516], %swap3A_1519 {strides = array<i32>} : memref<128x128xf32, #tpu.memory_space<vmem>>, vector<1x16xf32>,
        %get3A_1520 = arith.index_cast %add3A_1479 : i32 to index
        %get3A_1521 = arith.constant 64 : index
        %get3A_1522 = tpu.vector_load %arg10[%get3A_1520, %get3A_1521] {strides = array<i32>} : memref<128x128xf32, #tpu.memory_space<vmem>>, vector<1x16xf32>,
        %get3A_1523 = vector.shape_cast %get3A_1522 : vector<1x16xf32> to vector<16xf32>
        %mul3A_1524 = arith.mulf %get3A_1523, %gather3A_1475 : vector<16xf32>
        %swap3A_1525 = arith.index_cast %add3A_1479 : i32 to index
        %swap3A_1526 = arith.constant 64 : index
        %swap3A_1527 = tpu.vector_load %arg10[%swap3A_1525, %swap3A_1526] {strides = array<i32>} : memref<128x128xf32, #tpu.memory_space<vmem>>, vector<1x16xf32>,
        %swap3A_1528 = vector.shape_cast %swap3A_1527 : vector<1x16xf32> to vector<16xf32>
        %swap3A_1529 = vector.shape_cast %mul3A_1524 : vector<16xf32> to vector<1x16xf32>
        tpu.vector_store %arg10[%swap3A_1525, %swap3A_1526], %swap3A_1529 {strides = array<i32>} : memref<128x128xf32, #tpu.memory_space<vmem>>, vector<1x16xf32>,
        %get3A_1530 = arith.index_cast %add3A_1479 : i32 to index
        %get3A_1531 = arith.constant 80 : index
        %get3A_1532 = tpu.vector_load %arg10[%get3A_1530, %get3A_1531] {strides = array<i32>} : memref<128x128xf32, #tpu.memory_space<vmem>>, vector<1x16xf32>,
        %get3A_1533 = vector.shape_cast %get3A_1532 : vector<1x16xf32> to vector<16xf32>
        %mul3A_1534 = arith.mulf %get3A_1533, %gather3A_1475 : vector<16xf32>
        %swap3A_1535 = arith.index_cast %add3A_1479 : i32 to index
        %swap3A_1536 = arith.constant 80 : index
        %swap3A_1537 = tpu.vector_load %arg10[%swap3A_1535, %swap3A_1536] {strides = array<i32>} : memref<128x128xf32, #tpu.memory_space<vmem>>, vector<1x16xf32>,
        %swap3A_1538 = vector.shape_cast %swap3A_1537 : vector<1x16xf32> to vector<16xf32>
        %swap3A_1539 = vector.shape_cast %mul3A_1534 : vector<16xf32> to vector<1x16xf32>
        tpu.vector_store %arg10[%swap3A_1535, %swap3A_1536], %swap3A_1539 {strides = array<i32>} : memref<128x128xf32, #tpu.memory_space<vmem>>, vector<1x16xf32>,
        %get3A_1540 = arith.index_cast %add3A_1479 : i32 to index
        %get3A_1541 = arith.constant 96 : index
        %get3A_1542 = tpu.vector_load %arg10[%get3A_1540, %get3A_1541] {strides = array<i32>} : memref<128x128xf32, #tpu.memory_space<vmem>>, vector<1x16xf32>,
        %get3A_1543 = vector.shape_cast %get3A_1542 : vector<1x16xf32> to vector<16xf32>
        %mul3A_1544 = arith.mulf %get3A_1543, %gather3A_1475 : vector<16xf32>
        %swap3A_1545 = arith.index_cast %add3A_1479 : i32 to index
        %swap3A_1546 = arith.constant 96 : index
        %swap3A_1547 = tpu.vector_load %arg10[%swap3A_1545, %swap3A_1546] {strides = array<i32>} : memref<128x128xf32, #tpu.memory_space<vmem>>, vector<1x16xf32>,
        %swap3A_1548 = vector.shape_cast %swap3A_1547 : vector<1x16xf32> to vector<16xf32>
        %swap3A_1549 = vector.shape_cast %mul3A_1544 : vector<16xf32> to vector<1x16xf32>
        tpu.vector_store %arg10[%swap3A_1545, %swap3A_1546], %swap3A_1549 {strides = array<i32>} : memref<128x128xf32, #tpu.memory_space<vmem>>, vector<1x16xf32>,
        %get3A_1550 = arith.index_cast %add3A_1479 : i32 to index
        %get3A_1551 = arith.constant 112 : index
        %get3A_1552 = tpu.vector_load %arg10[%get3A_1550, %get3A_1551] {strides = array<i32>} : memref<128x128xf32, #tpu.memory_space<vmem>>, vector<1x16xf32>,
        %get3A_1553 = vector.shape_cast %get3A_1552 : vector<1x16xf32> to vector<16xf32>
        %mul3A_1554 = arith.mulf %get3A_1553, %gather3A_1475 : vector<16xf32>
        %swap3A_1555 = arith.index_cast %add3A_1479 : i32 to index
        %swap3A_1556 = arith.constant 112 : index
        %swap3A_1557 = tpu.vector_load %arg10[%swap3A_1555, %swap3A_1556] {strides = array<i32>} : memref<128x128xf32, #tpu.memory_space<vmem>>, vector<1x16xf32>,
        %swap3A_1558 = vector.shape_cast %swap3A_1557 : vector<1x16xf32> to vector<16xf32>
        %swap3A_1559 = vector.shape_cast %mul3A_1554 : vector<16xf32> to vector<1x16xf32>
        tpu.vector_store %arg10[%swap3A_1555, %swap3A_1556], %swap3A_1559 {strides = array<i32>} : memref<128x128xf32, #tpu.memory_space<vmem>>, vector<1x16xf32>,
        %broadcast_in_dim3A_1560 = arith.constant 15 : i32
        %broadcast_in_dim3A_1561 = vector.broadcast %broadcast_in_dim3A_1560 : i32 to vector<16x1xi32>
        %gather3A_1562 = vector.shape_cast %broadcast_in_dim3A_1561 : vector<16x1xi32> to vector<16xi32>
        %gather3A_1563 = tpu.dynamic_gather %get3A_242[%gather3A_1562] in [0] : vector<16xf32>, vector<16xi32> -> vector<16xf32>
        %mul3A_1564 = arith.constant 16 : i32
        %mul3A_1565 = arith.muli %scan3A_238, %mul3A_1564 : i32
        %add3A_1566 = arith.constant 15 : i32
        %add3A_1567 = arith.addi %mul3A_1565, %add3A_1566 : i32
        %get3A_1568 = arith.index_cast %add3A_1567 : i32 to index
        %get3A_1569 = arith.constant 0 : index
        %get3A_1570 = tpu.vector_load %arg10[%get3A_1568, %get3A_1569] {strides = array<i32>} : memref<128x128xf32, #tpu.memory_space<vmem>>, vector<1x16xf32>,
        %get3A_1571 = vector.shape_cast %get3A_1570 : vector<1x16xf32> to vector<16xf32>
        %mul3A_1572 = arith.mulf %get3A_1571, %gather3A_1563 : vector<16xf32>
        %swap3A_1573 = arith.index_cast %add3A_1567 : i32 to index
        %swap3A_1574 = arith.constant 0 : index
        %swap3A_1575 = tpu.vector_load %arg10[%swap3A_1573, %swap3A_1574] {strides = array<i32>} : memref<128x128xf32, #tpu.memory_space<vmem>>, vector<1x16xf32>,
        %swap3A_1576 = vector.shape_cast %swap3A_1575 : vector<1x16xf32> to vector<16xf32>
        %swap3A_1577 = vector.shape_cast %mul3A_1572 : vector<16xf32> to vector<1x16xf32>
        tpu.vector_store %arg10[%swap3A_1573, %swap3A_1574], %swap3A_1577 {strides = array<i32>} : memref<128x128xf32, #tpu.memory_space<vmem>>, vector<1x16xf32>,
        %get3A_1578 = arith.index_cast %add3A_1567 : i32 to index
        %get3A_1579 = arith.constant 16 : index
        %get3A_1580 = tpu.vector_load %arg10[%get3A_1578, %get3A_1579] {strides = array<i32>} : memref<128x128xf32, #tpu.memory_space<vmem>>, vector<1x16xf32>,
        %get3A_1581 = vector.shape_cast %get3A_1580 : vector<1x16xf32> to vector<16xf32>
        %mul3A_1582 = arith.mulf %get3A_1581, %gather3A_1563 : vector<16xf32>
        %swap3A_1583 = arith.index_cast %add3A_1567 : i32 to index
        %swap3A_1584 = arith.constant 16 : index
        %swap3A_1585 = tpu.vector_load %arg10[%swap3A_1583, %swap3A_1584] {strides = array<i32>} : memref<128x128xf32, #tpu.memory_space<vmem>>, vector<1x16xf32>,
        %swap3A_1586 = vector.shape_cast %swap3A_1585 : vector<1x16xf32> to vector<16xf32>
        %swap3A_1587 = vector.shape_cast %mul3A_1582 : vector<16xf32> to vector<1x16xf32>
        tpu.vector_store %arg10[%swap3A_1583, %swap3A_1584], %swap3A_1587 {strides = array<i32>} : memref<128x128xf32, #tpu.memory_space<vmem>>, vector<1x16xf32>,
        %get3A_1588 = arith.index_cast %add3A_1567 : i32 to index
        %get3A_1589 = arith.constant 32 : index
        %get3A_1590 = tpu.vector_load %arg10[%get3A_1588, %get3A_1589] {strides = array<i32>} : memref<128x128xf32, #tpu.memory_space<vmem>>, vector<1x16xf32>,
        %get3A_1591 = vector.shape_cast %get3A_1590 : vector<1x16xf32> to vector<16xf32>
        %mul3A_1592 = arith.mulf %get3A_1591, %gather3A_1563 : vector<16xf32>
        %swap3A_1593 = arith.index_cast %add3A_1567 : i32 to index
        %swap3A_1594 = arith.constant 32 : index
        %swap3A_1595 = tpu.vector_load %arg10[%swap3A_1593, %swap3A_1594] {strides = array<i32>} : memref<128x128xf32, #tpu.memory_space<vmem>>, vector<1x16xf32>,
        %swap3A_1596 = vector.shape_cast %swap3A_1595 : vector<1x16xf32> to vector<16xf32>
        %swap3A_1597 = vector.shape_cast %mul3A_1592 : vector<16xf32> to vector<1x16xf32>
        tpu.vector_store %arg10[%swap3A_1593, %swap3A_1594], %swap3A_1597 {strides = array<i32>} : memref<128x128xf32, #tpu.memory_space<vmem>>, vector<1x16xf32>,
        %get3A_1598 = arith.index_cast %add3A_1567 : i32 to index
        %get3A_1599 = arith.constant 48 : index
        %get3A_1600 = tpu.vector_load %arg10[%get3A_1598, %get3A_1599] {strides = array<i32>} : memref<128x128xf32, #tpu.memory_space<vmem>>, vector<1x16xf32>,
        %get3A_1601 = vector.shape_cast %get3A_1600 : vector<1x16xf32> to vector<16xf32>
        %mul3A_1602 = arith.mulf %get3A_1601, %gather3A_1563 : vector<16xf32>
        %swap3A_1603 = arith.index_cast %add3A_1567 : i32 to index
        %swap3A_1604 = arith.constant 48 : index
        %swap3A_1605 = tpu.vector_load %arg10[%swap3A_1603, %swap3A_1604] {strides = array<i32>} : memref<128x128xf32, #tpu.memory_space<vmem>>, vector<1x16xf32>,
        %swap3A_1606 = vector.shape_cast %swap3A_1605 : vector<1x16xf32> to vector<16xf32>
        %swap3A_1607 = vector.shape_cast %mul3A_1602 : vector<16xf32> to vector<1x16xf32>
        tpu.vector_store %arg10[%swap3A_1603, %swap3A_1604], %swap3A_1607 {strides = array<i32>} : memref<128x128xf32, #tpu.memory_space<vmem>>, vector<1x16xf32>,
        %get3A_1608 = arith.index_cast %add3A_1567 : i32 to index
        %get3A_1609 = arith.constant 64 : index
        %get3A_1610 = tpu.vector_load %arg10[%get3A_1608, %get3A_1609] {strides = array<i32>} : memref<128x128xf32, #tpu.memory_space<vmem>>, vector<1x16xf32>,
        %get3A_1611 = vector.shape_cast %get3A_1610 : vector<1x16xf32> to vector<16xf32>
        %mul3A_1612 = arith.mulf %get3A_1611, %gather3A_1563 : vector<16xf32>
        %swap3A_1613 = arith.index_cast %add3A_1567 : i32 to index
        %swap3A_1614 = arith.constant 64 : index
        %swap3A_1615 = tpu.vector_load %arg10[%swap3A_1613, %swap3A_1614] {strides = array<i32>} : memref<128x128xf32, #tpu.memory_space<vmem>>, vector<1x16xf32>,
        %swap3A_1616 = vector.shape_cast %swap3A_1615 : vector<1x16xf32> to vector<16xf32>
        %swap3A_1617 = vector.shape_cast %mul3A_1612 : vector<16xf32> to vector<1x16xf32>
        tpu.vector_store %arg10[%swap3A_1613, %swap3A_1614], %swap3A_1617 {strides = array<i32>} : memref<128x128xf32, #tpu.memory_space<vmem>>, vector<1x16xf32>,
        %get3A_1618 = arith.index_cast %add3A_1567 : i32 to index
        %get3A_1619 = arith.constant 80 : index
        %get3A_1620 = tpu.vector_load %arg10[%get3A_1618, %get3A_1619] {strides = array<i32>} : memref<128x128xf32, #tpu.memory_space<vmem>>, vector<1x16xf32>,
        %get3A_1621 = vector.shape_cast %get3A_1620 : vector<1x16xf32> to vector<16xf32>
        %mul3A_1622 = arith.mulf %get3A_1621, %gather3A_1563 : vector<16xf32>
        %swap3A_1623 = arith.index_cast %add3A_1567 : i32 to index
        %swap3A_1624 = arith.constant 80 : index
        %swap3A_1625 = tpu.vector_load %arg10[%swap3A_1623, %swap3A_1624] {strides = array<i32>} : memref<128x128xf32, #tpu.memory_space<vmem>>, vector<1x16xf32>,
        %swap3A_1626 = vector.shape_cast %swap3A_1625 : vector<1x16xf32> to vector<16xf32>
        %swap3A_1627 = vector.shape_cast %mul3A_1622 : vector<16xf32> to vector<1x16xf32>
        tpu.vector_store %arg10[%swap3A_1623, %swap3A_1624], %swap3A_1627 {strides = array<i32>} : memref<128x128xf32, #tpu.memory_space<vmem>>, vector<1x16xf32>,
        %get3A_1628 = arith.index_cast %add3A_1567 : i32 to index
        %get3A_1629 = arith.constant 96 : index
        %get3A_1630 = tpu.vector_load %arg10[%get3A_1628, %get3A_1629] {strides = array<i32>} : memref<128x128xf32, #tpu.memory_space<vmem>>, vector<1x16xf32>,
        %get3A_1631 = vector.shape_cast %get3A_1630 : vector<1x16xf32> to vector<16xf32>
        %mul3A_1632 = arith.mulf %get3A_1631, %gather3A_1563 : vector<16xf32>
        %swap3A_1633 = arith.index_cast %add3A_1567 : i32 to index
        %swap3A_1634 = arith.constant 96 : index
        %swap3A_1635 = tpu.vector_load %arg10[%swap3A_1633, %swap3A_1634] {strides = array<i32>} : memref<128x128xf32, #tpu.memory_space<vmem>>, vector<1x16xf32>,
        %swap3A_1636 = vector.shape_cast %swap3A_1635 : vector<1x16xf32> to vector<16xf32>
        %swap3A_1637 = vector.shape_cast %mul3A_1632 : vector<16xf32> to vector<1x16xf32>
        tpu.vector_store %arg10[%swap3A_1633, %swap3A_1634], %swap3A_1637 {strides = array<i32>} : memref<128x128xf32, #tpu.memory_space<vmem>>, vector<1x16xf32>,
        %get3A_1638 = arith.index_cast %add3A_1567 : i32 to index
        %get3A_1639 = arith.constant 112 : index
        %get3A_1640 = tpu.vector_load %arg10[%get3A_1638, %get3A_1639] {strides = array<i32>} : memref<128x128xf32, #tpu.memory_space<vmem>>, vector<1x16xf32>,
        %get3A_1641 = vector.shape_cast %get3A_1640 : vector<1x16xf32> to vector<16xf32>
        %mul3A_1642 = arith.mulf %get3A_1641, %gather3A_1563 : vector<16xf32>
        %swap3A_1643 = arith.index_cast %add3A_1567 : i32 to index
        %swap3A_1644 = arith.constant 112 : index
        %swap3A_1645 = tpu.vector_load %arg10[%swap3A_1643, %swap3A_1644] {strides = array<i32>} : memref<128x128xf32, #tpu.memory_space<vmem>>, vector<1x16xf32>,
        %swap3A_1646 = vector.shape_cast %swap3A_1645 : vector<1x16xf32> to vector<16xf32>
        %swap3A_1647 = vector.shape_cast %mul3A_1642 : vector<16xf32> to vector<1x16xf32>
        tpu.vector_store %arg10[%swap3A_1643, %swap3A_1644], %swap3A_1647 {strides = array<i32>} : memref<128x128xf32, #tpu.memory_space<vmem>>, vector<1x16xf32>,
      }
      %scan3A_190 = arith.constant 8 : i32
      %dma_wait3A_191 = arith.constant 0 : i32
      %dma_wait3A_192 = arith.constant 0 : i32
      %dma_wait3A_193 = tpu.memref_slice %arg8[%dma_wait3A_191, %dma_wait3A_192] : memref<10008x128xf32, #tpu.memory_space<vmem_shared>> -> memref<10008x128xf32, #tpu.memory_space<vmem_shared>>
      tpu.wait_indirect_dma semaphore(%arg23 : memref<!tpu.dma_semaphore, #tpu.memory_space<semaphore_mem>>) src(%arg9 : memref<128x128xf32, #tpu.memory_space<vmem>>) dst(%dma_wait3A_193 : memref<10008x128xf32, #tpu.memory_space<vmem_shared>>)
      %add3A_194 = arith.constant 2 : i32
      %add3A_195 = arith.addi %mul3A_126, %add3A_194 : i32
      %mul3A_196 = arith.constant 16 : i32
      %mul3A_197 = arith.muli %add3A_195, %mul3A_196 : i32
      %add3A_198 = arith.addi %mul3A_197, %arg1 : i32
      %mul3A_199 = arith.constant 128 : i32
      %mul3A_200 = arith.muli %add3A_198, %mul3A_199 : i32
      %dma_start3A_201 = tpu.memref_slice %arg3[%arg0, %mul3A_200] : memref<2x325632xi32, #tpu.memory_space<hbm>> -> memref<1x128xi32, #tpu.memory_space<hbm>>
      %dma_start3A_202 = tpu.memref_squeeze %dma_start3A_201 : memref<1x128xi32, #tpu.memory_space<hbm>> -> memref<128xi32, #tpu.memory_space<hbm>>
      %dma_start3A_203 = tpu.memref_slice %arg3[%arg0, %mul3A_200] : memref<2x325632xi32, #tpu.memory_space<hbm>> -> memref<1x128xi32, #tpu.memory_space<hbm>>
      %dma_start3A_204 = tpu.memref_squeeze %dma_start3A_203 : memref<1x128xi32, #tpu.memory_space<hbm>> -> memref<128xi32, #tpu.memory_space<hbm>>
      tpu.enqueue_dma source(%dma_start3A_204 : memref<128xi32, #tpu.memory_space<hbm>>) target(%arg11 : memref<128xi32, #tpu.memory_space<vmem>>) target_semaphore(%arg19 : memref<!tpu.dma_semaphore, #tpu.memory_space<semaphore_mem>>)
      %dma_start3A_205 = tpu.memref_slice %arg4[%arg0, %mul3A_200] : memref<2x325632xi32, #tpu.memory_space<hbm>> -> memref<1x128xi32, #tpu.memory_space<hbm>>
      %dma_start3A_206 = tpu.memref_squeeze %dma_start3A_205 : memref<1x128xi32, #tpu.memory_space<hbm>> -> memref<128xi32, #tpu.memory_space<hbm>>
      %dma_start3A_207 = tpu.memref_slice %arg4[%arg0, %mul3A_200] : memref<2x325632xi32, #tpu.memory_space<hbm>> -> memref<1x128xi32, #tpu.memory_space<hbm>>
      %dma_start3A_208 = tpu.memref_squeeze %dma_start3A_207 : memref<1x128xi32, #tpu.memory_space<hbm>> -> memref<128xi32, #tpu.memory_space<hbm>>
      tpu.enqueue_dma source(%dma_start3A_208 : memref<128xi32, #tpu.memory_space<hbm>>) target(%arg13 : memref<128xi32, #tpu.memory_space<vmem>>) target_semaphore(%arg19 : memref<!tpu.dma_semaphore, #tpu.memory_space<semaphore_mem>>)
      %dma_start3A_209 = tpu.memref_slice %arg5[%arg0, %mul3A_200] : memref<2x325632xf32, #tpu.memory_space<hbm>> -> memref<1x128xf32, #tpu.memory_space<hbm>>
      %dma_start3A_210 = tpu.memref_squeeze %dma_start3A_209 : memref<1x128xf32, #tpu.memory_space<hbm>> -> memref<128xf32, #tpu.memory_space<hbm>>
      %dma_start3A_211 = tpu.memref_slice %arg5[%arg0, %mul3A_200] : memref<2x325632xf32, #tpu.memory_space<hbm>> -> memref<1x128xf32, #tpu.memory_space<hbm>>
      %dma_start3A_212 = tpu.memref_squeeze %dma_start3A_211 : memref<1x128xf32, #tpu.memory_space<hbm>> -> memref<128xf32, #tpu.memory_space<hbm>>
      tpu.enqueue_dma source(%dma_start3A_212 : memref<128xf32, #tpu.memory_space<hbm>>) target(%arg15 : memref<128xf32, #tpu.memory_space<vmem>>) target_semaphore(%arg19 : memref<!tpu.dma_semaphore, #tpu.memory_space<semaphore_mem>>)
      %dma_start3A_213 = arith.constant 0 : i32
      %dma_start3A_214 = arith.constant 0 : i32
      %dma_start3A_215 = tpu.memref_slice %arg8[%dma_start3A_213, %dma_start3A_214] : memref<10008x128xf32, #tpu.memory_space<vmem_shared>> -> memref<10008x128xf32, #tpu.memory_space<vmem_shared>>
      tpu.enqueue_indirect_dma source(%arg10 : memref<128x128xf32, #tpu.memory_space<vmem>>) target(%dma_start3A_215 : memref<10008x128xf32, #tpu.memory_space<vmem_shared>>) offsets(%arg14 : memref<128xi32, #tpu.memory_space<vmem>>) semaphore(%arg24 : memref<!tpu.dma_semaphore, #tpu.memory_space<semaphore_mem>>) {add = true}
      %add3A_216 = arith.constant 2 : i32
      %add3A_217 = arith.addi %mul3A_126, %add3A_216 : i32
      %mul3A_218 = arith.constant 16 : i32
      %mul3A_219 = arith.muli %add3A_217, %mul3A_218 : i32
      %add3A_220 = arith.addi %mul3A_219, %arg1 : i32
      %mul3A_221 = arith.constant 128 : i32
      %mul3A_222 = arith.muli %add3A_220, %mul3A_221 : i32
      %dma_wait3A_223 = tpu.memref_slice %arg3[%arg0, %mul3A_222] : memref<2x325632xi32, #tpu.memory_space<hbm>> -> memref<1x128xi32, #tpu.memory_space<hbm>>
      %dma_wait3A_224 = tpu.memref_squeeze %dma_wait3A_223 : memref<1x128xi32, #tpu.memory_space<hbm>> -> memref<128xi32, #tpu.memory_space<hbm>>
      %dma_wait3A_225 = tpu.memref_slice %arg3[%arg0, %mul3A_222] : memref<2x325632xi32, #tpu.memory_space<hbm>> -> memref<1x128xi32, #tpu.memory_space<hbm>>
      %dma_wait3A_226 = tpu.memref_squeeze %dma_wait3A_225 : memref<1x128xi32, #tpu.memory_space<hbm>> -> memref<128xi32, #tpu.memory_space<hbm>>
      tpu.wait_dma2 semaphore(%arg19 : memref<!tpu.dma_semaphore, #tpu.memory_space<semaphore_mem>>) src(%dma_wait3A_226 : memref<128xi32, #tpu.memory_space<hbm>>) dst(%arg11 : memref<128xi32, #tpu.memory_space<vmem>>)
      %dma_wait3A_227 = tpu.memref_slice %arg4[%arg0, %mul3A_222] : memref<2x325632xi32, #tpu.memory_space<hbm>> -> memref<1x128xi32, #tpu.memory_space<hbm>>
      %dma_wait3A_228 = tpu.memref_squeeze %dma_wait3A_227 : memref<1x128xi32, #tpu.memory_space<hbm>> -> memref<128xi32, #tpu.memory_space<hbm>>
      %dma_wait3A_229 = tpu.memref_slice %arg4[%arg0, %mul3A_222] : memref<2x325632xi32, #tpu.memory_space<hbm>> -> memref<1x128xi32, #tpu.memory_space<hbm>>
      %dma_wait3A_230 = tpu.memref_squeeze %dma_wait3A_229 : memref<1x128xi32, #tpu.memory_space<hbm>> -> memref<128xi32, #tpu.memory_space<hbm>>
      tpu.wait_dma2 semaphore(%arg19 : memref<!tpu.dma_semaphore, #tpu.memory_space<semaphore_mem>>) src(%dma_wait3A_230 : memref<128xi32, #tpu.memory_space<hbm>>) dst(%arg13 : memref<128xi32, #tpu.memory_space<vmem>>)
      %dma_wait3A_231 = tpu.memref_slice %arg5[%arg0, %mul3A_222] : memref<2x325632xf32, #tpu.memory_space<hbm>> -> memref<1x128xf32, #tpu.memory_space<hbm>>
      %dma_wait3A_232 = tpu.memref_squeeze %dma_wait3A_231 : memref<1x128xf32, #tpu.memory_space<hbm>> -> memref<128xf32, #tpu.memory_space<hbm>>
      %dma_wait3A_233 = tpu.memref_slice %arg5[%arg0, %mul3A_222] : memref<2x325632xf32, #tpu.memory_space<hbm>> -> memref<1x128xf32, #tpu.memory_space<hbm>>
      %dma_wait3A_234 = tpu.memref_squeeze %dma_wait3A_233 : memref<1x128xf32, #tpu.memory_space<hbm>> -> memref<128xf32, #tpu.memory_space<hbm>>
      tpu.wait_dma2 semaphore(%arg19 : memref<!tpu.dma_semaphore, #tpu.memory_space<semaphore_mem>>) src(%dma_wait3A_234 : memref<128xf32, #tpu.memory_space<hbm>>) dst(%arg15 : memref<128xf32, #tpu.memory_space<vmem>>)
      %dma_start3A_235 = arith.constant 0 : i32
      %dma_start3A_236 = arith.constant 0 : i32
      %dma_start3A_237 = tpu.memref_slice %arg2[%dma_start3A_235, %dma_start3A_236] : memref<10000x128xf32, #tpu.memory_space<hbm>> -> memref<10000x128xf32, #tpu.memory_space<hbm>>
      tpu.enqueue_indirect_dma source(%dma_start3A_237 : memref<10000x128xf32, #tpu.memory_space<hbm>>) target(%arg9 : memref<128x128xf32, #tpu.memory_space<vmem>>) offsets(%arg11 : memref<128xi32, #tpu.memory_space<vmem>>) semaphore(%arg21 : memref<!tpu.dma_semaphore, #tpu.memory_space<semaphore_mem>>)
    }
    %scan3A_53 = arith.constant 79 : i32
    %dma_wait3A_54 = arith.constant 0 : i32
    %dma_wait3A_55 = arith.constant 0 : i32
    %dma_wait3A_56 = tpu.memref_slice %arg8[%dma_wait3A_54, %dma_wait3A_55] : memref<10008x128xf32, #tpu.memory_space<vmem_shared>> -> memref<10008x128xf32, #tpu.memory_space<vmem_shared>>
    tpu.wait_indirect_dma semaphore(%arg24 : memref<!tpu.dma_semaphore, #tpu.memory_space<semaphore_mem>>) src(%arg10 : memref<128x128xf32, #tpu.memory_space<vmem>>) dst(%dma_wait3A_56 : memref<10008x128xf32, #tpu.memory_space<vmem_shared>>)
    %dma_wait3A_57 = arith.constant 0 : i32
    %dma_wait3A_58 = arith.constant 0 : i32
    %dma_wait3A_59 = tpu.memref_slice %arg2[%dma_wait3A_57, %dma_wait3A_58] : memref<10000x128xf32, #tpu.memory_space<hbm>> -> memref<10000x128xf32, #tpu.memory_space<hbm>>
    tpu.wait_indirect_dma semaphore(%arg21 : memref<!tpu.dma_semaphore, #tpu.memory_space<semaphore_mem>>) src(%dma_wait3A_59 : memref<10000x128xf32, #tpu.memory_space<hbm>>) dst(%arg9 : memref<128x128xf32, #tpu.memory_space<vmem>>)
    %barrier3A_60 = arith.constant 0 : index
    tpu.barrier barrier_id(%barrier3A_60)
    %scan3A_61 = arith.constant 0 : i32
    %scan3A_62 = arith.constant 0 : i32
    %scan3A_63 = arith.constant 79 : i32
    %scan3A_64 = arith.addi %scan3A_62, %scan3A_63 : i32
    %scan3A_65 = arith.constant 1 : i32
    scf.for %scan3A_124 = %scan3A_62 to %scan3A_64 step %scan3A_65  : i32 {
      %mul3A_125 = arith.constant 16 : i32
      %mul3A_126 = arith.muli %scan3A_124, %mul3A_125 : i32
      %add3A_127 = arith.addi %mul3A_126, %arg1 : i32
      %lt3A = arith.constant 1250 : i32
      %lt3A_128 = arith.cmpi slt, %add3A_127, %lt3A : i32
      %convert_element_type3A = arith.extui %lt3A_128 : i1 to i32
      %cond3A = arith.constant 0 : i32
      %cond3A_129 = arith.cmpi ne, %convert_element_type3A, %cond3A : i32
      scf.if %cond3A_129 {
        %mul3A_130 = arith.constant 8 : i32
        %mul3A_131 = arith.muli %add3A_127, %mul3A_130 : i32
        %mul3A_132 = arith.constant 8 : i32
        %mul3A_133 = arith.muli %add3A_127, %mul3A_132 : i32
        %dma_start3A_134 = arith.constant 0 : i32
        %dma_start3A_135 = tpu.memref_slice %arg6[%arg0, %mul3A_133, %dma_start3A_134] : memref<2x10000x128xf32, #tpu.memory_space<hbm>> -> memref<1x8x128xf32, #tpu.memory_space<hbm>>
        %dma_start3A_136 = tpu.memref_squeeze %dma_start3A_135 : memref<1x8x128xf32, #tpu.memory_space<hbm>> -> memref<8x128xf32, #tpu.memory_space<hbm>>
        %dma_start3A_137 = arith.constant 0 : i32
        %dma_start3A_138 = tpu.memref_slice %arg8[%mul3A_131, %dma_start3A_137] : memref<10008x128xf32, #tpu.memory_space<vmem_shared>> -> memref<8x128xf32, #tpu.memory_space<vmem_shared>>
        tpu.enqueue_dma source(%dma_start3A_138 : memref<8x128xf32, #tpu.memory_space<vmem_shared>>) target(%dma_start3A_136 : memref<8x128xf32, #tpu.memory_space<hbm>>) target_semaphore(%arg25 : memref<!tpu.dma_semaphore, #tpu.memory_space<semaphore_mem>>)
      } else {
      }
    }
    %scan3A_66 = arith.constant 79 : i32
    %scan3A_67 = arith.constant 0 : i32
    %scan3A_68 = arith.constant 0 : i32
    %scan3A_69 = arith.constant 79 : i32
    %scan3A_70 = arith.addi %scan3A_68, %scan3A_69 : i32
    %scan3A_71 = arith.constant 1 : i32
    scf.for %scan3A_124 = %scan3A_68 to %scan3A_70 step %scan3A_71  : i32 {
      %mul3A_125 = arith.constant 16 : i32
      %mul3A_126 = arith.muli %scan3A_124, %mul3A_125 : i32
      %add3A_127 = arith.addi %mul3A_126, %arg1 : i32
      %lt3A = arith.constant 1250 : i32
      %lt3A_128 = arith.cmpi slt, %add3A_127, %lt3A : i32
      %convert_element_type3A = arith.extui %lt3A_128 : i1 to i32
      %cond3A = arith.constant 0 : i32
      %cond3A_129 = arith.cmpi ne, %convert_element_type3A, %cond3A : i32
      scf.if %cond3A_129 {
        %mul3A_130 = arith.constant 8 : i32
        %mul3A_131 = arith.muli %add3A_127, %mul3A_130 : i32
        %mul3A_132 = arith.constant 8 : i32
        %mul3A_133 = arith.muli %add3A_127, %mul3A_132 : i32
        %dma_wait3A_134 = arith.constant 0 : i32
        %dma_wait3A_135 = tpu.memref_slice %arg6[%arg0, %mul3A_133, %dma_wait3A_134] : memref<2x10000x128xf32, #tpu.memory_space<hbm>> -> memref<1x8x128xf32, #tpu.memory_space<hbm>>
        %dma_wait3A_136 = tpu.memref_squeeze %dma_wait3A_135 : memref<1x8x128xf32, #tpu.memory_space<hbm>> -> memref<8x128xf32, #tpu.memory_space<hbm>>
        %dma_wait3A_137 = arith.constant 0 : i32
        %dma_wait3A_138 = tpu.memref_slice %arg8[%mul3A_131, %dma_wait3A_137] : memref<10008x128xf32, #tpu.memory_space<vmem_shared>> -> memref<8x128xf32, #tpu.memory_space<vmem_shared>>
        tpu.wait_dma2 semaphore(%arg25 : memref<!tpu.dma_semaphore, #tpu.memory_space<semaphore_mem>>) src(%dma_wait3A_138 : memref<8x128xf32, #tpu.memory_space<vmem_shared>>) dst(%dma_wait3A_136 : memref<8x128xf32, #tpu.memory_space<hbm>>)
      } else {
      }
    }
    %scan3A_72 = arith.constant 79 : i32
    %scan3A_73 = arith.constant 0 : i32
    %scan3A_74 = arith.constant 0 : i32
    %scan3A_75 = arith.constant 79 : i32
    %scan3A_76 = arith.addi %scan3A_74, %scan3A_75 : i32
    %scan3A_77 = arith.constant 1 : i32
    scf.for %scan3A_124 = %scan3A_74 to %scan3A_76 step %scan3A_77  : i32 {
      %mul3A_125 = arith.constant 16 : i32
      %mul3A_126 = arith.muli %scan3A_124, %mul3A_125 : i32
      %add3A_127 = arith.addi %mul3A_126, %arg1 : i32
      %lt3A = arith.constant 1251 : i32
      %lt3A_128 = arith.cmpi slt, %add3A_127, %lt3A : i32
      %convert_element_type3A = arith.extui %lt3A_128 : i1 to i32
      %cond3A = arith.constant 0 : i32
      %cond3A_129 = arith.cmpi ne, %convert_element_type3A, %cond3A : i32
      scf.if %cond3A_129 {
        %mul3A_130 = arith.constant 8 : i32
        %mul3A_131 = arith.muli %add3A_127, %mul3A_130 : i32
        %dma_start3A_132 = arith.constant 0 : i32
        %dma_start3A_133 = tpu.memref_slice %arg8[%mul3A_131, %dma_start3A_132] : memref<10008x128xf32, #tpu.memory_space<vmem_shared>> -> memref<8x128xf32, #tpu.memory_space<vmem_shared>>
        %dma_start3A_134 = arith.constant 0 : i32
        %dma_start3A_135 = tpu.memref_slice %arg8[%mul3A_131, %dma_start3A_134] : memref<10008x128xf32, #tpu.memory_space<vmem_shared>> -> memref<8x128xf32, #tpu.memory_space<vmem_shared>>
        tpu.enqueue_dma source(%arg18 : memref<8x128xf32, #tpu.memory_space<vmem>>) target(%dma_start3A_135 : memref<8x128xf32, #tpu.memory_space<vmem_shared>>) target_semaphore(%arg25 : memref<!tpu.dma_semaphore, #tpu.memory_space<semaphore_mem>>)
      } else {
      }
    }
    %scan3A_78 = arith.constant 79 : i32
    %scan3A_79 = arith.constant 0 : i32
    %scan3A_80 = arith.constant 0 : i32
    %scan3A_81 = arith.constant 79 : i32
    %scan3A_82 = arith.addi %scan3A_80, %scan3A_81 : i32
    %scan3A_83 = arith.constant 1 : i32
    scf.for %scan3A_124 = %scan3A_80 to %scan3A_82 step %scan3A_83  : i32 {
      %mul3A_125 = arith.constant 16 : i32
      %mul3A_126 = arith.muli %scan3A_124, %mul3A_125 : i32
      %add3A_127 = arith.addi %mul3A_126, %arg1 : i32
      %lt3A = arith.constant 1251 : i32
      %lt3A_128 = arith.cmpi slt, %add3A_127, %lt3A : i32
      %convert_element_type3A = arith.extui %lt3A_128 : i1 to i32
      %cond3A = arith.constant 0 : i32
      %cond3A_129 = arith.cmpi ne, %convert_element_type3A, %cond3A : i32
      scf.if %cond3A_129 {
        %mul3A_130 = arith.constant 8 : i32
        %mul3A_131 = arith.muli %add3A_127, %mul3A_130 : i32
        %dma_wait3A_132 = arith.constant 0 : i32
        %dma_wait3A_133 = tpu.memref_slice %arg8[%mul3A_131, %dma_wait3A_132] : memref<10008x128xf32, #tpu.memory_space<vmem_shared>> -> memref<8x128xf32, #tpu.memory_space<vmem_shared>>
        %dma_wait3A_134 = arith.constant 0 : i32
        %dma_wait3A_135 = tpu.memref_slice %arg8[%mul3A_131, %dma_wait3A_134] : memref<10008x128xf32, #tpu.memory_space<vmem_shared>> -> memref<8x128xf32, #tpu.memory_space<vmem_shared>>
        tpu.wait_dma2 semaphore(%arg25 : memref<!tpu.dma_semaphore, #tpu.memory_space<semaphore_mem>>) src(%arg18 : memref<8x128xf32, #tpu.memory_space<vmem>>) dst(%dma_wait3A_135 : memref<8x128xf32, #tpu.memory_space<vmem_shared>>)
      } else {
      }
    }
    %scan3A_84 = arith.constant 79 : i32
    %barrier3A_85 = arith.constant 0 : index
    tpu.barrier barrier_id(%barrier3A_85)
    %add3A_86 = arith.constant 0 : i32
    %add3A_87 = arith.addi %add3A_86, %arg1 : i32
    %mul3A_88 = arith.constant 128 : i32
    %mul3A_89 = arith.muli %add3A_87, %mul3A_88 : i32
    %dma_start3A_90 = tpu.memref_slice %arg4[%arg0, %mul3A_89] : memref<2x325632xi32, #tpu.memory_space<hbm>> -> memref<1x128xi32, #tpu.memory_space<hbm>>
    %dma_start3A_91 = tpu.memref_squeeze %dma_start3A_90 : memref<1x128xi32, #tpu.memory_space<hbm>> -> memref<128xi32, #tpu.memory_space<hbm>>
    %dma_start3A_92 = tpu.memref_slice %arg4[%arg0, %mul3A_89] : memref<2x325632xi32, #tpu.memory_space<hbm>> -> memref<1x128xi32, #tpu.memory_space<hbm>>
    %dma_start3A_93 = tpu.memref_squeeze %dma_start3A_92 : memref<1x128xi32, #tpu.memory_space<hbm>> -> memref<128xi32, #tpu.memory_space<hbm>>
    tpu.enqueue_dma source(%dma_start3A_93 : memref<128xi32, #tpu.memory_space<hbm>>) target(%arg13 : memref<128xi32, #tpu.memory_space<vmem>>) target_semaphore(%arg19 : memref<!tpu.dma_semaphore, #tpu.memory_space<semaphore_mem>>)
    %scan3A_94 = arith.constant 0 : i32
    %scan3A_95 = arith.constant 0 : i32
    %scan3A_96 = arith.constant 79 : i32
    %scan3A_97 = arith.addi %scan3A_95, %scan3A_96 : i32
    %scan3A_98 = arith.constant 1 : i32
    scf.for %scan3A_124 = %scan3A_95 to %scan3A_97 step %scan3A_98  : i32 {
      %mul3A_125 = arith.constant 2 : i32
      %mul3A_126 = arith.muli %mul3A_125, %scan3A_124 : i32
      %gt3A = arith.constant 0 : i32
      %gt3A_127 = arith.cmpi sgt, %scan3A_124, %gt3A : i32
      %convert_element_type3A = arith.extui %gt3A_127 : i1 to i32
      %cond3A = arith.constant 0 : i32
      %cond3A_128 = arith.cmpi ne, %convert_element_type3A, %cond3A : i32
      scf.if %cond3A_128 {
        %dma_wait3A_180 = arith.constant 0 : i32
        %dma_wait3A_181 = arith.constant 0 : i32
        %dma_wait3A_182 = tpu.memref_slice %arg8[%dma_wait3A_180, %dma_wait3A_181] : memref<10008x128xf32, #tpu.memory_space<vmem_shared>> -> memref<10008x128xf32, #tpu.memory_space<vmem_shared>>
        tpu.wait_indirect_dma semaphore(%arg24 : memref<!tpu.dma_semaphore, #tpu.memory_space<semaphore_mem>>) src(%arg17 : memref<128x128xf32, #tpu.memory_space<vmem>>) dst(%dma_wait3A_182 : memref<10008x128xf32, #tpu.memory_space<vmem_shared>>)
      } else {
      }
      %add3A_129 = arith.constant 1 : i32
      %add3A_130 = arith.addi %mul3A_126, %add3A_129 : i32
      %mul3A_131 = arith.constant 16 : i32
      %mul3A_132 = arith.muli %add3A_130, %mul3A_131 : i32
      %add3A_133 = arith.addi %mul3A_132, %arg1 : i32
      %mul3A_134 = arith.constant 128 : i32
      %mul3A_135 = arith.muli %add3A_133, %mul3A_134 : i32
      %dma_start3A_136 = tpu.memref_slice %arg4[%arg0, %mul3A_135] : memref<2x325632xi32, #tpu.memory_space<hbm>> -> memref<1x128xi32, #tpu.memory_space<hbm>>
      %dma_start3A_137 = tpu.memref_squeeze %dma_start3A_136 : memref<1x128xi32, #tpu.memory_space<hbm>> -> memref<128xi32, #tpu.memory_space<hbm>>
      %dma_start3A_138 = tpu.memref_slice %arg4[%arg0, %mul3A_135] : memref<2x325632xi32, #tpu.memory_space<hbm>> -> memref<1x128xi32, #tpu.memory_space<hbm>>
      %dma_start3A_139 = tpu.memref_squeeze %dma_start3A_138 : memref<1x128xi32, #tpu.memory_space<hbm>> -> memref<128xi32, #tpu.memory_space<hbm>>
      tpu.enqueue_dma source(%dma_start3A_139 : memref<128xi32, #tpu.memory_space<hbm>>) target(%arg14 : memref<128xi32, #tpu.memory_space<vmem>>) target_semaphore(%arg20 : memref<!tpu.dma_semaphore, #tpu.memory_space<semaphore_mem>>)
      %mul3A_140 = arith.constant 16 : i32
      %mul3A_141 = arith.muli %mul3A_126, %mul3A_140 : i32
      %add3A_142 = arith.addi %mul3A_141, %arg1 : i32
      %mul3A_143 = arith.constant 128 : i32
      %mul3A_144 = arith.muli %add3A_142, %mul3A_143 : i32
      %dma_wait3A_145 = tpu.memref_slice %arg4[%arg0, %mul3A_144] : memref<2x325632xi32, #tpu.memory_space<hbm>> -> memref<1x128xi32, #tpu.memory_space<hbm>>
      %dma_wait3A_146 = tpu.memref_squeeze %dma_wait3A_145 : memref<1x128xi32, #tpu.memory_space<hbm>> -> memref<128xi32, #tpu.memory_space<hbm>>
      %dma_wait3A_147 = tpu.memref_slice %arg4[%arg0, %mul3A_144] : memref<2x325632xi32, #tpu.memory_space<hbm>> -> memref<1x128xi32, #tpu.memory_space<hbm>>
      %dma_wait3A_148 = tpu.memref_squeeze %dma_wait3A_147 : memref<1x128xi32, #tpu.memory_space<hbm>> -> memref<128xi32, #tpu.memory_space<hbm>>
      tpu.wait_dma2 semaphore(%arg19 : memref<!tpu.dma_semaphore, #tpu.memory_space<semaphore_mem>>) src(%dma_wait3A_148 : memref<128xi32, #tpu.memory_space<hbm>>) dst(%arg13 : memref<128xi32, #tpu.memory_space<vmem>>)
      %dma_start3A_149 = arith.constant 0 : i32
      %dma_start3A_150 = arith.constant 0 : i32
      %dma_start3A_151 = tpu.memref_slice %arg8[%dma_start3A_149, %dma_start3A_150] : memref<10008x128xf32, #tpu.memory_space<vmem_shared>> -> memref<10008x128xf32, #tpu.memory_space<vmem_shared>>
      tpu.enqueue_indirect_dma source(%arg17 : memref<128x128xf32, #tpu.memory_space<vmem>>) target(%dma_start3A_151 : memref<10008x128xf32, #tpu.memory_space<vmem_shared>>) offsets(%arg13 : memref<128xi32, #tpu.memory_space<vmem>>) semaphore(%arg23 : memref<!tpu.dma_semaphore, #tpu.memory_space<semaphore_mem>>) {add = true}
      %dma_wait3A_152 = arith.constant 0 : i32
      %dma_wait3A_153 = arith.constant 0 : i32
      %dma_wait3A_154 = tpu.memref_slice %arg8[%dma_wait3A_152, %dma_wait3A_153] : memref<10008x128xf32, #tpu.memory_space<vmem_shared>> -> memref<10008x128xf32, #tpu.memory_space<vmem_shared>>
      tpu.wait_indirect_dma semaphore(%arg23 : memref<!tpu.dma_semaphore, #tpu.memory_space<semaphore_mem>>) src(%arg17 : memref<128x128xf32, #tpu.memory_space<vmem>>) dst(%dma_wait3A_154 : memref<10008x128xf32, #tpu.memory_space<vmem_shared>>)
      %add3A_155 = arith.constant 2 : i32
      %add3A_156 = arith.addi %mul3A_126, %add3A_155 : i32
      %mul3A_157 = arith.constant 16 : i32
      %mul3A_158 = arith.muli %add3A_156, %mul3A_157 : i32
      %add3A_159 = arith.addi %mul3A_158, %arg1 : i32
      %mul3A_160 = arith.constant 128 : i32
      %mul3A_161 = arith.muli %add3A_159, %mul3A_160 : i32
      %dma_start3A_162 = tpu.memref_slice %arg4[%arg0, %mul3A_161] : memref<2x325632xi32, #tpu.memory_space<hbm>> -> memref<1x128xi32, #tpu.memory_space<hbm>>
      %dma_start3A_163 = tpu.memref_squeeze %dma_start3A_162 : memref<1x128xi32, #tpu.memory_space<hbm>> -> memref<128xi32, #tpu.memory_space<hbm>>
      %dma_start3A_164 = tpu.memref_slice %arg4[%arg0, %mul3A_161] : memref<2x325632xi32, #tpu.memory_space<hbm>> -> memref<1x128xi32, #tpu.memory_space<hbm>>
      %dma_start3A_165 = tpu.memref_squeeze %dma_start3A_164 : memref<1x128xi32, #tpu.memory_space<hbm>> -> memref<128xi32, #tpu.memory_space<hbm>>
      tpu.enqueue_dma source(%dma_start3A_165 : memref<128xi32, #tpu.memory_space<hbm>>) target(%arg13 : memref<128xi32, #tpu.memory_space<vmem>>) target_semaphore(%arg19 : memref<!tpu.dma_semaphore, #tpu.memory_space<semaphore_mem>>)
      %add3A_166 = arith.constant 1 : i32
      %add3A_167 = arith.addi %mul3A_126, %add3A_166 : i32
      %mul3A_168 = arith.constant 16 : i32
      %mul3A_169 = arith.muli %add3A_167, %mul3A_168 : i32
      %add3A_170 = arith.addi %mul3A_169, %arg1 : i32
      %mul3A_171 = arith.constant 128 : i32
      %mul3A_172 = arith.muli %add3A_170, %mul3A_171 : i32
      %dma_wait3A_173 = tpu.memref_slice %arg4[%arg0, %mul3A_172] : memref<2x325632xi32, #tpu.memory_space<hbm>> -> memref<1x128xi32, #tpu.memory_space<hbm>>
      %dma_wait3A_174 = tpu.memref_squeeze %dma_wait3A_173 : memref<1x128xi32, #tpu.memory_space<hbm>> -> memref<128xi32, #tpu.memory_space<hbm>>
      %dma_wait3A_175 = tpu.memref_slice %arg4[%arg0, %mul3A_172] : memref<2x325632xi32, #tpu.memory_space<hbm>> -> memref<1x128xi32, #tpu.memory_space<hbm>>
      %dma_wait3A_176 = tpu.memref_squeeze %dma_wait3A_175 : memref<1x128xi32, #tpu.memory_space<hbm>> -> memref<128xi32, #tpu.memory_space<hbm>>
      tpu.wait_dma2 semaphore(%arg20 : memref<!tpu.dma_semaphore, #tpu.memory_space<semaphore_mem>>) src(%dma_wait3A_176 : memref<128xi32, #tpu.memory_space<hbm>>) dst(%arg14 : memref<128xi32, #tpu.memory_space<vmem>>)
      %dma_start3A_177 = arith.constant 0 : i32
      %dma_start3A_178 = arith.constant 0 : i32
      %dma_start3A_179 = tpu.memref_slice %arg8[%dma_start3A_177, %dma_start3A_178] : memref<10008x128xf32, #tpu.memory_space<vmem_shared>> -> memref<10008x128xf32, #tpu.memory_space<vmem_shared>>
      tpu.enqueue_indirect_dma source(%arg17 : memref<128x128xf32, #tpu.memory_space<vmem>>) target(%dma_start3A_179 : memref<10008x128xf32, #tpu.memory_space<vmem_shared>>) offsets(%arg14 : memref<128xi32, #tpu.memory_space<vmem>>) semaphore(%arg24 : memref<!tpu.dma_semaphore, #tpu.memory_space<semaphore_mem>>) {add = true}
    }
    %scan3A_99 = arith.constant 79 : i32
    %dma_wait3A_100 = arith.constant 0 : i32
    %dma_wait3A_101 = arith.constant 0 : i32
    %dma_wait3A_102 = tpu.memref_slice %arg8[%dma_wait3A_100, %dma_wait3A_101] : memref<10008x128xf32, #tpu.memory_space<vmem_shared>> -> memref<10008x128xf32, #tpu.memory_space<vmem_shared>>
    tpu.wait_indirect_dma semaphore(%arg24 : memref<!tpu.dma_semaphore, #tpu.memory_space<semaphore_mem>>) src(%arg17 : memref<128x128xf32, #tpu.memory_space<vmem>>) dst(%dma_wait3A_102 : memref<10008x128xf32, #tpu.memory_space<vmem_shared>>)
    %add3A_103 = arith.constant 2528 : i32
    %add3A_104 = arith.addi %add3A_103, %arg1 : i32
    %mul3A_105 = arith.constant 128 : i32
    %mul3A_106 = arith.muli %add3A_104, %mul3A_105 : i32
    %dma_wait3A_107 = tpu.memref_slice %arg4[%arg0, %mul3A_106] : memref<2x325632xi32, #tpu.memory_space<hbm>> -> memref<1x128xi32, #tpu.memory_space<hbm>>
    %dma_wait3A_108 = tpu.memref_squeeze %dma_wait3A_107 : memref<1x128xi32, #tpu.memory_space<hbm>> -> memref<128xi32, #tpu.memory_space<hbm>>
    %dma_wait3A_109 = tpu.memref_slice %arg4[%arg0, %mul3A_106] : memref<2x325632xi32, #tpu.memory_space<hbm>> -> memref<1x128xi32, #tpu.memory_space<hbm>>
    %dma_wait3A_110 = tpu.memref_squeeze %dma_wait3A_109 : memref<1x128xi32, #tpu.memory_space<hbm>> -> memref<128xi32, #tpu.memory_space<hbm>>
    tpu.wait_dma2 semaphore(%arg19 : memref<!tpu.dma_semaphore, #tpu.memory_space<semaphore_mem>>) src(%dma_wait3A_110 : memref<128xi32, #tpu.memory_space<hbm>>) dst(%arg13 : memref<128xi32, #tpu.memory_space<vmem>>)
    %barrier3A_111 = arith.constant 0 : index
    tpu.barrier barrier_id(%barrier3A_111)
    %scan3A_112 = arith.constant 0 : i32
    %scan3A_113 = arith.constant 0 : i32
    %scan3A_114 = arith.constant 79 : i32
    %scan3A_115 = arith.addi %scan3A_113, %scan3A_114 : i32
    %scan3A_116 = arith.constant 1 : i32
    scf.for %scan3A_124 = %scan3A_113 to %scan3A_115 step %scan3A_116  : i32 {
      %mul3A_125 = arith.constant 16 : i32
      %mul3A_126 = arith.muli %scan3A_124, %mul3A_125 : i32
      %add3A_127 = arith.addi %mul3A_126, %arg1 : i32
      %lt3A = arith.constant 1250 : i32
      %lt3A_128 = arith.cmpi slt, %add3A_127, %lt3A : i32
      %convert_element_type3A = arith.extui %lt3A_128 : i1 to i32
      %cond3A = arith.constant 0 : i32
      %cond3A_129 = arith.cmpi ne, %convert_element_type3A, %cond3A : i32
      scf.if %cond3A_129 {
        %mul3A_130 = arith.constant 8 : i32
        %mul3A_131 = arith.muli %add3A_127, %mul3A_130 : i32
        %mul3A_132 = arith.constant 8 : i32
        %mul3A_133 = arith.muli %add3A_127, %mul3A_132 : i32
        %dma_start3A_134 = arith.constant 0 : i32
        %dma_start3A_135 = tpu.memref_slice %arg7[%arg0, %mul3A_133, %dma_start3A_134] : memref<2x10000x128xf32, #tpu.memory_space<hbm>> -> memref<1x8x128xf32, #tpu.memory_space<hbm>>
        %dma_start3A_136 = tpu.memref_squeeze %dma_start3A_135 : memref<1x8x128xf32, #tpu.memory_space<hbm>> -> memref<8x128xf32, #tpu.memory_space<hbm>>
        %dma_start3A_137 = arith.constant 0 : i32
        %dma_start3A_138 = tpu.memref_slice %arg8[%mul3A_131, %dma_start3A_137] : memref<10008x128xf32, #tpu.memory_space<vmem_shared>> -> memref<8x128xf32, #tpu.memory_space<vmem_shared>>
        tpu.enqueue_dma source(%dma_start3A_138 : memref<8x128xf32, #tpu.memory_space<vmem_shared>>) target(%dma_start3A_136 : memref<8x128xf32, #tpu.memory_space<hbm>>) target_semaphore(%arg25 : memref<!tpu.dma_semaphore, #tpu.memory_space<semaphore_mem>>)
      } else {
      }
    }
    %scan3A_117 = arith.constant 79 : i32
    %scan3A_118 = arith.constant 0 : i32
    %scan3A_119 = arith.constant 0 : i32
    %scan3A_120 = arith.constant 79 : i32
    %scan3A_121 = arith.addi %scan3A_119, %scan3A_120 : i32
    %scan3A_122 = arith.constant 1 : i32
    scf.for %scan3A_124 = %scan3A_119 to %scan3A_121 step %scan3A_122  : i32 {
      %mul3A_125 = arith.constant 16 : i32
      %mul3A_126 = arith.muli %scan3A_124, %mul3A_125 : i32
      %add3A_127 = arith.addi %mul3A_126, %arg1 : i32
      %lt3A = arith.constant 1250 : i32
      %lt3A_128 = arith.cmpi slt, %add3A_127, %lt3A : i32
      %convert_element_type3A = arith.extui %lt3A_128 : i1 to i32
      %cond3A = arith.constant 0 : i32
      %cond3A_129 = arith.cmpi ne, %convert_element_type3A, %cond3A : i32
      scf.if %cond3A_129 {
        %mul3A_130 = arith.constant 8 : i32
        %mul3A_131 = arith.muli %add3A_127, %mul3A_130 : i32
        %mul3A_132 = arith.constant 8 : i32
        %mul3A_133 = arith.muli %add3A_127, %mul3A_132 : i32
        %dma_wait3A_134 = arith.constant 0 : i32
        %dma_wait3A_135 = tpu.memref_slice %arg7[%arg0, %mul3A_133, %dma_wait3A_134] : memref<2x10000x128xf32, #tpu.memory_space<hbm>> -> memref<1x8x128xf32, #tpu.memory_space<hbm>>
        %dma_wait3A_136 = tpu.memref_squeeze %dma_wait3A_135 : memref<1x8x128xf32, #tpu.memory_space<hbm>> -> memref<8x128xf32, #tpu.memory_space<hbm>>
        %dma_wait3A_137 = arith.constant 0 : i32
        %dma_wait3A_138 = tpu.memref_slice %arg8[%mul3A_131, %dma_wait3A_137] : memref<10008x128xf32, #tpu.memory_space<vmem_shared>> -> memref<8x128xf32, #tpu.memory_space<vmem_shared>>
        tpu.wait_dma2 semaphore(%arg25 : memref<!tpu.dma_semaphore, #tpu.memory_space<semaphore_mem>>) src(%dma_wait3A_138 : memref<8x128xf32, #tpu.memory_space<vmem_shared>>) dst(%dma_wait3A_136 : memref<8x128xf32, #tpu.memory_space<hbm>>)
      } else {
      }
    }
    %scan3A_123 = arith.constant 79 : i32
    return
  }
}

module attributes {stable_mosaic.version = 14 : i64} {
  func.func @body(%arg0: i32, %arg1: memref<1000x128xf32, #tpu.memory_space<vmem>>, %arg2: memref<2x1000x128xf32, #tpu.memory_space<vmem>>, %arg3: memref<2x1000x128xf32, #tpu.memory_space<vmem>>, %arg4: memref<2x128x128xf32, #tpu.memory_space<vmem>>, %arg5: memref<2x128x128xf32, #tpu.memory_space<vmem>>, %arg6: memref<2x8x128xf32, #tpu.memory_space<vmem>>, %arg7: memref<1000x128xf32, #tpu.memory_space<vmem>>) attributes {dimension_semantics = [#tpu.dimension_semantics<arbitrary>], iteration_bounds = array<i64: 10>, scalar_prefetch = 0 : i64, scratch_operands = 0 : i64, tpu.core_type = #tpu.core_type<tc>, window_params = [{transform_indices = @transform_0, window_bounds = array<i64: 1000, 128>}, {transform_indices = @transform_1, window_bounds = array<i64: 2, 1000, 128>}, {transform_indices = @transform_2, window_bounds = array<i64: 2, 1000, 128>}, {pipeline_mode = #tpu.pipeline_mode<synchronous>, transform_indices = @transform_3, window_bounds = array<i64: 2, 128, 128>}, {pipeline_mode = #tpu.pipeline_mode<synchronous>, transform_indices = @transform_4, window_bounds = array<i64: 2, 128, 128>}, {pipeline_mode = #tpu.pipeline_mode<synchronous>, transform_indices = @transform_5, window_bounds = array<i64: 2, 8, 128>}, {transform_indices = @transform_6, window_bounds = array<i64: 1000, 128>}]} {
    %get3A = arith.constant 0 : index
    %get3A_0 = arith.constant 0 : index
    %get3A_1 = vector.load %arg1[%get3A, %get3A_0] : memref<1000x128xf32, #tpu.memory_space<vmem>>, vector<1000x128xf32>
    %get3A_2 = arith.constant 0 : index
    %get3A_3 = arith.constant 0 : index
    %get3A_4 = arith.constant 0 : index
    %get3A_5 = vector.load %arg3[%get3A_2, %get3A_3, %get3A_4] : memref<2x1000x128xf32, #tpu.memory_space<vmem>>, vector<1x1000x128xf32>
    %get3A_6 = vector.shape_cast %get3A_5 : vector<1x1000x128xf32> to vector<1000x128xf32>
    %slice3A = vector.extract_strided_slice %get3A_6 {offsets = [0, 0], sizes = [1000, 1], strides = [1, 1]} : vector<1000x128xf32> to vector<1000x1xf32>
    %get3A_7 = arith.constant 0 : index
    %get3A_8 = arith.constant 0 : index
    %get3A_9 = arith.constant 0 : index
    %get3A_10 = vector.load %arg2[%get3A_7, %get3A_8, %get3A_9] : memref<2x1000x128xf32, #tpu.memory_space<vmem>>, vector<1x1000x128xf32>
    %get3A_11 = vector.shape_cast %get3A_10 : vector<1x1000x128xf32> to vector<1000x128xf32>
    %jit3A = arith.constant 1.000000e+00 : f32
    %max3A = vector.broadcast %jit3A : f32 to vector<1000x1xf32>
    %max3A_12 = arith.maximumf %max3A, %slice3A : vector<1000x1xf32>
    %div3A = vector.broadcast %max3A_12 : vector<1000x1xf32> to vector<1000x128xf32>
    %div3A_13 = arith.divf %get3A_11, %div3A : vector<1000x128xf32>
    %get3A_14 = arith.constant 0 : index
    %get3A_15 = arith.constant 0 : index
    %get3A_16 = arith.constant 0 : index
    %get3A_17 = vector.load %arg4[%get3A_14, %get3A_15, %get3A_16] : memref<2x128x128xf32, #tpu.memory_space<vmem>>, vector<1x128x128xf32>
    %get3A_18 = vector.shape_cast %get3A_17 : vector<1x128x128xf32> to vector<128x128xf32>
    %dot_general3A = arith.constant dense<0.000000e+00> : vector<1000x128xf32>
    %dot_general3A_19 = tpu.matmul %get3A_1, %get3A_18, %dot_general3A {dimension_numbers = #tpu.dot_dimension_numbers<[1], [0], [0], [1], [0, 0, 1, 1], [], []>, transpose_lhs_hint = false} : vector<1000x128xf32>, vector<128x128xf32>, vector<1000x128xf32> -> vector<1000x128xf32>
    %get3A_20 = arith.constant 0 : index
    %get3A_21 = arith.constant 0 : index
    %get3A_22 = arith.constant 0 : index
    %get3A_23 = vector.load %arg5[%get3A_20, %get3A_21, %get3A_22] : memref<2x128x128xf32, #tpu.memory_space<vmem>>, vector<1x128x128xf32>
    %get3A_24 = vector.shape_cast %get3A_23 : vector<1x128x128xf32> to vector<128x128xf32>
    %dot_general3A_25 = arith.constant dense<0.000000e+00> : vector<1000x128xf32>
    %dot_general3A_26 = tpu.matmul %div3A_13, %get3A_24, %dot_general3A_25 {dimension_numbers = #tpu.dot_dimension_numbers<[1], [0], [0], [1], [0, 0, 1, 1], [], []>, transpose_lhs_hint = false} : vector<1000x128xf32>, vector<128x128xf32>, vector<1000x128xf32> -> vector<1000x128xf32>
    %add3A = arith.addf %dot_general3A_19, %dot_general3A_26 : vector<1000x128xf32>
    %get3A_27 = arith.constant 0 : index
    %get3A_28 = arith.constant 0 : index
    %get3A_29 = arith.constant 0 : index
    %get3A_30 = vector.load %arg6[%get3A_27, %get3A_28, %get3A_29] : memref<2x8x128xf32, #tpu.memory_space<vmem>>, vector<1x1x128xf32>
    %get3A_31 = vector.shape_cast %get3A_30 : vector<1x1x128xf32> to vector<1x128xf32>
    %add3A_32 = vector.broadcast %get3A_31 : vector<1x128xf32> to vector<1000x128xf32>
    %add3A_33 = arith.addf %add3A, %add3A_32 : vector<1000x128xf32>
    %max3A_34 = arith.constant 0.000000e+00 : f32
    %max3A_35 = vector.broadcast %max3A_34 : f32 to vector<1000x128xf32>
    %max3A_36 = arith.maximumf %add3A_33, %max3A_35 : vector<1000x128xf32>
    %get3A_37 = arith.constant 1 : index
    %get3A_38 = arith.constant 0 : index
    %get3A_39 = arith.constant 0 : index
    %get3A_40 = vector.load %arg3[%get3A_37, %get3A_38, %get3A_39] : memref<2x1000x128xf32, #tpu.memory_space<vmem>>, vector<1x1000x128xf32>
    %get3A_41 = vector.shape_cast %get3A_40 : vector<1x1000x128xf32> to vector<1000x128xf32>
    %slice3A_42 = vector.extract_strided_slice %get3A_41 {offsets = [0, 0], sizes = [1000, 1], strides = [1, 1]} : vector<1000x128xf32> to vector<1000x1xf32>
    %get3A_43 = arith.constant 1 : index
    %get3A_44 = arith.constant 0 : index
    %get3A_45 = arith.constant 0 : index
    %get3A_46 = vector.load %arg2[%get3A_43, %get3A_44, %get3A_45] : memref<2x1000x128xf32, #tpu.memory_space<vmem>>, vector<1x1000x128xf32>
    %get3A_47 = vector.shape_cast %get3A_46 : vector<1x1000x128xf32> to vector<1000x128xf32>
    %jit3A_48 = arith.constant 1.000000e+00 : f32
    %max3A_49 = vector.broadcast %jit3A_48 : f32 to vector<1000x1xf32>
    %max3A_50 = arith.maximumf %max3A_49, %slice3A_42 : vector<1000x1xf32>
    %div3A_51 = vector.broadcast %max3A_50 : vector<1000x1xf32> to vector<1000x128xf32>
    %div3A_52 = arith.divf %get3A_47, %div3A_51 : vector<1000x128xf32>
    %get3A_53 = arith.constant 1 : index
    %get3A_54 = arith.constant 0 : index
    %get3A_55 = arith.constant 0 : index
    %get3A_56 = vector.load %arg4[%get3A_53, %get3A_54, %get3A_55] : memref<2x128x128xf32, #tpu.memory_space<vmem>>, vector<1x128x128xf32>
    %get3A_57 = vector.shape_cast %get3A_56 : vector<1x128x128xf32> to vector<128x128xf32>
    %dot_general3A_58 = arith.constant dense<0.000000e+00> : vector<1000x128xf32>
    %dot_general3A_59 = tpu.matmul %get3A_1, %get3A_57, %dot_general3A_58 {dimension_numbers = #tpu.dot_dimension_numbers<[1], [0], [0], [1], [0, 0, 1, 1], [], []>, transpose_lhs_hint = false} : vector<1000x128xf32>, vector<128x128xf32>, vector<1000x128xf32> -> vector<1000x128xf32>
    %get3A_60 = arith.constant 1 : index
    %get3A_61 = arith.constant 0 : index
    %get3A_62 = arith.constant 0 : index
    %get3A_63 = vector.load %arg5[%get3A_60, %get3A_61, %get3A_62] : memref<2x128x128xf32, #tpu.memory_space<vmem>>, vector<1x128x128xf32>
    %get3A_64 = vector.shape_cast %get3A_63 : vector<1x128x128xf32> to vector<128x128xf32>
    %dot_general3A_65 = arith.constant dense<0.000000e+00> : vector<1000x128xf32>
    %dot_general3A_66 = tpu.matmul %div3A_52, %get3A_64, %dot_general3A_65 {dimension_numbers = #tpu.dot_dimension_numbers<[1], [0], [0], [1], [0, 0, 1, 1], [], []>, transpose_lhs_hint = false} : vector<1000x128xf32>, vector<128x128xf32>, vector<1000x128xf32> -> vector<1000x128xf32>
    %add3A_67 = arith.addf %dot_general3A_59, %dot_general3A_66 : vector<1000x128xf32>
    %get3A_68 = arith.constant 1 : index
    %get3A_69 = arith.constant 0 : index
    %get3A_70 = arith.constant 0 : index
    %get3A_71 = vector.load %arg6[%get3A_68, %get3A_69, %get3A_70] : memref<2x8x128xf32, #tpu.memory_space<vmem>>, vector<1x1x128xf32>
    %get3A_72 = vector.shape_cast %get3A_71 : vector<1x1x128xf32> to vector<1x128xf32>
    %add3A_73 = vector.broadcast %get3A_72 : vector<1x128xf32> to vector<1000x128xf32>
    %add3A_74 = arith.addf %add3A_67, %add3A_73 : vector<1000x128xf32>
    %max3A_75 = arith.constant 0.000000e+00 : f32
    %max3A_76 = vector.broadcast %max3A_75 : f32 to vector<1000x128xf32>
    %max3A_77 = arith.maximumf %add3A_74, %max3A_76 : vector<1000x128xf32>
    %add3A_78 = arith.addf %max3A_36, %max3A_77 : vector<1000x128xf32>
    %mul3A = arith.constant 5.000000e-01 : f32
    %mul3A_79 = vector.broadcast %mul3A : f32 to vector<1000x128xf32>
    %mul3A_80 = arith.mulf %mul3A_79, %add3A_78 : vector<1000x128xf32>
    %swap3A = arith.constant 0 : index
    %swap3A_81 = arith.constant 0 : index
    %swap3A_82 = vector.load %arg7[%swap3A, %swap3A_81] : memref<1000x128xf32, #tpu.memory_space<vmem>>, vector<1000x128xf32>
    tpu.vector_store %arg7[%swap3A, %swap3A_81], %mul3A_80 {strides = array<i32>} : memref<1000x128xf32, #tpu.memory_space<vmem>>, vector<1000x128xf32>,
    return
  }
  func.func @transform_0(%arg0: i32) -> (i32, i32) {
    %c0_i32 = arith.constant 0 : i32
    %c0_i32_0 = arith.constant 0 : i32
    return %arg0, %c0_i32 : i32, i32
  }
  func.func @transform_1(%arg0: i32) -> (i32, i32, i32) {
    %c0_i32 = arith.constant 0 : i32
    %c0_i32_0 = arith.constant 0 : i32
    %c0_i32_1 = arith.constant 0 : i32
    return %c0_i32, %arg0, %c0_i32_0 : i32, i32, i32
  }
  func.func @transform_2(%arg0: i32) -> (i32, i32, i32) {
    %c0_i32 = arith.constant 0 : i32
    %c0_i32_0 = arith.constant 0 : i32
    %c0_i32_1 = arith.constant 0 : i32
    return %c0_i32, %arg0, %c0_i32_0 : i32, i32, i32
  }
  func.func @transform_3(%arg0: i32) -> (i32, i32, i32) {
    %c0_i32 = arith.constant 0 : i32
    %c0_i32_0 = arith.constant 0 : i32
    %c0_i32_1 = arith.constant 0 : i32
    %c0_i32_2 = arith.constant 0 : i32
    return %c0_i32, %c0_i32_0, %c0_i32_1 : i32, i32, i32
  }
  func.func @transform_4(%arg0: i32) -> (i32, i32, i32) {
    %c0_i32 = arith.constant 0 : i32
    %c0_i32_0 = arith.constant 0 : i32
    %c0_i32_1 = arith.constant 0 : i32
    %c0_i32_2 = arith.constant 0 : i32
    return %c0_i32, %c0_i32_0, %c0_i32_1 : i32, i32, i32
  }
  func.func @transform_5(%arg0: i32) -> (i32, i32, i32) {
    %c0_i32 = arith.constant 0 : i32
    %c0_i32_0 = arith.constant 0 : i32
    %c0_i32_1 = arith.constant 0 : i32
    %c0_i32_2 = arith.constant 0 : i32
    return %c0_i32, %c0_i32_0, %c0_i32_1 : i32, i32, i32
  }
  func.func @transform_6(%arg0: i32) -> (i32, i32) {
    %c0_i32 = arith.constant 0 : i32
    %c0_i32_0 = arith.constant 0 : i32
    return %arg0, %c0_i32 : i32, i32
  }
}

</mosaic_0001>

<sc_bundles>
// kernel: kernel.4.cloned.1.call-start
scs
__scs_entry_jumppad:
0x0: {  	(pc) =	sbr.rel $0x88, $3  }
0x1: {  	(tag) =	ssettag $0x0;
	lr =	simm.s32 $0x1  }
0x2: {  	[smem:$0x3F99] =	sst lr;
	_ =	strace $0xD0000000  }
0x3: {  	_ = 	snop  }
0x4: {  	_ = 	snop  }
0x5: {  	_ = 	snop  }
0x6: {  	_ = 	snop  }
0x7: {  	_ = 	snop  }
__scs_overlays_trampoline_lowered:
0x8: {  	[smem:$0x3FA8] =	sst s0  }
0x9: {  	[smem:$0x3FA9] =	sst s1  }
0xa: {  	[smem:$0x3FAA] =	sst s2  }
0xb: {  	[smem:$0x3FAB] =	sst s3  }
0xc: {  	[smem:$0x3FAC] =	sst s4  }
0xd: {  	[smem:$0x3FAD] =	sst s5  }
0xe: {  	[smem:$0x3FAE] =	sst s6  }
0xf: {  	[smem:$0x3FAF] =	sst s7  }
0x10: {  	[smem:$0x3FB0] =	sst s8  }
0x11: {  	[smem:$0x3FB1] =	sst s9;
	s0 =	simm.s32 @!p0 $0x0  }
0x12: {  	s1 =	sld [smem:$0x3F97];
	s0 =	simm.s32 @p0 $0x1  }
0x13: {  	[smem:$0x3FB2] =	sst s0;
	s0 =	simm.s32 @!p1 $0x0  }
0x14: {  	s2 =	sld [smem:$0x3F96];
	s0 =	simm.s32 @p1 $0x1  }
0x15: {  	[smem:$0x3FB3] =	sst s0;
	s0 =	simm.s32 @!p2 $0x0  }
0x16: {  	s3 =	sld [smem:$0x3FDB];
	s0 =	simm.s32 @p2 $0x1  }
0x17: {  	s4 =	simm.s32 $0x1BF5;
	[smem:$0x3FB5] =	sst s0  }
0x18: {  	s0 =	sld [smem:$0x3F98];
	_ =	swait.ge [sflag:s4], $0x0  }
0x19: {  	s7 =	sld [smem:$0x3F99]  }
0x1a: {  	s8 =	sadd.s32 $0xFFFFE003, lr  }
0x1b: {  	s9 =	sadd.s32 $0xFFFFFEF7, lr;
	s5 =	simm.s32 $0xFFFFFFFF;
	p2 =	slt.u32 s8, $0xFFFFF086  }
0x1c: {  	p1 =	slt.u32 s9, $0xF7A;
	s5 =	simm.s32 @!p2 $0x0  }
0x1d: {  	s5 =	simm.s32 @p1 $0x1;
	p0 =	seq.s32 s7, s2  }
0x1e: {  	s7 =	smul.u32 @!p0 $0xF7A, s2;
	p2 =	seq.s32 @!p0 s5, $0x0  }
0x1f: {  	s9 =	smul.u32 $0xF7A, s1;
	s8 =	simm.s32 @!p0 $0x1BF5;
	p2 =	por !p2, p0  }
0x20: {  	[sflag:s8] =	ssyncset.s32 @!p0 $0xFFFFF086;
	s6 =	sadd.s32 @!p0 s3, s7;
	s7 =	simm.s32 @!p0 $0x108  }
0x21: {  	s3 =	sadd.s32 s3, s9;
	s6 =	sadd.s32 @!p0 $0x88, s6;
	s7 =	simm.s32 @p2 $0x1082  }
0x22: {  	[simem:s7], [sflag:s8] =	dma.local @!p0 [hbm:s6], $0xF7A  }
0x23: {  	s9 =	sor.u32 $0xD0000000, s2;
	s6 =	simm.s32 $0x108;
	_ =	swait.ge @!p0 [sflag:s8], $0x0  }
0x24: {  	s3 =	sadd.s32 $0x88, s3;
	s6 =	simm.s32 @!p1 $0x1082;
	[sflag:s4] =	ssyncset.s32 $0xFFFFF086  }
0x25: {  	[simem:s6], [sflag:s4] =	dma.local [hbm:s3], $0xF7A  }
0x26: {  	[smem:$0x3F99] =	sst s1;
	(tag) =	ssettag s2;
	_ =	strace s9  }
0x27: {  	s1 =	sld [smem:$0x3FA9]  }
0x28: {  	s2 =	sld [smem:$0x3FAA]  }
0x29: {  	s4 =	sld [smem:$0x3FAC]  }
0x2a: {  	p0 =	seq.s32 s5, $0x0;
	s5 =	sld [smem:$0x3FAD]  }
0x2b: {  	s6 =	sld [smem:$0x3FAE]  }
0x2c: {  	s7 =	sld [smem:$0x3FAF]  }
0x2d: {  	s3 =	simm.s32 $0x108;
	s8 =	sld [smem:$0x3FB0]  }
0x2e: {  	s3 =	simm.s32 @!p0 $0x1082;
	s9 =	sld [smem:$0x3FB1]  }
0x2f: {  	lr =	sadd.s32 s0, s3;
	s0 =	sld [smem:$0x3FA8]  }
0x30: {  	s3 =	sld [smem:$0x3FAB]  }
0x31: {  	[smem:$0x3FB4] =	sst s10  }
0x32: {  	s10 =	sld [smem:$0x3FB2];
	_ =	sdelay $0x3  }
0x33: {  	p0 =	seq.s32 s10, $0x1;
	s10 =	sld [smem:$0x3FB4];
	_ =	sdelay $0x3  }
0x34: {  	[smem:$0x3FB4] =	sst s10  }
0x35: {  	s10 =	sld [smem:$0x3FB3];
	_ =	sdelay $0x3  }
0x36: {  	p1 =	seq.s32 s10, $0x1;
	s10 =	sld [smem:$0x3FB4];
	_ =	sdelay $0x3  }
0x37: {  	[smem:$0x3FB4] =	sst s10  }
0x38: {  	s10 =	sld [smem:$0x3FB5]  }
0x39: {  	_ = 	snop;
	(pc) =	sbr.ind lr, $3  }
0x3a: {  	_ = 	snop  }
0x3b: {  	_ = 	snop  }
0x3c: {  	p2 =	seq.s32 s10, $0x1;
	s10 =	sld [smem:$0x3FB4]  }
0x3d: {  	_ =	shalt  }
0x3e: {  	_ =	shalt  }
0x3f: {  	_ =	shalt  }
0x40: {  	_ =	shalt  }
0x41: {  	_ =	shalt  }
0x42: {  	_ =	shalt  }
0x43: {  	_ =	shalt  }
0x44: {  	_ =	shalt  }
0x45: {  	_ =	shalt  }
0x46: {  	_ =	shalt  }
0x47: {  	_ =	shalt  }
0x48: {  	_ =	shalt  }
0x49: {  	_ =	shalt  }
0x4a: {  	_ =	shalt  }
0x4b: {  	_ =	shalt  }
0x4c: {  	_ =	shalt  }
0x4d: {  	_ =	shalt  }
0x4e: {  	_ =	shalt  }
0x4f: {  	_ =	shalt  }
0x50: {  	_ =	shalt  }
0x51: {  	_ =	shalt  }
0x52: {  	_ =	shalt  }
0x53: {  	_ =	shalt  }
0x54: {  	_ =	shalt  }
0x55: {  	_ =	shalt  }
0x56: {  	_ =	shalt  }
0x57: {  	_ =	shalt  }
0x58: {  	_ =	shalt  }
0x59: {  	_ =	shalt  }
0x5a: {  	_ =	shalt  }
0x5b: {  	_ =	shalt  }
0x5c: {  	_ =	shalt  }
0x5d: {  	_ =	shalt  }
0x5e: {  	_ =	shalt  }
0x5f: {  	_ =	shalt  }
0x60: {  	_ =	shalt  }
0x61: {  	_ =	shalt  }
0x62: {  	_ =	shalt  }
0x63: {  	_ =	shalt  }
0x64: {  	_ =	shalt  }
0x65: {  	_ =	shalt  }
0x66: {  	_ =	shalt  }
0x67: {  	_ =	shalt  }
0x68: {  	_ =	shalt  }
0x69: {  	_ =	shalt  }
0x6a: {  	_ =	shalt  }
0x6b: {  	_ =	shalt  }
0x6c: {  	_ =	shalt  }
0x6d: {  	_ =	shalt  }
0x6e: {  	_ =	shalt  }
0x6f: {  	_ =	shalt  }
0x70: {  	_ =	shalt  }
0x71: {  	_ =	shalt  }
0x72: {  	_ =	shalt  }
0x73: {  	_ =	shalt  }
0x74: {  	_ =	shalt  }
0x75: {  	_ =	shalt  }
0x76: {  	_ =	shalt  }
0x77: {  	_ =	shalt  }
0x78: {  	_ =	shalt  }
0x79: {  	_ =	shalt  }
0x7a: {  	_ =	shalt  }
0x7b: {  	_ =	shalt  }
0x7c: {  	_ =	shalt  }
0x7d: {  	_ =	shalt  }
0x7e: {  	_ =	shalt  }
0x7f: {  	_ =	shalt  }
0x80: {  	_ =	shalt  }
0x81: {  	_ =	shalt  }
0x82: {  	_ =	shalt  }
0x83: {  	_ =	shalt  }
0x84: {  	_ =	shalt  }
0x85: {  	_ =	shalt  }
0x86: {  	_ =	shalt  }
0x87: {  	_ =	shalt  }
.Lfunc_end0:
.L_simem_size_0:
called_computation_lowered:
.L_overlay_start_0:
0x88: {  	s2 =	sld [smem:$0x3FD9]  }
0x89: {  	s3 =	sld [smem:$0x3FFE];
	_ =	sdelay $0x1  }
0x8a: {  	s1 =	srdreg.scid  }
0x8b: {  	s0 =	sand.u32 $0x1, s1  }
0x8c: {  	s17 =	sshll.u32 s0, $0xA;
	s2 =	sadd.s32 s3, s2  }
0x8d: {  	s2 =	sadd.s32 s2, s17  }
0x8e: {  	[smem:$0x3FC0] =	sst s2  }
0x8f: {  	_ = 	snop  }
0x90: {  	s2 =	sld [smem:$0x3FC9]  }
0x91: {  	s18 =	sld [smem:$0x3FD0];
	(tm) =	ssettm $0x1  }
0x92: {  	s4 =	sld [smem:$0x3FFB];
	_ =	sdelay $0x3  }
0x93: {  	_ =	strace s4  }
0x94: {  	s4 =	sld [smem:$0x3FFC];
	_ =	sdelay $0x3  }
0x95: {  	_ =	strace s4  }
0x96: {  	s4 =	sld [smem:$0x3FFD];
	_ =	sdelay $0x3  }
0x97: {  	_ =	strace s4  }
0x98: {  	_ =	strace $0x8FFFFFFF  }
0x99: {  	s19 =	sld [smem:$0x3FDB];
	_ =	sdelay $0x1  }
0x9a: {  	s5 =	simm.s32 $_scs_section_size  }
0x9b: {  	s6 =	simm.s32 $_size__tile_overlayer_lowered;
	s7 =	simm.s32 $_tile_overlayer_lowered  }
0x9c: {  	s22 =	simm.s32 $0x1BFF;
	s21 =	sshll.u32 s7, $0x1;
	s4 =	sadd.s32 s5, s19  }
0x9d: {  	s8 =	simm.s32 $0x0;
	s20 =	sshll.u32 s6, $0x1;
	s6 =	sadd.s32 s21, s4  }
0x9e: {  	[timem:s8], [sflag:s22] =	dma.local [hbm:s6], s20  }
0x9f: {  	_ =	swait.ge [sflag:s22], s20  }
0xa0: {  	s5 =	ssub.s32 $0x0, s20;
	[sflag:s22] =	ssyncset.done $0x0  }
0xa1: {  	[sflag:s22] =	ssyncadd.s32 s5;
	_ =	sdelay $0x1  }
0xa2: {  	s23 =	simm.s32 $0x1B8B  }
0xa3: {  	_ =	swait.ge [sflag:s23], $0x1  }
0xa4: {  	[sflag:s23] =	ssyncset.done $0x0  }
0xa5: {  	s25 =	simm.s32 $0x1B8E;
	s24 =	sld [smem:$0x3FFE];
	[sflag:s23] =	ssyncadd.s32 $0xFFFFFFFF  }
0xa6: {  	s26 =	simm.s32 $execute0_lowered;
	[smem:$0x3FD2] =	sst s25  }
0xa7: {  	s6 =	sshll.u32 s26, $0x1;
	_ =	strace $0x80000046;
	[dreg:$0x1] =	wrdreg $0xFFFFFFFF  }
0xa8: {  	s28 =	simm.s32 $_size_execute0_lowered;
	s4 =	sadd.s32 s4, s6;
	[dreg:$0x0] =	wrdreg $0x0  }
0xa9: {  	s6 =	sshll.u32 s28, $0x1;
	[dreg:$0x2] =	wrdreg s4  }
0xaa: {  	[dreg:$0x3] =	wrdreg s6  }
0xab: {  	[dreg:$0x4] =	wrdreg $0xC0  }
0xac: {  	_ =	task [dreg:s8], $0x5FFFF  }
0xad: {  	[dreg:$0x1] =	wrdreg $0xFFFFFFFF  }
0xae: {  	[dreg:$0x0] =	wrdreg $0x60  }
0xaf: {  	[dreg:$0x2] =	wrdreg s2  }
0xb0: {  	[dreg:$0x3] =	wrdreg s18  }
0xb1: {  	[dreg:$0x4] =	wrdreg s24  }
0xb2: {  	[dreg:$0x5] =	wrdreg $0x0  }
0xb3: {  	[dreg:$0x6] =	wrdreg $0x9  }
0xb4: {  	_ =	task.clear_ibuf [dreg:s8], $0x7FFFF;
	_ =	strace $0x90000046  }
0xb5: {  	s29 =	simm.s32 $0x9;
	_ =	strace $0x80000048  }
0xb6: {  	_ =	swait.ge [sflag:s29], $0x1  }
0xb7: {  	[sflag:s29] =	ssyncadd.s32 $0xFFFFFFFF  }
0xb8: {  	_ =	strace $0x90000048  }
0xb9: {  	_ =	sfence  }
0xba: {  	s30 =	sld [smem:$0x0];
	_ =	sdelay $0x2  }
0xbb: {  	s31 =	sshll.u32 s1, $0xD;
	s1 =	sshrl.u32 s1, $0x2  }
0xbc: {  	s3 =	sand.u32 $0x4000, s31;
	s1 =	sadd.s32 s1, s30  }
0xbd: {  	s0 =	sor.u32 s3, s0;
	s1 =	sshll.u32 s1, $0x11  }
0xbe: {  	s0 =	sor.u32 s1, s0  }
0xbf: {  	s0 =	sadd.s32 $0x8F2B, s0  }
0xc0: {  	[sflag:s0] =	ssyncadd.remote.s32 $0x1  }
0xc1: {  	_ =	sfence.sel $0xFFFF  }
0xc2: {  	[dreg:$0x0] =	wrdreg $0xFFFFFFFF;
	(pc) =	sbr.abs _section_cstart, $3  }
0xc3: {  	[dreg:$0x1] =	wrdreg $0xFFFFFFFF  }
0xc4: {  	_ =	task.clear_ibuf [dreg:s8], $0x2FFFF;
	_ =	strace $0x9FFFFFFF  }
0xc5: {  	(tm) =	ssettm $0x7FFFFFFF  }
tec
execute0_lowered:
.L_overlay_start_1:
0x0: {  	(tag) =	ssettag $0x1  }
0x1: {  	s9 =	rddreg [dreg:$0x0]  }
0x2: {  	s13 =	rddreg [dreg:$0x1]  }
0x3: {  	s0 =	rddreg [dreg:$0x2]  }
0x4: {  	s3 =	rddreg [dreg:$0x3];
	s5 =	simm.s32 $0x0  }
0x5: {  	s1 =	srdreg.scid;
	s4 =	stileid.u32;
	s29 =	simm.s32 $0x1  }
0x6: {  	s30 =	simm.s32 $0x80;
	s31 =	simm.s32 $0x138C0;
	[smem:$0x7FF] =	sst s5  }
0x7: {  	s1 =	sand.u32 $0x1, s1;
	s8 =	sshll.u32 s4, $0xA;
	s6 =	sadd.s32 $0x2400, s0  }
0x8: {  	s7 =	sadd.s32 $0x16200, s0;
	s28 =	sshll.u32 s4, $0x8;
	s14 =	ssub.s32 $0x4E2, s4  }
0x9: {  	s2 =	smul.u32 $0x138800, s1;
	_ =	strace $0x80000047;
	s17 =	sshll.u32 s1, $0x7  }
0xa: {  	s10 =	ssub.s32 $0x2, s1;
	s1 =	sor.u32 $0x2000, s28;
	[dreg:$0x5] =	wrdreg s17  }
0xb: {  	s23 =	sadd.s32 s8, s3;
	s11 =	sshrl.u32 s10, $0x1;
	[dreg:$0x9] =	wrdreg s1  }
0xc: {  	s18 =	sor.u32 s17, s28;
	s20 =	sor.u32 s17, s1;
	[dreg:$0xd] =	wrdreg s23  }
0xd: {  	s2 =	sadd.s32 s8, s2;
	s11 =	ssub.s32 s10, s11;
	s12 =	sshrl.u32 s18, $0x3  }
0xe: {  	s10 =	ssub.s32 $0x4E3, s4;
	s22 =	sor.u32 $0x4000, s18;
	s26 =	sor.u32 $0x2000, s18  }
0xf: {  	s2 =	sshrl.u32 s2, $0x3;
	s13 =	sadd.s32 s13, s12;
	s15 =	sadd.s32 s6, s12  }
0x10: {  	s16 =	sadd.s32 s7, s12;
	s19 =	smax.u32 s11, $0x1;
	[dreg:$0xf] =	wrdreg s26  }
0x11: {  	s24 =	sshrl.u32 s22, $0x3;
	s26 =	simm.s32 $0x1B9C0;
	[dreg:$0x6] =	wrdreg s13  }
0x12: {  	s11 =	simm.s32 $0x1B940;
	s22 =	simm.s32 $0x5;
	[dreg:$0x7] =	wrdreg s15  }
0x13: {  	s2 =	sadd.s32 s2, s0;
	[dreg:$0x8] =	wrdreg s16;
	s16 =	sadd.s32 $0x2600, s0  }
0x14: {  	[dreg:$0xa] =	wrdreg s19;
	s0 =	sshrl.u32 s20, $0x3;
	s15 =	smov.u32 s18  }
0x15: {  	v0 =	vimm.f32 $0.0e+00;
	v1 =	vimm.f32 $1.000000000e+00;
	v2 =	vimm.s32 $0x0;
	s23 =	sadd.s32 s24, s6;
	s13 =	simm.s32 $0x1BA40;
	s21 =	sadd.s32 s12, s16  }
0x16: {  	v3 =	vimm.s32 $0x1;
	v4 =	vimm.s32 $0x2;
	v5 =	vimm.s32 $0x3;
	s18 =	simm.s32 $0x2;
	s0 =	sadd.s32 s6, s0;
	[dreg:$0xb] =	wrdreg s21  }
0x17: {  	v6 =	vimm.s32 $0x4;
	v7 =	vimm.s32 $0x5;
	v8 =	vimm.s32 $0x6;
	s19 =	simm.s32 $0x178C0;
	s25 =	sadd.s32 $0x2A000, s2;
	[dreg:$0xc] =	wrdreg s0  }
0x18: {  	v9 =	vimm.s32 $0x7;
	v10 =	vimm.s32 $0x8;
	v11 =	vimm.s32 $0x9;
	s24 =	simm.s32 $0x1BBC0;
	s28 =	sadd.s32 $0x78200, s2;
	[dreg:$0xe] =	wrdreg s25  }
0x19: {  	v12 =	vimm.s32 $0xA;
	v13 =	vimm.s32 $0xB;
	v14 =	vimm.s32 $0xC;
	s12 =	simm.s32 $0x4;
	s2 =	simm.s32 $0x0;
	[dreg:$0x10] =	wrdreg s28  }
0x1a: {  	v15 =	vimm.s32 $0xD;
	v16 =	vimm.s32 $0xE;
	v17 =	vimm.s32 $0xF;
	s25 =	simm.s32 $0x1B8C0;
	s0 =	simm.s32 $0x3;
	s21 =	simm.s32 $0x6  }
.LBB2_1:
0x1b: {  	s1 =	sand.u32 $0x380, s5  }
0x1c: {  	[dreg:$0x11] =	wrdreg s2;
	s2 =	simm.s32 $0x1BC00;
	[tilespmem:s1+$0x1FBC0] =	vst v0  }
0x1d: {  	[tilespmem:s2+$0xFFFFFFC0] =	vst v1  }
0x1e: {  	[tilespmem:s1+$0x1FBD0] =	vst v0  }
0x1f: {  	[tilespmem:s2+$0xFFFFFFD0] =	vst v1  }
0x20: {  	[tilespmem:s1+$0x1FBE0] =	vst v0  }
0x21: {  	[tilespmem:s2+$0xFFFFFFE0] =	vst v1  }
0x22: {  	[tilespmem:s1+$0x1FBF0] =	vst v0  }
0x23: {  	[tilespmem:s2+$0xFFFFFFF0] =	vst v1  }
0x24: {  	[tilespmem:s1+$0x1FC00] =	vst v0  }
0x25: {  	[tilespmem:s2+$0x0] =	vst v1  }
0x26: {  	[tilespmem:s1+$0x1FC10] =	vst v0  }
0x27: {  	[tilespmem:s2+$0x10] =	vst v1  }
0x28: {  	[tilespmem:s1+$0x1FC20] =	vst v0  }
0x29: {  	[tilespmem:s2+$0x20] =	vst v1  }
0x2a: {  	s17 =	simm.s32 $0x80;
	[tilespmem:s1+$0x1FC30] =	vst v0  }
.LBB2_2:
0x2b: {  	s1 =	sand.u32 $0x380, s17;
	p0 =	sne.s32 s17, $0x3F80;
	[tilespmem:s2+$0x30] =	vst v1  }
0x2c: {  	s2 =	sadd.s32 $0x80, s2;
	[tilespmem:s1+$0x1FBC0] =	vst v0  }
0x2d: {  	[tilespmem:s2+$0xFFFFFFC0] =	vst v1  }
0x2e: {  	[tilespmem:s1+$0x1FBD0] =	vst v0  }
0x2f: {  	[tilespmem:s2+$0xFFFFFFD0] =	vst v1  }
0x30: {  	[tilespmem:s1+$0x1FBE0] =	vst v0  }
0x31: {  	[tilespmem:s2+$0xFFFFFFE0] =	vst v1  }
0x32: {  	[tilespmem:s1+$0x1FBF0] =	vst v0  }
0x33: {  	[tilespmem:s2+$0xFFFFFFF0] =	vst v1  }
0x34: {  	[tilespmem:s1+$0x1FC00] =	vst v0  }
0x35: {  	[tilespmem:s2+$0x0] =	vst v1  }
.Ltmp0:
0x36: {  	[tilespmem:s1+$0x1FC10] =	vst v0;
	(pc) =	sbr.rel @p0 .LBB2_2-.Ltmp0, $4  }
0x37: {  	[tilespmem:s2+$0x10] =	vst v1  }
0x38: {  	[tilespmem:s1+$0x1FC20] =	vst v0  }
0x39: {  	[tilespmem:s2+$0x20] =	vst v1  }
0x3a: {  	s17 =	sadd.s32 $0x80, s17;
	[tilespmem:s1+$0x1FC30] =	vst v0  }
0x3b: {  	s1 =	sadd.s32 $0x0, s4  }
0x3c: {  	s20 =	rddreg [dreg:$0xd];
	p0 =	sgt.u32 s1, $0x4E2  }
0x3d: {  	[tilespmem:s2+$0x30] =	vst v1;
	s2 =	simm.s32 $0x10;
	s17 =	sadd.s32 $0x4000, s20;
	s8 =	simm.s32 @!p0 $0x1FBC0  }
.LBB2_4:
0x3e: {  	[spmem:s20] =	stream.linear.scatter @!p0 [tilespmem:s8], [sflag:$0x7], $0x400, $0x38;
	v63 =	vld [tilespmem:$0x0]  }
0x3f: {  	s1 =	smov.u32 s2;
	s2 =	sadd.s32 $0x10, s2  }
0x40: {  	p1 =	sne.s32 s2, $0x4F0  }
.Ltmp1:
0x41: {  	(pc) =	sbr.rel @p1 .LBB2_4-.Ltmp1, $4  }
0x42: {  	s20 =	smov.u32 s17  }
0x43: {  	s1 =	sadd.s32 s1, s4  }
0x44: {  	p0 =	sgt.u32 s1, $0x4E2  }
0x45: {  	s17 =	sadd.s32 $0x4000, s17;
	s8 =	simm.s32 @!p0 $0x1FBC0  }
0x46: {  	[spmem:s20] =	stream.linear.scatter @!p0 [tilespmem:s8], [sflag:$0x7], $0x400, $0x38;
	v63 =	vld [tilespmem:$0x0]  }
0x47: {  	p0 =	sle.u32 s10, $0x0  }
0x48: {  	s17 =	simm.s32 @!p0 $0x7  }
0x49: {  	_ =	swait.ge @!p0 [sflag:s17], $0x400  }
0x4a: {  	s2 =	simm.s32 $0x10;
	[sflag:s17] =	ssyncset.done @!p0 $0x0  }
.LBB2_6:
0x4b: {  	s1 =	smov.u32 s2;
	s2 =	sadd.s32 $0x10, s2  }
0x4c: {  	[sflag:s17] =	ssyncadd.s32 @!p0 $0xFFFFFC00;
	p1 =	sne.s32 s2, $0x4F0  }
.Ltmp2:
0x4d: {  	(pc) =	sbr.rel @p1 .LBB2_6-.Ltmp2, $4  }
0x4e: {  	p0 =	sge.u32 s1, s10  }
0x4f: {  	s17 =	simm.s32 @!p0 $0x7  }
0x50: {  	_ =	swait.ge @!p0 [sflag:s17], $0x400  }
0x51: {  	[sflag:s17] =	ssyncset.done @!p0 $0x0  }
0x52: {  	[sflag:s17] =	ssyncadd.s32 @!p0 $0xFFFFFC00  }
0x53: {  	[bflag:$0x0] =	sbarrier.arrive $0xFFFF  }
0x54: {  	s20 =	simm.s32 $0x0;
	s1 =	rddreg [dreg:$0x6]  }
0x55: {  	[tilespmem:s25], [sflag:$0x1] =	stream.linear.gather [hbm4b:s1+s20], $0x80, $0x38;
	v63 =	vld [tilespmem:$0x0]  }
0x56: {  	s17 =	rddreg [dreg:$0x7]  }
0x57: {  	[tilespmem:s26], [sflag:$0x1] =	stream.linear.gather [hbm4b:s17+s20], $0x80, $0x38;
	v63 =	vld [tilespmem:$0x0]  }
0x58: {  	s2 =	simm.s32 $0x1BAC0;
	s28 =	rddreg [dreg:$0x8]  }
0x59: {  	[tilespmem:s2], [sflag:$0x1] =	stream.linear.gather [hbm4b:s28+s20], $0x80, $0x38;
	v63 =	vld [tilespmem:$0x0]  }
0x5a: {  	_ =	swait.ge [sflag:s29], $0x80  }
0x5b: {  	[sflag:s29] =	ssyncset.done $0x0  }
0x5c: {  	[sflag:s29] =	ssyncadd.s32 $0xFFFFFF80  }
0x5d: {  	_ =	swait.ge [sflag:s29], $0x80  }
0x5e: {  	[sflag:s29] =	ssyncset.done $0x0  }
0x5f: {  	[sflag:s29] =	ssyncadd.s32 $0xFFFFFF80  }
0x60: {  	_ =	swait.ge [sflag:s29], $0x80  }
0x61: {  	[sflag:s29] =	ssyncset.done $0x0  }
0x62: {  	[sflag:s29] =	ssyncadd.s32 $0xFFFFFF80  }
0x63: {  	[tilespmem:s31], [sflag:$0x3] =	stream.indirect.gather [hbm4b:s9+s30], $0x80, s25, s30, $0xb8;
	v63 =	vld [tilespmem:$0x0]  }
0x64: {  	s8 =	rddreg [dreg:$0x1]  }
.LBB2_8:
0x65: {  	_ =	swait.ge [sflag:s0], $0x4000  }
0x66: {  	[sflag:s0] =	ssyncset.done $0x0  }
0x67: {  	s17 =	simm.s32 $0x0;
	[sflag:s0] =	ssyncadd.s32 $0xFFFFC000  }
.LBB2_9:
0x68: {  	s1 =	sshll.u32 s17, $0x4  }
0x69: {  	s1 =	sand.u32 $0x3FFFFFF0, s1  }
0x6a: {  	s28 =	sshll.u32 s17, $0xB;
	v18 =	vld [tilespmem:s1+$0x1BAC0]  }
0x6b: {  	s28 =	sand.u32 $0x3FFFF800, s28  }
0x6c: {  	v19 =	vld [tilespmem:s28+$0x138C0]  }
0x6d: {  	v20 =	vld [tilespmem:s28+$0x138D0]  }
0x6e: {  	v21 =	vld [tilespmem:s28+$0x138E0]  }
0x6f: {  	v23 =	vld [tilespmem:s28+$0x138F0];
	v22 =	vperm.xlane v18, v2  }
0x70: {  	v24 =	vld [tilespmem:s28+$0x13900]  }
0x71: {  	v25 =	vld [tilespmem:s28+$0x13910];
	v19 =	vmul.f32 v19, v22  }
0x72: {  	v26 =	vld [tilespmem:s28+$0x13920];
	v20 =	vmul.f32 v20, v22  }
0x73: {  	v34 =	vld [tilespmem:s28+$0x13930];
	[tilespmem:s28+$0x138C0] =	vst v19;
	v19 =	vmul.f32 v21, v22  }
0x74: {  	v36 =	vld [tilespmem:s28+$0x13940];
	v35 =	vmul.f32 v23, v22;
	[tilespmem:s28+$0x138D0] =	vst v20  }
0x75: {  	v37 =	vld [tilespmem:s28+$0x13950];
	[tilespmem:s28+$0x138E0] =	vst v19;
	v19 =	vmul.f32 v24, v22  }
0x76: {  	v39 =	vld [tilespmem:s28+$0x13960];
	v38 =	vmul.f32 v25, v22;
	[tilespmem:s28+$0x138F0] =	vst v35  }
0x77: {  	v27 =	vld [tilespmem:s28+$0x13970];
	v40 =	vperm.xlane v18, v3;
	[tilespmem:s28+$0x13900] =	vst v19;
	v19 =	vmul.f32 v26, v22  }
0x78: {  	v42 =	vld [tilespmem:s28+$0x13980];
	v41 =	vmul.f32 v34, v22;
	[tilespmem:s28+$0x13910] =	vst v38  }
0x79: {  	v43 =	vld [tilespmem:s28+$0x13990];
	[tilespmem:s28+$0x13920] =	vst v19;
	v19 =	vmul.f32 v36, v40  }
0x7a: {  	v45 =	vld [tilespmem:s28+$0x139A0];
	v44 =	vmul.f32 v37, v40;
	[tilespmem:s28+$0x13930] =	vst v41  }
0x7b: {  	v46 =	vld [tilespmem:s28+$0x139B0];
	[tilespmem:s28+$0x13940] =	vst v19;
	v19 =	vmul.f32 v39, v40  }
0x7c: {  	v48 =	vld [tilespmem:s28+$0x139C0];
	v47 =	vmul.f32 v27, v40;
	[tilespmem:s28+$0x13950] =	vst v44  }
0x7d: {  	v49 =	vld [tilespmem:s28+$0x139D0];
	[tilespmem:s28+$0x13960] =	vst v19;
	v19 =	vmul.f32 v42, v40  }
0x7e: {  	v51 =	vld [tilespmem:s28+$0x139E0];
	v50 =	vmul.f32 v43, v40;
	[tilespmem:s28+$0x13970] =	vst v47  }
0x7f: {  	v53 =	vld [tilespmem:s28+$0x139F0];
	v52 =	vperm.xlane v18, v4;
	[tilespmem:s28+$0x13980] =	vst v19;
	v19 =	vmul.f32 v45, v40  }
0x80: {  	v55 =	vld [tilespmem:s28+$0x13A00];
	v54 =	vmul.f32 v46, v40;
	[tilespmem:s28+$0x13990] =	vst v50  }
0x81: {  	v56 =	vld [tilespmem:s28+$0x13A10];
	[tilespmem:s28+$0x139A0] =	vst v19;
	v19 =	vmul.f32 v48, v52  }
0x82: {  	v58 =	vld [tilespmem:s28+$0x13A20];
	v57 =	vmul.f32 v49, v52;
	[tilespmem:s28+$0x139B0] =	vst v54  }
0x83: {  	v59 =	vld [tilespmem:s28+$0x13A30];
	[tilespmem:s28+$0x139C0] =	vst v19;
	v19 =	vmul.f32 v51, v52  }
0x84: {  	v61 =	vld [tilespmem:s28+$0x13A40];
	v60 =	vmul.f32 v53, v52;
	[tilespmem:s28+$0x139D0] =	vst v57  }
0x85: {  	v62 =	vld [tilespmem:s28+$0x13A50];
	[tilespmem:s28+$0x139E0] =	vst v19;
	v19 =	vmul.f32 v55, v52  }
0x86: {  	v31 =	vld [tilespmem:s28+$0x13A60];
	v30 =	vmul.f32 v56, v52;
	[tilespmem:s28+$0x139F0] =	vst v60  }
0x87: {  	v32 =	vperm.xlane v18, v5;
	v36 =	vld [tilespmem:s28+$0x13A90];
	[tilespmem:s28+$0x13A00] =	vst v19;
	v19 =	vmul.f32 v58, v52  }
0x88: {  	v34 =	vmul.f32 v59, v52;
	[tilespmem:s28+$0x13A10] =	vst v30;
	v35 =	vld [tilespmem:s28+$0x13A80]  }
0x89: {  	v33 =	vld [tilespmem:s28+$0x13A70];
	[tilespmem:s28+$0x13A20] =	vst v19;
	v19 =	vmul.f32 v61, v32  }
0x8a: {  	v37 =	vmul.f32 v62, v32;
	[tilespmem:s28+$0x13A30] =	vst v34;
	v38 =	vld [tilespmem:s28+$0x13AA0]  }
0x8b: {  	v39 =	vld [tilespmem:s28+$0x13AB0];
	[tilespmem:s28+$0x13A40] =	vst v19;
	v19 =	vmul.f32 v31, v32  }
0x8c: {  	[tilespmem:s28+$0x13A50] =	vst v37;
	v41 =	vld [tilespmem:s28+$0x13AC0];
	v43 =	vmul.f32 v36, v32  }
0x8d: {  	v46 =	vld [tilespmem:s28+$0x13AF0];
	[tilespmem:s28+$0x13A60] =	vst v19;
	v19 =	vmul.f32 v35, v32  }
0x8e: {  	v44 =	vld [tilespmem:s28+$0x13AE0];
	v40 =	vmul.f32 v33, v32;
	[tilespmem:s28+$0x13A90] =	vst v43  }
0x8f: {  	v49 =	vld [tilespmem:s28+$0x13B10];
	v45 =	vperm.xlane v18, v6;
	[tilespmem:s28+$0x13A80] =	vst v19;
	v19 =	vmul.f32 v38, v32  }
0x90: {  	v47 =	vmul.f32 v39, v32;
	[tilespmem:s28+$0x13A70] =	vst v40;
	v48 =	vld [tilespmem:s28+$0x13B00]  }
0x91: {  	v42 =	vld [tilespmem:s28+$0x13AD0];
	[tilespmem:s28+$0x13AA0] =	vst v19;
	v19 =	vmul.f32 v41, v45  }
0x92: {  	v53 =	vmul.f32 v46, v45;
	[tilespmem:s28+$0x13AB0] =	vst v47;
	v51 =	vld [tilespmem:s28+$0x13B20]  }
0x93: {  	v40 =	vld [tilespmem:s28+$0x13C10];
	[tilespmem:s28+$0x13AC0] =	vst v19;
	v19 =	vmul.f32 v44, v45  }
0x94: {  	v54 =	vld [tilespmem:s28+$0x13B40];
	v56 =	vmul.f32 v49, v45;
	[tilespmem:s28+$0x13AF0] =	vst v53  }
0x95: {  	v62 =	vld [tilespmem:s28+$0x13B90];
	[tilespmem:s28+$0x13AE0] =	vst v19;
	v19 =	vmul.f32 v48, v45  }
0x96: {  	v57 =	vld [tilespmem:s28+$0x13B60];
	v36 =	vperm.xlane v18, v8;
	v50 =	vmul.f32 v42, v45;
	[tilespmem:s28+$0x13B10] =	vst v56  }
0x97: {  	v55 =	vld [tilespmem:s28+$0x13B50];
	v58 =	vperm.xlane v18, v7;
	[tilespmem:s28+$0x13B00] =	vst v19;
	v19 =	vmul.f32 v51, v45  }
0x98: {  	[tilespmem:s28+$0x13AD0] =	vst v50;
	v47 =	vmul.f32 v40, v36;
	v61 =	vld [tilespmem:s28+$0x13B80]  }
0x99: {  	v59 =	vld [tilespmem:s28+$0x13B70];
	[tilespmem:s28+$0x13B20] =	vst v19;
	v19 =	vmul.f32 v54, v58  }
0x9a: {  	v29 =	vld [tilespmem:s28+$0x13BA0];
	[tilespmem:s28+$0x13C10] =	vst v47;
	v34 =	vmul.f32 v62, v58  }
0x9b: {  	v52 =	vld [tilespmem:s28+$0x13B30];
	[tilespmem:s28+$0x13B40] =	vst v19;
	v19 =	vmul.f32 v57, v58  }
0x9c: {  	v28 =	vmul.f32 v55, v58;
	[tilespmem:s28+$0x13B90] =	vst v34;
	v32 =	vld [tilespmem:s28+$0x13BC0]  }
0x9d: {  	v56 =	vld [tilespmem:s28+$0x13CB0];
	[tilespmem:s28+$0x13B60] =	vst v19;
	v19 =	vmul.f32 v61, v58  }
0x9e: {  	v31 =	vmul.f32 v59, v58;
	[tilespmem:s28+$0x13B50] =	vst v28;
	v35 =	vld [tilespmem:s28+$0x13BE0]  }
0x9f: {  	v53 =	vld [tilespmem:s28+$0x13C90];
	[tilespmem:s28+$0x13B80] =	vst v19;
	v19 =	vmul.f32 v29, v58  }
0xa0: {  	v39 =	vld [tilespmem:s28+$0x13C00];
	v49 =	vperm.xlane v18, v9;
	v60 =	vmul.f32 v52, v45;
	[tilespmem:s28+$0x13B70] =	vst v31  }
0xa1: {  	v30 =	vld [tilespmem:s28+$0x13BB0];
	[tilespmem:s28+$0x13BA0] =	vst v19;
	v19 =	vmul.f32 v32, v36  }
0xa2: {  	v42 =	vld [tilespmem:s28+$0x13C20];
	v31 =	vmul.f32 v56, v49;
	[tilespmem:s28+$0x13B30] =	vst v60  }
0xa3: {  	v59 =	vld [tilespmem:s28+$0x13CD0];
	[tilespmem:s28+$0x13BC0] =	vst v19;
	v19 =	vmul.f32 v35, v36  }
0xa4: {  	v60 =	vmul.f32 v53, v49;
	[tilespmem:s28+$0x13CB0] =	vst v31;
	v45 =	vld [tilespmem:s28+$0x13C40]  }
0xa5: {  	v33 =	vld [tilespmem:s28+$0x13BD0];
	[tilespmem:s28+$0x13BE0] =	vst v19;
	v19 =	vmul.f32 v39, v36  }
0xa6: {  	v62 =	vperm.xlane v18, v10;
	v38 =	vmul.f32 v30, v58;
	[tilespmem:s28+$0x13C90] =	vst v60;
	v48 =	vld [tilespmem:s28+$0x13C60]  }
0xa7: {  	v37 =	vld [tilespmem:s28+$0x13BF0];
	[tilespmem:s28+$0x13C00] =	vst v19;
	v19 =	vmul.f32 v42, v36  }
0xa8: {  	v52 =	vld [tilespmem:s28+$0x13C80];
	v34 =	vmul.f32 v59, v62;
	[tilespmem:s28+$0x13BB0] =	vst v38  }
0xa9: {  	v30 =	vld [tilespmem:s28+$0x13CF0];
	[tilespmem:s28+$0x13C20] =	vst v19;
	v19 =	vmul.f32 v45, v49  }
0xaa: {  	v55 =	vld [tilespmem:s28+$0x13CA0];
	v41 =	vmul.f32 v33, v36;
	[tilespmem:s28+$0x13CD0] =	vst v34  }
0xab: {  	v33 =	vld [tilespmem:s28+$0x13D10];
	[tilespmem:s28+$0x13C40] =	vst v19;
	v19 =	vmul.f32 v48, v49  }
0xac: {  	[tilespmem:s28+$0x13BD0] =	vst v41;
	v44 =	vmul.f32 v37, v36;
	v58 =	vld [tilespmem:s28+$0x13CC0]  }
0xad: {  	v43 =	vld [tilespmem:s28+$0x13C30];
	[tilespmem:s28+$0x13C60] =	vst v19;
	v19 =	vmul.f32 v52, v49  }
0xae: {  	v37 =	vmul.f32 v30, v62;
	[tilespmem:s28+$0x13BF0] =	vst v44;
	v61 =	vld [tilespmem:s28+$0x13CE0]  }
0xaf: {  	v46 =	vld [tilespmem:s28+$0x13C50];
	[tilespmem:s28+$0x13C80] =	vst v19;
	v19 =	vmul.f32 v55, v49  }
0xb0: {  	[tilespmem:s28+$0x13CF0] =	vst v37;
	v40 =	vmul.f32 v33, v62;
	v32 =	vld [tilespmem:s28+$0x13D00]  }
0xb1: {  	v50 =	vld [tilespmem:s28+$0x13C70];
	[tilespmem:s28+$0x13CA0] =	vst v19;
	v19 =	vmul.f32 v58, v62  }
0xb2: {  	v51 =	vmul.f32 v43, v36;
	[tilespmem:s28+$0x13D10] =	vst v40;
	v35 =	vld [tilespmem:s28+$0x13D20]  }
0xb3: {  	v43 =	vld [tilespmem:s28+$0x13D70];
	[tilespmem:s28+$0x13CC0] =	vst v19;
	v19 =	vmul.f32 v61, v62  }
0xb4: {  	v38 =	vld [tilespmem:s28+$0x13D40];
	[tilespmem:s28+$0x13C30] =	vst v51;
	v54 =	vmul.f32 v46, v49  }
0xb5: {  	v46 =	vld [tilespmem:s28+$0x13D90];
	[tilespmem:s28+$0x13CE0] =	vst v19;
	v19 =	vmul.f32 v32, v62  }
0xb6: {  	v41 =	vld [tilespmem:s28+$0x13D60];
	[tilespmem:s28+$0x13C50] =	vst v54;
	v57 =	vmul.f32 v50, v49;
	v42 =	vperm.xlane v18, v11  }
0xb7: {  	v39 =	vld [tilespmem:s28+$0x13D50];
	[tilespmem:s28+$0x13D00] =	vst v19;
	v19 =	vmul.f32 v35, v62  }
0xb8: {  	[tilespmem:s28+$0x13C70] =	vst v57;
	v45 =	vld [tilespmem:s28+$0x13D80];
	v50 =	vmul.f32 v43, v42  }
0xb9: {  	v36 =	vld [tilespmem:s28+$0x13D30];
	[tilespmem:s28+$0x13D20] =	vst v19;
	v19 =	vmul.f32 v38, v42  }
0xba: {  	v53 =	vmul.f32 v46, v42;
	v48 =	vld [tilespmem:s28+$0x13DA0];
	[tilespmem:s28+$0x13D70] =	vst v50  }
0xbb: {  	v56 =	vld [tilespmem:s28+$0x13DF0];
	[tilespmem:s28+$0x13D40] =	vst v19;
	v19 =	vmul.f32 v41, v42  }
0xbc: {  	v51 =	vld [tilespmem:s28+$0x13DC0];
	v47 =	vmul.f32 v39, v42;
	[tilespmem:s28+$0x13D90] =	vst v53  }
0xbd: {  	v59 =	vld [tilespmem:s28+$0x13E10];
	[tilespmem:s28+$0x13D60] =	vst v19;
	v19 =	vmul.f32 v45, v42  }
0xbe: {  	v54 =	vld [tilespmem:s28+$0x13DE0];
	v44 =	vmul.f32 v36, v62;
	[tilespmem:s28+$0x13D50] =	vst v47;
	v55 =	vperm.xlane v18, v12  }
0xbf: {  	v52 =	vld [tilespmem:s28+$0x13DD0];
	[tilespmem:s28+$0x13D80] =	vst v19;
	v19 =	vmul.f32 v48, v42  }
0xc0: {  	[tilespmem:s28+$0x13D30] =	vst v44;
	v58 =	vld [tilespmem:s28+$0x13E00];
	v30 =	vmul.f32 v56, v55  }
0xc1: {  	v49 =	vld [tilespmem:s28+$0x13DB0];
	[tilespmem:s28+$0x13DA0] =	vst v19;
	v19 =	vmul.f32 v51, v55  }
0xc2: {  	v33 =	vmul.f32 v59, v55;
	v61 =	vld [tilespmem:s28+$0x13E20];
	[tilespmem:s28+$0x13DF0] =	vst v30  }
0xc3: {  	v36 =	vld [tilespmem:s28+$0x13E70];
	[tilespmem:s28+$0x13DC0] =	vst v19;
	v19 =	vmul.f32 v54, v55  }
0xc4: {  	v31 =	vld [tilespmem:s28+$0x13E40];
	v60 =	vmul.f32 v52, v55;
	[tilespmem:s28+$0x13E10] =	vst v33  }
0xc5: {  	v39 =	vld [tilespmem:s28+$0x13E90];
	[tilespmem:s28+$0x13DE0] =	vst v19;
	v19 =	vmul.f32 v58, v55  }
0xc6: {  	v34 =	vld [tilespmem:s28+$0x13E60];
	v57 =	vmul.f32 v49, v42;
	[tilespmem:s28+$0x13DD0] =	vst v60;
	v35 =	vperm.xlane v18, v13  }
0xc7: {  	v32 =	vld [tilespmem:s28+$0x13E50];
	[tilespmem:s28+$0x13E00] =	vst v19;
	v19 =	vmul.f32 v61, v55  }
0xc8: {  	[tilespmem:s28+$0x13DB0] =	vst v57;
	v38 =	vld [tilespmem:s28+$0x13E80];
	v43 =	vmul.f32 v36, v35  }
0xc9: {  	v62 =	vld [tilespmem:s28+$0x13E30];
	[tilespmem:s28+$0x13E20] =	vst v19;
	v19 =	vmul.f32 v31, v35  }
0xca: {  	v46 =	vmul.f32 v39, v35;
	v41 =	vld [tilespmem:s28+$0x13EA0];
	[tilespmem:s28+$0x13E70] =	vst v43  }
0xcb: {  	v49 =	vld [tilespmem:s28+$0x13EF0];
	[tilespmem:s28+$0x13E40] =	vst v19;
	v19 =	vmul.f32 v34, v35  }
0xcc: {  	v44 =	vld [tilespmem:s28+$0x13EC0];
	v40 =	vmul.f32 v32, v35;
	[tilespmem:s28+$0x13E90] =	vst v46  }
0xcd: {  	v52 =	vld [tilespmem:s28+$0x13F10];
	[tilespmem:s28+$0x13E60] =	vst v19;
	v19 =	vmul.f32 v38, v35  }
0xce: {  	v47 =	vld [tilespmem:s28+$0x13EE0];
	v37 =	vmul.f32 v62, v55;
	[tilespmem:s28+$0x13E50] =	vst v40;
	v48 =	vperm.xlane v18, v14  }
0xcf: {  	v45 =	vld [tilespmem:s28+$0x13ED0];
	[tilespmem:s28+$0x13E80] =	vst v19;
	v19 =	vmul.f32 v41, v35  }
0xd0: {  	[tilespmem:s28+$0x13E30] =	vst v37;
	v51 =	vld [tilespmem:s28+$0x13F00];
	v56 =	vmul.f32 v49, v48  }
0xd1: {  	v42 =	vld [tilespmem:s28+$0x13EB0];
	[tilespmem:s28+$0x13EA0] =	vst v19;
	v19 =	vmul.f32 v44, v48  }
0xd2: {  	v59 =	vmul.f32 v52, v48;
	v54 =	vld [tilespmem:s28+$0x13F20];
	[tilespmem:s28+$0x13EF0] =	vst v56  }
0xd3: {  	v62 =	vld [tilespmem:s28+$0x13F70];
	[tilespmem:s28+$0x13EC0] =	vst v19;
	v19 =	vmul.f32 v47, v48  }
0xd4: {  	v57 =	vld [tilespmem:s28+$0x13F40];
	v53 =	vmul.f32 v45, v48;
	[tilespmem:s28+$0x13F10] =	vst v59  }
0xd5: {  	v32 =	vld [tilespmem:s28+$0x13F90];
	[tilespmem:s28+$0x13EE0] =	vst v19;
	v19 =	vmul.f32 v51, v48  }
0xd6: {  	v60 =	vld [tilespmem:s28+$0x13F60];
	v50 =	vmul.f32 v42, v35;
	[tilespmem:s28+$0x13ED0] =	vst v53;
	v61 =	vperm.xlane v18, v15  }
0xd7: {  	v58 =	vld [tilespmem:s28+$0x13F50];
	[tilespmem:s28+$0x13F00] =	vst v19;
	v19 =	vmul.f32 v54, v48  }
0xd8: {  	[tilespmem:s28+$0x13EB0] =	vst v50;
	v31 =	vld [tilespmem:s28+$0x13F80];
	v36 =	vmul.f32 v62, v61  }
0xd9: {  	v55 =	vld [tilespmem:s28+$0x13F30];
	[tilespmem:s28+$0x13F20] =	vst v19;
	v19 =	vmul.f32 v57, v61  }
0xda: {  	v39 =	vmul.f32 v32, v61;
	v34 =	vld [tilespmem:s28+$0x13FA0];
	[tilespmem:s28+$0x13F70] =	vst v36  }
0xdb: {  	v42 =	vld [tilespmem:s28+$0x13FF0];
	[tilespmem:s28+$0x13F40] =	vst v19;
	v19 =	vmul.f32 v60, v61  }
0xdc: {  	v37 =	vld [tilespmem:s28+$0x13FC0];
	v33 =	vmul.f32 v58, v61;
	[tilespmem:s28+$0x13F90] =	vst v39  }
0xdd: {  	v45 =	vld [tilespmem:s28+$0x14010];
	[tilespmem:s28+$0x13F60] =	vst v19;
	v19 =	vmul.f32 v31, v61  }
0xde: {  	v40 =	vld [tilespmem:s28+$0x13FE0];
	v30 =	vmul.f32 v55, v48;
	[tilespmem:s28+$0x13F50] =	vst v33;
	v41 =	vperm.xlane v18, v16  }
0xdf: {  	v38 =	vld [tilespmem:s28+$0x13FD0];
	[tilespmem:s28+$0x13F80] =	vst v19;
	v19 =	vmul.f32 v34, v61  }
0xe0: {  	[tilespmem:s28+$0x13F30] =	vst v30;
	v44 =	vld [tilespmem:s28+$0x14000];
	v49 =	vmul.f32 v42, v41  }
0xe1: {  	v35 =	vld [tilespmem:s28+$0x13FB0];
	[tilespmem:s28+$0x13FA0] =	vst v19;
	v19 =	vmul.f32 v37, v41  }
0xe2: {  	v52 =	vmul.f32 v45, v41;
	v47 =	vld [tilespmem:s28+$0x14020];
	[tilespmem:s28+$0x13FF0] =	vst v49  }
0xe3: {  	v51 =	vld [tilespmem:s28+$0x14050];
	[tilespmem:s28+$0x13FC0] =	vst v19;
	v19 =	vmul.f32 v40, v41  }
0xe4: {  	v50 =	vld [tilespmem:s28+$0x14040];
	v46 =	vmul.f32 v38, v41;
	[tilespmem:s28+$0x14010] =	vst v52  }
0xe5: {  	v48 =	vld [tilespmem:s28+$0x14030];
	[tilespmem:s28+$0x13FE0] =	vst v19;
	v19 =	vmul.f32 v44, v41  }
0xe6: {  	v53 =	vld [tilespmem:s28+$0x14060];
	v18 =	vperm.xlane v18, v17;
	v43 =	vmul.f32 v35, v61;
	[tilespmem:s28+$0x13FD0] =	vst v46  }
0xe7: {  	v57 =	vld [tilespmem:s28+$0x14090];
	[tilespmem:s28+$0x14000] =	vst v19;
	v19 =	vmul.f32 v47, v41  }
0xe8: {  	v56 =	vld [tilespmem:s28+$0x14080];
	[tilespmem:s28+$0x13FB0] =	vst v43;
	v58 =	vmul.f32 v51, v18  }
0xe9: {  	v54 =	vld [tilespmem:s28+$0x14070];
	[tilespmem:s28+$0x14020] =	vst v19;
	v19 =	vmul.f32 v50, v18  }
0xea: {  	v59 =	vld [tilespmem:s28+$0x140A0];
	v55 =	vmul.f32 v48, v41;
	[tilespmem:s28+$0x14050] =	vst v58  }
0xeb: {  	v60 =	vld [tilespmem:s28+$0x140B0];
	[tilespmem:s28+$0x14040] =	vst v19;
	v19 =	vmul.f32 v53, v18  }
0xec: {  	[tilespmem:s28+$0x14030] =	vst v55;
	v62 =	vmul.f32 v57, v18  }
0xed: {  	p0 =	sne.s32 s17, $0x7;
	[tilespmem:s28+$0x14060] =	vst v19;
	v19 =	vmul.f32 v56, v18  }
.Ltmp3:
0xee: {  	v61 =	vmul.f32 v54, v18;
	[tilespmem:s28+$0x14090] =	vst v62;
	(pc) =	sbr.rel @p0 .LBB2_9-.Ltmp3, $4  }
0xef: {  	[tilespmem:s28+$0x14080] =	vst v19;
	v19 =	vmul.f32 v59, v18  }
0xf0: {  	[tilespmem:s28+$0x14070] =	vst v61;
	v18 =	vmul.f32 v60, v18  }
0xf1: {  	[tilespmem:s28+$0x140A0] =	vst v19  }
0xf2: {  	s17 =	sadd.s32 $0x1, s17;
	[tilespmem:s28+$0x140B0] =	vst v18  }
0xf3: {  	p0 =	seq.s32 s20, $0x0;
	s17 =	sshll.u32 s20, $0xD  }
0xf4: {  	s1 =	simm.s32 @!p0 $0x6;
	s2 =	sor.u32 s15, s17  }
0xf5: {  	_ =	swait.ge @!p0 [sflag:s1], $0x4000;
	s2 =	sshrl.u32 s2, $0x3  }
0xf6: {  	[sflag:s1] =	ssyncset.done @!p0 $0x0;
	s2 =	sor.u32 $0x200, s2  }
0xf7: {  	s28 =	simm.s32 $0x0;
	[sflag:s1] =	ssyncadd.s32 @!p0 $0xFFFFC000;
	s1 =	sadd.s32 s8, s2  }
0xf8: {  	[tilespmem:s11], [sflag:$0x2] =	stream.linear.gather [hbm4b:s1+s28], $0x80, $0x38;
	v63 =	vld [tilespmem:$0x0]  }
0xf9: {  	s1 =	sadd.s32 s6, s2  }
0xfa: {  	[tilespmem:s13], [sflag:$0x2] =	stream.linear.gather [hbm4b:s1+s28], $0x80, $0x38;
	v63 =	vld [tilespmem:$0x0]  }
0xfb: {  	s1 =	sadd.s32 s7, s2;
	s2 =	simm.s32 $0x1BB40  }
0xfc: {  	[tilespmem:s2], [sflag:$0x2] =	stream.linear.gather [hbm4b:s1+s28], $0x80, $0x38;
	v63 =	vld [tilespmem:$0x0]  }
0xfd: {  	_ = 	snop  }
0xfe: {  	[spmem:s3] =	stream.indirect.scatter.add.f32 [tilespmem:s31], [sflag:$0x5], $0x80, s26, s30, $0xb8;
	v63 =	vld [tilespmem:$0x0]  }
0xff: {  	_ =	swait.ge [sflag:s18], $0x80  }
0x100: {  	[sflag:s18] =	ssyncset.done $0x0  }
0x101: {  	[sflag:s18] =	ssyncadd.s32 $0xFFFFFF80  }
0x102: {  	_ =	swait.ge [sflag:s18], $0x80  }
0x103: {  	[sflag:s18] =	ssyncset.done $0x0  }
0x104: {  	[sflag:s18] =	ssyncadd.s32 $0xFFFFFF80  }
0x105: {  	_ =	swait.ge [sflag:s18], $0x80  }
0x106: {  	[sflag:s18] =	ssyncset.done $0x0  }
0x107: {  	[sflag:s18] =	ssyncadd.s32 $0xFFFFFF80  }
0x108: {  	[tilespmem:s19], [sflag:$0x4] =	stream.indirect.gather [hbm4b:s9+s30], $0x80, s11, s30, $0xb8;
	v63 =	vld [tilespmem:$0x0]  }
0x109: {  	_ =	swait.ge [sflag:s12], $0x4000  }
0x10a: {  	[sflag:s12] =	ssyncset.done $0x0  }
0x10b: {  	[sflag:s12] =	ssyncadd.s32 $0xFFFFC000  }
.LBB2_11:
0x10c: {  	s1 =	sshll.u32 s28, $0x4  }
0x10d: {  	s1 =	sand.u32 $0x3FFFFFF0, s1  }
0x10e: {  	s2 =	sshll.u32 s28, $0xB;
	v18 =	vld [tilespmem:s1+$0x1BB40]  }
0x10f: {  	s2 =	sand.u32 $0x3FFFF800, s2  }
0x110: {  	v19 =	vld [tilespmem:s2+$0x178C0]  }
0x111: {  	v20 =	vld [tilespmem:s2+$0x178D0]  }
0x112: {  	v21 =	vld [tilespmem:s2+$0x178E0]  }
0x113: {  	v23 =	vld [tilespmem:s2+$0x178F0];
	v22 =	vperm.xlane v18, v2  }
0x114: {  	v24 =	vld [tilespmem:s2+$0x17900]  }
0x115: {  	v25 =	vld [tilespmem:s2+$0x17910];
	v19 =	vmul.f32 v19, v22  }
0x116: {  	v26 =	vld [tilespmem:s2+$0x17920];
	v20 =	vmul.f32 v20, v22  }
0x117: {  	v34 =	vld [tilespmem:s2+$0x17930];
	[tilespmem:s2+$0x178C0] =	vst v19;
	v19 =	vmul.f32 v21, v22  }
0x118: {  	v36 =	vld [tilespmem:s2+$0x17940];
	v35 =	vmul.f32 v23, v22;
	[tilespmem:s2+$0x178D0] =	vst v20  }
0x119: {  	v37 =	vld [tilespmem:s2+$0x17950];
	[tilespmem:s2+$0x178E0] =	vst v19;
	v19 =	vmul.f32 v24, v22  }
0x11a: {  	v39 =	vld [tilespmem:s2+$0x17960];
	v38 =	vmul.f32 v25, v22;
	[tilespmem:s2+$0x178F0] =	vst v35  }
0x11b: {  	v27 =	vld [tilespmem:s2+$0x17970];
	v40 =	vperm.xlane v18, v3;
	[tilespmem:s2+$0x17900] =	vst v19;
	v19 =	vmul.f32 v26, v22  }
0x11c: {  	v42 =	vld [tilespmem:s2+$0x17980];
	v41 =	vmul.f32 v34, v22;
	[tilespmem:s2+$0x17910] =	vst v38  }
0x11d: {  	v43 =	vld [tilespmem:s2+$0x17990];
	[tilespmem:s2+$0x17920] =	vst v19;
	v19 =	vmul.f32 v36, v40  }
0x11e: {  	v45 =	vld [tilespmem:s2+$0x179A0];
	v44 =	vmul.f32 v37, v40;
	[tilespmem:s2+$0x17930] =	vst v41  }
0x11f: {  	v46 =	vld [tilespmem:s2+$0x179B0];
	[tilespmem:s2+$0x17940] =	vst v19;
	v19 =	vmul.f32 v39, v40  }
0x120: {  	v48 =	vld [tilespmem:s2+$0x179C0];
	v47 =	vmul.f32 v27, v40;
	[tilespmem:s2+$0x17950] =	vst v44  }
0x121: {  	v49 =	vld [tilespmem:s2+$0x179D0];
	[tilespmem:s2+$0x17960] =	vst v19;
	v19 =	vmul.f32 v42, v40  }
0x122: {  	v51 =	vld [tilespmem:s2+$0x179E0];
	v50 =	vmul.f32 v43, v40;
	[tilespmem:s2+$0x17970] =	vst v47  }
0x123: {  	v53 =	vld [tilespmem:s2+$0x179F0];
	v52 =	vperm.xlane v18, v4;
	[tilespmem:s2+$0x17980] =	vst v19;
	v19 =	vmul.f32 v45, v40  }
0x124: {  	v55 =	vld [tilespmem:s2+$0x17A00];
	v54 =	vmul.f32 v46, v40;
	[tilespmem:s2+$0x17990] =	vst v50  }
0x125: {  	v56 =	vld [tilespmem:s2+$0x17A10];
	[tilespmem:s2+$0x179A0] =	vst v19;
	v19 =	vmul.f32 v48, v52  }
0x126: {  	v58 =	vld [tilespmem:s2+$0x17A20];
	v57 =	vmul.f32 v49, v52;
	[tilespmem:s2+$0x179B0] =	vst v54  }
0x127: {  	v59 =	vld [tilespmem:s2+$0x17A30];
	[tilespmem:s2+$0x179C0] =	vst v19;
	v19 =	vmul.f32 v51, v52  }
0x128: {  	v61 =	vld [tilespmem:s2+$0x17A40];
	v60 =	vmul.f32 v53, v52;
	[tilespmem:s2+$0x179D0] =	vst v57  }
0x129: {  	v62 =	vld [tilespmem:s2+$0x17A50];
	[tilespmem:s2+$0x179E0] =	vst v19;
	v19 =	vmul.f32 v55, v52  }
0x12a: {  	v31 =	vld [tilespmem:s2+$0x17A60];
	v30 =	vmul.f32 v56, v52;
	[tilespmem:s2+$0x179F0] =	vst v60  }
0x12b: {  	v32 =	vperm.xlane v18, v5;
	v36 =	vld [tilespmem:s2+$0x17A90];
	[tilespmem:s2+$0x17A00] =	vst v19;
	v19 =	vmul.f32 v58, v52  }
0x12c: {  	v34 =	vmul.f32 v59, v52;
	[tilespmem:s2+$0x17A10] =	vst v30;
	v35 =	vld [tilespmem:s2+$0x17A80]  }
0x12d: {  	v33 =	vld [tilespmem:s2+$0x17A70];
	[tilespmem:s2+$0x17A20] =	vst v19;
	v19 =	vmul.f32 v61, v32  }
0x12e: {  	v37 =	vmul.f32 v62, v32;
	[tilespmem:s2+$0x17A30] =	vst v34;
	v38 =	vld [tilespmem:s2+$0x17AA0]  }
0x12f: {  	v39 =	vld [tilespmem:s2+$0x17AB0];
	[tilespmem:s2+$0x17A40] =	vst v19;
	v19 =	vmul.f32 v31, v32  }
0x130: {  	[tilespmem:s2+$0x17A50] =	vst v37;
	v41 =	vld [tilespmem:s2+$0x17AC0];
	v43 =	vmul.f32 v36, v32  }
0x131: {  	v46 =	vld [tilespmem:s2+$0x17AF0];
	[tilespmem:s2+$0x17A60] =	vst v19;
	v19 =	vmul.f32 v35, v32  }
0x132: {  	v44 =	vld [tilespmem:s2+$0x17AE0];
	v40 =	vmul.f32 v33, v32;
	[tilespmem:s2+$0x17A90] =	vst v43  }
0x133: {  	v49 =	vld [tilespmem:s2+$0x17B10];
	v45 =	vperm.xlane v18, v6;
	[tilespmem:s2+$0x17A80] =	vst v19;
	v19 =	vmul.f32 v38, v32  }
0x134: {  	v47 =	vmul.f32 v39, v32;
	[tilespmem:s2+$0x17A70] =	vst v40;
	v48 =	vld [tilespmem:s2+$0x17B00]  }
0x135: {  	v42 =	vld [tilespmem:s2+$0x17AD0];
	[tilespmem:s2+$0x17AA0] =	vst v19;
	v19 =	vmul.f32 v41, v45  }
0x136: {  	v53 =	vmul.f32 v46, v45;
	[tilespmem:s2+$0x17AB0] =	vst v47;
	v51 =	vld [tilespmem:s2+$0x17B20]  }
0x137: {  	v40 =	vld [tilespmem:s2+$0x17C10];
	[tilespmem:s2+$0x17AC0] =	vst v19;
	v19 =	vmul.f32 v44, v45  }
0x138: {  	v54 =	vld [tilespmem:s2+$0x17B40];
	v56 =	vmul.f32 v49, v45;
	[tilespmem:s2+$0x17AF0] =	vst v53  }
0x139: {  	v62 =	vld [tilespmem:s2+$0x17B90];
	[tilespmem:s2+$0x17AE0] =	vst v19;
	v19 =	vmul.f32 v48, v45  }
0x13a: {  	v57 =	vld [tilespmem:s2+$0x17B60];
	v36 =	vperm.xlane v18, v8;
	v50 =	vmul.f32 v42, v45;
	[tilespmem:s2+$0x17B10] =	vst v56  }
0x13b: {  	v55 =	vld [tilespmem:s2+$0x17B50];
	v58 =	vperm.xlane v18, v7;
	[tilespmem:s2+$0x17B00] =	vst v19;
	v19 =	vmul.f32 v51, v45  }
0x13c: {  	[tilespmem:s2+$0x17AD0] =	vst v50;
	v47 =	vmul.f32 v40, v36;
	v61 =	vld [tilespmem:s2+$0x17B80]  }
0x13d: {  	v59 =	vld [tilespmem:s2+$0x17B70];
	[tilespmem:s2+$0x17B20] =	vst v19;
	v19 =	vmul.f32 v54, v58  }
0x13e: {  	v29 =	vld [tilespmem:s2+$0x17BA0];
	[tilespmem:s2+$0x17C10] =	vst v47;
	v34 =	vmul.f32 v62, v58  }
0x13f: {  	v52 =	vld [tilespmem:s2+$0x17B30];
	[tilespmem:s2+$0x17B40] =	vst v19;
	v19 =	vmul.f32 v57, v58  }
0x140: {  	v28 =	vmul.f32 v55, v58;
	[tilespmem:s2+$0x17B90] =	vst v34;
	v32 =	vld [tilespmem:s2+$0x17BC0]  }
0x141: {  	v56 =	vld [tilespmem:s2+$0x17CB0];
	[tilespmem:s2+$0x17B60] =	vst v19;
	v19 =	vmul.f32 v61, v58  }
0x142: {  	v31 =	vmul.f32 v59, v58;
	[tilespmem:s2+$0x17B50] =	vst v28;
	v35 =	vld [tilespmem:s2+$0x17BE0]  }
0x143: {  	v53 =	vld [tilespmem:s2+$0x17C90];
	[tilespmem:s2+$0x17B80] =	vst v19;
	v19 =	vmul.f32 v29, v58  }
0x144: {  	v39 =	vld [tilespmem:s2+$0x17C00];
	v49 =	vperm.xlane v18, v9;
	v60 =	vmul.f32 v52, v45;
	[tilespmem:s2+$0x17B70] =	vst v31  }
0x145: {  	v30 =	vld [tilespmem:s2+$0x17BB0];
	[tilespmem:s2+$0x17BA0] =	vst v19;
	v19 =	vmul.f32 v32, v36  }
0x146: {  	v42 =	vld [tilespmem:s2+$0x17C20];
	v31 =	vmul.f32 v56, v49;
	[tilespmem:s2+$0x17B30] =	vst v60  }
0x147: {  	v59 =	vld [tilespmem:s2+$0x17CD0];
	[tilespmem:s2+$0x17BC0] =	vst v19;
	v19 =	vmul.f32 v35, v36  }
0x148: {  	v60 =	vmul.f32 v53, v49;
	[tilespmem:s2+$0x17CB0] =	vst v31;
	v45 =	vld [tilespmem:s2+$0x17C40]  }
0x149: {  	v33 =	vld [tilespmem:s2+$0x17BD0];
	[tilespmem:s2+$0x17BE0] =	vst v19;
	v19 =	vmul.f32 v39, v36  }
0x14a: {  	v62 =	vperm.xlane v18, v10;
	v38 =	vmul.f32 v30, v58;
	[tilespmem:s2+$0x17C90] =	vst v60;
	v48 =	vld [tilespmem:s2+$0x17C60]  }
0x14b: {  	v37 =	vld [tilespmem:s2+$0x17BF0];
	[tilespmem:s2+$0x17C00] =	vst v19;
	v19 =	vmul.f32 v42, v36  }
0x14c: {  	v52 =	vld [tilespmem:s2+$0x17C80];
	v34 =	vmul.f32 v59, v62;
	[tilespmem:s2+$0x17BB0] =	vst v38  }
0x14d: {  	v30 =	vld [tilespmem:s2+$0x17CF0];
	[tilespmem:s2+$0x17C20] =	vst v19;
	v19 =	vmul.f32 v45, v49  }
0x14e: {  	v55 =	vld [tilespmem:s2+$0x17CA0];
	v41 =	vmul.f32 v33, v36;
	[tilespmem:s2+$0x17CD0] =	vst v34  }
0x14f: {  	v33 =	vld [tilespmem:s2+$0x17D10];
	[tilespmem:s2+$0x17C40] =	vst v19;
	v19 =	vmul.f32 v48, v49  }
0x150: {  	[tilespmem:s2+$0x17BD0] =	vst v41;
	v44 =	vmul.f32 v37, v36;
	v58 =	vld [tilespmem:s2+$0x17CC0]  }
0x151: {  	v43 =	vld [tilespmem:s2+$0x17C30];
	[tilespmem:s2+$0x17C60] =	vst v19;
	v19 =	vmul.f32 v52, v49  }
0x152: {  	v37 =	vmul.f32 v30, v62;
	[tilespmem:s2+$0x17BF0] =	vst v44;
	v61 =	vld [tilespmem:s2+$0x17CE0]  }
0x153: {  	v46 =	vld [tilespmem:s2+$0x17C50];
	[tilespmem:s2+$0x17C80] =	vst v19;
	v19 =	vmul.f32 v55, v49  }
0x154: {  	[tilespmem:s2+$0x17CF0] =	vst v37;
	v40 =	vmul.f32 v33, v62;
	v32 =	vld [tilespmem:s2+$0x17D00]  }
0x155: {  	v50 =	vld [tilespmem:s2+$0x17C70];
	[tilespmem:s2+$0x17CA0] =	vst v19;
	v19 =	vmul.f32 v58, v62  }
0x156: {  	v51 =	vmul.f32 v43, v36;
	[tilespmem:s2+$0x17D10] =	vst v40;
	v35 =	vld [tilespmem:s2+$0x17D20]  }
0x157: {  	v43 =	vld [tilespmem:s2+$0x17D70];
	[tilespmem:s2+$0x17CC0] =	vst v19;
	v19 =	vmul.f32 v61, v62  }
0x158: {  	v38 =	vld [tilespmem:s2+$0x17D40];
	[tilespmem:s2+$0x17C30] =	vst v51;
	v54 =	vmul.f32 v46, v49  }
0x159: {  	v46 =	vld [tilespmem:s2+$0x17D90];
	[tilespmem:s2+$0x17CE0] =	vst v19;
	v19 =	vmul.f32 v32, v62  }
0x15a: {  	v41 =	vld [tilespmem:s2+$0x17D60];
	[tilespmem:s2+$0x17C50] =	vst v54;
	v57 =	vmul.f32 v50, v49;
	v42 =	vperm.xlane v18, v11  }
0x15b: {  	v39 =	vld [tilespmem:s2+$0x17D50];
	[tilespmem:s2+$0x17D00] =	vst v19;
	v19 =	vmul.f32 v35, v62  }
0x15c: {  	[tilespmem:s2+$0x17C70] =	vst v57;
	v45 =	vld [tilespmem:s2+$0x17D80];
	v50 =	vmul.f32 v43, v42  }
0x15d: {  	v36 =	vld [tilespmem:s2+$0x17D30];
	[tilespmem:s2+$0x17D20] =	vst v19;
	v19 =	vmul.f32 v38, v42  }
0x15e: {  	v53 =	vmul.f32 v46, v42;
	v48 =	vld [tilespmem:s2+$0x17DA0];
	[tilespmem:s2+$0x17D70] =	vst v50  }
0x15f: {  	v56 =	vld [tilespmem:s2+$0x17DF0];
	[tilespmem:s2+$0x17D40] =	vst v19;
	v19 =	vmul.f32 v41, v42  }
0x160: {  	v51 =	vld [tilespmem:s2+$0x17DC0];
	v47 =	vmul.f32 v39, v42;
	[tilespmem:s2+$0x17D90] =	vst v53  }
0x161: {  	v59 =	vld [tilespmem:s2+$0x17E10];
	[tilespmem:s2+$0x17D60] =	vst v19;
	v19 =	vmul.f32 v45, v42  }
0x162: {  	v54 =	vld [tilespmem:s2+$0x17DE0];
	v44 =	vmul.f32 v36, v62;
	[tilespmem:s2+$0x17D50] =	vst v47;
	v55 =	vperm.xlane v18, v12  }
0x163: {  	v52 =	vld [tilespmem:s2+$0x17DD0];
	[tilespmem:s2+$0x17D80] =	vst v19;
	v19 =	vmul.f32 v48, v42  }
0x164: {  	[tilespmem:s2+$0x17D30] =	vst v44;
	v58 =	vld [tilespmem:s2+$0x17E00];
	v30 =	vmul.f32 v56, v55  }
0x165: {  	v49 =	vld [tilespmem:s2+$0x17DB0];
	[tilespmem:s2+$0x17DA0] =	vst v19;
	v19 =	vmul.f32 v51, v55  }
0x166: {  	v33 =	vmul.f32 v59, v55;
	v61 =	vld [tilespmem:s2+$0x17E20];
	[tilespmem:s2+$0x17DF0] =	vst v30  }
0x167: {  	v36 =	vld [tilespmem:s2+$0x17E70];
	[tilespmem:s2+$0x17DC0] =	vst v19;
	v19 =	vmul.f32 v54, v55  }
0x168: {  	v31 =	vld [tilespmem:s2+$0x17E40];
	v60 =	vmul.f32 v52, v55;
	[tilespmem:s2+$0x17E10] =	vst v33  }
0x169: {  	v39 =	vld [tilespmem:s2+$0x17E90];
	[tilespmem:s2+$0x17DE0] =	vst v19;
	v19 =	vmul.f32 v58, v55  }
0x16a: {  	v34 =	vld [tilespmem:s2+$0x17E60];
	v57 =	vmul.f32 v49, v42;
	[tilespmem:s2+$0x17DD0] =	vst v60;
	v35 =	vperm.xlane v18, v13  }
0x16b: {  	v32 =	vld [tilespmem:s2+$0x17E50];
	[tilespmem:s2+$0x17E00] =	vst v19;
	v19 =	vmul.f32 v61, v55  }
0x16c: {  	[tilespmem:s2+$0x17DB0] =	vst v57;
	v38 =	vld [tilespmem:s2+$0x17E80];
	v43 =	vmul.f32 v36, v35  }
0x16d: {  	v62 =	vld [tilespmem:s2+$0x17E30];
	[tilespmem:s2+$0x17E20] =	vst v19;
	v19 =	vmul.f32 v31, v35  }
0x16e: {  	v46 =	vmul.f32 v39, v35;
	v41 =	vld [tilespmem:s2+$0x17EA0];
	[tilespmem:s2+$0x17E70] =	vst v43  }
0x16f: {  	v49 =	vld [tilespmem:s2+$0x17EF0];
	[tilespmem:s2+$0x17E40] =	vst v19;
	v19 =	vmul.f32 v34, v35  }
0x170: {  	v44 =	vld [tilespmem:s2+$0x17EC0];
	v40 =	vmul.f32 v32, v35;
	[tilespmem:s2+$0x17E90] =	vst v46  }
0x171: {  	v52 =	vld [tilespmem:s2+$0x17F10];
	[tilespmem:s2+$0x17E60] =	vst v19;
	v19 =	vmul.f32 v38, v35  }
0x172: {  	v47 =	vld [tilespmem:s2+$0x17EE0];
	v37 =	vmul.f32 v62, v55;
	[tilespmem:s2+$0x17E50] =	vst v40;
	v48 =	vperm.xlane v18, v14  }
0x173: {  	v45 =	vld [tilespmem:s2+$0x17ED0];
	[tilespmem:s2+$0x17E80] =	vst v19;
	v19 =	vmul.f32 v41, v35  }
0x174: {  	[tilespmem:s2+$0x17E30] =	vst v37;
	v51 =	vld [tilespmem:s2+$0x17F00];
	v56 =	vmul.f32 v49, v48  }
0x175: {  	v42 =	vld [tilespmem:s2+$0x17EB0];
	[tilespmem:s2+$0x17EA0] =	vst v19;
	v19 =	vmul.f32 v44, v48  }
0x176: {  	v59 =	vmul.f32 v52, v48;
	v54 =	vld [tilespmem:s2+$0x17F20];
	[tilespmem:s2+$0x17EF0] =	vst v56  }
0x177: {  	v62 =	vld [tilespmem:s2+$0x17F70];
	[tilespmem:s2+$0x17EC0] =	vst v19;
	v19 =	vmul.f32 v47, v48  }
0x178: {  	v57 =	vld [tilespmem:s2+$0x17F40];
	v53 =	vmul.f32 v45, v48;
	[tilespmem:s2+$0x17F10] =	vst v59  }
0x179: {  	v32 =	vld [tilespmem:s2+$0x17F90];
	[tilespmem:s2+$0x17EE0] =	vst v19;
	v19 =	vmul.f32 v51, v48  }
0x17a: {  	v60 =	vld [tilespmem:s2+$0x17F60];
	v50 =	vmul.f32 v42, v35;
	[tilespmem:s2+$0x17ED0] =	vst v53;
	v61 =	vperm.xlane v18, v15  }
0x17b: {  	v58 =	vld [tilespmem:s2+$0x17F50];
	[tilespmem:s2+$0x17F00] =	vst v19;
	v19 =	vmul.f32 v54, v48  }
0x17c: {  	[tilespmem:s2+$0x17EB0] =	vst v50;
	v31 =	vld [tilespmem:s2+$0x17F80];
	v36 =	vmul.f32 v62, v61  }
0x17d: {  	v55 =	vld [tilespmem:s2+$0x17F30];
	[tilespmem:s2+$0x17F20] =	vst v19;
	v19 =	vmul.f32 v57, v61  }
0x17e: {  	v39 =	vmul.f32 v32, v61;
	v34 =	vld [tilespmem:s2+$0x17FA0];
	[tilespmem:s2+$0x17F70] =	vst v36  }
0x17f: {  	v42 =	vld [tilespmem:s2+$0x17FF0];
	[tilespmem:s2+$0x17F40] =	vst v19;
	v19 =	vmul.f32 v60, v61  }
0x180: {  	v37 =	vld [tilespmem:s2+$0x17FC0];
	v33 =	vmul.f32 v58, v61;
	[tilespmem:s2+$0x17F90] =	vst v39  }
0x181: {  	v45 =	vld [tilespmem:s2+$0x18010];
	[tilespmem:s2+$0x17F60] =	vst v19;
	v19 =	vmul.f32 v31, v61  }
0x182: {  	v40 =	vld [tilespmem:s2+$0x17FE0];
	v30 =	vmul.f32 v55, v48;
	[tilespmem:s2+$0x17F50] =	vst v33;
	v41 =	vperm.xlane v18, v16  }
0x183: {  	v38 =	vld [tilespmem:s2+$0x17FD0];
	[tilespmem:s2+$0x17F80] =	vst v19;
	v19 =	vmul.f32 v34, v61  }
0x184: {  	[tilespmem:s2+$0x17F30] =	vst v30;
	v44 =	vld [tilespmem:s2+$0x18000];
	v49 =	vmul.f32 v42, v41  }
0x185: {  	v35 =	vld [tilespmem:s2+$0x17FB0];
	[tilespmem:s2+$0x17FA0] =	vst v19;
	v19 =	vmul.f32 v37, v41  }
0x186: {  	v52 =	vmul.f32 v45, v41;
	v47 =	vld [tilespmem:s2+$0x18020];
	[tilespmem:s2+$0x17FF0] =	vst v49  }
0x187: {  	v51 =	vld [tilespmem:s2+$0x18050];
	[tilespmem:s2+$0x17FC0] =	vst v19;
	v19 =	vmul.f32 v40, v41  }
0x188: {  	v50 =	vld [tilespmem:s2+$0x18040];
	v46 =	vmul.f32 v38, v41;
	[tilespmem:s2+$0x18010] =	vst v52  }
0x189: {  	v48 =	vld [tilespmem:s2+$0x18030];
	[tilespmem:s2+$0x17FE0] =	vst v19;
	v19 =	vmul.f32 v44, v41  }
0x18a: {  	v53 =	vld [tilespmem:s2+$0x18060];
	v18 =	vperm.xlane v18, v17;
	v43 =	vmul.f32 v35, v61;
	[tilespmem:s2+$0x17FD0] =	vst v46  }
0x18b: {  	v57 =	vld [tilespmem:s2+$0x18090];
	[tilespmem:s2+$0x18000] =	vst v19;
	v19 =	vmul.f32 v47, v41  }
0x18c: {  	v56 =	vld [tilespmem:s2+$0x18080];
	[tilespmem:s2+$0x17FB0] =	vst v43;
	v58 =	vmul.f32 v51, v18  }
0x18d: {  	v54 =	vld [tilespmem:s2+$0x18070];
	[tilespmem:s2+$0x18020] =	vst v19;
	v19 =	vmul.f32 v50, v18  }
0x18e: {  	v59 =	vld [tilespmem:s2+$0x180A0];
	v55 =	vmul.f32 v48, v41;
	[tilespmem:s2+$0x18050] =	vst v58  }
0x18f: {  	v60 =	vld [tilespmem:s2+$0x180B0];
	[tilespmem:s2+$0x18040] =	vst v19;
	v19 =	vmul.f32 v53, v18  }
0x190: {  	[tilespmem:s2+$0x18030] =	vst v55;
	v62 =	vmul.f32 v57, v18  }
0x191: {  	p0 =	sne.s32 s28, $0x7;
	[tilespmem:s2+$0x18060] =	vst v19;
	v19 =	vmul.f32 v56, v18  }
.Ltmp4:
0x192: {  	v61 =	vmul.f32 v54, v18;
	[tilespmem:s2+$0x18090] =	vst v62;
	(pc) =	sbr.rel @p0 .LBB2_11-.Ltmp4, $4  }
0x193: {  	[tilespmem:s2+$0x18080] =	vst v19;
	v19 =	vmul.f32 v59, v18  }
0x194: {  	[tilespmem:s2+$0x18070] =	vst v61;
	v18 =	vmul.f32 v60, v18  }
0x195: {  	[tilespmem:s2+$0x180A0] =	vst v19  }
0x196: {  	s28 =	sadd.s32 $0x1, s28;
	[tilespmem:s2+$0x180B0] =	vst v18  }
0x197: {  	s1 =	rddreg [dreg:$0x9];
	_ =	swait.ge [sflag:s22], $0x4000  }
0x198: {  	s1 =	sadd.s32 s1, s17;
	s2 =	rddreg [dreg:$0x5]  }
0x199: {  	s1 =	sor.u32 s2, s1  }
0x19a: {  	[sflag:s22] =	ssyncset.done $0x0;
	s1 =	sshrl.u32 s1, $0x3  }
0x19b: {  	[sflag:s22] =	ssyncadd.s32 $0xFFFFC000;
	s28 =	sadd.s32 s8, s1  }
0x19c: {  	[tilespmem:s25], [sflag:$0x1] =	stream.linear.gather [hbm4b:s28+s5], $0x80, $0x38;
	v63 =	vld [tilespmem:$0x0]  }
0x19d: {  	s17 =	sadd.s32 s6, s1  }
0x19e: {  	[tilespmem:s26], [sflag:$0x1] =	stream.linear.gather [hbm4b:s17+s5], $0x80, $0x38;
	v63 =	vld [tilespmem:$0x0]  }
0x19f: {  	s1 =	sadd.s32 s7, s1;
	s28 =	simm.s32 $0x1BAC0  }
0x1a0: {  	[tilespmem:s28], [sflag:$0x1] =	stream.linear.gather [hbm4b:s1+s5], $0x80, $0x38;
	v63 =	vld [tilespmem:$0x0]  }
0x1a1: {  	_ = 	snop  }
0x1a2: {  	[spmem:s3] =	stream.indirect.scatter.add.f32 [tilespmem:s19], [sflag:$0x6], $0x80, s13, s30, $0xb8;
	v63 =	vld [tilespmem:$0x0]  }
0x1a3: {  	_ =	swait.ge [sflag:s29], $0x80  }
0x1a4: {  	[sflag:s29] =	ssyncset.done $0x0  }
0x1a5: {  	[sflag:s29] =	ssyncadd.s32 $0xFFFFFF80  }
0x1a6: {  	s20 =	sadd.s32 $0x1, s20;
	_ =	swait.ge [sflag:s29], $0x80  }
0x1a7: {  	p0 =	sne.s32 s20, $0x4F;
	[sflag:s29] =	ssyncset.done $0x0  }
.Ltmp5:
0x1a8: {  	[sflag:s29] =	ssyncadd.s32 $0xFFFFFF80;
	(pc) =	sbr.rel @p0 .LBB2_8-.Ltmp5, $4  }
0x1a9: {  	_ =	swait.ge [sflag:s29], $0x80  }
0x1aa: {  	[sflag:s29] =	ssyncset.done $0x0  }
0x1ab: {  	[sflag:s29] =	ssyncadd.s32 $0xFFFFFF80  }
0x1ac: {  	[tilespmem:s31], [sflag:$0x3] =	stream.indirect.gather [hbm4b:s9+s30], $0x80, s25, s30, $0xb8;
	v63 =	vld [tilespmem:$0x0]  }
0x1ad: {  	_ =	swait.ge [sflag:s21], $0x4000  }
0x1ae: {  	[sflag:s21] =	ssyncset.done $0x0  }
0x1af: {  	[sflag:s21] =	ssyncadd.s32 $0xFFFFC000  }
0x1b0: {  	_ =	swait.ge [sflag:s0], $0x4000  }
0x1b1: {  	[sflag:s0] =	ssyncset.done $0x0  }
0x1b2: {  	s1 =	sadd.s32 $0x0, s4;
	[sflag:s0] =	ssyncadd.s32 $0xFFFFC000  }
0x1b3: {  	p0 =	sgt.u32 s1, $0x4E1;
	[bflag:$0x0] =	sbarrier.arrive $0xFFFF  }
0x1b4: {  	s1 =	sshll.u32 @!p0 s4, $0x6;
	s9 =	rddreg [dreg:$0xd]  }
0x1b5: {  	s2 =	simm.s32 $0x10;
	s8 =	sor.u32 @!p0 $0x1C07, s1;
	s28 =	rddreg [dreg:$0xe]  }
0x1b6: {  	s17 =	sadd.s32 $0x4000, s9;
	s1 =	sshrl.u32 @!p0 s9, $0x3;
	s20 =	sadd.s32 $0x800, s28  }
.LBB2_14:
0x1b7: {  	[hbm:s28], [sflag:s8] =	dma.local @!p0 [spmem:s1], $0x80  }
0x1b8: {  	s1 =	smov.u32 s2;
	s2 =	sadd.s32 $0x10, s2  }
0x1b9: {  	p1 =	sne.s32 s2, $0x4F0  }
.Ltmp6:
0x1ba: {  	(pc) =	sbr.rel @p1 .LBB2_14-.Ltmp6, $4  }
0x1bb: {  	s9 =	smov.u32 s17;
	s1 =	sadd.s32 s1, s4  }
0x1bc: {  	s28 =	smov.u32 s20;
	p0 =	sgt.u32 s1, $0x4E1  }
0x1bd: {  	s17 =	sadd.s32 $0x4000, s17;
	s1 =	sshll.u32 @!p0 s4, $0x6  }
0x1be: {  	s20 =	sadd.s32 $0x800, s20;
	s8 =	sor.u32 @!p0 $0x1C07, s1;
	s1 =	sshrl.u32 @!p0 s9, $0x3  }
0x1bf: {  	[hbm:s28], [sflag:s8] =	dma.local @!p0 [spmem:s1], $0x80  }
0x1c0: {  	p0 =	sle.u32 s14, $0x0  }
0x1c1: {  	s17 =	simm.s32 @!p0 $0x7  }
0x1c2: {  	_ =	swait.ge @!p0 [sflag:s17], $0x80  }
0x1c3: {  	s2 =	simm.s32 $0x10;
	[sflag:s17] =	ssyncset.done @!p0 $0x0  }
.LBB2_16:
0x1c4: {  	s1 =	smov.u32 s2;
	s2 =	sadd.s32 $0x10, s2  }
0x1c5: {  	[sflag:s17] =	ssyncadd.s32 @!p0 $0xFFFFFF80;
	p1 =	sne.s32 s2, $0x4F0  }
.Ltmp7:
0x1c6: {  	(pc) =	sbr.rel @p1 .LBB2_16-.Ltmp7, $4  }
0x1c7: {  	p0 =	sge.u32 s1, s14  }
0x1c8: {  	s17 =	simm.s32 @!p0 $0x7  }
0x1c9: {  	_ =	swait.ge @!p0 [sflag:s17], $0x80  }
0x1ca: {  	[sflag:s17] =	ssyncset.done @!p0 $0x0  }
0x1cb: {  	s1 =	sadd.s32 $0x0, s4  }
0x1cc: {  	[sflag:s17] =	ssyncadd.s32 @!p0 $0xFFFFFF80;
	s20 =	rddreg [dreg:$0xd];
	p0 =	sgt.u32 s1, $0x4E2  }
0x1cd: {  	s2 =	simm.s32 $0x10;
	s17 =	sadd.s32 $0x4000, s20;
	s1 =	simm.s32 @!p0 $0x1FBC0  }
.LBB2_18:
0x1ce: {  	[spmem:s20] =	stream.linear.scatter @!p0 [tilespmem:s1], [sflag:$0x7], $0x400, $0x38;
	v63 =	vld [tilespmem:$0x0]  }
0x1cf: {  	s1 =	smov.u32 s2;
	s2 =	sadd.s32 $0x10, s2  }
0x1d0: {  	p1 =	sne.s32 s2, $0x4F0  }
.Ltmp8:
0x1d1: {  	(pc) =	sbr.rel @p1 .LBB2_18-.Ltmp8, $4  }
0x1d2: {  	s20 =	smov.u32 s17  }
0x1d3: {  	s1 =	sadd.s32 s1, s4  }
0x1d4: {  	p0 =	sgt.u32 s1, $0x4E2  }
0x1d5: {  	s17 =	sadd.s32 $0x4000, s17;
	s1 =	simm.s32 @!p0 $0x1FBC0  }
0x1d6: {  	[spmem:s20] =	stream.linear.scatter @!p0 [tilespmem:s1], [sflag:$0x7], $0x400, $0x38;
	v63 =	vld [tilespmem:$0x0]  }
0x1d7: {  	p0 =	sle.u32 s10, $0x0  }
0x1d8: {  	s17 =	simm.s32 @!p0 $0x7  }
0x1d9: {  	_ =	swait.ge @!p0 [sflag:s17], $0x400  }
0x1da: {  	s2 =	simm.s32 $0x10;
	[sflag:s17] =	ssyncset.done @!p0 $0x0  }
.LBB2_20:
0x1db: {  	s1 =	smov.u32 s2;
	s2 =	sadd.s32 $0x10, s2  }
0x1dc: {  	[sflag:s17] =	ssyncadd.s32 @!p0 $0xFFFFFC00;
	p1 =	sne.s32 s2, $0x4F0  }
.Ltmp9:
0x1dd: {  	(pc) =	sbr.rel @p1 .LBB2_20-.Ltmp9, $4  }
0x1de: {  	p0 =	sge.u32 s1, s10  }
0x1df: {  	s17 =	simm.s32 @!p0 $0x7  }
0x1e0: {  	_ =	swait.ge @!p0 [sflag:s17], $0x400  }
0x1e1: {  	[sflag:s17] =	ssyncset.done @!p0 $0x0  }
0x1e2: {  	[sflag:s17] =	ssyncadd.s32 @!p0 $0xFFFFFC00  }
0x1e3: {  	[bflag:$0x0] =	sbarrier.arrive $0xFFFF  }
0x1e4: {  	s1 =	simm.s32 $0x0;
	s2 =	rddreg [dreg:$0x7]  }
0x1e5: {  	[tilespmem:s26], [sflag:$0x1] =	stream.linear.gather [hbm4b:s2+s1], $0x80, $0x38;
	v63 =	vld [tilespmem:$0x0]  }
0x1e6: {  	s9 =	rddreg [dreg:$0xb]  }
0x1e7: {  	[tilespmem:s13], [sflag:$0x2] =	stream.linear.gather [hbm4b:s9+s1], $0x80, $0x38;
	v63 =	vld [tilespmem:$0x0]  }
0x1e8: {  	_ =	swait.ge [sflag:s29], $0x80  }
0x1e9: {  	[sflag:s29] =	ssyncset.done $0x0  }
0x1ea: {  	[sflag:s29] =	ssyncadd.s32 $0xFFFFFF80  }
0x1eb: {  	[spmem:s3] =	stream.indirect.scatter.add.f32 [tilespmem:s24], [sflag:$0x5], $0x80, s26, s30, $0xb8;
	v63 =	vld [tilespmem:$0x0]  }
0x1ec: {  	_ =	swait.ge [sflag:s22], $0x4000  }
0x1ed: {  	[sflag:s22] =	ssyncset.done $0x0  }
0x1ee: {  	s17 =	rddreg [dreg:$0xc];
	[sflag:s22] =	ssyncadd.s32 $0xFFFFC000  }
0x1ef: {  	[tilespmem:s26], [sflag:$0x1] =	stream.linear.gather [hbm4b:s17+s1], $0x80, $0x38;
	v63 =	vld [tilespmem:$0x0]  }
0x1f0: {  	_ =	swait.ge [sflag:s18], $0x80  }
0x1f1: {  	[sflag:s18] =	ssyncset.done $0x0  }
0x1f2: {  	[sflag:s18] =	ssyncadd.s32 $0xFFFFFF80  }
0x1f3: {  	[spmem:s3] =	stream.indirect.scatter.add.f32 [tilespmem:s24], [sflag:$0x6], $0x80, s13, s30, $0xb8;
	v63 =	vld [tilespmem:$0x0]  }
0x1f4: {  	_ =	swait.ge [sflag:s21], $0x4000  }
0x1f5: {  	s8 =	rddreg [dreg:$0xf]  }
0x1f6: {  	[sflag:s21] =	ssyncset.done $0x0;
	s20 =	sshrl.u32 s8, $0x3  }
0x1f7: {  	[sflag:s21] =	ssyncadd.s32 $0xFFFFC000;
	s1 =	sadd.s32 s20, s16  }
0x1f8: {  	[tilespmem:s13], [sflag:$0x2] =	stream.linear.gather [hbm4b:s1+s5], $0x80, $0x38;
	v63 =	vld [tilespmem:$0x0]  }
0x1f9: {  	_ =	swait.ge [sflag:s29], $0x80  }
0x1fa: {  	[sflag:s29] =	ssyncset.done $0x0  }
0x1fb: {  	[sflag:s29] =	ssyncadd.s32 $0xFFFFFF80  }
0x1fc: {  	[spmem:s3] =	stream.indirect.scatter.add.f32 [tilespmem:s24], [sflag:$0x5], $0x80, s26, s30, $0xb8;
	v63 =	vld [tilespmem:$0x0]  }
0x1fd: {  	_ =	swait.ge [sflag:s22], $0x4000  }
0x1fe: {  	[sflag:s22] =	ssyncset.done $0x0  }
0x1ff: {  	s28 =	sadd.s32 $0x0, s23;
	[sflag:s22] =	ssyncadd.s32 $0xFFFFC000  }
0x200: {  	[tilespmem:s26], [sflag:$0x1] =	stream.linear.gather [hbm4b:s28+s5], $0x80, $0x38;
	v63 =	vld [tilespmem:$0x0]  }
0x201: {  	_ =	swait.ge [sflag:s18], $0x80  }
0x202: {  	[sflag:s18] =	ssyncset.done $0x0  }
0x203: {  	s2 =	simm.s32 $0x400;
	s17 =	sadd.s32 $0x2000, s8;
	[sflag:s18] =	ssyncadd.s32 $0xFFFFFF80  }
.LBB2_22:
0x204: {  	[spmem:s3] =	stream.indirect.scatter.add.f32 [tilespmem:s24], [sflag:$0x6], $0x80, s13, s30, $0xb8;
	v63 =	vld [tilespmem:$0x0]  }
0x205: {  	s1 =	smov.u32 s2  }
0x206: {  	p0 =	sne.s32 s2, $0x13400;
	s2 =	sadd.s32 $0x400, s2;
	_ =	swait.ge [sflag:s21], $0x4000  }
0x207: {  	s8 =	sshrl.u32 s17, $0x3;
	[sflag:s21] =	ssyncset.done $0x0  }
0x208: {  	s8 =	sadd.s32 s8, s16;
	[sflag:s21] =	ssyncadd.s32 $0xFFFFC000  }
0x209: {  	[tilespmem:s13], [sflag:$0x2] =	stream.linear.gather [hbm4b:s8+s5], $0x80, $0x38;
	v63 =	vld [tilespmem:$0x0]  }
0x20a: {  	_ =	swait.ge [sflag:s29], $0x80  }
0x20b: {  	[sflag:s29] =	ssyncset.done $0x0  }
0x20c: {  	[sflag:s29] =	ssyncadd.s32 $0xFFFFFF80  }
0x20d: {  	[spmem:s3] =	stream.indirect.scatter.add.f32 [tilespmem:s24], [sflag:$0x5], $0x80, s26, s30, $0xb8;
	v63 =	vld [tilespmem:$0x0]  }
0x20e: {  	_ =	swait.ge [sflag:s22], $0x4000  }
0x20f: {  	[sflag:s22] =	ssyncset.done $0x0  }
.Ltmp10:
0x210: {  	s1 =	sadd.s32 s1, s23;
	[sflag:s22] =	ssyncadd.s32 $0xFFFFC000;
	(pc) =	sbr.rel @p0 .LBB2_22-.Ltmp10, $4  }
0x211: {  	[tilespmem:s26], [sflag:$0x1] =	stream.linear.gather [hbm4b:s1+s5], $0x80, $0x38;
	v63 =	vld [tilespmem:$0x0]  }
0x212: {  	_ =	swait.ge [sflag:s18], $0x80  }
0x213: {  	[sflag:s18] =	ssyncset.done $0x0  }
0x214: {  	s17 =	sadd.s32 $0x2000, s17;
	[sflag:s18] =	ssyncadd.s32 $0xFFFFFF80  }
0x215: {  	[spmem:s3] =	stream.indirect.scatter.add.f32 [tilespmem:s24], [sflag:$0x6], $0x80, s13, s30, $0xb8;
	v63 =	vld [tilespmem:$0x0]  }
0x216: {  	_ =	swait.ge [sflag:s21], $0x4000  }
0x217: {  	[sflag:s21] =	ssyncset.done $0x0  }
0x218: {  	[sflag:s21] =	ssyncadd.s32 $0xFFFFC000  }
0x219: {  	_ =	swait.ge [sflag:s29], $0x80  }
0x21a: {  	[sflag:s29] =	ssyncset.done $0x0  }
0x21b: {  	s1 =	sadd.s32 $0x0, s4;
	[sflag:s29] =	ssyncadd.s32 $0xFFFFFF80  }
0x21c: {  	p0 =	sgt.u32 s1, $0x4E1;
	[bflag:$0x0] =	sbarrier.arrive $0xFFFF  }
0x21d: {  	s1 =	sshll.u32 @!p0 s4, $0x6;
	s9 =	rddreg [dreg:$0xd]  }
0x21e: {  	s2 =	simm.s32 $0x10;
	s8 =	sor.u32 @!p0 $0x1C07, s1;
	s28 =	rddreg [dreg:$0x10]  }
0x21f: {  	s17 =	sadd.s32 $0x4000, s9;
	s1 =	sshrl.u32 @!p0 s9, $0x3;
	s20 =	sadd.s32 $0x800, s28  }
.LBB2_24:
0x220: {  	[hbm:s28], [sflag:s8] =	dma.local @!p0 [spmem:s1], $0x80  }
0x221: {  	s1 =	smov.u32 s2;
	s2 =	sadd.s32 $0x10, s2  }
0x222: {  	p1 =	sne.s32 s2, $0x4F0  }
.Ltmp11:
0x223: {  	(pc) =	sbr.rel @p1 .LBB2_24-.Ltmp11, $4  }
0x224: {  	s9 =	smov.u32 s17;
	s1 =	sadd.s32 s1, s4  }
0x225: {  	s28 =	smov.u32 s20;
	p0 =	sgt.u32 s1, $0x4E1  }
0x226: {  	s17 =	sadd.s32 $0x4000, s17;
	s1 =	sshll.u32 @!p0 s4, $0x6  }
0x227: {  	s20 =	sadd.s32 $0x800, s20;
	s8 =	sor.u32 @!p0 $0x1C07, s1;
	s1 =	sshrl.u32 @!p0 s9, $0x3  }
0x228: {  	[hbm:s28], [sflag:s8] =	dma.local @!p0 [spmem:s1], $0x80  }
0x229: {  	p0 =	sle.u32 s14, $0x0  }
0x22a: {  	s17 =	simm.s32 @!p0 $0x7  }
0x22b: {  	_ =	swait.ge @!p0 [sflag:s17], $0x80  }
0x22c: {  	s2 =	simm.s32 $0x10;
	[sflag:s17] =	ssyncset.done @!p0 $0x0  }
.LBB2_26:
0x22d: {  	s1 =	smov.u32 s2;
	s2 =	sadd.s32 $0x10, s2  }
0x22e: {  	[sflag:s17] =	ssyncadd.s32 @!p0 $0xFFFFFF80;
	p1 =	sne.s32 s2, $0x4F0  }
.Ltmp12:
0x22f: {  	(pc) =	sbr.rel @p1 .LBB2_26-.Ltmp12, $4  }
0x230: {  	p0 =	sge.u32 s1, s14  }
0x231: {  	s17 =	simm.s32 @!p0 $0x7  }
0x232: {  	_ =	swait.ge @!p0 [sflag:s17], $0x80  }
0x233: {  	[sflag:s17] =	ssyncset.done @!p0 $0x0  }
0x234: {  	s2 =	rddreg [dreg:$0x11]  }
0x235: {  	s1 =	rddreg [dreg:$0xa];
	s2 =	sadd.s32 $0x1, s2  }
0x236: {  	p1 =	sne.s32 s2, s1  }
.Ltmp13:
0x237: {  	_ = 	snop;
	(pc) =	sbr.rel @p1 .LBB2_1-.Ltmp13, $3  }
0x238: {  	_ =	sdelay $0x1  }
0x239: {  	[sflag:s17] =	ssyncadd.s32 @!p0 $0xFFFFFF80  }
0x23a: {  	s9 =	rddreg [dreg:$0x0]  }
0x23b: {  	_ =	sfence.sel $0x180000  }
0x23c: {  	[bflag:$0x0] =	sbarrier.arrive $0xFFFF  }
0x23d: {  	_ =	strace $0x90000047  }
0x23e: {  	[bflag:$0x2] =	sbarrier.arrive $0xFFFF  }
0x23f: {  	p0 =	sne.s32 s4, $0x0;
	s0 =	rddreg [dreg:$0x4]  }
0x240: {  	s0 =	sadd.s32 @!p0 $0x100000, s0  }
0x241: {  	[sflag:s0] =	ssyncadd.tile.s32 @!p0 $0x1;
	_ =	shalt  }
.Lfunc_end2:
_tile_overlayer_lowered:
.L_overlay_start_2:
0x242: {  	(tag) =	ssettag $0x2  }
0x243: {  	s0 =	rddreg [dreg:$0x0];
	s2 =	stileid.u32  }
0x244: {  	s1 =	rddreg [dreg:$0x1];
	p0 =	sne.s32 s2, $0x0  }
0x245: {  	s3 =	rddreg [dreg:$0x2];
	[bflag:$0x3] =	sbarrier.arrive $0xFFFF;
	s2 =	simm.s32 @!p0 $0x1C08  }
0x246: {  	[timem:s3], [sflag:s2] =	dma.local @!p0 [hbm:s0], s1  }
0x247: {  	s0 =	simm.s32 @!p0 $0x8  }
0x248: {  	_ =	swait.ge @!p0 [sflag:s0], s1  }
0x249: {  	s1 =	ssub.s32 @!p0 $0x0, s1;
	[sflag:s0] =	ssyncset.done @!p0 $0x0  }
0x24a: {  	[sflag:s0] =	ssyncadd.s32 @!p0 s1  }
0x24b: {  	[bflag:$0x3] =	sbarrier.arrive $0xFFFF  }
0x24c: {  	_ =	shalt  }

</sc_bundles>
